<compile_context>
chip_gen: v7x
topology: tpu7x:2x2x1
jax: 0.10.2.dev20260603
libtpu: 0.0.44.dev20260713+nightly
codegen_flags: <defaults>
</compile_context>

<pallas_src>
import jax
import jax.numpy as jnp
import numpy as np
from jax import lax
from jax.experimental import pallas as pl
from jax.experimental.pallas import tpu as pltpu
from jax.experimental.pallas import tpu_sc as plsc

N = 25000
D = 128
H = 64
E = 400000
HW = H // 2

NSUB = 16
CHUNK = 128
EC = 3200
EPAD = EC * CHUNK
CPT = EC // NSUB
IB = 8
NPAD = 25088
RPT = NPAD // NSUB

BN = 3136
GRID = NPAD // BN

_PERM = np.concatenate([np.arange(0, 16), np.arange(32, 48),
                        np.arange(16, 32), np.arange(48, 64)])



def _pack_pair(ya, yb):
    a = lax.bitcast_convert_type(ya.astype(jnp.bfloat16),
                                 jnp.uint16).astype(jnp.uint32)
    b = lax.bitcast_convert_type(yb.astype(jnp.bfloat16),
                                 jnp.uint16).astype(jnp.uint32)
    return lax.bitcast_convert_type(a | (b << jnp.uint32(16)), jnp.int32)


def _tc_pre_body(x0_ref, x1_ref, wr0a_ref, wr0b_ref, wr1a_ref, wr1b_ref,
                 wt0_ref, wt1_ref, b0_ref, b1_ref,
                 yp0_ref, yp1_ref, root_ref):
    dn = (((1,), (1,)), ((), ()))
    x0 = x0_ref[...]
    x1 = x1_ref[...]
    dot = lambda x, w: lax.dot_general(x, w[...], dn,
                                       preferred_element_type=jnp.float32)
    yp0_ref[...] = _pack_pair(dot(x0, wr0a_ref), dot(x0, wr0b_ref))
    yp1_ref[...] = _pack_pair(dot(x1, wr1a_ref), dot(x1, wr1b_ref))
    root_ref[:, :H] = dot(x0, wt0_ref) + b0_ref[...]
    root_ref[:, H:] = dot(x1, wt1_ref) + b1_ref[...]


def _tc_pre(x0, x1, wr0a, wr0b, wr1a, wr1b, wt0, wt1, b0, b1):
    row_spec = pl.BlockSpec((BN, D), lambda i: (i, 0))
    wh_spec = pl.BlockSpec((HW, D), lambda i: (0, 0))
    w_spec = pl.BlockSpec((H, D), lambda i: (0, 0))
    b_spec = pl.BlockSpec((1, H), lambda i: (0, 0))
    return pl.pallas_call(
        _tc_pre_body,
        grid=(GRID,),
        in_specs=[row_spec, row_spec, wh_spec, wh_spec, wh_spec, wh_spec,
                  w_spec, w_spec, b_spec, b_spec],
        out_specs=[pl.BlockSpec((BN, HW), lambda i: (i, 0)),
                   pl.BlockSpec((BN, HW), lambda i: (i, 0)),
                   pl.BlockSpec((BN, 2 * H), lambda i: (i, 0))],
        out_shape=[jax.ShapeDtypeStruct((NPAD, HW), jnp.int32),
                   jax.ShapeDtypeStruct((NPAD, HW), jnp.int32),
                   jax.ShapeDtypeStruct((NPAD, 2 * H), jnp.float32)],
    )(x0, x1, wr0a, wr0b, wr1a, wr1b, wt0, wt1, b0, b1)



def _unpack_chunk(r32, rf):
    mask = jnp.int32(-65536)

    @plsc.parallel_loop(0, CHUNK, unroll=16)
    def _(row):
        for k in (0, 16):
            w = r32[row, pl.ds(k, 16)]
            rf[row, pl.ds(2 * k, 16)] = plsc.bitcast(
                lax.shift_left(w, 16), jnp.float32)
            rf[row, pl.ds(2 * k + 16, 16)] = plsc.bitcast(
                w & mask, jnp.float32)


def _sc_body(y0, y1, root, e0, e1,
             sout, idx, r32a, r32b, rfa, rfb, acc,
             gsem0, gsem1, ssem0, ssem1):
    cid = lax.axis_index("c")
    sid = lax.axis_index("s")
    r32 = (r32a, r32b)
    rf = (rfa, rfb)
    gsem = (gsem0, gsem1)
    ssem = (ssem0, ssem1)

    def run(y, col, edges):
        base = sid * RPT
        pltpu.sync_copy(root.at[pl.ds(base, RPT), pl.ds(col, H)],
                        acc.at[pl.ds(base, RPT)])
        cb = sid * CPT
        plsc.subcore_barrier()

        def outer(o, carry):
            ob = cb + o * IB
            pltpu.sync_copy(edges.at[pl.ds(ob, IB)], idx)

            g = [None] * IB
            s = [None] * IB
            g[0] = pltpu.async_copy(y.at[idx.at[0, 0]], r32[0], gsem[0])
            for j in range(IB):
                if j + 1 < IB:
                    g[j + 1] = pltpu.async_copy(
                        y.at[idx.at[j + 1, 0]], r32[(j + 1) % 2],
                        gsem[(j + 1) % 2])
                g[j].wait()
                if j >= 2:
                    s[j - 2].wait()
                _unpack_chunk(r32[j % 2], rf[j % 2])
                s[j] = pltpu.async_copy(rf[j % 2], acc.at[idx.at[j, 1]],
                                        ssem[j % 2], add=True)
            s[IB - 2].wait()
            s[IB - 1].wait()
            return carry

        lax.fori_loop(0, CPT // IB, outer, 0)
        plsc.subcore_barrier()
        pltpu.sync_copy(acc.at[pl.ds(base, RPT)],
                        sout.at[pl.ds(base, RPT), pl.ds(col, H)])

    @pl.when(cid == 0)
    def _():
        run(y0, 0, e0)

    @pl.when(cid == 1)
    def _():
        run(y1, H, e1)


_sc_call = pl.kernel(
    _sc_body,
    out_type=jax.ShapeDtypeStruct((NPAD, 2 * H), jnp.float32),
    mesh=plsc.VectorSubcoreMesh(core_axis_name="c", subcore_axis_name="s"),
    scratch_types=[
        pltpu.VMEM((IB, 2, CHUNK), jnp.int32),
        pltpu.VMEM((CHUNK, HW), jnp.int32),
        pltpu.VMEM((CHUNK, HW), jnp.int32),
        pltpu.VMEM((CHUNK, H), jnp.float32),
        pltpu.VMEM((CHUNK, H), jnp.float32),
        pltpu.VMEM_SHARED((NPAD, H), jnp.float32),
        pltpu.SemaphoreType.DMA,
        pltpu.SemaphoreType.DMA,
        pltpu.SemaphoreType.DMA,
        pltpu.SemaphoreType.DMA,
    ],
    compiler_params=pltpu.CompilerParams(use_tc_tiling_on_sc=False,
                                         needs_layout_passes=False),
)



def _tc_post_body(s_ref, w_ref, bfc_ref, out_ref):
    a = jnp.maximum(s_ref[...], 0.0)
    out_ref[...] = (jnp.sum(a * w_ref[...], axis=1, keepdims=True)
                    + bfc_ref[...])


def _tc_post(s, w, bfc):
    return pl.pallas_call(
        _tc_post_body,
        grid=(GRID,),
        in_specs=[pl.BlockSpec((BN, 2 * H), lambda i: (i, 0)),
                  pl.BlockSpec((1, 2 * H), lambda i: (0, 0)),
                  pl.BlockSpec((1, 1), lambda i: (0, 0))],
        out_specs=pl.BlockSpec((BN, 1), lambda i: (i, 0)),
        out_shape=jax.ShapeDtypeStruct((N, 1), jnp.float32),
    )(s, w, bfc)



def _prep_edges(edge_index):
    src = edge_index[0].astype(jnp.int32)
    dst = edge_index[1].astype(jnp.int32)
    pad = EPAD - E
    src = jnp.concatenate([src, jnp.zeros((pad,), jnp.int32)]).reshape(EC, 1, CHUNK)
    dst = jnp.concatenate([dst, jnp.full((pad,), N, jnp.int32)]).reshape(EC, 1, CHUNK)
    return jnp.concatenate([src, dst], axis=1)


def kernel(x_v0, x_v1, edge_index_v0v1, edge_index_v1v0,
           W_rel0, b_rel0, W_root0, W_rel1, b_rel1, W_root1, W_fc, b_fc):
    e0 = _prep_edges(edge_index_v0v1)
    e1 = _prep_edges(edge_index_v1v0)

    perm = jnp.asarray(_PERM)
    y0p, y1p, root = _tc_pre(
        x_v0, x_v1,
        W_rel0[:HW], W_rel0[HW:], W_rel1[:HW], W_rel1[HW:],
        W_root0[perm], W_root1[perm],
        b_rel0[perm].reshape(1, H), b_rel1[perm].reshape(1, H))

    s = _sc_call(y0p, y1p, root, e0, e1)

    wcomb = jnp.concatenate([W_fc[0, :H][perm],
                             W_fc[0, H:][perm]]).reshape(1, 2 * H)
    return _tc_post(s, wcomb, b_fc.reshape(1, 1))

# --- scband reference (transcript-rebuilt; emitter-appended) ---
"""Pipeline reference for scband-hetero-graph-conv-gnn-32865089749543 (READ-ONLY COPY).

The authoritative reference and input builder live on the scoring server;
editing this copy changes nothing except your own understanding.
"""

import jax, jax.numpy as jnp
import numpy as np

N = 25000
E = 400000
D = 128
H = 64

def setup_inputs(seed: int = 0) -> dict:
    key = jax.random.key(seed)
    ks = jax.random.split(key, 14)
    x_v0 = jax.random.normal(ks[0], (N, D), dtype=jnp.float32)
    x_v1 = jax.random.normal(ks[1], (N, D), dtype=jnp.float32)
    edge_index_v0v1 = jax.random.randint(ks[2], (2, E), 0, N, dtype=jnp.int64)
    edge_index_v1v0 = jax.random.randint(ks[3], (2, E), 0, N, dtype=jnp.int64)
    s = 1.0 / np.sqrt(D)
    W_rel0 = jax.random.uniform(ks[4], (H, D), jnp.float32, -s, s)
    b_rel0 = jax.random.uniform(ks[5], (H,), jnp.float32, -s, s)
    W_root0 = jax.random.uniform(ks[6], (H, D), jnp.float32, -s, s)
    W_rel1 = jax.random.uniform(ks[7], (H, D), jnp.float32, -s, s)
    b_rel1 = jax.random.uniform(ks[8], (H,), jnp.float32, -s, s)
    W_root1 = jax.random.uniform(ks[9], (H, D), jnp.float32, -s, s)
    sf = 1.0 / np.sqrt(2 * H)
    W_fc = jax.random.uniform(ks[10], (1, 2 * H), jnp.float32, -sf, sf)
    b_fc = jax.random.uniform(ks[11], (1,), jnp.float32, -sf, sf)
    return {"x_v0": x_v0, "x_v1": x_v1,
            "edge_index_v0v1": edge_index_v0v1, "edge_index_v1v0": edge_index_v1v0,
            "W_rel0": W_rel0, "b_rel0": b_rel0, "W_root0": W_root0,
            "W_rel1": W_rel1, "b_rel1": b_rel1, "W_root1": W_root1,
            "W_fc": W_fc, "b_fc": b_fc}

def _graph_conv(x, edge_index, W_rel, b_rel, W_root, num_nodes):
    # PyG GraphConv (aggr='add'): out = lin_rel(sum_{j in N(i)} x_j) + lin_root(x_i)
    src = edge_index[0]
    dst = edge_index[1]
    msgs = jnp.take(x, src, axis=0)                 # gather x_j
    agg = jax.ops.segment_sum(msgs, dst, num_segments=num_nodes)  # scatter-add
    return agg @ W_rel.T + b_rel + x @ W_root.T

def reference(x_v0, x_v1, edge_index_v0v1, edge_index_v1v0,
              W_rel0, b_rel0, W_root0, W_rel1, b_rel1, W_root1, W_fc, b_fc):
    h0 = jax.nn.relu(_graph_conv(x_v0, edge_index_v0v1, W_rel0, b_rel0, W_root0, N))
    h1 = jax.nn.relu(_graph_conv(x_v1, edge_index_v1v0, W_rel1, b_rel1, W_root1, N))
    x = jnp.concatenate([h0, h1], axis=1)
    out = x @ W_fc.T + b_fc
    return out

if __name__ == "__main__":
    import jax
    _d = setup_inputs()
    print(jax.jit(kernel)(*tuple(_d.values())))

</pallas_src>

<mosaic_0001>
#map = affine_map<(d0, d1) -> (0, 0)>
#map1 = affine_map<(d0, d1) -> (0, 0, 0)>
module attributes {stable_mosaic.version = 14 : i64} {
  func.func @_sc_body(%arg0: i32, %arg1: i32, %arg2: memref<25088x32xi32, #tpu.memory_space<hbm>>, %arg3: memref<25088x32xi32, #tpu.memory_space<hbm>>, %arg4: memref<25088x128xf32, #tpu.memory_space<hbm>>, %arg5: memref<3200x2x128xi32, #tpu.memory_space<hbm>>, %arg6: memref<3200x2x128xi32, #tpu.memory_space<hbm>>, %arg7: memref<25088x128xf32, #tpu.memory_space<hbm>>, %arg8: memref<8x2x128xi32, #tpu.memory_space<vmem>>, %arg9: memref<128x32xi32, #tpu.memory_space<vmem>>, %arg10: memref<128x32xi32, #tpu.memory_space<vmem>>, %arg11: memref<128x64xf32, #tpu.memory_space<vmem>>, %arg12: memref<128x64xf32, #tpu.memory_space<vmem>>, %arg13: memref<25088x64xf32, #tpu.memory_space<vmem_shared>>, %arg14: memref<!tpu.dma_semaphore, #tpu.memory_space<semaphore_mem>>, %arg15: memref<!tpu.dma_semaphore, #tpu.memory_space<semaphore_mem>>, %arg16: memref<!tpu.dma_semaphore, #tpu.memory_space<semaphore_mem>>, %arg17: memref<!tpu.dma_semaphore, #tpu.memory_space<semaphore_mem>>) attributes {dimension_semantics = [#tpu.dimension_semantics<core_parallel>, #tpu.dimension_semantics<subcore_parallel>], iteration_bounds = array<i64: 2, 16>, scalar_prefetch = 0 : i64, scratch_operands = 10 : i64, tpu.core_type = #tpu.core_type<sc_vector_subcore>, window_params = [{transform_indices = #map}, {transform_indices = #map}, {transform_indices = #map}, {transform_indices = #map1}, {transform_indices = #map1}, {transform_indices = #map}]} {
    %eq3A = arith.constant 0 : i32
    %eq3A_0 = arith.cmpi eq, %arg0, %eq3A : i32
    %convert_element_type3A = arith.extui %eq3A_0 : i1 to i32
    %cond3A = arith.constant 0 : i32
    %cond3A_1 = arith.cmpi ne, %convert_element_type3A, %cond3A : i32
    scf.if %cond3A_1 {
      %mul3A = arith.constant 1568 : i32
      %mul3A_7 = arith.muli %arg1, %mul3A : i32
      "tpu.region"() ({
        %run_scoped3A = tpu.sem_alloc : memref<!tpu.dma_semaphore, #tpu.memory_space<semaphore_mem>>
        %dma_start3A = arith.constant 0 : i32
        %dma_start3A_16 = tpu.memref_slice %arg13[%mul3A_7, %dma_start3A] : memref<25088x64xf32, #tpu.memory_space<vmem_shared>> -> memref<1568x64xf32, #tpu.memory_space<vmem_shared>>
        %dma_start3A_17 = arith.constant 0 : i32
        %dma_start3A_18 = tpu.memref_slice %arg4[%mul3A_7, %dma_start3A_17] : memref<25088x128xf32, #tpu.memory_space<hbm>> -> memref<1568x64xf32, #tpu.memory_space<hbm>>
        tpu.enqueue_dma source(%dma_start3A_18 : memref<1568x64xf32, #tpu.memory_space<hbm>>) target(%dma_start3A_16 : memref<1568x64xf32, #tpu.memory_space<vmem_shared>>) target_semaphore(%run_scoped3A : memref<!tpu.dma_semaphore, #tpu.memory_space<semaphore_mem>>)
        %dma_wait3A = arith.constant 0 : i32
        %dma_wait3A_19 = tpu.memref_slice %arg13[%mul3A_7, %dma_wait3A] : memref<25088x64xf32, #tpu.memory_space<vmem_shared>> -> memref<1568x64xf32, #tpu.memory_space<vmem_shared>>
        %dma_wait3A_20 = arith.constant 0 : i32
        %dma_wait3A_21 = tpu.memref_slice %arg4[%mul3A_7, %dma_wait3A_20] : memref<25088x128xf32, #tpu.memory_space<hbm>> -> memref<1568x64xf32, #tpu.memory_space<hbm>>
        tpu.wait_dma2 semaphore(%run_scoped3A : memref<!tpu.dma_semaphore, #tpu.memory_space<semaphore_mem>>) src(%dma_wait3A_21 : memref<1568x64xf32, #tpu.memory_space<hbm>>) dst(%dma_wait3A_19 : memref<1568x64xf32, #tpu.memory_space<vmem_shared>>)
        tpu.yield
      }) : () -> ()
      %mul3A_8 = arith.constant 200 : i32
      %mul3A_9 = arith.muli %arg1, %mul3A_8 : i32
      %barrier3A = arith.constant 0 : index
      tpu.barrier barrier_id(%barrier3A)
      %scan3A = arith.constant 0 : i32
      %scan3A_10 = arith.constant 0 : i32
      %scan3A_11 = arith.constant 25 : i32
      %scan3A_12 = arith.addi %scan3A_10, %scan3A_11 : i32
      %scan3A_13 = arith.constant 1 : i32
      scf.for %scan3A_16 = %scan3A_10 to %scan3A_12 step %scan3A_13  : i32 {
        %mul3A_17 = arith.constant 8 : i32
        %mul3A_18 = arith.muli %scan3A_16, %mul3A_17 : i32
        %add3A = arith.addi %mul3A_9, %mul3A_18 : i32
        "tpu.region"() ({
          %run_scoped3A = tpu.sem_alloc : memref<!tpu.dma_semaphore, #tpu.memory_space<semaphore_mem>>
          %dma_start3A_304 = arith.constant 0 : i32
          %dma_start3A_305 = arith.constant 0 : i32
          %dma_start3A_306 = tpu.memref_slice %arg5[%add3A, %dma_start3A_304, %dma_start3A_305] : memref<3200x2x128xi32, #tpu.memory_space<hbm>> -> memref<8x2x128xi32, #tpu.memory_space<hbm>>
          %dma_start3A_307 = arith.constant 0 : i32
          %dma_start3A_308 = arith.constant 0 : i32
          %dma_start3A_309 = tpu.memref_slice %arg5[%add3A, %dma_start3A_307, %dma_start3A_308] : memref<3200x2x128xi32, #tpu.memory_space<hbm>> -> memref<8x2x128xi32, #tpu.memory_space<hbm>>
          tpu.enqueue_dma source(%dma_start3A_309 : memref<8x2x128xi32, #tpu.memory_space<hbm>>) target(%arg8 : memref<8x2x128xi32, #tpu.memory_space<vmem>>) target_semaphore(%run_scoped3A : memref<!tpu.dma_semaphore, #tpu.memory_space<semaphore_mem>>)
          %dma_wait3A_310 = arith.constant 0 : i32
          %dma_wait3A_311 = arith.constant 0 : i32
          %dma_wait3A_312 = tpu.memref_slice %arg5[%add3A, %dma_wait3A_310, %dma_wait3A_311] : memref<3200x2x128xi32, #tpu.memory_space<hbm>> -> memref<8x2x128xi32, #tpu.memory_space<hbm>>
          %dma_wait3A_313 = arith.constant 0 : i32
          %dma_wait3A_314 = arith.constant 0 : i32
          %dma_wait3A_315 = tpu.memref_slice %arg5[%add3A, %dma_wait3A_313, %dma_wait3A_314] : memref<3200x2x128xi32, #tpu.memory_space<hbm>> -> memref<8x2x128xi32, #tpu.memory_space<hbm>>
          tpu.wait_dma2 semaphore(%run_scoped3A : memref<!tpu.dma_semaphore, #tpu.memory_space<semaphore_mem>>) src(%dma_wait3A_315 : memref<8x2x128xi32, #tpu.memory_space<hbm>>) dst(%arg8 : memref<8x2x128xi32, #tpu.memory_space<vmem>>)
          tpu.yield
        }) : () -> ()
        %dma_start3A = arith.constant 0 : i32
        %dma_start3A_19 = arith.constant 0 : i32
        %dma_start3A_20 = arith.constant 0 : i32
        %dma_start3A_21 = tpu.memref_slice %arg8[%dma_start3A, %dma_start3A_19, %dma_start3A_20] : memref<8x2x128xi32, #tpu.memory_space<vmem>> -> memref<1x1x128xi32, #tpu.memory_space<vmem>>
        %dma_start3A_22 = tpu.memref_squeeze %dma_start3A_21 : memref<1x1x128xi32, #tpu.memory_space<vmem>> -> memref<128xi32, #tpu.memory_space<vmem>>
        %dma_start3A_23 = arith.constant 0 : i32
        %dma_start3A_24 = arith.constant 0 : i32
        %dma_start3A_25 = tpu.memref_slice %arg2[%dma_start3A_23, %dma_start3A_24] : memref<25088x32xi32, #tpu.memory_space<hbm>> -> memref<25088x32xi32, #tpu.memory_space<hbm>>
        tpu.enqueue_indirect_dma source(%dma_start3A_25 : memref<25088x32xi32, #tpu.memory_space<hbm>>) target(%arg9 : memref<128x32xi32, #tpu.memory_space<vmem>>) offsets(%dma_start3A_22 : memref<128xi32, #tpu.memory_space<vmem>>) semaphore(%arg14 : memref<!tpu.dma_semaphore, #tpu.memory_space<semaphore_mem>>)
        %dma_start3A_26 = arith.constant 1 : i32
        %dma_start3A_27 = arith.constant 0 : i32
        %dma_start3A_28 = arith.constant 0 : i32
        %dma_start3A_29 = tpu.memref_slice %arg8[%dma_start3A_26, %dma_start3A_27, %dma_start3A_28] : memref<8x2x128xi32, #tpu.memory_space<vmem>> -> memref<1x1x128xi32, #tpu.memory_space<vmem>>
        %dma_start3A_30 = tpu.memref_squeeze %dma_start3A_29 : memref<1x1x128xi32, #tpu.memory_space<vmem>> -> memref<128xi32, #tpu.memory_space<vmem>>
        %dma_start3A_31 = arith.constant 0 : i32
        %dma_start3A_32 = arith.constant 0 : i32
        %dma_start3A_33 = tpu.memref_slice %arg2[%dma_start3A_31, %dma_start3A_32] : memref<25088x32xi32, #tpu.memory_space<hbm>> -> memref<25088x32xi32, #tpu.memory_space<hbm>>
        tpu.enqueue_indirect_dma source(%dma_start3A_33 : memref<25088x32xi32, #tpu.memory_space<hbm>>) target(%arg10 : memref<128x32xi32, #tpu.memory_space<vmem>>) offsets(%dma_start3A_30 : memref<128xi32, #tpu.memory_space<vmem>>) semaphore(%arg15 : memref<!tpu.dma_semaphore, #tpu.memory_space<semaphore_mem>>)
        %dma_wait3A = arith.constant 0 : i32
        %dma_wait3A_34 = arith.constant 0 : i32
        %dma_wait3A_35 = arith.constant 0 : i32
        %dma_wait3A_36 = tpu.memref_slice %arg8[%dma_wait3A, %dma_wait3A_34, %dma_wait3A_35] : memref<8x2x128xi32, #tpu.memory_space<vmem>> -> memref<1x1x128xi32, #tpu.memory_space<vmem>>
        %dma_wait3A_37 = tpu.memref_squeeze %dma_wait3A_36 : memref<1x1x128xi32, #tpu.memory_space<vmem>> -> memref<128xi32, #tpu.memory_space<vmem>>
        %dma_wait3A_38 = arith.constant 0 : i32
        %dma_wait3A_39 = arith.constant 0 : i32
        %dma_wait3A_40 = tpu.memref_slice %arg2[%dma_wait3A_38, %dma_wait3A_39] : memref<25088x32xi32, #tpu.memory_space<hbm>> -> memref<25088x32xi32, #tpu.memory_space<hbm>>
        tpu.wait_indirect_dma semaphore(%arg14 : memref<!tpu.dma_semaphore, #tpu.memory_space<semaphore_mem>>) src(%dma_wait3A_40 : memref<25088x32xi32, #tpu.memory_space<hbm>>) dst(%arg9 : memref<128x32xi32, #tpu.memory_space<vmem>>)
        %parallel_loop3A = arith.constant 0 : i32
        %parallel_loop3A_41 = arith.constant 128 : i32
        %parallel_loop3A_42 = arith.constant 1 : i32
        %parallel_loop3A_43 = arith.constant -65536 : i32
        scf.for %parallel_loop3A_304 = %parallel_loop3A to %parallel_loop3A_41 step %parallel_loop3A_42  : i32 {
          %parallel_loop3A_305 = arith.index_cast %parallel_loop3A_304 : i32 to index
          %parallel_loop3A_306 = arith.constant 0 : index
          %parallel_loop3A_307 = tpu.vector_load %arg9[%parallel_loop3A_305, %parallel_loop3A_306] {strides = array<i32>} : memref<128x32xi32, #tpu.memory_space<vmem>>, vector<16xi32>,
          %parallel_loop3A_308 = arith.constant 16 : i32
          %parallel_loop3A_309 = vector.broadcast %parallel_loop3A_308 : i32 to vector<16xi32>
          %parallel_loop3A_310 = arith.shli %parallel_loop3A_307, %parallel_loop3A_309 : vector<16xi32>
          %parallel_loop3A_311 = vector.bitcast %parallel_loop3A_310 : vector<16xi32> to vector<16xf32>
          %parallel_loop3A_312 = arith.index_cast %parallel_loop3A_304 : i32 to index
          %parallel_loop3A_313 = arith.constant 0 : index
          %parallel_loop3A_314 = tpu.vector_load %arg11[%parallel_loop3A_312, %parallel_loop3A_313] {strides = array<i32>} : memref<128x64xf32, #tpu.memory_space<vmem>>, vector<16xf32>,
          tpu.vector_store %arg11[%parallel_loop3A_312, %parallel_loop3A_313], %parallel_loop3A_311 {strides = array<i32>} : memref<128x64xf32, #tpu.memory_space<vmem>>, vector<16xf32>,
          %parallel_loop3A_315 = vector.broadcast %parallel_loop3A_43 : i32 to vector<16xi32>
          %parallel_loop3A_316 = arith.andi %parallel_loop3A_307, %parallel_loop3A_315 : vector<16xi32>
          %parallel_loop3A_317 = vector.bitcast %parallel_loop3A_316 : vector<16xi32> to vector<16xf32>
          %parallel_loop3A_318 = arith.index_cast %parallel_loop3A_304 : i32 to index
          %parallel_loop3A_319 = arith.constant 16 : index
          %parallel_loop3A_320 = tpu.vector_load %arg11[%parallel_loop3A_318, %parallel_loop3A_319] {strides = array<i32>} : memref<128x64xf32, #tpu.memory_space<vmem>>, vector<16xf32>,
          tpu.vector_store %arg11[%parallel_loop3A_318, %parallel_loop3A_319], %parallel_loop3A_317 {strides = array<i32>} : memref<128x64xf32, #tpu.memory_space<vmem>>, vector<16xf32>,
          %parallel_loop3A_321 = arith.index_cast %parallel_loop3A_304 : i32 to index
          %parallel_loop3A_322 = arith.constant 16 : index
          %parallel_loop3A_323 = tpu.vector_load %arg9[%parallel_loop3A_321, %parallel_loop3A_322] {strides = array<i32>} : memref<128x32xi32, #tpu.memory_space<vmem>>, vector<16xi32>,
          %parallel_loop3A_324 = arith.constant 16 : i32
          %parallel_loop3A_325 = vector.broadcast %parallel_loop3A_324 : i32 to vector<16xi32>
          %parallel_loop3A_326 = arith.shli %parallel_loop3A_323, %parallel_loop3A_325 : vector<16xi32>
          %parallel_loop3A_327 = vector.bitcast %parallel_loop3A_326 : vector<16xi32> to vector<16xf32>
          %parallel_loop3A_328 = arith.index_cast %parallel_loop3A_304 : i32 to index
          %parallel_loop3A_329 = arith.constant 32 : index
          %parallel_loop3A_330 = tpu.vector_load %arg11[%parallel_loop3A_328, %parallel_loop3A_329] {strides = array<i32>} : memref<128x64xf32, #tpu.memory_space<vmem>>, vector<16xf32>,
          tpu.vector_store %arg11[%parallel_loop3A_328, %parallel_loop3A_329], %parallel_loop3A_327 {strides = array<i32>} : memref<128x64xf32, #tpu.memory_space<vmem>>, vector<16xf32>,
          %parallel_loop3A_331 = vector.broadcast %parallel_loop3A_43 : i32 to vector<16xi32>
          %parallel_loop3A_332 = arith.andi %parallel_loop3A_323, %parallel_loop3A_331 : vector<16xi32>
          %parallel_loop3A_333 = vector.bitcast %parallel_loop3A_332 : vector<16xi32> to vector<16xf32>
          %parallel_loop3A_334 = arith.index_cast %parallel_loop3A_304 : i32 to index
          %parallel_loop3A_335 = arith.constant 48 : index
          %parallel_loop3A_336 = tpu.vector_load %arg11[%parallel_loop3A_334, %parallel_loop3A_335] {strides = array<i32>} : memref<128x64xf32, #tpu.memory_space<vmem>>, vector<16xf32>,
          tpu.vector_store %arg11[%parallel_loop3A_334, %parallel_loop3A_335], %parallel_loop3A_333 {strides = array<i32>} : memref<128x64xf32, #tpu.memory_space<vmem>>, vector<16xf32>,
        } {sc.loop_unroll_factor = 16 : i64, sc.parallel_access}
        %dma_start3A_44 = arith.constant 0 : i32
        %dma_start3A_45 = arith.constant 1 : i32
        %dma_start3A_46 = arith.constant 0 : i32
        %dma_start3A_47 = tpu.memref_slice %arg8[%dma_start3A_44, %dma_start3A_45, %dma_start3A_46] : memref<8x2x128xi32, #tpu.memory_space<vmem>> -> memref<1x1x128xi32, #tpu.memory_space<vmem>>
        %dma_start3A_48 = tpu.memref_squeeze %dma_start3A_47 : memref<1x1x128xi32, #tpu.memory_space<vmem>> -> memref<128xi32, #tpu.memory_space<vmem>>
        %dma_start3A_49 = arith.constant 0 : i32
        %dma_start3A_50 = arith.constant 0 : i32
        %dma_start3A_51 = tpu.memref_slice %arg13[%dma_start3A_49, %dma_start3A_50] : memref<25088x64xf32, #tpu.memory_space<vmem_shared>> -> memref<25088x64xf32, #tpu.memory_space<vmem_shared>>
        tpu.enqueue_indirect_dma source(%arg11 : memref<128x64xf32, #tpu.memory_space<vmem>>) target(%dma_start3A_51 : memref<25088x64xf32, #tpu.memory_space<vmem_shared>>) offsets(%dma_start3A_48 : memref<128xi32, #tpu.memory_space<vmem>>) semaphore(%arg16 : memref<!tpu.dma_semaphore, #tpu.memory_space<semaphore_mem>>) {add = true}
        %dma_start3A_52 = arith.constant 2 : i32
        %dma_start3A_53 = arith.constant 0 : i32
        %dma_start3A_54 = arith.constant 0 : i32
        %dma_start3A_55 = tpu.memref_slice %arg8[%dma_start3A_52, %dma_start3A_53, %dma_start3A_54] : memref<8x2x128xi32, #tpu.memory_space<vmem>> -> memref<1x1x128xi32, #tpu.memory_space<vmem>>
        %dma_start3A_56 = tpu.memref_squeeze %dma_start3A_55 : memref<1x1x128xi32, #tpu.memory_space<vmem>> -> memref<128xi32, #tpu.memory_space<vmem>>
        %dma_start3A_57 = arith.constant 0 : i32
        %dma_start3A_58 = arith.constant 0 : i32
        %dma_start3A_59 = tpu.memref_slice %arg2[%dma_start3A_57, %dma_start3A_58] : memref<25088x32xi32, #tpu.memory_space<hbm>> -> memref<25088x32xi32, #tpu.memory_space<hbm>>
        tpu.enqueue_indirect_dma source(%dma_start3A_59 : memref<25088x32xi32, #tpu.memory_space<hbm>>) target(%arg9 : memref<128x32xi32, #tpu.memory_space<vmem>>) offsets(%dma_start3A_56 : memref<128xi32, #tpu.memory_space<vmem>>) semaphore(%arg14 : memref<!tpu.dma_semaphore, #tpu.memory_space<semaphore_mem>>)
        %dma_wait3A_60 = arith.constant 1 : i32
        %dma_wait3A_61 = arith.constant 0 : i32
        %dma_wait3A_62 = arith.constant 0 : i32
        %dma_wait3A_63 = tpu.memref_slice %arg8[%dma_wait3A_60, %dma_wait3A_61, %dma_wait3A_62] : memref<8x2x128xi32, #tpu.memory_space<vmem>> -> memref<1x1x128xi32, #tpu.memory_space<vmem>>
        %dma_wait3A_64 = tpu.memref_squeeze %dma_wait3A_63 : memref<1x1x128xi32, #tpu.memory_space<vmem>> -> memref<128xi32, #tpu.memory_space<vmem>>
        %dma_wait3A_65 = arith.constant 0 : i32
        %dma_wait3A_66 = arith.constant 0 : i32
        %dma_wait3A_67 = tpu.memref_slice %arg2[%dma_wait3A_65, %dma_wait3A_66] : memref<25088x32xi32, #tpu.memory_space<hbm>> -> memref<25088x32xi32, #tpu.memory_space<hbm>>
        tpu.wait_indirect_dma semaphore(%arg15 : memref<!tpu.dma_semaphore, #tpu.memory_space<semaphore_mem>>) src(%dma_wait3A_67 : memref<25088x32xi32, #tpu.memory_space<hbm>>) dst(%arg10 : memref<128x32xi32, #tpu.memory_space<vmem>>)
        %parallel_loop3A_68 = arith.constant 0 : i32
        %parallel_loop3A_69 = arith.constant 128 : i32
        %parallel_loop3A_70 = arith.constant 1 : i32
        %parallel_loop3A_71 = arith.constant -65536 : i32
        scf.for %parallel_loop3A_304 = %parallel_loop3A_68 to %parallel_loop3A_69 step %parallel_loop3A_70  : i32 {
          %parallel_loop3A_305 = arith.index_cast %parallel_loop3A_304 : i32 to index
          %parallel_loop3A_306 = arith.constant 0 : index
          %parallel_loop3A_307 = tpu.vector_load %arg10[%parallel_loop3A_305, %parallel_loop3A_306] {strides = array<i32>} : memref<128x32xi32, #tpu.memory_space<vmem>>, vector<16xi32>,
          %parallel_loop3A_308 = arith.constant 16 : i32
          %parallel_loop3A_309 = vector.broadcast %parallel_loop3A_308 : i32 to vector<16xi32>
          %parallel_loop3A_310 = arith.shli %parallel_loop3A_307, %parallel_loop3A_309 : vector<16xi32>
          %parallel_loop3A_311 = vector.bitcast %parallel_loop3A_310 : vector<16xi32> to vector<16xf32>
          %parallel_loop3A_312 = arith.index_cast %parallel_loop3A_304 : i32 to index
          %parallel_loop3A_313 = arith.constant 0 : index
          %parallel_loop3A_314 = tpu.vector_load %arg12[%parallel_loop3A_312, %parallel_loop3A_313] {strides = array<i32>} : memref<128x64xf32, #tpu.memory_space<vmem>>, vector<16xf32>,
          tpu.vector_store %arg12[%parallel_loop3A_312, %parallel_loop3A_313], %parallel_loop3A_311 {strides = array<i32>} : memref<128x64xf32, #tpu.memory_space<vmem>>, vector<16xf32>,
          %parallel_loop3A_315 = vector.broadcast %parallel_loop3A_71 : i32 to vector<16xi32>
          %parallel_loop3A_316 = arith.andi %parallel_loop3A_307, %parallel_loop3A_315 : vector<16xi32>
          %parallel_loop3A_317 = vector.bitcast %parallel_loop3A_316 : vector<16xi32> to vector<16xf32>
          %parallel_loop3A_318 = arith.index_cast %parallel_loop3A_304 : i32 to index
          %parallel_loop3A_319 = arith.constant 16 : index
          %parallel_loop3A_320 = tpu.vector_load %arg12[%parallel_loop3A_318, %parallel_loop3A_319] {strides = array<i32>} : memref<128x64xf32, #tpu.memory_space<vmem>>, vector<16xf32>,
          tpu.vector_store %arg12[%parallel_loop3A_318, %parallel_loop3A_319], %parallel_loop3A_317 {strides = array<i32>} : memref<128x64xf32, #tpu.memory_space<vmem>>, vector<16xf32>,
          %parallel_loop3A_321 = arith.index_cast %parallel_loop3A_304 : i32 to index
          %parallel_loop3A_322 = arith.constant 16 : index
          %parallel_loop3A_323 = tpu.vector_load %arg10[%parallel_loop3A_321, %parallel_loop3A_322] {strides = array<i32>} : memref<128x32xi32, #tpu.memory_space<vmem>>, vector<16xi32>,
          %parallel_loop3A_324 = arith.constant 16 : i32
          %parallel_loop3A_325 = vector.broadcast %parallel_loop3A_324 : i32 to vector<16xi32>
          %parallel_loop3A_326 = arith.shli %parallel_loop3A_323, %parallel_loop3A_325 : vector<16xi32>
          %parallel_loop3A_327 = vector.bitcast %parallel_loop3A_326 : vector<16xi32> to vector<16xf32>
          %parallel_loop3A_328 = arith.index_cast %parallel_loop3A_304 : i32 to index
          %parallel_loop3A_329 = arith.constant 32 : index
          %parallel_loop3A_330 = tpu.vector_load %arg12[%parallel_loop3A_328, %parallel_loop3A_329] {strides = array<i32>} : memref<128x64xf32, #tpu.memory_space<vmem>>, vector<16xf32>,
          tpu.vector_store %arg12[%parallel_loop3A_328, %parallel_loop3A_329], %parallel_loop3A_327 {strides = array<i32>} : memref<128x64xf32, #tpu.memory_space<vmem>>, vector<16xf32>,
          %parallel_loop3A_331 = vector.broadcast %parallel_loop3A_71 : i32 to vector<16xi32>
          %parallel_loop3A_332 = arith.andi %parallel_loop3A_323, %parallel_loop3A_331 : vector<16xi32>
          %parallel_loop3A_333 = vector.bitcast %parallel_loop3A_332 : vector<16xi32> to vector<16xf32>
          %parallel_loop3A_334 = arith.index_cast %parallel_loop3A_304 : i32 to index
          %parallel_loop3A_335 = arith.constant 48 : index
          %parallel_loop3A_336 = tpu.vector_load %arg12[%parallel_loop3A_334, %parallel_loop3A_335] {strides = array<i32>} : memref<128x64xf32, #tpu.memory_space<vmem>>, vector<16xf32>,
          tpu.vector_store %arg12[%parallel_loop3A_334, %parallel_loop3A_335], %parallel_loop3A_333 {strides = array<i32>} : memref<128x64xf32, #tpu.memory_space<vmem>>, vector<16xf32>,
        } {sc.loop_unroll_factor = 16 : i64, sc.parallel_access}
        %dma_start3A_72 = arith.constant 1 : i32
        %dma_start3A_73 = arith.constant 1 : i32
        %dma_start3A_74 = arith.constant 0 : i32
        %dma_start3A_75 = tpu.memref_slice %arg8[%dma_start3A_72, %dma_start3A_73, %dma_start3A_74] : memref<8x2x128xi32, #tpu.memory_space<vmem>> -> memref<1x1x128xi32, #tpu.memory_space<vmem>>
        %dma_start3A_76 = tpu.memref_squeeze %dma_start3A_75 : memref<1x1x128xi32, #tpu.memory_space<vmem>> -> memref<128xi32, #tpu.memory_space<vmem>>
        %dma_start3A_77 = arith.constant 0 : i32
        %dma_start3A_78 = arith.constant 0 : i32
        %dma_start3A_79 = tpu.memref_slice %arg13[%dma_start3A_77, %dma_start3A_78] : memref<25088x64xf32, #tpu.memory_space<vmem_shared>> -> memref<25088x64xf32, #tpu.memory_space<vmem_shared>>
        tpu.enqueue_indirect_dma source(%arg12 : memref<128x64xf32, #tpu.memory_space<vmem>>) target(%dma_start3A_79 : memref<25088x64xf32, #tpu.memory_space<vmem_shared>>) offsets(%dma_start3A_76 : memref<128xi32, #tpu.memory_space<vmem>>) semaphore(%arg17 : memref<!tpu.dma_semaphore, #tpu.memory_space<semaphore_mem>>) {add = true}
        %dma_start3A_80 = arith.constant 3 : i32
        %dma_start3A_81 = arith.constant 0 : i32
        %dma_start3A_82 = arith.constant 0 : i32
        %dma_start3A_83 = tpu.memref_slice %arg8[%dma_start3A_80, %dma_start3A_81, %dma_start3A_82] : memref<8x2x128xi32, #tpu.memory_space<vmem>> -> memref<1x1x128xi32, #tpu.memory_space<vmem>>
        %dma_start3A_84 = tpu.memref_squeeze %dma_start3A_83 : memref<1x1x128xi32, #tpu.memory_space<vmem>> -> memref<128xi32, #tpu.memory_space<vmem>>
        %dma_start3A_85 = arith.constant 0 : i32
        %dma_start3A_86 = arith.constant 0 : i32
        %dma_start3A_87 = tpu.memref_slice %arg2[%dma_start3A_85, %dma_start3A_86] : memref<25088x32xi32, #tpu.memory_space<hbm>> -> memref<25088x32xi32, #tpu.memory_space<hbm>>
        tpu.enqueue_indirect_dma source(%dma_start3A_87 : memref<25088x32xi32, #tpu.memory_space<hbm>>) target(%arg10 : memref<128x32xi32, #tpu.memory_space<vmem>>) offsets(%dma_start3A_84 : memref<128xi32, #tpu.memory_space<vmem>>) semaphore(%arg15 : memref<!tpu.dma_semaphore, #tpu.memory_space<semaphore_mem>>)
        %dma_wait3A_88 = arith.constant 2 : i32
        %dma_wait3A_89 = arith.constant 0 : i32
        %dma_wait3A_90 = arith.constant 0 : i32
        %dma_wait3A_91 = tpu.memref_slice %arg8[%dma_wait3A_88, %dma_wait3A_89, %dma_wait3A_90] : memref<8x2x128xi32, #tpu.memory_space<vmem>> -> memref<1x1x128xi32, #tpu.memory_space<vmem>>
        %dma_wait3A_92 = tpu.memref_squeeze %dma_wait3A_91 : memref<1x1x128xi32, #tpu.memory_space<vmem>> -> memref<128xi32, #tpu.memory_space<vmem>>
        %dma_wait3A_93 = arith.constant 0 : i32
        %dma_wait3A_94 = arith.constant 0 : i32
        %dma_wait3A_95 = tpu.memref_slice %arg2[%dma_wait3A_93, %dma_wait3A_94] : memref<25088x32xi32, #tpu.memory_space<hbm>> -> memref<25088x32xi32, #tpu.memory_space<hbm>>
        tpu.wait_indirect_dma semaphore(%arg14 : memref<!tpu.dma_semaphore, #tpu.memory_space<semaphore_mem>>) src(%dma_wait3A_95 : memref<25088x32xi32, #tpu.memory_space<hbm>>) dst(%arg9 : memref<128x32xi32, #tpu.memory_space<vmem>>)
        %dma_wait3A_96 = arith.constant 0 : i32
        %dma_wait3A_97 = arith.constant 1 : i32
        %dma_wait3A_98 = arith.constant 0 : i32
        %dma_wait3A_99 = tpu.memref_slice %arg8[%dma_wait3A_96, %dma_wait3A_97, %dma_wait3A_98] : memref<8x2x128xi32, #tpu.memory_space<vmem>> -> memref<1x1x128xi32, #tpu.memory_space<vmem>>
        %dma_wait3A_100 = tpu.memref_squeeze %dma_wait3A_99 : memref<1x1x128xi32, #tpu.memory_space<vmem>> -> memref<128xi32, #tpu.memory_space<vmem>>
        %dma_wait3A_101 = arith.constant 0 : i32
        %dma_wait3A_102 = arith.constant 0 : i32
        %dma_wait3A_103 = tpu.memref_slice %arg13[%dma_wait3A_101, %dma_wait3A_102] : memref<25088x64xf32, #tpu.memory_space<vmem_shared>> -> memref<25088x64xf32, #tpu.memory_space<vmem_shared>>
        tpu.wait_indirect_dma semaphore(%arg16 : memref<!tpu.dma_semaphore, #tpu.memory_space<semaphore_mem>>) src(%arg11 : memref<128x64xf32, #tpu.memory_space<vmem>>) dst(%dma_wait3A_103 : memref<25088x64xf32, #tpu.memory_space<vmem_shared>>)
        %parallel_loop3A_104 = arith.constant 0 : i32
        %parallel_loop3A_105 = arith.constant 128 : i32
        %parallel_loop3A_106 = arith.constant 1 : i32
        %parallel_loop3A_107 = arith.constant -65536 : i32
        scf.for %parallel_loop3A_304 = %parallel_loop3A_104 to %parallel_loop3A_105 step %parallel_loop3A_106  : i32 {
          %parallel_loop3A_305 = arith.index_cast %parallel_loop3A_304 : i32 to index
          %parallel_loop3A_306 = arith.constant 0 : index
          %parallel_loop3A_307 = tpu.vector_load %arg9[%parallel_loop3A_305, %parallel_loop3A_306] {strides = array<i32>} : memref<128x32xi32, #tpu.memory_space<vmem>>, vector<16xi32>,
          %parallel_loop3A_308 = arith.constant 16 : i32
          %parallel_loop3A_309 = vector.broadcast %parallel_loop3A_308 : i32 to vector<16xi32>
          %parallel_loop3A_310 = arith.shli %parallel_loop3A_307, %parallel_loop3A_309 : vector<16xi32>
          %parallel_loop3A_311 = vector.bitcast %parallel_loop3A_310 : vector<16xi32> to vector<16xf32>
          %parallel_loop3A_312 = arith.index_cast %parallel_loop3A_304 : i32 to index
          %parallel_loop3A_313 = arith.constant 0 : index
          %parallel_loop3A_314 = tpu.vector_load %arg11[%parallel_loop3A_312, %parallel_loop3A_313] {strides = array<i32>} : memref<128x64xf32, #tpu.memory_space<vmem>>, vector<16xf32>,
          tpu.vector_store %arg11[%parallel_loop3A_312, %parallel_loop3A_313], %parallel_loop3A_311 {strides = array<i32>} : memref<128x64xf32, #tpu.memory_space<vmem>>, vector<16xf32>,
          %parallel_loop3A_315 = vector.broadcast %parallel_loop3A_107 : i32 to vector<16xi32>
          %parallel_loop3A_316 = arith.andi %parallel_loop3A_307, %parallel_loop3A_315 : vector<16xi32>
          %parallel_loop3A_317 = vector.bitcast %parallel_loop3A_316 : vector<16xi32> to vector<16xf32>
          %parallel_loop3A_318 = arith.index_cast %parallel_loop3A_304 : i32 to index
          %parallel_loop3A_319 = arith.constant 16 : index
          %parallel_loop3A_320 = tpu.vector_load %arg11[%parallel_loop3A_318, %parallel_loop3A_319] {strides = array<i32>} : memref<128x64xf32, #tpu.memory_space<vmem>>, vector<16xf32>,
          tpu.vector_store %arg11[%parallel_loop3A_318, %parallel_loop3A_319], %parallel_loop3A_317 {strides = array<i32>} : memref<128x64xf32, #tpu.memory_space<vmem>>, vector<16xf32>,
          %parallel_loop3A_321 = arith.index_cast %parallel_loop3A_304 : i32 to index
          %parallel_loop3A_322 = arith.constant 16 : index
          %parallel_loop3A_323 = tpu.vector_load %arg9[%parallel_loop3A_321, %parallel_loop3A_322] {strides = array<i32>} : memref<128x32xi32, #tpu.memory_space<vmem>>, vector<16xi32>,
          %parallel_loop3A_324 = arith.constant 16 : i32
          %parallel_loop3A_325 = vector.broadcast %parallel_loop3A_324 : i32 to vector<16xi32>
          %parallel_loop3A_326 = arith.shli %parallel_loop3A_323, %parallel_loop3A_325 : vector<16xi32>
          %parallel_loop3A_327 = vector.bitcast %parallel_loop3A_326 : vector<16xi32> to vector<16xf32>
          %parallel_loop3A_328 = arith.index_cast %parallel_loop3A_304 : i32 to index
          %parallel_loop3A_329 = arith.constant 32 : index
          %parallel_loop3A_330 = tpu.vector_load %arg11[%parallel_loop3A_328, %parallel_loop3A_329] {strides = array<i32>} : memref<128x64xf32, #tpu.memory_space<vmem>>, vector<16xf32>,
          tpu.vector_store %arg11[%parallel_loop3A_328, %parallel_loop3A_329], %parallel_loop3A_327 {strides = array<i32>} : memref<128x64xf32, #tpu.memory_space<vmem>>, vector<16xf32>,
          %parallel_loop3A_331 = vector.broadcast %parallel_loop3A_107 : i32 to vector<16xi32>
          %parallel_loop3A_332 = arith.andi %parallel_loop3A_323, %parallel_loop3A_331 : vector<16xi32>
          %parallel_loop3A_333 = vector.bitcast %parallel_loop3A_332 : vector<16xi32> to vector<16xf32>
          %parallel_loop3A_334 = arith.index_cast %parallel_loop3A_304 : i32 to index
          %parallel_loop3A_335 = arith.constant 48 : index
          %parallel_loop3A_336 = tpu.vector_load %arg11[%parallel_loop3A_334, %parallel_loop3A_335] {strides = array<i32>} : memref<128x64xf32, #tpu.memory_space<vmem>>, vector<16xf32>,
          tpu.vector_store %arg11[%parallel_loop3A_334, %parallel_loop3A_335], %parallel_loop3A_333 {strides = array<i32>} : memref<128x64xf32, #tpu.memory_space<vmem>>, vector<16xf32>,
        } {sc.loop_unroll_factor = 16 : i64, sc.parallel_access}
        %dma_start3A_108 = arith.constant 2 : i32
        %dma_start3A_109 = arith.constant 1 : i32
        %dma_start3A_110 = arith.constant 0 : i32
        %dma_start3A_111 = tpu.memref_slice %arg8[%dma_start3A_108, %dma_start3A_109, %dma_start3A_110] : memref<8x2x128xi32, #tpu.memory_space<vmem>> -> memref<1x1x128xi32, #tpu.memory_space<vmem>>
        %dma_start3A_112 = tpu.memref_squeeze %dma_start3A_111 : memref<1x1x128xi32, #tpu.memory_space<vmem>> -> memref<128xi32, #tpu.memory_space<vmem>>
        %dma_start3A_113 = arith.constant 0 : i32
        %dma_start3A_114 = arith.constant 0 : i32
        %dma_start3A_115 = tpu.memref_slice %arg13[%dma_start3A_113, %dma_start3A_114] : memref<25088x64xf32, #tpu.memory_space<vmem_shared>> -> memref<25088x64xf32, #tpu.memory_space<vmem_shared>>
        tpu.enqueue_indirect_dma source(%arg11 : memref<128x64xf32, #tpu.memory_space<vmem>>) target(%dma_start3A_115 : memref<25088x64xf32, #tpu.memory_space<vmem_shared>>) offsets(%dma_start3A_112 : memref<128xi32, #tpu.memory_space<vmem>>) semaphore(%arg16 : memref<!tpu.dma_semaphore, #tpu.memory_space<semaphore_mem>>) {add = true}
        %dma_start3A_116 = arith.constant 4 : i32
        %dma_start3A_117 = arith.constant 0 : i32
        %dma_start3A_118 = arith.constant 0 : i32
        %dma_start3A_119 = tpu.memref_slice %arg8[%dma_start3A_116, %dma_start3A_117, %dma_start3A_118] : memref<8x2x128xi32, #tpu.memory_space<vmem>> -> memref<1x1x128xi32, #tpu.memory_space<vmem>>
        %dma_start3A_120 = tpu.memref_squeeze %dma_start3A_119 : memref<1x1x128xi32, #tpu.memory_space<vmem>> -> memref<128xi32, #tpu.memory_space<vmem>>
        %dma_start3A_121 = arith.constant 0 : i32
        %dma_start3A_122 = arith.constant 0 : i32
        %dma_start3A_123 = tpu.memref_slice %arg2[%dma_start3A_121, %dma_start3A_122] : memref<25088x32xi32, #tpu.memory_space<hbm>> -> memref<25088x32xi32, #tpu.memory_space<hbm>>
        tpu.enqueue_indirect_dma source(%dma_start3A_123 : memref<25088x32xi32, #tpu.memory_space<hbm>>) target(%arg9 : memref<128x32xi32, #tpu.memory_space<vmem>>) offsets(%dma_start3A_120 : memref<128xi32, #tpu.memory_space<vmem>>) semaphore(%arg14 : memref<!tpu.dma_semaphore, #tpu.memory_space<semaphore_mem>>)
        %dma_wait3A_124 = arith.constant 3 : i32
        %dma_wait3A_125 = arith.constant 0 : i32
        %dma_wait3A_126 = arith.constant 0 : i32
        %dma_wait3A_127 = tpu.memref_slice %arg8[%dma_wait3A_124, %dma_wait3A_125, %dma_wait3A_126] : memref<8x2x128xi32, #tpu.memory_space<vmem>> -> memref<1x1x128xi32, #tpu.memory_space<vmem>>
        %dma_wait3A_128 = tpu.memref_squeeze %dma_wait3A_127 : memref<1x1x128xi32, #tpu.memory_space<vmem>> -> memref<128xi32, #tpu.memory_space<vmem>>
        %dma_wait3A_129 = arith.constant 0 : i32
        %dma_wait3A_130 = arith.constant 0 : i32
        %dma_wait3A_131 = tpu.memref_slice %arg2[%dma_wait3A_129, %dma_wait3A_130] : memref<25088x32xi32, #tpu.memory_space<hbm>> -> memref<25088x32xi32, #tpu.memory_space<hbm>>
        tpu.wait_indirect_dma semaphore(%arg15 : memref<!tpu.dma_semaphore, #tpu.memory_space<semaphore_mem>>) src(%dma_wait3A_131 : memref<25088x32xi32, #tpu.memory_space<hbm>>) dst(%arg10 : memref<128x32xi32, #tpu.memory_space<vmem>>)
        %dma_wait3A_132 = arith.constant 1 : i32
        %dma_wait3A_133 = arith.constant 1 : i32
        %dma_wait3A_134 = arith.constant 0 : i32
        %dma_wait3A_135 = tpu.memref_slice %arg8[%dma_wait3A_132, %dma_wait3A_133, %dma_wait3A_134] : memref<8x2x128xi32, #tpu.memory_space<vmem>> -> memref<1x1x128xi32, #tpu.memory_space<vmem>>
        %dma_wait3A_136 = tpu.memref_squeeze %dma_wait3A_135 : memref<1x1x128xi32, #tpu.memory_space<vmem>> -> memref<128xi32, #tpu.memory_space<vmem>>
        %dma_wait3A_137 = arith.constant 0 : i32
        %dma_wait3A_138 = arith.constant 0 : i32
        %dma_wait3A_139 = tpu.memref_slice %arg13[%dma_wait3A_137, %dma_wait3A_138] : memref<25088x64xf32, #tpu.memory_space<vmem_shared>> -> memref<25088x64xf32, #tpu.memory_space<vmem_shared>>
        tpu.wait_indirect_dma semaphore(%arg17 : memref<!tpu.dma_semaphore, #tpu.memory_space<semaphore_mem>>) src(%arg12 : memref<128x64xf32, #tpu.memory_space<vmem>>) dst(%dma_wait3A_139 : memref<25088x64xf32, #tpu.memory_space<vmem_shared>>)
        %parallel_loop3A_140 = arith.constant 0 : i32
        %parallel_loop3A_141 = arith.constant 128 : i32
        %parallel_loop3A_142 = arith.constant 1 : i32
        %parallel_loop3A_143 = arith.constant -65536 : i32
        scf.for %parallel_loop3A_304 = %parallel_loop3A_140 to %parallel_loop3A_141 step %parallel_loop3A_142  : i32 {
          %parallel_loop3A_305 = arith.index_cast %parallel_loop3A_304 : i32 to index
          %parallel_loop3A_306 = arith.constant 0 : index
          %parallel_loop3A_307 = tpu.vector_load %arg10[%parallel_loop3A_305, %parallel_loop3A_306] {strides = array<i32>} : memref<128x32xi32, #tpu.memory_space<vmem>>, vector<16xi32>,
          %parallel_loop3A_308 = arith.constant 16 : i32
          %parallel_loop3A_309 = vector.broadcast %parallel_loop3A_308 : i32 to vector<16xi32>
          %parallel_loop3A_310 = arith.shli %parallel_loop3A_307, %parallel_loop3A_309 : vector<16xi32>
          %parallel_loop3A_311 = vector.bitcast %parallel_loop3A_310 : vector<16xi32> to vector<16xf32>
          %parallel_loop3A_312 = arith.index_cast %parallel_loop3A_304 : i32 to index
          %parallel_loop3A_313 = arith.constant 0 : index
          %parallel_loop3A_314 = tpu.vector_load %arg12[%parallel_loop3A_312, %parallel_loop3A_313] {strides = array<i32>} : memref<128x64xf32, #tpu.memory_space<vmem>>, vector<16xf32>,
          tpu.vector_store %arg12[%parallel_loop3A_312, %parallel_loop3A_313], %parallel_loop3A_311 {strides = array<i32>} : memref<128x64xf32, #tpu.memory_space<vmem>>, vector<16xf32>,
          %parallel_loop3A_315 = vector.broadcast %parallel_loop3A_143 : i32 to vector<16xi32>
          %parallel_loop3A_316 = arith.andi %parallel_loop3A_307, %parallel_loop3A_315 : vector<16xi32>
          %parallel_loop3A_317 = vector.bitcast %parallel_loop3A_316 : vector<16xi32> to vector<16xf32>
          %parallel_loop3A_318 = arith.index_cast %parallel_loop3A_304 : i32 to index
          %parallel_loop3A_319 = arith.constant 16 : index
          %parallel_loop3A_320 = tpu.vector_load %arg12[%parallel_loop3A_318, %parallel_loop3A_319] {strides = array<i32>} : memref<128x64xf32, #tpu.memory_space<vmem>>, vector<16xf32>,
          tpu.vector_store %arg12[%parallel_loop3A_318, %parallel_loop3A_319], %parallel_loop3A_317 {strides = array<i32>} : memref<128x64xf32, #tpu.memory_space<vmem>>, vector<16xf32>,
          %parallel_loop3A_321 = arith.index_cast %parallel_loop3A_304 : i32 to index
          %parallel_loop3A_322 = arith.constant 16 : index
          %parallel_loop3A_323 = tpu.vector_load %arg10[%parallel_loop3A_321, %parallel_loop3A_322] {strides = array<i32>} : memref<128x32xi32, #tpu.memory_space<vmem>>, vector<16xi32>,
          %parallel_loop3A_324 = arith.constant 16 : i32
          %parallel_loop3A_325 = vector.broadcast %parallel_loop3A_324 : i32 to vector<16xi32>
          %parallel_loop3A_326 = arith.shli %parallel_loop3A_323, %parallel_loop3A_325 : vector<16xi32>
          %parallel_loop3A_327 = vector.bitcast %parallel_loop3A_326 : vector<16xi32> to vector<16xf32>
          %parallel_loop3A_328 = arith.index_cast %parallel_loop3A_304 : i32 to index
          %parallel_loop3A_329 = arith.constant 32 : index
          %parallel_loop3A_330 = tpu.vector_load %arg12[%parallel_loop3A_328, %parallel_loop3A_329] {strides = array<i32>} : memref<128x64xf32, #tpu.memory_space<vmem>>, vector<16xf32>,
          tpu.vector_store %arg12[%parallel_loop3A_328, %parallel_loop3A_329], %parallel_loop3A_327 {strides = array<i32>} : memref<128x64xf32, #tpu.memory_space<vmem>>, vector<16xf32>,
          %parallel_loop3A_331 = vector.broadcast %parallel_loop3A_143 : i32 to vector<16xi32>
          %parallel_loop3A_332 = arith.andi %parallel_loop3A_323, %parallel_loop3A_331 : vector<16xi32>
          %parallel_loop3A_333 = vector.bitcast %parallel_loop3A_332 : vector<16xi32> to vector<16xf32>
          %parallel_loop3A_334 = arith.index_cast %parallel_loop3A_304 : i32 to index
          %parallel_loop3A_335 = arith.constant 48 : index
          %parallel_loop3A_336 = tpu.vector_load %arg12[%parallel_loop3A_334, %parallel_loop3A_335] {strides = array<i32>} : memref<128x64xf32, #tpu.memory_space<vmem>>, vector<16xf32>,
          tpu.vector_store %arg12[%parallel_loop3A_334, %parallel_loop3A_335], %parallel_loop3A_333 {strides = array<i32>} : memref<128x64xf32, #tpu.memory_space<vmem>>, vector<16xf32>,
        } {sc.loop_unroll_factor = 16 : i64, sc.parallel_access}
        %dma_start3A_144 = arith.constant 3 : i32
        %dma_start3A_145 = arith.constant 1 : i32
        %dma_start3A_146 = arith.constant 0 : i32
        %dma_start3A_147 = tpu.memref_slice %arg8[%dma_start3A_144, %dma_start3A_145, %dma_start3A_146] : memref<8x2x128xi32, #tpu.memory_space<vmem>> -> memref<1x1x128xi32, #tpu.memory_space<vmem>>
        %dma_start3A_148 = tpu.memref_squeeze %dma_start3A_147 : memref<1x1x128xi32, #tpu.memory_space<vmem>> -> memref<128xi32, #tpu.memory_space<vmem>>
        %dma_start3A_149 = arith.constant 0 : i32
        %dma_start3A_150 = arith.constant 0 : i32
        %dma_start3A_151 = tpu.memref_slice %arg13[%dma_start3A_149, %dma_start3A_150] : memref<25088x64xf32, #tpu.memory_space<vmem_shared>> -> memref<25088x64xf32, #tpu.memory_space<vmem_shared>>
        tpu.enqueue_indirect_dma source(%arg12 : memref<128x64xf32, #tpu.memory_space<vmem>>) target(%dma_start3A_151 : memref<25088x64xf32, #tpu.memory_space<vmem_shared>>) offsets(%dma_start3A_148 : memref<128xi32, #tpu.memory_space<vmem>>) semaphore(%arg17 : memref<!tpu.dma_semaphore, #tpu.memory_space<semaphore_mem>>) {add = true}
        %dma_start3A_152 = arith.constant 5 : i32
        %dma_start3A_153 = arith.constant 0 : i32
        %dma_start3A_154 = arith.constant 0 : i32
        %dma_start3A_155 = tpu.memref_slice %arg8[%dma_start3A_152, %dma_start3A_153, %dma_start3A_154] : memref<8x2x128xi32, #tpu.memory_space<vmem>> -> memref<1x1x128xi32, #tpu.memory_space<vmem>>
        %dma_start3A_156 = tpu.memref_squeeze %dma_start3A_155 : memref<1x1x128xi32, #tpu.memory_space<vmem>> -> memref<128xi32, #tpu.memory_space<vmem>>
        %dma_start3A_157 = arith.constant 0 : i32
        %dma_start3A_158 = arith.constant 0 : i32
        %dma_start3A_159 = tpu.memref_slice %arg2[%dma_start3A_157, %dma_start3A_158] : memref<25088x32xi32, #tpu.memory_space<hbm>> -> memref<25088x32xi32, #tpu.memory_space<hbm>>
        tpu.enqueue_indirect_dma source(%dma_start3A_159 : memref<25088x32xi32, #tpu.memory_space<hbm>>) target(%arg10 : memref<128x32xi32, #tpu.memory_space<vmem>>) offsets(%dma_start3A_156 : memref<128xi32, #tpu.memory_space<vmem>>) semaphore(%arg15 : memref<!tpu.dma_semaphore, #tpu.memory_space<semaphore_mem>>)
        %dma_wait3A_160 = arith.constant 4 : i32
        %dma_wait3A_161 = arith.constant 0 : i32
        %dma_wait3A_162 = arith.constant 0 : i32
        %dma_wait3A_163 = tpu.memref_slice %arg8[%dma_wait3A_160, %dma_wait3A_161, %dma_wait3A_162] : memref<8x2x128xi32, #tpu.memory_space<vmem>> -> memref<1x1x128xi32, #tpu.memory_space<vmem>>
        %dma_wait3A_164 = tpu.memref_squeeze %dma_wait3A_163 : memref<1x1x128xi32, #tpu.memory_space<vmem>> -> memref<128xi32, #tpu.memory_space<vmem>>
        %dma_wait3A_165 = arith.constant 0 : i32
        %dma_wait3A_166 = arith.constant 0 : i32
        %dma_wait3A_167 = tpu.memref_slice %arg2[%dma_wait3A_165, %dma_wait3A_166] : memref<25088x32xi32, #tpu.memory_space<hbm>> -> memref<25088x32xi32, #tpu.memory_space<hbm>>
        tpu.wait_indirect_dma semaphore(%arg14 : memref<!tpu.dma_semaphore, #tpu.memory_space<semaphore_mem>>) src(%dma_wait3A_167 : memref<25088x32xi32, #tpu.memory_space<hbm>>) dst(%arg9 : memref<128x32xi32, #tpu.memory_space<vmem>>)
        %dma_wait3A_168 = arith.constant 2 : i32
        %dma_wait3A_169 = arith.constant 1 : i32
        %dma_wait3A_170 = arith.constant 0 : i32
        %dma_wait3A_171 = tpu.memref_slice %arg8[%dma_wait3A_168, %dma_wait3A_169, %dma_wait3A_170] : memref<8x2x128xi32, #tpu.memory_space<vmem>> -> memref<1x1x128xi32, #tpu.memory_space<vmem>>
        %dma_wait3A_172 = tpu.memref_squeeze %dma_wait3A_171 : memref<1x1x128xi32, #tpu.memory_space<vmem>> -> memref<128xi32, #tpu.memory_space<vmem>>
        %dma_wait3A_173 = arith.constant 0 : i32
        %dma_wait3A_174 = arith.constant 0 : i32
        %dma_wait3A_175 = tpu.memref_slice %arg13[%dma_wait3A_173, %dma_wait3A_174] : memref<25088x64xf32, #tpu.memory_space<vmem_shared>> -> memref<25088x64xf32, #tpu.memory_space<vmem_shared>>
        tpu.wait_indirect_dma semaphore(%arg16 : memref<!tpu.dma_semaphore, #tpu.memory_space<semaphore_mem>>) src(%arg11 : memref<128x64xf32, #tpu.memory_space<vmem>>) dst(%dma_wait3A_175 : memref<25088x64xf32, #tpu.memory_space<vmem_shared>>)
        %parallel_loop3A_176 = arith.constant 0 : i32
        %parallel_loop3A_177 = arith.constant 128 : i32
        %parallel_loop3A_178 = arith.constant 1 : i32
        %parallel_loop3A_179 = arith.constant -65536 : i32
        scf.for %parallel_loop3A_304 = %parallel_loop3A_176 to %parallel_loop3A_177 step %parallel_loop3A_178  : i32 {
          %parallel_loop3A_305 = arith.index_cast %parallel_loop3A_304 : i32 to index
          %parallel_loop3A_306 = arith.constant 0 : index
          %parallel_loop3A_307 = tpu.vector_load %arg9[%parallel_loop3A_305, %parallel_loop3A_306] {strides = array<i32>} : memref<128x32xi32, #tpu.memory_space<vmem>>, vector<16xi32>,
          %parallel_loop3A_308 = arith.constant 16 : i32
          %parallel_loop3A_309 = vector.broadcast %parallel_loop3A_308 : i32 to vector<16xi32>
          %parallel_loop3A_310 = arith.shli %parallel_loop3A_307, %parallel_loop3A_309 : vector<16xi32>
          %parallel_loop3A_311 = vector.bitcast %parallel_loop3A_310 : vector<16xi32> to vector<16xf32>
          %parallel_loop3A_312 = arith.index_cast %parallel_loop3A_304 : i32 to index
          %parallel_loop3A_313 = arith.constant 0 : index
          %parallel_loop3A_314 = tpu.vector_load %arg11[%parallel_loop3A_312, %parallel_loop3A_313] {strides = array<i32>} : memref<128x64xf32, #tpu.memory_space<vmem>>, vector<16xf32>,
          tpu.vector_store %arg11[%parallel_loop3A_312, %parallel_loop3A_313], %parallel_loop3A_311 {strides = array<i32>} : memref<128x64xf32, #tpu.memory_space<vmem>>, vector<16xf32>,
          %parallel_loop3A_315 = vector.broadcast %parallel_loop3A_179 : i32 to vector<16xi32>
          %parallel_loop3A_316 = arith.andi %parallel_loop3A_307, %parallel_loop3A_315 : vector<16xi32>
          %parallel_loop3A_317 = vector.bitcast %parallel_loop3A_316 : vector<16xi32> to vector<16xf32>
          %parallel_loop3A_318 = arith.index_cast %parallel_loop3A_304 : i32 to index
          %parallel_loop3A_319 = arith.constant 16 : index
          %parallel_loop3A_320 = tpu.vector_load %arg11[%parallel_loop3A_318, %parallel_loop3A_319] {strides = array<i32>} : memref<128x64xf32, #tpu.memory_space<vmem>>, vector<16xf32>,
          tpu.vector_store %arg11[%parallel_loop3A_318, %parallel_loop3A_319], %parallel_loop3A_317 {strides = array<i32>} : memref<128x64xf32, #tpu.memory_space<vmem>>, vector<16xf32>,
          %parallel_loop3A_321 = arith.index_cast %parallel_loop3A_304 : i32 to index
          %parallel_loop3A_322 = arith.constant 16 : index
          %parallel_loop3A_323 = tpu.vector_load %arg9[%parallel_loop3A_321, %parallel_loop3A_322] {strides = array<i32>} : memref<128x32xi32, #tpu.memory_space<vmem>>, vector<16xi32>,
          %parallel_loop3A_324 = arith.constant 16 : i32
          %parallel_loop3A_325 = vector.broadcast %parallel_loop3A_324 : i32 to vector<16xi32>
          %parallel_loop3A_326 = arith.shli %parallel_loop3A_323, %parallel_loop3A_325 : vector<16xi32>
          %parallel_loop3A_327 = vector.bitcast %parallel_loop3A_326 : vector<16xi32> to vector<16xf32>
          %parallel_loop3A_328 = arith.index_cast %parallel_loop3A_304 : i32 to index
          %parallel_loop3A_329 = arith.constant 32 : index
          %parallel_loop3A_330 = tpu.vector_load %arg11[%parallel_loop3A_328, %parallel_loop3A_329] {strides = array<i32>} : memref<128x64xf32, #tpu.memory_space<vmem>>, vector<16xf32>,
          tpu.vector_store %arg11[%parallel_loop3A_328, %parallel_loop3A_329], %parallel_loop3A_327 {strides = array<i32>} : memref<128x64xf32, #tpu.memory_space<vmem>>, vector<16xf32>,
          %parallel_loop3A_331 = vector.broadcast %parallel_loop3A_179 : i32 to vector<16xi32>
          %parallel_loop3A_332 = arith.andi %parallel_loop3A_323, %parallel_loop3A_331 : vector<16xi32>
          %parallel_loop3A_333 = vector.bitcast %parallel_loop3A_332 : vector<16xi32> to vector<16xf32>
          %parallel_loop3A_334 = arith.index_cast %parallel_loop3A_304 : i32 to index
          %parallel_loop3A_335 = arith.constant 48 : index
          %parallel_loop3A_336 = tpu.vector_load %arg11[%parallel_loop3A_334, %parallel_loop3A_335] {strides = array<i32>} : memref<128x64xf32, #tpu.memory_space<vmem>>, vector<16xf32>,
          tpu.vector_store %arg11[%parallel_loop3A_334, %parallel_loop3A_335], %parallel_loop3A_333 {strides = array<i32>} : memref<128x64xf32, #tpu.memory_space<vmem>>, vector<16xf32>,
        } {sc.loop_unroll_factor = 16 : i64, sc.parallel_access}
        %dma_start3A_180 = arith.constant 4 : i32
        %dma_start3A_181 = arith.constant 1 : i32
        %dma_start3A_182 = arith.constant 0 : i32
        %dma_start3A_183 = tpu.memref_slice %arg8[%dma_start3A_180, %dma_start3A_181, %dma_start3A_182] : memref<8x2x128xi32, #tpu.memory_space<vmem>> -> memref<1x1x128xi32, #tpu.memory_space<vmem>>
        %dma_start3A_184 = tpu.memref_squeeze %dma_start3A_183 : memref<1x1x128xi32, #tpu.memory_space<vmem>> -> memref<128xi32, #tpu.memory_space<vmem>>
        %dma_start3A_185 = arith.constant 0 : i32
        %dma_start3A_186 = arith.constant 0 : i32
        %dma_start3A_187 = tpu.memref_slice %arg13[%dma_start3A_185, %dma_start3A_186] : memref<25088x64xf32, #tpu.memory_space<vmem_shared>> -> memref<25088x64xf32, #tpu.memory_space<vmem_shared>>
        tpu.enqueue_indirect_dma source(%arg11 : memref<128x64xf32, #tpu.memory_space<vmem>>) target(%dma_start3A_187 : memref<25088x64xf32, #tpu.memory_space<vmem_shared>>) offsets(%dma_start3A_184 : memref<128xi32, #tpu.memory_space<vmem>>) semaphore(%arg16 : memref<!tpu.dma_semaphore, #tpu.memory_space<semaphore_mem>>) {add = true}
        %dma_start3A_188 = arith.constant 6 : i32
        %dma_start3A_189 = arith.constant 0 : i32
        %dma_start3A_190 = arith.constant 0 : i32
        %dma_start3A_191 = tpu.memref_slice %arg8[%dma_start3A_188, %dma_start3A_189, %dma_start3A_190] : memref<8x2x128xi32, #tpu.memory_space<vmem>> -> memref<1x1x128xi32, #tpu.memory_space<vmem>>
        %dma_start3A_192 = tpu.memref_squeeze %dma_start3A_191 : memref<1x1x128xi32, #tpu.memory_space<vmem>> -> memref<128xi32, #tpu.memory_space<vmem>>
        %dma_start3A_193 = arith.constant 0 : i32
        %dma_start3A_194 = arith.constant 0 : i32
        %dma_start3A_195 = tpu.memref_slice %arg2[%dma_start3A_193, %dma_start3A_194] : memref<25088x32xi32, #tpu.memory_space<hbm>> -> memref<25088x32xi32, #tpu.memory_space<hbm>>
        tpu.enqueue_indirect_dma source(%dma_start3A_195 : memref<25088x32xi32, #tpu.memory_space<hbm>>) target(%arg9 : memref<128x32xi32, #tpu.memory_space<vmem>>) offsets(%dma_start3A_192 : memref<128xi32, #tpu.memory_space<vmem>>) semaphore(%arg14 : memref<!tpu.dma_semaphore, #tpu.memory_space<semaphore_mem>>)
        %dma_wait3A_196 = arith.constant 5 : i32
        %dma_wait3A_197 = arith.constant 0 : i32
        %dma_wait3A_198 = arith.constant 0 : i32
        %dma_wait3A_199 = tpu.memref_slice %arg8[%dma_wait3A_196, %dma_wait3A_197, %dma_wait3A_198] : memref<8x2x128xi32, #tpu.memory_space<vmem>> -> memref<1x1x128xi32, #tpu.memory_space<vmem>>
        %dma_wait3A_200 = tpu.memref_squeeze %dma_wait3A_199 : memref<1x1x128xi32, #tpu.memory_space<vmem>> -> memref<128xi32, #tpu.memory_space<vmem>>
        %dma_wait3A_201 = arith.constant 0 : i32
        %dma_wait3A_202 = arith.constant 0 : i32
        %dma_wait3A_203 = tpu.memref_slice %arg2[%dma_wait3A_201, %dma_wait3A_202] : memref<25088x32xi32, #tpu.memory_space<hbm>> -> memref<25088x32xi32, #tpu.memory_space<hbm>>
        tpu.wait_indirect_dma semaphore(%arg15 : memref<!tpu.dma_semaphore, #tpu.memory_space<semaphore_mem>>) src(%dma_wait3A_203 : memref<25088x32xi32, #tpu.memory_space<hbm>>) dst(%arg10 : memref<128x32xi32, #tpu.memory_space<vmem>>)
        %dma_wait3A_204 = arith.constant 3 : i32
        %dma_wait3A_205 = arith.constant 1 : i32
        %dma_wait3A_206 = arith.constant 0 : i32
        %dma_wait3A_207 = tpu.memref_slice %arg8[%dma_wait3A_204, %dma_wait3A_205, %dma_wait3A_206] : memref<8x2x128xi32, #tpu.memory_space<vmem>> -> memref<1x1x128xi32, #tpu.memory_space<vmem>>
        %dma_wait3A_208 = tpu.memref_squeeze %dma_wait3A_207 : memref<1x1x128xi32, #tpu.memory_space<vmem>> -> memref<128xi32, #tpu.memory_space<vmem>>
        %dma_wait3A_209 = arith.constant 0 : i32
        %dma_wait3A_210 = arith.constant 0 : i32
        %dma_wait3A_211 = tpu.memref_slice %arg13[%dma_wait3A_209, %dma_wait3A_210] : memref<25088x64xf32, #tpu.memory_space<vmem_shared>> -> memref<25088x64xf32, #tpu.memory_space<vmem_shared>>
        tpu.wait_indirect_dma semaphore(%arg17 : memref<!tpu.dma_semaphore, #tpu.memory_space<semaphore_mem>>) src(%arg12 : memref<128x64xf32, #tpu.memory_space<vmem>>) dst(%dma_wait3A_211 : memref<25088x64xf32, #tpu.memory_space<vmem_shared>>)
        %parallel_loop3A_212 = arith.constant 0 : i32
        %parallel_loop3A_213 = arith.constant 128 : i32
        %parallel_loop3A_214 = arith.constant 1 : i32
        %parallel_loop3A_215 = arith.constant -65536 : i32
        scf.for %parallel_loop3A_304 = %parallel_loop3A_212 to %parallel_loop3A_213 step %parallel_loop3A_214  : i32 {
          %parallel_loop3A_305 = arith.index_cast %parallel_loop3A_304 : i32 to index
          %parallel_loop3A_306 = arith.constant 0 : index
          %parallel_loop3A_307 = tpu.vector_load %arg10[%parallel_loop3A_305, %parallel_loop3A_306] {strides = array<i32>} : memref<128x32xi32, #tpu.memory_space<vmem>>, vector<16xi32>,
          %parallel_loop3A_308 = arith.constant 16 : i32
          %parallel_loop3A_309 = vector.broadcast %parallel_loop3A_308 : i32 to vector<16xi32>
          %parallel_loop3A_310 = arith.shli %parallel_loop3A_307, %parallel_loop3A_309 : vector<16xi32>
          %parallel_loop3A_311 = vector.bitcast %parallel_loop3A_310 : vector<16xi32> to vector<16xf32>
          %parallel_loop3A_312 = arith.index_cast %parallel_loop3A_304 : i32 to index
          %parallel_loop3A_313 = arith.constant 0 : index
          %parallel_loop3A_314 = tpu.vector_load %arg12[%parallel_loop3A_312, %parallel_loop3A_313] {strides = array<i32>} : memref<128x64xf32, #tpu.memory_space<vmem>>, vector<16xf32>,
          tpu.vector_store %arg12[%parallel_loop3A_312, %parallel_loop3A_313], %parallel_loop3A_311 {strides = array<i32>} : memref<128x64xf32, #tpu.memory_space<vmem>>, vector<16xf32>,
          %parallel_loop3A_315 = vector.broadcast %parallel_loop3A_215 : i32 to vector<16xi32>
          %parallel_loop3A_316 = arith.andi %parallel_loop3A_307, %parallel_loop3A_315 : vector<16xi32>
          %parallel_loop3A_317 = vector.bitcast %parallel_loop3A_316 : vector<16xi32> to vector<16xf32>
          %parallel_loop3A_318 = arith.index_cast %parallel_loop3A_304 : i32 to index
          %parallel_loop3A_319 = arith.constant 16 : index
          %parallel_loop3A_320 = tpu.vector_load %arg12[%parallel_loop3A_318, %parallel_loop3A_319] {strides = array<i32>} : memref<128x64xf32, #tpu.memory_space<vmem>>, vector<16xf32>,
          tpu.vector_store %arg12[%parallel_loop3A_318, %parallel_loop3A_319], %parallel_loop3A_317 {strides = array<i32>} : memref<128x64xf32, #tpu.memory_space<vmem>>, vector<16xf32>,
          %parallel_loop3A_321 = arith.index_cast %parallel_loop3A_304 : i32 to index
          %parallel_loop3A_322 = arith.constant 16 : index
          %parallel_loop3A_323 = tpu.vector_load %arg10[%parallel_loop3A_321, %parallel_loop3A_322] {strides = array<i32>} : memref<128x32xi32, #tpu.memory_space<vmem>>, vector<16xi32>,
          %parallel_loop3A_324 = arith.constant 16 : i32
          %parallel_loop3A_325 = vector.broadcast %parallel_loop3A_324 : i32 to vector<16xi32>
          %parallel_loop3A_326 = arith.shli %parallel_loop3A_323, %parallel_loop3A_325 : vector<16xi32>
          %parallel_loop3A_327 = vector.bitcast %parallel_loop3A_326 : vector<16xi32> to vector<16xf32>
          %parallel_loop3A_328 = arith.index_cast %parallel_loop3A_304 : i32 to index
          %parallel_loop3A_329 = arith.constant 32 : index
          %parallel_loop3A_330 = tpu.vector_load %arg12[%parallel_loop3A_328, %parallel_loop3A_329] {strides = array<i32>} : memref<128x64xf32, #tpu.memory_space<vmem>>, vector<16xf32>,
          tpu.vector_store %arg12[%parallel_loop3A_328, %parallel_loop3A_329], %parallel_loop3A_327 {strides = array<i32>} : memref<128x64xf32, #tpu.memory_space<vmem>>, vector<16xf32>,
          %parallel_loop3A_331 = vector.broadcast %parallel_loop3A_215 : i32 to vector<16xi32>
          %parallel_loop3A_332 = arith.andi %parallel_loop3A_323, %parallel_loop3A_331 : vector<16xi32>
          %parallel_loop3A_333 = vector.bitcast %parallel_loop3A_332 : vector<16xi32> to vector<16xf32>
          %parallel_loop3A_334 = arith.index_cast %parallel_loop3A_304 : i32 to index
          %parallel_loop3A_335 = arith.constant 48 : index
          %parallel_loop3A_336 = tpu.vector_load %arg12[%parallel_loop3A_334, %parallel_loop3A_335] {strides = array<i32>} : memref<128x64xf32, #tpu.memory_space<vmem>>, vector<16xf32>,
          tpu.vector_store %arg12[%parallel_loop3A_334, %parallel_loop3A_335], %parallel_loop3A_333 {strides = array<i32>} : memref<128x64xf32, #tpu.memory_space<vmem>>, vector<16xf32>,
        } {sc.loop_unroll_factor = 16 : i64, sc.parallel_access}
        %dma_start3A_216 = arith.constant 5 : i32
        %dma_start3A_217 = arith.constant 1 : i32
        %dma_start3A_218 = arith.constant 0 : i32
        %dma_start3A_219 = tpu.memref_slice %arg8[%dma_start3A_216, %dma_start3A_217, %dma_start3A_218] : memref<8x2x128xi32, #tpu.memory_space<vmem>> -> memref<1x1x128xi32, #tpu.memory_space<vmem>>
        %dma_start3A_220 = tpu.memref_squeeze %dma_start3A_219 : memref<1x1x128xi32, #tpu.memory_space<vmem>> -> memref<128xi32, #tpu.memory_space<vmem>>
        %dma_start3A_221 = arith.constant 0 : i32
        %dma_start3A_222 = arith.constant 0 : i32
        %dma_start3A_223 = tpu.memref_slice %arg13[%dma_start3A_221, %dma_start3A_222] : memref<25088x64xf32, #tpu.memory_space<vmem_shared>> -> memref<25088x64xf32, #tpu.memory_space<vmem_shared>>
        tpu.enqueue_indirect_dma source(%arg12 : memref<128x64xf32, #tpu.memory_space<vmem>>) target(%dma_start3A_223 : memref<25088x64xf32, #tpu.memory_space<vmem_shared>>) offsets(%dma_start3A_220 : memref<128xi32, #tpu.memory_space<vmem>>) semaphore(%arg17 : memref<!tpu.dma_semaphore, #tpu.memory_space<semaphore_mem>>) {add = true}
        %dma_start3A_224 = arith.constant 7 : i32
        %dma_start3A_225 = arith.constant 0 : i32
        %dma_start3A_226 = arith.constant 0 : i32
        %dma_start3A_227 = tpu.memref_slice %arg8[%dma_start3A_224, %dma_start3A_225, %dma_start3A_226] : memref<8x2x128xi32, #tpu.memory_space<vmem>> -> memref<1x1x128xi32, #tpu.memory_space<vmem>>
        %dma_start3A_228 = tpu.memref_squeeze %dma_start3A_227 : memref<1x1x128xi32, #tpu.memory_space<vmem>> -> memref<128xi32, #tpu.memory_space<vmem>>
        %dma_start3A_229 = arith.constant 0 : i32
        %dma_start3A_230 = arith.constant 0 : i32
        %dma_start3A_231 = tpu.memref_slice %arg2[%dma_start3A_229, %dma_start3A_230] : memref<25088x32xi32, #tpu.memory_space<hbm>> -> memref<25088x32xi32, #tpu.memory_space<hbm>>
        tpu.enqueue_indirect_dma source(%dma_start3A_231 : memref<25088x32xi32, #tpu.memory_space<hbm>>) target(%arg10 : memref<128x32xi32, #tpu.memory_space<vmem>>) offsets(%dma_start3A_228 : memref<128xi32, #tpu.memory_space<vmem>>) semaphore(%arg15 : memref<!tpu.dma_semaphore, #tpu.memory_space<semaphore_mem>>)
        %dma_wait3A_232 = arith.constant 6 : i32
        %dma_wait3A_233 = arith.constant 0 : i32
        %dma_wait3A_234 = arith.constant 0 : i32
        %dma_wait3A_235 = tpu.memref_slice %arg8[%dma_wait3A_232, %dma_wait3A_233, %dma_wait3A_234] : memref<8x2x128xi32, #tpu.memory_space<vmem>> -> memref<1x1x128xi32, #tpu.memory_space<vmem>>
        %dma_wait3A_236 = tpu.memref_squeeze %dma_wait3A_235 : memref<1x1x128xi32, #tpu.memory_space<vmem>> -> memref<128xi32, #tpu.memory_space<vmem>>
        %dma_wait3A_237 = arith.constant 0 : i32
        %dma_wait3A_238 = arith.constant 0 : i32
        %dma_wait3A_239 = tpu.memref_slice %arg2[%dma_wait3A_237, %dma_wait3A_238] : memref<25088x32xi32, #tpu.memory_space<hbm>> -> memref<25088x32xi32, #tpu.memory_space<hbm>>
        tpu.wait_indirect_dma semaphore(%arg14 : memref<!tpu.dma_semaphore, #tpu.memory_space<semaphore_mem>>) src(%dma_wait3A_239 : memref<25088x32xi32, #tpu.memory_space<hbm>>) dst(%arg9 : memref<128x32xi32, #tpu.memory_space<vmem>>)
        %dma_wait3A_240 = arith.constant 4 : i32
        %dma_wait3A_241 = arith.constant 1 : i32
        %dma_wait3A_242 = arith.constant 0 : i32
        %dma_wait3A_243 = tpu.memref_slice %arg8[%dma_wait3A_240, %dma_wait3A_241, %dma_wait3A_242] : memref<8x2x128xi32, #tpu.memory_space<vmem>> -> memref<1x1x128xi32, #tpu.memory_space<vmem>>
        %dma_wait3A_244 = tpu.memref_squeeze %dma_wait3A_243 : memref<1x1x128xi32, #tpu.memory_space<vmem>> -> memref<128xi32, #tpu.memory_space<vmem>>
        %dma_wait3A_245 = arith.constant 0 : i32
        %dma_wait3A_246 = arith.constant 0 : i32
        %dma_wait3A_247 = tpu.memref_slice %arg13[%dma_wait3A_245, %dma_wait3A_246] : memref<25088x64xf32, #tpu.memory_space<vmem_shared>> -> memref<25088x64xf32, #tpu.memory_space<vmem_shared>>
        tpu.wait_indirect_dma semaphore(%arg16 : memref<!tpu.dma_semaphore, #tpu.memory_space<semaphore_mem>>) src(%arg11 : memref<128x64xf32, #tpu.memory_space<vmem>>) dst(%dma_wait3A_247 : memref<25088x64xf32, #tpu.memory_space<vmem_shared>>)
        %parallel_loop3A_248 = arith.constant 0 : i32
        %parallel_loop3A_249 = arith.constant 128 : i32
        %parallel_loop3A_250 = arith.constant 1 : i32
        %parallel_loop3A_251 = arith.constant -65536 : i32
        scf.for %parallel_loop3A_304 = %parallel_loop3A_248 to %parallel_loop3A_249 step %parallel_loop3A_250  : i32 {
          %parallel_loop3A_305 = arith.index_cast %parallel_loop3A_304 : i32 to index
          %parallel_loop3A_306 = arith.constant 0 : index
          %parallel_loop3A_307 = tpu.vector_load %arg9[%parallel_loop3A_305, %parallel_loop3A_306] {strides = array<i32>} : memref<128x32xi32, #tpu.memory_space<vmem>>, vector<16xi32>,
          %parallel_loop3A_308 = arith.constant 16 : i32
          %parallel_loop3A_309 = vector.broadcast %parallel_loop3A_308 : i32 to vector<16xi32>
          %parallel_loop3A_310 = arith.shli %parallel_loop3A_307, %parallel_loop3A_309 : vector<16xi32>
          %parallel_loop3A_311 = vector.bitcast %parallel_loop3A_310 : vector<16xi32> to vector<16xf32>
          %parallel_loop3A_312 = arith.index_cast %parallel_loop3A_304 : i32 to index
          %parallel_loop3A_313 = arith.constant 0 : index
          %parallel_loop3A_314 = tpu.vector_load %arg11[%parallel_loop3A_312, %parallel_loop3A_313] {strides = array<i32>} : memref<128x64xf32, #tpu.memory_space<vmem>>, vector<16xf32>,
          tpu.vector_store %arg11[%parallel_loop3A_312, %parallel_loop3A_313], %parallel_loop3A_311 {strides = array<i32>} : memref<128x64xf32, #tpu.memory_space<vmem>>, vector<16xf32>,
          %parallel_loop3A_315 = vector.broadcast %parallel_loop3A_251 : i32 to vector<16xi32>
          %parallel_loop3A_316 = arith.andi %parallel_loop3A_307, %parallel_loop3A_315 : vector<16xi32>
          %parallel_loop3A_317 = vector.bitcast %parallel_loop3A_316 : vector<16xi32> to vector<16xf32>
          %parallel_loop3A_318 = arith.index_cast %parallel_loop3A_304 : i32 to index
          %parallel_loop3A_319 = arith.constant 16 : index
          %parallel_loop3A_320 = tpu.vector_load %arg11[%parallel_loop3A_318, %parallel_loop3A_319] {strides = array<i32>} : memref<128x64xf32, #tpu.memory_space<vmem>>, vector<16xf32>,
          tpu.vector_store %arg11[%parallel_loop3A_318, %parallel_loop3A_319], %parallel_loop3A_317 {strides = array<i32>} : memref<128x64xf32, #tpu.memory_space<vmem>>, vector<16xf32>,
          %parallel_loop3A_321 = arith.index_cast %parallel_loop3A_304 : i32 to index
          %parallel_loop3A_322 = arith.constant 16 : index
          %parallel_loop3A_323 = tpu.vector_load %arg9[%parallel_loop3A_321, %parallel_loop3A_322] {strides = array<i32>} : memref<128x32xi32, #tpu.memory_space<vmem>>, vector<16xi32>,
          %parallel_loop3A_324 = arith.constant 16 : i32
          %parallel_loop3A_325 = vector.broadcast %parallel_loop3A_324 : i32 to vector<16xi32>
          %parallel_loop3A_326 = arith.shli %parallel_loop3A_323, %parallel_loop3A_325 : vector<16xi32>
          %parallel_loop3A_327 = vector.bitcast %parallel_loop3A_326 : vector<16xi32> to vector<16xf32>
          %parallel_loop3A_328 = arith.index_cast %parallel_loop3A_304 : i32 to index
          %parallel_loop3A_329 = arith.constant 32 : index
          %parallel_loop3A_330 = tpu.vector_load %arg11[%parallel_loop3A_328, %parallel_loop3A_329] {strides = array<i32>} : memref<128x64xf32, #tpu.memory_space<vmem>>, vector<16xf32>,
          tpu.vector_store %arg11[%parallel_loop3A_328, %parallel_loop3A_329], %parallel_loop3A_327 {strides = array<i32>} : memref<128x64xf32, #tpu.memory_space<vmem>>, vector<16xf32>,
          %parallel_loop3A_331 = vector.broadcast %parallel_loop3A_251 : i32 to vector<16xi32>
          %parallel_loop3A_332 = arith.andi %parallel_loop3A_323, %parallel_loop3A_331 : vector<16xi32>
          %parallel_loop3A_333 = vector.bitcast %parallel_loop3A_332 : vector<16xi32> to vector<16xf32>
          %parallel_loop3A_334 = arith.index_cast %parallel_loop3A_304 : i32 to index
          %parallel_loop3A_335 = arith.constant 48 : index
          %parallel_loop3A_336 = tpu.vector_load %arg11[%parallel_loop3A_334, %parallel_loop3A_335] {strides = array<i32>} : memref<128x64xf32, #tpu.memory_space<vmem>>, vector<16xf32>,
          tpu.vector_store %arg11[%parallel_loop3A_334, %parallel_loop3A_335], %parallel_loop3A_333 {strides = array<i32>} : memref<128x64xf32, #tpu.memory_space<vmem>>, vector<16xf32>,
        } {sc.loop_unroll_factor = 16 : i64, sc.parallel_access}
        %dma_start3A_252 = arith.constant 6 : i32
        %dma_start3A_253 = arith.constant 1 : i32
        %dma_start3A_254 = arith.constant 0 : i32
        %dma_start3A_255 = tpu.memref_slice %arg8[%dma_start3A_252, %dma_start3A_253, %dma_start3A_254] : memref<8x2x128xi32, #tpu.memory_space<vmem>> -> memref<1x1x128xi32, #tpu.memory_space<vmem>>
        %dma_start3A_256 = tpu.memref_squeeze %dma_start3A_255 : memref<1x1x128xi32, #tpu.memory_space<vmem>> -> memref<128xi32, #tpu.memory_space<vmem>>
        %dma_start3A_257 = arith.constant 0 : i32
        %dma_start3A_258 = arith.constant 0 : i32
        %dma_start3A_259 = tpu.memref_slice %arg13[%dma_start3A_257, %dma_start3A_258] : memref<25088x64xf32, #tpu.memory_space<vmem_shared>> -> memref<25088x64xf32, #tpu.memory_space<vmem_shared>>
        tpu.enqueue_indirect_dma source(%arg11 : memref<128x64xf32, #tpu.memory_space<vmem>>) target(%dma_start3A_259 : memref<25088x64xf32, #tpu.memory_space<vmem_shared>>) offsets(%dma_start3A_256 : memref<128xi32, #tpu.memory_space<vmem>>) semaphore(%arg16 : memref<!tpu.dma_semaphore, #tpu.memory_space<semaphore_mem>>) {add = true}
        %dma_wait3A_260 = arith.constant 7 : i32
        %dma_wait3A_261 = arith.constant 0 : i32
        %dma_wait3A_262 = arith.constant 0 : i32
        %dma_wait3A_263 = tpu.memref_slice %arg8[%dma_wait3A_260, %dma_wait3A_261, %dma_wait3A_262] : memref<8x2x128xi32, #tpu.memory_space<vmem>> -> memref<1x1x128xi32, #tpu.memory_space<vmem>>
        %dma_wait3A_264 = tpu.memref_squeeze %dma_wait3A_263 : memref<1x1x128xi32, #tpu.memory_space<vmem>> -> memref<128xi32, #tpu.memory_space<vmem>>
        %dma_wait3A_265 = arith.constant 0 : i32
        %dma_wait3A_266 = arith.constant 0 : i32
        %dma_wait3A_267 = tpu.memref_slice %arg2[%dma_wait3A_265, %dma_wait3A_266] : memref<25088x32xi32, #tpu.memory_space<hbm>> -> memref<25088x32xi32, #tpu.memory_space<hbm>>
        tpu.wait_indirect_dma semaphore(%arg15 : memref<!tpu.dma_semaphore, #tpu.memory_space<semaphore_mem>>) src(%dma_wait3A_267 : memref<25088x32xi32, #tpu.memory_space<hbm>>) dst(%arg10 : memref<128x32xi32, #tpu.memory_space<vmem>>)
        %dma_wait3A_268 = arith.constant 5 : i32
        %dma_wait3A_269 = arith.constant 1 : i32
        %dma_wait3A_270 = arith.constant 0 : i32
        %dma_wait3A_271 = tpu.memref_slice %arg8[%dma_wait3A_268, %dma_wait3A_269, %dma_wait3A_270] : memref<8x2x128xi32, #tpu.memory_space<vmem>> -> memref<1x1x128xi32, #tpu.memory_space<vmem>>
        %dma_wait3A_272 = tpu.memref_squeeze %dma_wait3A_271 : memref<1x1x128xi32, #tpu.memory_space<vmem>> -> memref<128xi32, #tpu.memory_space<vmem>>
        %dma_wait3A_273 = arith.constant 0 : i32
        %dma_wait3A_274 = arith.constant 0 : i32
        %dma_wait3A_275 = tpu.memref_slice %arg13[%dma_wait3A_273, %dma_wait3A_274] : memref<25088x64xf32, #tpu.memory_space<vmem_shared>> -> memref<25088x64xf32, #tpu.memory_space<vmem_shared>>
        tpu.wait_indirect_dma semaphore(%arg17 : memref<!tpu.dma_semaphore, #tpu.memory_space<semaphore_mem>>) src(%arg12 : memref<128x64xf32, #tpu.memory_space<vmem>>) dst(%dma_wait3A_275 : memref<25088x64xf32, #tpu.memory_space<vmem_shared>>)
        %parallel_loop3A_276 = arith.constant 0 : i32
        %parallel_loop3A_277 = arith.constant 128 : i32
        %parallel_loop3A_278 = arith.constant 1 : i32
        %parallel_loop3A_279 = arith.constant -65536 : i32
        scf.for %parallel_loop3A_304 = %parallel_loop3A_276 to %parallel_loop3A_277 step %parallel_loop3A_278  : i32 {
          %parallel_loop3A_305 = arith.index_cast %parallel_loop3A_304 : i32 to index
          %parallel_loop3A_306 = arith.constant 0 : index
          %parallel_loop3A_307 = tpu.vector_load %arg10[%parallel_loop3A_305, %parallel_loop3A_306] {strides = array<i32>} : memref<128x32xi32, #tpu.memory_space<vmem>>, vector<16xi32>,
          %parallel_loop3A_308 = arith.constant 16 : i32
          %parallel_loop3A_309 = vector.broadcast %parallel_loop3A_308 : i32 to vector<16xi32>
          %parallel_loop3A_310 = arith.shli %parallel_loop3A_307, %parallel_loop3A_309 : vector<16xi32>
          %parallel_loop3A_311 = vector.bitcast %parallel_loop3A_310 : vector<16xi32> to vector<16xf32>
          %parallel_loop3A_312 = arith.index_cast %parallel_loop3A_304 : i32 to index
          %parallel_loop3A_313 = arith.constant 0 : index
          %parallel_loop3A_314 = tpu.vector_load %arg12[%parallel_loop3A_312, %parallel_loop3A_313] {strides = array<i32>} : memref<128x64xf32, #tpu.memory_space<vmem>>, vector<16xf32>,
          tpu.vector_store %arg12[%parallel_loop3A_312, %parallel_loop3A_313], %parallel_loop3A_311 {strides = array<i32>} : memref<128x64xf32, #tpu.memory_space<vmem>>, vector<16xf32>,
          %parallel_loop3A_315 = vector.broadcast %parallel_loop3A_279 : i32 to vector<16xi32>
          %parallel_loop3A_316 = arith.andi %parallel_loop3A_307, %parallel_loop3A_315 : vector<16xi32>
          %parallel_loop3A_317 = vector.bitcast %parallel_loop3A_316 : vector<16xi32> to vector<16xf32>
          %parallel_loop3A_318 = arith.index_cast %parallel_loop3A_304 : i32 to index
          %parallel_loop3A_319 = arith.constant 16 : index
          %parallel_loop3A_320 = tpu.vector_load %arg12[%parallel_loop3A_318, %parallel_loop3A_319] {strides = array<i32>} : memref<128x64xf32, #tpu.memory_space<vmem>>, vector<16xf32>,
          tpu.vector_store %arg12[%parallel_loop3A_318, %parallel_loop3A_319], %parallel_loop3A_317 {strides = array<i32>} : memref<128x64xf32, #tpu.memory_space<vmem>>, vector<16xf32>,
          %parallel_loop3A_321 = arith.index_cast %parallel_loop3A_304 : i32 to index
          %parallel_loop3A_322 = arith.constant 16 : index
          %parallel_loop3A_323 = tpu.vector_load %arg10[%parallel_loop3A_321, %parallel_loop3A_322] {strides = array<i32>} : memref<128x32xi32, #tpu.memory_space<vmem>>, vector<16xi32>,
          %parallel_loop3A_324 = arith.constant 16 : i32
          %parallel_loop3A_325 = vector.broadcast %parallel_loop3A_324 : i32 to vector<16xi32>
          %parallel_loop3A_326 = arith.shli %parallel_loop3A_323, %parallel_loop3A_325 : vector<16xi32>
          %parallel_loop3A_327 = vector.bitcast %parallel_loop3A_326 : vector<16xi32> to vector<16xf32>
          %parallel_loop3A_328 = arith.index_cast %parallel_loop3A_304 : i32 to index
          %parallel_loop3A_329 = arith.constant 32 : index
          %parallel_loop3A_330 = tpu.vector_load %arg12[%parallel_loop3A_328, %parallel_loop3A_329] {strides = array<i32>} : memref<128x64xf32, #tpu.memory_space<vmem>>, vector<16xf32>,
          tpu.vector_store %arg12[%parallel_loop3A_328, %parallel_loop3A_329], %parallel_loop3A_327 {strides = array<i32>} : memref<128x64xf32, #tpu.memory_space<vmem>>, vector<16xf32>,
          %parallel_loop3A_331 = vector.broadcast %parallel_loop3A_279 : i32 to vector<16xi32>
          %parallel_loop3A_332 = arith.andi %parallel_loop3A_323, %parallel_loop3A_331 : vector<16xi32>
          %parallel_loop3A_333 = vector.bitcast %parallel_loop3A_332 : vector<16xi32> to vector<16xf32>
          %parallel_loop3A_334 = arith.index_cast %parallel_loop3A_304 : i32 to index
          %parallel_loop3A_335 = arith.constant 48 : index
          %parallel_loop3A_336 = tpu.vector_load %arg12[%parallel_loop3A_334, %parallel_loop3A_335] {strides = array<i32>} : memref<128x64xf32, #tpu.memory_space<vmem>>, vector<16xf32>,
          tpu.vector_store %arg12[%parallel_loop3A_334, %parallel_loop3A_335], %parallel_loop3A_333 {strides = array<i32>} : memref<128x64xf32, #tpu.memory_space<vmem>>, vector<16xf32>,
        } {sc.loop_unroll_factor = 16 : i64, sc.parallel_access}
        %dma_start3A_280 = arith.constant 7 : i32
        %dma_start3A_281 = arith.constant 1 : i32
        %dma_start3A_282 = arith.constant 0 : i32
        %dma_start3A_283 = tpu.memref_slice %arg8[%dma_start3A_280, %dma_start3A_281, %dma_start3A_282] : memref<8x2x128xi32, #tpu.memory_space<vmem>> -> memref<1x1x128xi32, #tpu.memory_space<vmem>>
        %dma_start3A_284 = tpu.memref_squeeze %dma_start3A_283 : memref<1x1x128xi32, #tpu.memory_space<vmem>> -> memref<128xi32, #tpu.memory_space<vmem>>
        %dma_start3A_285 = arith.constant 0 : i32
        %dma_start3A_286 = arith.constant 0 : i32
        %dma_start3A_287 = tpu.memref_slice %arg13[%dma_start3A_285, %dma_start3A_286] : memref<25088x64xf32, #tpu.memory_space<vmem_shared>> -> memref<25088x64xf32, #tpu.memory_space<vmem_shared>>
        tpu.enqueue_indirect_dma source(%arg12 : memref<128x64xf32, #tpu.memory_space<vmem>>) target(%dma_start3A_287 : memref<25088x64xf32, #tpu.memory_space<vmem_shared>>) offsets(%dma_start3A_284 : memref<128xi32, #tpu.memory_space<vmem>>) semaphore(%arg17 : memref<!tpu.dma_semaphore, #tpu.memory_space<semaphore_mem>>) {add = true}
        %dma_wait3A_288 = arith.constant 6 : i32
        %dma_wait3A_289 = arith.constant 1 : i32
        %dma_wait3A_290 = arith.constant 0 : i32
        %dma_wait3A_291 = tpu.memref_slice %arg8[%dma_wait3A_288, %dma_wait3A_289, %dma_wait3A_290] : memref<8x2x128xi32, #tpu.memory_space<vmem>> -> memref<1x1x128xi32, #tpu.memory_space<vmem>>
        %dma_wait3A_292 = tpu.memref_squeeze %dma_wait3A_291 : memref<1x1x128xi32, #tpu.memory_space<vmem>> -> memref<128xi32, #tpu.memory_space<vmem>>
        %dma_wait3A_293 = arith.constant 0 : i32
        %dma_wait3A_294 = arith.constant 0 : i32
        %dma_wait3A_295 = tpu.memref_slice %arg13[%dma_wait3A_293, %dma_wait3A_294] : memref<25088x64xf32, #tpu.memory_space<vmem_shared>> -> memref<25088x64xf32, #tpu.memory_space<vmem_shared>>
        tpu.wait_indirect_dma semaphore(%arg16 : memref<!tpu.dma_semaphore, #tpu.memory_space<semaphore_mem>>) src(%arg11 : memref<128x64xf32, #tpu.memory_space<vmem>>) dst(%dma_wait3A_295 : memref<25088x64xf32, #tpu.memory_space<vmem_shared>>)
        %dma_wait3A_296 = arith.constant 7 : i32
        %dma_wait3A_297 = arith.constant 1 : i32
        %dma_wait3A_298 = arith.constant 0 : i32
        %dma_wait3A_299 = tpu.memref_slice %arg8[%dma_wait3A_296, %dma_wait3A_297, %dma_wait3A_298] : memref<8x2x128xi32, #tpu.memory_space<vmem>> -> memref<1x1x128xi32, #tpu.memory_space<vmem>>
        %dma_wait3A_300 = tpu.memref_squeeze %dma_wait3A_299 : memref<1x1x128xi32, #tpu.memory_space<vmem>> -> memref<128xi32, #tpu.memory_space<vmem>>
        %dma_wait3A_301 = arith.constant 0 : i32
        %dma_wait3A_302 = arith.constant 0 : i32
        %dma_wait3A_303 = tpu.memref_slice %arg13[%dma_wait3A_301, %dma_wait3A_302] : memref<25088x64xf32, #tpu.memory_space<vmem_shared>> -> memref<25088x64xf32, #tpu.memory_space<vmem_shared>>
        tpu.wait_indirect_dma semaphore(%arg17 : memref<!tpu.dma_semaphore, #tpu.memory_space<semaphore_mem>>) src(%arg12 : memref<128x64xf32, #tpu.memory_space<vmem>>) dst(%dma_wait3A_303 : memref<25088x64xf32, #tpu.memory_space<vmem_shared>>)
      }
      %scan3A_14 = arith.constant 25 : i32
      %barrier3A_15 = arith.constant 0 : index
      tpu.barrier barrier_id(%barrier3A_15)
      "tpu.region"() ({
        %run_scoped3A = tpu.sem_alloc : memref<!tpu.dma_semaphore, #tpu.memory_space<semaphore_mem>>
        %dma_start3A = arith.constant 0 : i32
        %dma_start3A_16 = tpu.memref_slice %arg7[%mul3A_7, %dma_start3A] : memref<25088x128xf32, #tpu.memory_space<hbm>> -> memref<1568x64xf32, #tpu.memory_space<hbm>>
        %dma_start3A_17 = arith.constant 0 : i32
        %dma_start3A_18 = tpu.memref_slice %arg13[%mul3A_7, %dma_start3A_17] : memref<25088x64xf32, #tpu.memory_space<vmem_shared>> -> memref<1568x64xf32, #tpu.memory_space<vmem_shared>>
        tpu.enqueue_dma source(%dma_start3A_18 : memref<1568x64xf32, #tpu.memory_space<vmem_shared>>) target(%dma_start3A_16 : memref<1568x64xf32, #tpu.memory_space<hbm>>) target_semaphore(%run_scoped3A : memref<!tpu.dma_semaphore, #tpu.memory_space<semaphore_mem>>)
        %dma_wait3A = arith.constant 0 : i32
        %dma_wait3A_19 = tpu.memref_slice %arg7[%mul3A_7, %dma_wait3A] : memref<25088x128xf32, #tpu.memory_space<hbm>> -> memref<1568x64xf32, #tpu.memory_space<hbm>>
        %dma_wait3A_20 = arith.constant 0 : i32
        %dma_wait3A_21 = tpu.memref_slice %arg13[%mul3A_7, %dma_wait3A_20] : memref<25088x64xf32, #tpu.memory_space<vmem_shared>> -> memref<1568x64xf32, #tpu.memory_space<vmem_shared>>
        tpu.wait_dma2 semaphore(%run_scoped3A : memref<!tpu.dma_semaphore, #tpu.memory_space<semaphore_mem>>) src(%dma_wait3A_21 : memref<1568x64xf32, #tpu.memory_space<vmem_shared>>) dst(%dma_wait3A_19 : memref<1568x64xf32, #tpu.memory_space<hbm>>)
        tpu.yield
      }) : () -> ()
    } else {
    }
    %eq3A_2 = arith.constant 1 : i32
    %eq3A_3 = arith.cmpi eq, %arg0, %eq3A_2 : i32
    %convert_element_type3A_4 = arith.extui %eq3A_3 : i1 to i32
    %cond3A_5 = arith.constant 0 : i32
    %cond3A_6 = arith.cmpi ne, %convert_element_type3A_4, %cond3A_5 : i32
    scf.if %cond3A_6 {
      %mul3A = arith.constant 1568 : i32
      %mul3A_7 = arith.muli %arg1, %mul3A : i32
      "tpu.region"() ({
        %run_scoped3A = tpu.sem_alloc : memref<!tpu.dma_semaphore, #tpu.memory_space<semaphore_mem>>
        %dma_start3A = arith.constant 0 : i32
        %dma_start3A_16 = tpu.memref_slice %arg13[%mul3A_7, %dma_start3A] : memref<25088x64xf32, #tpu.memory_space<vmem_shared>> -> memref<1568x64xf32, #tpu.memory_space<vmem_shared>>
        %dma_start3A_17 = arith.constant 64 : i32
        %dma_start3A_18 = tpu.memref_slice %arg4[%mul3A_7, %dma_start3A_17] : memref<25088x128xf32, #tpu.memory_space<hbm>> -> memref<1568x64xf32, #tpu.memory_space<hbm>>
        tpu.enqueue_dma source(%dma_start3A_18 : memref<1568x64xf32, #tpu.memory_space<hbm>>) target(%dma_start3A_16 : memref<1568x64xf32, #tpu.memory_space<vmem_shared>>) target_semaphore(%run_scoped3A : memref<!tpu.dma_semaphore, #tpu.memory_space<semaphore_mem>>)
        %dma_wait3A = arith.constant 0 : i32
        %dma_wait3A_19 = tpu.memref_slice %arg13[%mul3A_7, %dma_wait3A] : memref<25088x64xf32, #tpu.memory_space<vmem_shared>> -> memref<1568x64xf32, #tpu.memory_space<vmem_shared>>
        %dma_wait3A_20 = arith.constant 64 : i32
        %dma_wait3A_21 = tpu.memref_slice %arg4[%mul3A_7, %dma_wait3A_20] : memref<25088x128xf32, #tpu.memory_space<hbm>> -> memref<1568x64xf32, #tpu.memory_space<hbm>>
        tpu.wait_dma2 semaphore(%run_scoped3A : memref<!tpu.dma_semaphore, #tpu.memory_space<semaphore_mem>>) src(%dma_wait3A_21 : memref<1568x64xf32, #tpu.memory_space<hbm>>) dst(%dma_wait3A_19 : memref<1568x64xf32, #tpu.memory_space<vmem_shared>>)
        tpu.yield
      }) : () -> ()
      %mul3A_8 = arith.constant 200 : i32
      %mul3A_9 = arith.muli %arg1, %mul3A_8 : i32
      %barrier3A = arith.constant 0 : index
      tpu.barrier barrier_id(%barrier3A)
      %scan3A = arith.constant 0 : i32
      %scan3A_10 = arith.constant 0 : i32
      %scan3A_11 = arith.constant 25 : i32
      %scan3A_12 = arith.addi %scan3A_10, %scan3A_11 : i32
      %scan3A_13 = arith.constant 1 : i32
      scf.for %scan3A_16 = %scan3A_10 to %scan3A_12 step %scan3A_13  : i32 {
        %mul3A_17 = arith.constant 8 : i32
        %mul3A_18 = arith.muli %scan3A_16, %mul3A_17 : i32
        %add3A = arith.addi %mul3A_9, %mul3A_18 : i32
        "tpu.region"() ({
          %run_scoped3A = tpu.sem_alloc : memref<!tpu.dma_semaphore, #tpu.memory_space<semaphore_mem>>
          %dma_start3A_304 = arith.constant 0 : i32
          %dma_start3A_305 = arith.constant 0 : i32
          %dma_start3A_306 = tpu.memref_slice %arg6[%add3A, %dma_start3A_304, %dma_start3A_305] : memref<3200x2x128xi32, #tpu.memory_space<hbm>> -> memref<8x2x128xi32, #tpu.memory_space<hbm>>
          %dma_start3A_307 = arith.constant 0 : i32
          %dma_start3A_308 = arith.constant 0 : i32
          %dma_start3A_309 = tpu.memref_slice %arg6[%add3A, %dma_start3A_307, %dma_start3A_308] : memref<3200x2x128xi32, #tpu.memory_space<hbm>> -> memref<8x2x128xi32, #tpu.memory_space<hbm>>
          tpu.enqueue_dma source(%dma_start3A_309 : memref<8x2x128xi32, #tpu.memory_space<hbm>>) target(%arg8 : memref<8x2x128xi32, #tpu.memory_space<vmem>>) target_semaphore(%run_scoped3A : memref<!tpu.dma_semaphore, #tpu.memory_space<semaphore_mem>>)
          %dma_wait3A_310 = arith.constant 0 : i32
          %dma_wait3A_311 = arith.constant 0 : i32
          %dma_wait3A_312 = tpu.memref_slice %arg6[%add3A, %dma_wait3A_310, %dma_wait3A_311] : memref<3200x2x128xi32, #tpu.memory_space<hbm>> -> memref<8x2x128xi32, #tpu.memory_space<hbm>>
          %dma_wait3A_313 = arith.constant 0 : i32
          %dma_wait3A_314 = arith.constant 0 : i32
          %dma_wait3A_315 = tpu.memref_slice %arg6[%add3A, %dma_wait3A_313, %dma_wait3A_314] : memref<3200x2x128xi32, #tpu.memory_space<hbm>> -> memref<8x2x128xi32, #tpu.memory_space<hbm>>
          tpu.wait_dma2 semaphore(%run_scoped3A : memref<!tpu.dma_semaphore, #tpu.memory_space<semaphore_mem>>) src(%dma_wait3A_315 : memref<8x2x128xi32, #tpu.memory_space<hbm>>) dst(%arg8 : memref<8x2x128xi32, #tpu.memory_space<vmem>>)
          tpu.yield
        }) : () -> ()
        %dma_start3A = arith.constant 0 : i32
        %dma_start3A_19 = arith.constant 0 : i32
        %dma_start3A_20 = arith.constant 0 : i32
        %dma_start3A_21 = tpu.memref_slice %arg8[%dma_start3A, %dma_start3A_19, %dma_start3A_20] : memref<8x2x128xi32, #tpu.memory_space<vmem>> -> memref<1x1x128xi32, #tpu.memory_space<vmem>>
        %dma_start3A_22 = tpu.memref_squeeze %dma_start3A_21 : memref<1x1x128xi32, #tpu.memory_space<vmem>> -> memref<128xi32, #tpu.memory_space<vmem>>
        %dma_start3A_23 = arith.constant 0 : i32
        %dma_start3A_24 = arith.constant 0 : i32
        %dma_start3A_25 = tpu.memref_slice %arg3[%dma_start3A_23, %dma_start3A_24] : memref<25088x32xi32, #tpu.memory_space<hbm>> -> memref<25088x32xi32, #tpu.memory_space<hbm>>
        tpu.enqueue_indirect_dma source(%dma_start3A_25 : memref<25088x32xi32, #tpu.memory_space<hbm>>) target(%arg9 : memref<128x32xi32, #tpu.memory_space<vmem>>) offsets(%dma_start3A_22 : memref<128xi32, #tpu.memory_space<vmem>>) semaphore(%arg14 : memref<!tpu.dma_semaphore, #tpu.memory_space<semaphore_mem>>)
        %dma_start3A_26 = arith.constant 1 : i32
        %dma_start3A_27 = arith.constant 0 : i32
        %dma_start3A_28 = arith.constant 0 : i32
        %dma_start3A_29 = tpu.memref_slice %arg8[%dma_start3A_26, %dma_start3A_27, %dma_start3A_28] : memref<8x2x128xi32, #tpu.memory_space<vmem>> -> memref<1x1x128xi32, #tpu.memory_space<vmem>>
        %dma_start3A_30 = tpu.memref_squeeze %dma_start3A_29 : memref<1x1x128xi32, #tpu.memory_space<vmem>> -> memref<128xi32, #tpu.memory_space<vmem>>
        %dma_start3A_31 = arith.constant 0 : i32
        %dma_start3A_32 = arith.constant 0 : i32
        %dma_start3A_33 = tpu.memref_slice %arg3[%dma_start3A_31, %dma_start3A_32] : memref<25088x32xi32, #tpu.memory_space<hbm>> -> memref<25088x32xi32, #tpu.memory_space<hbm>>
        tpu.enqueue_indirect_dma source(%dma_start3A_33 : memref<25088x32xi32, #tpu.memory_space<hbm>>) target(%arg10 : memref<128x32xi32, #tpu.memory_space<vmem>>) offsets(%dma_start3A_30 : memref<128xi32, #tpu.memory_space<vmem>>) semaphore(%arg15 : memref<!tpu.dma_semaphore, #tpu.memory_space<semaphore_mem>>)
        %dma_wait3A = arith.constant 0 : i32
        %dma_wait3A_34 = arith.constant 0 : i32
        %dma_wait3A_35 = arith.constant 0 : i32
        %dma_wait3A_36 = tpu.memref_slice %arg8[%dma_wait3A, %dma_wait3A_34, %dma_wait3A_35] : memref<8x2x128xi32, #tpu.memory_space<vmem>> -> memref<1x1x128xi32, #tpu.memory_space<vmem>>
        %dma_wait3A_37 = tpu.memref_squeeze %dma_wait3A_36 : memref<1x1x128xi32, #tpu.memory_space<vmem>> -> memref<128xi32, #tpu.memory_space<vmem>>
        %dma_wait3A_38 = arith.constant 0 : i32
        %dma_wait3A_39 = arith.constant 0 : i32
        %dma_wait3A_40 = tpu.memref_slice %arg3[%dma_wait3A_38, %dma_wait3A_39] : memref<25088x32xi32, #tpu.memory_space<hbm>> -> memref<25088x32xi32, #tpu.memory_space<hbm>>
        tpu.wait_indirect_dma semaphore(%arg14 : memref<!tpu.dma_semaphore, #tpu.memory_space<semaphore_mem>>) src(%dma_wait3A_40 : memref<25088x32xi32, #tpu.memory_space<hbm>>) dst(%arg9 : memref<128x32xi32, #tpu.memory_space<vmem>>)
        %parallel_loop3A = arith.constant 0 : i32
        %parallel_loop3A_41 = arith.constant 128 : i32
        %parallel_loop3A_42 = arith.constant 1 : i32
        %parallel_loop3A_43 = arith.constant -65536 : i32
        scf.for %parallel_loop3A_304 = %parallel_loop3A to %parallel_loop3A_41 step %parallel_loop3A_42  : i32 {
          %parallel_loop3A_305 = arith.index_cast %parallel_loop3A_304 : i32 to index
          %parallel_loop3A_306 = arith.constant 0 : index
          %parallel_loop3A_307 = tpu.vector_load %arg9[%parallel_loop3A_305, %parallel_loop3A_306] {strides = array<i32>} : memref<128x32xi32, #tpu.memory_space<vmem>>, vector<16xi32>,
          %parallel_loop3A_308 = arith.constant 16 : i32
          %parallel_loop3A_309 = vector.broadcast %parallel_loop3A_308 : i32 to vector<16xi32>
          %parallel_loop3A_310 = arith.shli %parallel_loop3A_307, %parallel_loop3A_309 : vector<16xi32>
          %parallel_loop3A_311 = vector.bitcast %parallel_loop3A_310 : vector<16xi32> to vector<16xf32>
          %parallel_loop3A_312 = arith.index_cast %parallel_loop3A_304 : i32 to index
          %parallel_loop3A_313 = arith.constant 0 : index
          %parallel_loop3A_314 = tpu.vector_load %arg11[%parallel_loop3A_312, %parallel_loop3A_313] {strides = array<i32>} : memref<128x64xf32, #tpu.memory_space<vmem>>, vector<16xf32>,
          tpu.vector_store %arg11[%parallel_loop3A_312, %parallel_loop3A_313], %parallel_loop3A_311 {strides = array<i32>} : memref<128x64xf32, #tpu.memory_space<vmem>>, vector<16xf32>,
          %parallel_loop3A_315 = vector.broadcast %parallel_loop3A_43 : i32 to vector<16xi32>
          %parallel_loop3A_316 = arith.andi %parallel_loop3A_307, %parallel_loop3A_315 : vector<16xi32>
          %parallel_loop3A_317 = vector.bitcast %parallel_loop3A_316 : vector<16xi32> to vector<16xf32>
          %parallel_loop3A_318 = arith.index_cast %parallel_loop3A_304 : i32 to index
          %parallel_loop3A_319 = arith.constant 16 : index
          %parallel_loop3A_320 = tpu.vector_load %arg11[%parallel_loop3A_318, %parallel_loop3A_319] {strides = array<i32>} : memref<128x64xf32, #tpu.memory_space<vmem>>, vector<16xf32>,
          tpu.vector_store %arg11[%parallel_loop3A_318, %parallel_loop3A_319], %parallel_loop3A_317 {strides = array<i32>} : memref<128x64xf32, #tpu.memory_space<vmem>>, vector<16xf32>,
          %parallel_loop3A_321 = arith.index_cast %parallel_loop3A_304 : i32 to index
          %parallel_loop3A_322 = arith.constant 16 : index
          %parallel_loop3A_323 = tpu.vector_load %arg9[%parallel_loop3A_321, %parallel_loop3A_322] {strides = array<i32>} : memref<128x32xi32, #tpu.memory_space<vmem>>, vector<16xi32>,
          %parallel_loop3A_324 = arith.constant 16 : i32
          %parallel_loop3A_325 = vector.broadcast %parallel_loop3A_324 : i32 to vector<16xi32>
          %parallel_loop3A_326 = arith.shli %parallel_loop3A_323, %parallel_loop3A_325 : vector<16xi32>
          %parallel_loop3A_327 = vector.bitcast %parallel_loop3A_326 : vector<16xi32> to vector<16xf32>
          %parallel_loop3A_328 = arith.index_cast %parallel_loop3A_304 : i32 to index
          %parallel_loop3A_329 = arith.constant 32 : index
          %parallel_loop3A_330 = tpu.vector_load %arg11[%parallel_loop3A_328, %parallel_loop3A_329] {strides = array<i32>} : memref<128x64xf32, #tpu.memory_space<vmem>>, vector<16xf32>,
          tpu.vector_store %arg11[%parallel_loop3A_328, %parallel_loop3A_329], %parallel_loop3A_327 {strides = array<i32>} : memref<128x64xf32, #tpu.memory_space<vmem>>, vector<16xf32>,
          %parallel_loop3A_331 = vector.broadcast %parallel_loop3A_43 : i32 to vector<16xi32>
          %parallel_loop3A_332 = arith.andi %parallel_loop3A_323, %parallel_loop3A_331 : vector<16xi32>
          %parallel_loop3A_333 = vector.bitcast %parallel_loop3A_332 : vector<16xi32> to vector<16xf32>
          %parallel_loop3A_334 = arith.index_cast %parallel_loop3A_304 : i32 to index
          %parallel_loop3A_335 = arith.constant 48 : index
          %parallel_loop3A_336 = tpu.vector_load %arg11[%parallel_loop3A_334, %parallel_loop3A_335] {strides = array<i32>} : memref<128x64xf32, #tpu.memory_space<vmem>>, vector<16xf32>,
          tpu.vector_store %arg11[%parallel_loop3A_334, %parallel_loop3A_335], %parallel_loop3A_333 {strides = array<i32>} : memref<128x64xf32, #tpu.memory_space<vmem>>, vector<16xf32>,
        } {sc.loop_unroll_factor = 16 : i64, sc.parallel_access}
        %dma_start3A_44 = arith.constant 0 : i32
        %dma_start3A_45 = arith.constant 1 : i32
        %dma_start3A_46 = arith.constant 0 : i32
        %dma_start3A_47 = tpu.memref_slice %arg8[%dma_start3A_44, %dma_start3A_45, %dma_start3A_46] : memref<8x2x128xi32, #tpu.memory_space<vmem>> -> memref<1x1x128xi32, #tpu.memory_space<vmem>>
        %dma_start3A_48 = tpu.memref_squeeze %dma_start3A_47 : memref<1x1x128xi32, #tpu.memory_space<vmem>> -> memref<128xi32, #tpu.memory_space<vmem>>
        %dma_start3A_49 = arith.constant 0 : i32
        %dma_start3A_50 = arith.constant 0 : i32
        %dma_start3A_51 = tpu.memref_slice %arg13[%dma_start3A_49, %dma_start3A_50] : memref<25088x64xf32, #tpu.memory_space<vmem_shared>> -> memref<25088x64xf32, #tpu.memory_space<vmem_shared>>
        tpu.enqueue_indirect_dma source(%arg11 : memref<128x64xf32, #tpu.memory_space<vmem>>) target(%dma_start3A_51 : memref<25088x64xf32, #tpu.memory_space<vmem_shared>>) offsets(%dma_start3A_48 : memref<128xi32, #tpu.memory_space<vmem>>) semaphore(%arg16 : memref<!tpu.dma_semaphore, #tpu.memory_space<semaphore_mem>>) {add = true}
        %dma_start3A_52 = arith.constant 2 : i32
        %dma_start3A_53 = arith.constant 0 : i32
        %dma_start3A_54 = arith.constant 0 : i32
        %dma_start3A_55 = tpu.memref_slice %arg8[%dma_start3A_52, %dma_start3A_53, %dma_start3A_54] : memref<8x2x128xi32, #tpu.memory_space<vmem>> -> memref<1x1x128xi32, #tpu.memory_space<vmem>>
        %dma_start3A_56 = tpu.memref_squeeze %dma_start3A_55 : memref<1x1x128xi32, #tpu.memory_space<vmem>> -> memref<128xi32, #tpu.memory_space<vmem>>
        %dma_start3A_57 = arith.constant 0 : i32
        %dma_start3A_58 = arith.constant 0 : i32
        %dma_start3A_59 = tpu.memref_slice %arg3[%dma_start3A_57, %dma_start3A_58] : memref<25088x32xi32, #tpu.memory_space<hbm>> -> memref<25088x32xi32, #tpu.memory_space<hbm>>
        tpu.enqueue_indirect_dma source(%dma_start3A_59 : memref<25088x32xi32, #tpu.memory_space<hbm>>) target(%arg9 : memref<128x32xi32, #tpu.memory_space<vmem>>) offsets(%dma_start3A_56 : memref<128xi32, #tpu.memory_space<vmem>>) semaphore(%arg14 : memref<!tpu.dma_semaphore, #tpu.memory_space<semaphore_mem>>)
        %dma_wait3A_60 = arith.constant 1 : i32
        %dma_wait3A_61 = arith.constant 0 : i32
        %dma_wait3A_62 = arith.constant 0 : i32
        %dma_wait3A_63 = tpu.memref_slice %arg8[%dma_wait3A_60, %dma_wait3A_61, %dma_wait3A_62] : memref<8x2x128xi32, #tpu.memory_space<vmem>> -> memref<1x1x128xi32, #tpu.memory_space<vmem>>
        %dma_wait3A_64 = tpu.memref_squeeze %dma_wait3A_63 : memref<1x1x128xi32, #tpu.memory_space<vmem>> -> memref<128xi32, #tpu.memory_space<vmem>>
        %dma_wait3A_65 = arith.constant 0 : i32
        %dma_wait3A_66 = arith.constant 0 : i32
        %dma_wait3A_67 = tpu.memref_slice %arg3[%dma_wait3A_65, %dma_wait3A_66] : memref<25088x32xi32, #tpu.memory_space<hbm>> -> memref<25088x32xi32, #tpu.memory_space<hbm>>
        tpu.wait_indirect_dma semaphore(%arg15 : memref<!tpu.dma_semaphore, #tpu.memory_space<semaphore_mem>>) src(%dma_wait3A_67 : memref<25088x32xi32, #tpu.memory_space<hbm>>) dst(%arg10 : memref<128x32xi32, #tpu.memory_space<vmem>>)
        %parallel_loop3A_68 = arith.constant 0 : i32
        %parallel_loop3A_69 = arith.constant 128 : i32
        %parallel_loop3A_70 = arith.constant 1 : i32
        %parallel_loop3A_71 = arith.constant -65536 : i32
        scf.for %parallel_loop3A_304 = %parallel_loop3A_68 to %parallel_loop3A_69 step %parallel_loop3A_70  : i32 {
          %parallel_loop3A_305 = arith.index_cast %parallel_loop3A_304 : i32 to index
          %parallel_loop3A_306 = arith.constant 0 : index
          %parallel_loop3A_307 = tpu.vector_load %arg10[%parallel_loop3A_305, %parallel_loop3A_306] {strides = array<i32>} : memref<128x32xi32, #tpu.memory_space<vmem>>, vector<16xi32>,
          %parallel_loop3A_308 = arith.constant 16 : i32
          %parallel_loop3A_309 = vector.broadcast %parallel_loop3A_308 : i32 to vector<16xi32>
          %parallel_loop3A_310 = arith.shli %parallel_loop3A_307, %parallel_loop3A_309 : vector<16xi32>
          %parallel_loop3A_311 = vector.bitcast %parallel_loop3A_310 : vector<16xi32> to vector<16xf32>
          %parallel_loop3A_312 = arith.index_cast %parallel_loop3A_304 : i32 to index
          %parallel_loop3A_313 = arith.constant 0 : index
          %parallel_loop3A_314 = tpu.vector_load %arg12[%parallel_loop3A_312, %parallel_loop3A_313] {strides = array<i32>} : memref<128x64xf32, #tpu.memory_space<vmem>>, vector<16xf32>,
          tpu.vector_store %arg12[%parallel_loop3A_312, %parallel_loop3A_313], %parallel_loop3A_311 {strides = array<i32>} : memref<128x64xf32, #tpu.memory_space<vmem>>, vector<16xf32>,
          %parallel_loop3A_315 = vector.broadcast %parallel_loop3A_71 : i32 to vector<16xi32>
          %parallel_loop3A_316 = arith.andi %parallel_loop3A_307, %parallel_loop3A_315 : vector<16xi32>
          %parallel_loop3A_317 = vector.bitcast %parallel_loop3A_316 : vector<16xi32> to vector<16xf32>
          %parallel_loop3A_318 = arith.index_cast %parallel_loop3A_304 : i32 to index
          %parallel_loop3A_319 = arith.constant 16 : index
          %parallel_loop3A_320 = tpu.vector_load %arg12[%parallel_loop3A_318, %parallel_loop3A_319] {strides = array<i32>} : memref<128x64xf32, #tpu.memory_space<vmem>>, vector<16xf32>,
          tpu.vector_store %arg12[%parallel_loop3A_318, %parallel_loop3A_319], %parallel_loop3A_317 {strides = array<i32>} : memref<128x64xf32, #tpu.memory_space<vmem>>, vector<16xf32>,
          %parallel_loop3A_321 = arith.index_cast %parallel_loop3A_304 : i32 to index
          %parallel_loop3A_322 = arith.constant 16 : index
          %parallel_loop3A_323 = tpu.vector_load %arg10[%parallel_loop3A_321, %parallel_loop3A_322] {strides = array<i32>} : memref<128x32xi32, #tpu.memory_space<vmem>>, vector<16xi32>,
          %parallel_loop3A_324 = arith.constant 16 : i32
          %parallel_loop3A_325 = vector.broadcast %parallel_loop3A_324 : i32 to vector<16xi32>
          %parallel_loop3A_326 = arith.shli %parallel_loop3A_323, %parallel_loop3A_325 : vector<16xi32>
          %parallel_loop3A_327 = vector.bitcast %parallel_loop3A_326 : vector<16xi32> to vector<16xf32>
          %parallel_loop3A_328 = arith.index_cast %parallel_loop3A_304 : i32 to index
          %parallel_loop3A_329 = arith.constant 32 : index
          %parallel_loop3A_330 = tpu.vector_load %arg12[%parallel_loop3A_328, %parallel_loop3A_329] {strides = array<i32>} : memref<128x64xf32, #tpu.memory_space<vmem>>, vector<16xf32>,
          tpu.vector_store %arg12[%parallel_loop3A_328, %parallel_loop3A_329], %parallel_loop3A_327 {strides = array<i32>} : memref<128x64xf32, #tpu.memory_space<vmem>>, vector<16xf32>,
          %parallel_loop3A_331 = vector.broadcast %parallel_loop3A_71 : i32 to vector<16xi32>
          %parallel_loop3A_332 = arith.andi %parallel_loop3A_323, %parallel_loop3A_331 : vector<16xi32>
          %parallel_loop3A_333 = vector.bitcast %parallel_loop3A_332 : vector<16xi32> to vector<16xf32>
          %parallel_loop3A_334 = arith.index_cast %parallel_loop3A_304 : i32 to index
          %parallel_loop3A_335 = arith.constant 48 : index
          %parallel_loop3A_336 = tpu.vector_load %arg12[%parallel_loop3A_334, %parallel_loop3A_335] {strides = array<i32>} : memref<128x64xf32, #tpu.memory_space<vmem>>, vector<16xf32>,
          tpu.vector_store %arg12[%parallel_loop3A_334, %parallel_loop3A_335], %parallel_loop3A_333 {strides = array<i32>} : memref<128x64xf32, #tpu.memory_space<vmem>>, vector<16xf32>,
        } {sc.loop_unroll_factor = 16 : i64, sc.parallel_access}
        %dma_start3A_72 = arith.constant 1 : i32
        %dma_start3A_73 = arith.constant 1 : i32
        %dma_start3A_74 = arith.constant 0 : i32
        %dma_start3A_75 = tpu.memref_slice %arg8[%dma_start3A_72, %dma_start3A_73, %dma_start3A_74] : memref<8x2x128xi32, #tpu.memory_space<vmem>> -> memref<1x1x128xi32, #tpu.memory_space<vmem>>
        %dma_start3A_76 = tpu.memref_squeeze %dma_start3A_75 : memref<1x1x128xi32, #tpu.memory_space<vmem>> -> memref<128xi32, #tpu.memory_space<vmem>>
        %dma_start3A_77 = arith.constant 0 : i32
        %dma_start3A_78 = arith.constant 0 : i32
        %dma_start3A_79 = tpu.memref_slice %arg13[%dma_start3A_77, %dma_start3A_78] : memref<25088x64xf32, #tpu.memory_space<vmem_shared>> -> memref<25088x64xf32, #tpu.memory_space<vmem_shared>>
        tpu.enqueue_indirect_dma source(%arg12 : memref<128x64xf32, #tpu.memory_space<vmem>>) target(%dma_start3A_79 : memref<25088x64xf32, #tpu.memory_space<vmem_shared>>) offsets(%dma_start3A_76 : memref<128xi32, #tpu.memory_space<vmem>>) semaphore(%arg17 : memref<!tpu.dma_semaphore, #tpu.memory_space<semaphore_mem>>) {add = true}
        %dma_start3A_80 = arith.constant 3 : i32
        %dma_start3A_81 = arith.constant 0 : i32
        %dma_start3A_82 = arith.constant 0 : i32
        %dma_start3A_83 = tpu.memref_slice %arg8[%dma_start3A_80, %dma_start3A_81, %dma_start3A_82] : memref<8x2x128xi32, #tpu.memory_space<vmem>> -> memref<1x1x128xi32, #tpu.memory_space<vmem>>
        %dma_start3A_84 = tpu.memref_squeeze %dma_start3A_83 : memref<1x1x128xi32, #tpu.memory_space<vmem>> -> memref<128xi32, #tpu.memory_space<vmem>>
        %dma_start3A_85 = arith.constant 0 : i32
        %dma_start3A_86 = arith.constant 0 : i32
        %dma_start3A_87 = tpu.memref_slice %arg3[%dma_start3A_85, %dma_start3A_86] : memref<25088x32xi32, #tpu.memory_space<hbm>> -> memref<25088x32xi32, #tpu.memory_space<hbm>>
        tpu.enqueue_indirect_dma source(%dma_start3A_87 : memref<25088x32xi32, #tpu.memory_space<hbm>>) target(%arg10 : memref<128x32xi32, #tpu.memory_space<vmem>>) offsets(%dma_start3A_84 : memref<128xi32, #tpu.memory_space<vmem>>) semaphore(%arg15 : memref<!tpu.dma_semaphore, #tpu.memory_space<semaphore_mem>>)
        %dma_wait3A_88 = arith.constant 2 : i32
        %dma_wait3A_89 = arith.constant 0 : i32
        %dma_wait3A_90 = arith.constant 0 : i32
        %dma_wait3A_91 = tpu.memref_slice %arg8[%dma_wait3A_88, %dma_wait3A_89, %dma_wait3A_90] : memref<8x2x128xi32, #tpu.memory_space<vmem>> -> memref<1x1x128xi32, #tpu.memory_space<vmem>>
        %dma_wait3A_92 = tpu.memref_squeeze %dma_wait3A_91 : memref<1x1x128xi32, #tpu.memory_space<vmem>> -> memref<128xi32, #tpu.memory_space<vmem>>
        %dma_wait3A_93 = arith.constant 0 : i32
        %dma_wait3A_94 = arith.constant 0 : i32
        %dma_wait3A_95 = tpu.memref_slice %arg3[%dma_wait3A_93, %dma_wait3A_94] : memref<25088x32xi32, #tpu.memory_space<hbm>> -> memref<25088x32xi32, #tpu.memory_space<hbm>>
        tpu.wait_indirect_dma semaphore(%arg14 : memref<!tpu.dma_semaphore, #tpu.memory_space<semaphore_mem>>) src(%dma_wait3A_95 : memref<25088x32xi32, #tpu.memory_space<hbm>>) dst(%arg9 : memref<128x32xi32, #tpu.memory_space<vmem>>)
        %dma_wait3A_96 = arith.constant 0 : i32
        %dma_wait3A_97 = arith.constant 1 : i32
        %dma_wait3A_98 = arith.constant 0 : i32
        %dma_wait3A_99 = tpu.memref_slice %arg8[%dma_wait3A_96, %dma_wait3A_97, %dma_wait3A_98] : memref<8x2x128xi32, #tpu.memory_space<vmem>> -> memref<1x1x128xi32, #tpu.memory_space<vmem>>
        %dma_wait3A_100 = tpu.memref_squeeze %dma_wait3A_99 : memref<1x1x128xi32, #tpu.memory_space<vmem>> -> memref<128xi32, #tpu.memory_space<vmem>>
        %dma_wait3A_101 = arith.constant 0 : i32
        %dma_wait3A_102 = arith.constant 0 : i32
        %dma_wait3A_103 = tpu.memref_slice %arg13[%dma_wait3A_101, %dma_wait3A_102] : memref<25088x64xf32, #tpu.memory_space<vmem_shared>> -> memref<25088x64xf32, #tpu.memory_space<vmem_shared>>
        tpu.wait_indirect_dma semaphore(%arg16 : memref<!tpu.dma_semaphore, #tpu.memory_space<semaphore_mem>>) src(%arg11 : memref<128x64xf32, #tpu.memory_space<vmem>>) dst(%dma_wait3A_103 : memref<25088x64xf32, #tpu.memory_space<vmem_shared>>)
        %parallel_loop3A_104 = arith.constant 0 : i32
        %parallel_loop3A_105 = arith.constant 128 : i32
        %parallel_loop3A_106 = arith.constant 1 : i32
        %parallel_loop3A_107 = arith.constant -65536 : i32
        scf.for %parallel_loop3A_304 = %parallel_loop3A_104 to %parallel_loop3A_105 step %parallel_loop3A_106  : i32 {
          %parallel_loop3A_305 = arith.index_cast %parallel_loop3A_304 : i32 to index
          %parallel_loop3A_306 = arith.constant 0 : index
          %parallel_loop3A_307 = tpu.vector_load %arg9[%parallel_loop3A_305, %parallel_loop3A_306] {strides = array<i32>} : memref<128x32xi32, #tpu.memory_space<vmem>>, vector<16xi32>,
          %parallel_loop3A_308 = arith.constant 16 : i32
          %parallel_loop3A_309 = vector.broadcast %parallel_loop3A_308 : i32 to vector<16xi32>
          %parallel_loop3A_310 = arith.shli %parallel_loop3A_307, %parallel_loop3A_309 : vector<16xi32>
          %parallel_loop3A_311 = vector.bitcast %parallel_loop3A_310 : vector<16xi32> to vector<16xf32>
          %parallel_loop3A_312 = arith.index_cast %parallel_loop3A_304 : i32 to index
          %parallel_loop3A_313 = arith.constant 0 : index
          %parallel_loop3A_314 = tpu.vector_load %arg11[%parallel_loop3A_312, %parallel_loop3A_313] {strides = array<i32>} : memref<128x64xf32, #tpu.memory_space<vmem>>, vector<16xf32>,
          tpu.vector_store %arg11[%parallel_loop3A_312, %parallel_loop3A_313], %parallel_loop3A_311 {strides = array<i32>} : memref<128x64xf32, #tpu.memory_space<vmem>>, vector<16xf32>,
          %parallel_loop3A_315 = vector.broadcast %parallel_loop3A_107 : i32 to vector<16xi32>
          %parallel_loop3A_316 = arith.andi %parallel_loop3A_307, %parallel_loop3A_315 : vector<16xi32>
          %parallel_loop3A_317 = vector.bitcast %parallel_loop3A_316 : vector<16xi32> to vector<16xf32>
          %parallel_loop3A_318 = arith.index_cast %parallel_loop3A_304 : i32 to index
          %parallel_loop3A_319 = arith.constant 16 : index
          %parallel_loop3A_320 = tpu.vector_load %arg11[%parallel_loop3A_318, %parallel_loop3A_319] {strides = array<i32>} : memref<128x64xf32, #tpu.memory_space<vmem>>, vector<16xf32>,
          tpu.vector_store %arg11[%parallel_loop3A_318, %parallel_loop3A_319], %parallel_loop3A_317 {strides = array<i32>} : memref<128x64xf32, #tpu.memory_space<vmem>>, vector<16xf32>,
          %parallel_loop3A_321 = arith.index_cast %parallel_loop3A_304 : i32 to index
          %parallel_loop3A_322 = arith.constant 16 : index
          %parallel_loop3A_323 = tpu.vector_load %arg9[%parallel_loop3A_321, %parallel_loop3A_322] {strides = array<i32>} : memref<128x32xi32, #tpu.memory_space<vmem>>, vector<16xi32>,
          %parallel_loop3A_324 = arith.constant 16 : i32
          %parallel_loop3A_325 = vector.broadcast %parallel_loop3A_324 : i32 to vector<16xi32>
          %parallel_loop3A_326 = arith.shli %parallel_loop3A_323, %parallel_loop3A_325 : vector<16xi32>
          %parallel_loop3A_327 = vector.bitcast %parallel_loop3A_326 : vector<16xi32> to vector<16xf32>
          %parallel_loop3A_328 = arith.index_cast %parallel_loop3A_304 : i32 to index
          %parallel_loop3A_329 = arith.constant 32 : index
          %parallel_loop3A_330 = tpu.vector_load %arg11[%parallel_loop3A_328, %parallel_loop3A_329] {strides = array<i32>} : memref<128x64xf32, #tpu.memory_space<vmem>>, vector<16xf32>,
          tpu.vector_store %arg11[%parallel_loop3A_328, %parallel_loop3A_329], %parallel_loop3A_327 {strides = array<i32>} : memref<128x64xf32, #tpu.memory_space<vmem>>, vector<16xf32>,
          %parallel_loop3A_331 = vector.broadcast %parallel_loop3A_107 : i32 to vector<16xi32>
          %parallel_loop3A_332 = arith.andi %parallel_loop3A_323, %parallel_loop3A_331 : vector<16xi32>
          %parallel_loop3A_333 = vector.bitcast %parallel_loop3A_332 : vector<16xi32> to vector<16xf32>
          %parallel_loop3A_334 = arith.index_cast %parallel_loop3A_304 : i32 to index
          %parallel_loop3A_335 = arith.constant 48 : index
          %parallel_loop3A_336 = tpu.vector_load %arg11[%parallel_loop3A_334, %parallel_loop3A_335] {strides = array<i32>} : memref<128x64xf32, #tpu.memory_space<vmem>>, vector<16xf32>,
          tpu.vector_store %arg11[%parallel_loop3A_334, %parallel_loop3A_335], %parallel_loop3A_333 {strides = array<i32>} : memref<128x64xf32, #tpu.memory_space<vmem>>, vector<16xf32>,
        } {sc.loop_unroll_factor = 16 : i64, sc.parallel_access}
        %dma_start3A_108 = arith.constant 2 : i32
        %dma_start3A_109 = arith.constant 1 : i32
        %dma_start3A_110 = arith.constant 0 : i32
        %dma_start3A_111 = tpu.memref_slice %arg8[%dma_start3A_108, %dma_start3A_109, %dma_start3A_110] : memref<8x2x128xi32, #tpu.memory_space<vmem>> -> memref<1x1x128xi32, #tpu.memory_space<vmem>>
        %dma_start3A_112 = tpu.memref_squeeze %dma_start3A_111 : memref<1x1x128xi32, #tpu.memory_space<vmem>> -> memref<128xi32, #tpu.memory_space<vmem>>
        %dma_start3A_113 = arith.constant 0 : i32
        %dma_start3A_114 = arith.constant 0 : i32
        %dma_start3A_115 = tpu.memref_slice %arg13[%dma_start3A_113, %dma_start3A_114] : memref<25088x64xf32, #tpu.memory_space<vmem_shared>> -> memref<25088x64xf32, #tpu.memory_space<vmem_shared>>
        tpu.enqueue_indirect_dma source(%arg11 : memref<128x64xf32, #tpu.memory_space<vmem>>) target(%dma_start3A_115 : memref<25088x64xf32, #tpu.memory_space<vmem_shared>>) offsets(%dma_start3A_112 : memref<128xi32, #tpu.memory_space<vmem>>) semaphore(%arg16 : memref<!tpu.dma_semaphore, #tpu.memory_space<semaphore_mem>>) {add = true}
        %dma_start3A_116 = arith.constant 4 : i32
        %dma_start3A_117 = arith.constant 0 : i32
        %dma_start3A_118 = arith.constant 0 : i32
        %dma_start3A_119 = tpu.memref_slice %arg8[%dma_start3A_116, %dma_start3A_117, %dma_start3A_118] : memref<8x2x128xi32, #tpu.memory_space<vmem>> -> memref<1x1x128xi32, #tpu.memory_space<vmem>>
        %dma_start3A_120 = tpu.memref_squeeze %dma_start3A_119 : memref<1x1x128xi32, #tpu.memory_space<vmem>> -> memref<128xi32, #tpu.memory_space<vmem>>
        %dma_start3A_121 = arith.constant 0 : i32
        %dma_start3A_122 = arith.constant 0 : i32
        %dma_start3A_123 = tpu.memref_slice %arg3[%dma_start3A_121, %dma_start3A_122] : memref<25088x32xi32, #tpu.memory_space<hbm>> -> memref<25088x32xi32, #tpu.memory_space<hbm>>
        tpu.enqueue_indirect_dma source(%dma_start3A_123 : memref<25088x32xi32, #tpu.memory_space<hbm>>) target(%arg9 : memref<128x32xi32, #tpu.memory_space<vmem>>) offsets(%dma_start3A_120 : memref<128xi32, #tpu.memory_space<vmem>>) semaphore(%arg14 : memref<!tpu.dma_semaphore, #tpu.memory_space<semaphore_mem>>)
        %dma_wait3A_124 = arith.constant 3 : i32
        %dma_wait3A_125 = arith.constant 0 : i32
        %dma_wait3A_126 = arith.constant 0 : i32
        %dma_wait3A_127 = tpu.memref_slice %arg8[%dma_wait3A_124, %dma_wait3A_125, %dma_wait3A_126] : memref<8x2x128xi32, #tpu.memory_space<vmem>> -> memref<1x1x128xi32, #tpu.memory_space<vmem>>
        %dma_wait3A_128 = tpu.memref_squeeze %dma_wait3A_127 : memref<1x1x128xi32, #tpu.memory_space<vmem>> -> memref<128xi32, #tpu.memory_space<vmem>>
        %dma_wait3A_129 = arith.constant 0 : i32
        %dma_wait3A_130 = arith.constant 0 : i32
        %dma_wait3A_131 = tpu.memref_slice %arg3[%dma_wait3A_129, %dma_wait3A_130] : memref<25088x32xi32, #tpu.memory_space<hbm>> -> memref<25088x32xi32, #tpu.memory_space<hbm>>
        tpu.wait_indirect_dma semaphore(%arg15 : memref<!tpu.dma_semaphore, #tpu.memory_space<semaphore_mem>>) src(%dma_wait3A_131 : memref<25088x32xi32, #tpu.memory_space<hbm>>) dst(%arg10 : memref<128x32xi32, #tpu.memory_space<vmem>>)
        %dma_wait3A_132 = arith.constant 1 : i32
        %dma_wait3A_133 = arith.constant 1 : i32
        %dma_wait3A_134 = arith.constant 0 : i32
        %dma_wait3A_135 = tpu.memref_slice %arg8[%dma_wait3A_132, %dma_wait3A_133, %dma_wait3A_134] : memref<8x2x128xi32, #tpu.memory_space<vmem>> -> memref<1x1x128xi32, #tpu.memory_space<vmem>>
        %dma_wait3A_136 = tpu.memref_squeeze %dma_wait3A_135 : memref<1x1x128xi32, #tpu.memory_space<vmem>> -> memref<128xi32, #tpu.memory_space<vmem>>
        %dma_wait3A_137 = arith.constant 0 : i32
        %dma_wait3A_138 = arith.constant 0 : i32
        %dma_wait3A_139 = tpu.memref_slice %arg13[%dma_wait3A_137, %dma_wait3A_138] : memref<25088x64xf32, #tpu.memory_space<vmem_shared>> -> memref<25088x64xf32, #tpu.memory_space<vmem_shared>>
        tpu.wait_indirect_dma semaphore(%arg17 : memref<!tpu.dma_semaphore, #tpu.memory_space<semaphore_mem>>) src(%arg12 : memref<128x64xf32, #tpu.memory_space<vmem>>) dst(%dma_wait3A_139 : memref<25088x64xf32, #tpu.memory_space<vmem_shared>>)
        %parallel_loop3A_140 = arith.constant 0 : i32
        %parallel_loop3A_141 = arith.constant 128 : i32
        %parallel_loop3A_142 = arith.constant 1 : i32
        %parallel_loop3A_143 = arith.constant -65536 : i32
        scf.for %parallel_loop3A_304 = %parallel_loop3A_140 to %parallel_loop3A_141 step %parallel_loop3A_142  : i32 {
          %parallel_loop3A_305 = arith.index_cast %parallel_loop3A_304 : i32 to index
          %parallel_loop3A_306 = arith.constant 0 : index
          %parallel_loop3A_307 = tpu.vector_load %arg10[%parallel_loop3A_305, %parallel_loop3A_306] {strides = array<i32>} : memref<128x32xi32, #tpu.memory_space<vmem>>, vector<16xi32>,
          %parallel_loop3A_308 = arith.constant 16 : i32
          %parallel_loop3A_309 = vector.broadcast %parallel_loop3A_308 : i32 to vector<16xi32>
          %parallel_loop3A_310 = arith.shli %parallel_loop3A_307, %parallel_loop3A_309 : vector<16xi32>
          %parallel_loop3A_311 = vector.bitcast %parallel_loop3A_310 : vector<16xi32> to vector<16xf32>
          %parallel_loop3A_312 = arith.index_cast %parallel_loop3A_304 : i32 to index
          %parallel_loop3A_313 = arith.constant 0 : index
          %parallel_loop3A_314 = tpu.vector_load %arg12[%parallel_loop3A_312, %parallel_loop3A_313] {strides = array<i32>} : memref<128x64xf32, #tpu.memory_space<vmem>>, vector<16xf32>,
          tpu.vector_store %arg12[%parallel_loop3A_312, %parallel_loop3A_313], %parallel_loop3A_311 {strides = array<i32>} : memref<128x64xf32, #tpu.memory_space<vmem>>, vector<16xf32>,
          %parallel_loop3A_315 = vector.broadcast %parallel_loop3A_143 : i32 to vector<16xi32>
          %parallel_loop3A_316 = arith.andi %parallel_loop3A_307, %parallel_loop3A_315 : vector<16xi32>
          %parallel_loop3A_317 = vector.bitcast %parallel_loop3A_316 : vector<16xi32> to vector<16xf32>
          %parallel_loop3A_318 = arith.index_cast %parallel_loop3A_304 : i32 to index
          %parallel_loop3A_319 = arith.constant 16 : index
          %parallel_loop3A_320 = tpu.vector_load %arg12[%parallel_loop3A_318, %parallel_loop3A_319] {strides = array<i32>} : memref<128x64xf32, #tpu.memory_space<vmem>>, vector<16xf32>,
          tpu.vector_store %arg12[%parallel_loop3A_318, %parallel_loop3A_319], %parallel_loop3A_317 {strides = array<i32>} : memref<128x64xf32, #tpu.memory_space<vmem>>, vector<16xf32>,
          %parallel_loop3A_321 = arith.index_cast %parallel_loop3A_304 : i32 to index
          %parallel_loop3A_322 = arith.constant 16 : index
          %parallel_loop3A_323 = tpu.vector_load %arg10[%parallel_loop3A_321, %parallel_loop3A_322] {strides = array<i32>} : memref<128x32xi32, #tpu.memory_space<vmem>>, vector<16xi32>,
          %parallel_loop3A_324 = arith.constant 16 : i32
          %parallel_loop3A_325 = vector.broadcast %parallel_loop3A_324 : i32 to vector<16xi32>
          %parallel_loop3A_326 = arith.shli %parallel_loop3A_323, %parallel_loop3A_325 : vector<16xi32>
          %parallel_loop3A_327 = vector.bitcast %parallel_loop3A_326 : vector<16xi32> to vector<16xf32>
          %parallel_loop3A_328 = arith.index_cast %parallel_loop3A_304 : i32 to index
          %parallel_loop3A_329 = arith.constant 32 : index
          %parallel_loop3A_330 = tpu.vector_load %arg12[%parallel_loop3A_328, %parallel_loop3A_329] {strides = array<i32>} : memref<128x64xf32, #tpu.memory_space<vmem>>, vector<16xf32>,
          tpu.vector_store %arg12[%parallel_loop3A_328, %parallel_loop3A_329], %parallel_loop3A_327 {strides = array<i32>} : memref<128x64xf32, #tpu.memory_space<vmem>>, vector<16xf32>,
          %parallel_loop3A_331 = vector.broadcast %parallel_loop3A_143 : i32 to vector<16xi32>
          %parallel_loop3A_332 = arith.andi %parallel_loop3A_323, %parallel_loop3A_331 : vector<16xi32>
          %parallel_loop3A_333 = vector.bitcast %parallel_loop3A_332 : vector<16xi32> to vector<16xf32>
          %parallel_loop3A_334 = arith.index_cast %parallel_loop3A_304 : i32 to index
          %parallel_loop3A_335 = arith.constant 48 : index
          %parallel_loop3A_336 = tpu.vector_load %arg12[%parallel_loop3A_334, %parallel_loop3A_335] {strides = array<i32>} : memref<128x64xf32, #tpu.memory_space<vmem>>, vector<16xf32>,
          tpu.vector_store %arg12[%parallel_loop3A_334, %parallel_loop3A_335], %parallel_loop3A_333 {strides = array<i32>} : memref<128x64xf32, #tpu.memory_space<vmem>>, vector<16xf32>,
        } {sc.loop_unroll_factor = 16 : i64, sc.parallel_access}
        %dma_start3A_144 = arith.constant 3 : i32
        %dma_start3A_145 = arith.constant 1 : i32
        %dma_start3A_146 = arith.constant 0 : i32
        %dma_start3A_147 = tpu.memref_slice %arg8[%dma_start3A_144, %dma_start3A_145, %dma_start3A_146] : memref<8x2x128xi32, #tpu.memory_space<vmem>> -> memref<1x1x128xi32, #tpu.memory_space<vmem>>
        %dma_start3A_148 = tpu.memref_squeeze %dma_start3A_147 : memref<1x1x128xi32, #tpu.memory_space<vmem>> -> memref<128xi32, #tpu.memory_space<vmem>>
        %dma_start3A_149 = arith.constant 0 : i32
        %dma_start3A_150 = arith.constant 0 : i32
        %dma_start3A_151 = tpu.memref_slice %arg13[%dma_start3A_149, %dma_start3A_150] : memref<25088x64xf32, #tpu.memory_space<vmem_shared>> -> memref<25088x64xf32, #tpu.memory_space<vmem_shared>>
        tpu.enqueue_indirect_dma source(%arg12 : memref<128x64xf32, #tpu.memory_space<vmem>>) target(%dma_start3A_151 : memref<25088x64xf32, #tpu.memory_space<vmem_shared>>) offsets(%dma_start3A_148 : memref<128xi32, #tpu.memory_space<vmem>>) semaphore(%arg17 : memref<!tpu.dma_semaphore, #tpu.memory_space<semaphore_mem>>) {add = true}
        %dma_start3A_152 = arith.constant 5 : i32
        %dma_start3A_153 = arith.constant 0 : i32
        %dma_start3A_154 = arith.constant 0 : i32
        %dma_start3A_155 = tpu.memref_slice %arg8[%dma_start3A_152, %dma_start3A_153, %dma_start3A_154] : memref<8x2x128xi32, #tpu.memory_space<vmem>> -> memref<1x1x128xi32, #tpu.memory_space<vmem>>
        %dma_start3A_156 = tpu.memref_squeeze %dma_start3A_155 : memref<1x1x128xi32, #tpu.memory_space<vmem>> -> memref<128xi32, #tpu.memory_space<vmem>>
        %dma_start3A_157 = arith.constant 0 : i32
        %dma_start3A_158 = arith.constant 0 : i32
        %dma_start3A_159 = tpu.memref_slice %arg3[%dma_start3A_157, %dma_start3A_158] : memref<25088x32xi32, #tpu.memory_space<hbm>> -> memref<25088x32xi32, #tpu.memory_space<hbm>>
        tpu.enqueue_indirect_dma source(%dma_start3A_159 : memref<25088x32xi32, #tpu.memory_space<hbm>>) target(%arg10 : memref<128x32xi32, #tpu.memory_space<vmem>>) offsets(%dma_start3A_156 : memref<128xi32, #tpu.memory_space<vmem>>) semaphore(%arg15 : memref<!tpu.dma_semaphore, #tpu.memory_space<semaphore_mem>>)
        %dma_wait3A_160 = arith.constant 4 : i32
        %dma_wait3A_161 = arith.constant 0 : i32
        %dma_wait3A_162 = arith.constant 0 : i32
        %dma_wait3A_163 = tpu.memref_slice %arg8[%dma_wait3A_160, %dma_wait3A_161, %dma_wait3A_162] : memref<8x2x128xi32, #tpu.memory_space<vmem>> -> memref<1x1x128xi32, #tpu.memory_space<vmem>>
        %dma_wait3A_164 = tpu.memref_squeeze %dma_wait3A_163 : memref<1x1x128xi32, #tpu.memory_space<vmem>> -> memref<128xi32, #tpu.memory_space<vmem>>
        %dma_wait3A_165 = arith.constant 0 : i32
        %dma_wait3A_166 = arith.constant 0 : i32
        %dma_wait3A_167 = tpu.memref_slice %arg3[%dma_wait3A_165, %dma_wait3A_166] : memref<25088x32xi32, #tpu.memory_space<hbm>> -> memref<25088x32xi32, #tpu.memory_space<hbm>>
        tpu.wait_indirect_dma semaphore(%arg14 : memref<!tpu.dma_semaphore, #tpu.memory_space<semaphore_mem>>) src(%dma_wait3A_167 : memref<25088x32xi32, #tpu.memory_space<hbm>>) dst(%arg9 : memref<128x32xi32, #tpu.memory_space<vmem>>)
        %dma_wait3A_168 = arith.constant 2 : i32
        %dma_wait3A_169 = arith.constant 1 : i32
        %dma_wait3A_170 = arith.constant 0 : i32
        %dma_wait3A_171 = tpu.memref_slice %arg8[%dma_wait3A_168, %dma_wait3A_169, %dma_wait3A_170] : memref<8x2x128xi32, #tpu.memory_space<vmem>> -> memref<1x1x128xi32, #tpu.memory_space<vmem>>
        %dma_wait3A_172 = tpu.memref_squeeze %dma_wait3A_171 : memref<1x1x128xi32, #tpu.memory_space<vmem>> -> memref<128xi32, #tpu.memory_space<vmem>>
        %dma_wait3A_173 = arith.constant 0 : i32
        %dma_wait3A_174 = arith.constant 0 : i32
        %dma_wait3A_175 = tpu.memref_slice %arg13[%dma_wait3A_173, %dma_wait3A_174] : memref<25088x64xf32, #tpu.memory_space<vmem_shared>> -> memref<25088x64xf32, #tpu.memory_space<vmem_shared>>
        tpu.wait_indirect_dma semaphore(%arg16 : memref<!tpu.dma_semaphore, #tpu.memory_space<semaphore_mem>>) src(%arg11 : memref<128x64xf32, #tpu.memory_space<vmem>>) dst(%dma_wait3A_175 : memref<25088x64xf32, #tpu.memory_space<vmem_shared>>)
        %parallel_loop3A_176 = arith.constant 0 : i32
        %parallel_loop3A_177 = arith.constant 128 : i32
        %parallel_loop3A_178 = arith.constant 1 : i32
        %parallel_loop3A_179 = arith.constant -65536 : i32
        scf.for %parallel_loop3A_304 = %parallel_loop3A_176 to %parallel_loop3A_177 step %parallel_loop3A_178  : i32 {
          %parallel_loop3A_305 = arith.index_cast %parallel_loop3A_304 : i32 to index
          %parallel_loop3A_306 = arith.constant 0 : index
          %parallel_loop3A_307 = tpu.vector_load %arg9[%parallel_loop3A_305, %parallel_loop3A_306] {strides = array<i32>} : memref<128x32xi32, #tpu.memory_space<vmem>>, vector<16xi32>,
          %parallel_loop3A_308 = arith.constant 16 : i32
          %parallel_loop3A_309 = vector.broadcast %parallel_loop3A_308 : i32 to vector<16xi32>
          %parallel_loop3A_310 = arith.shli %parallel_loop3A_307, %parallel_loop3A_309 : vector<16xi32>
          %parallel_loop3A_311 = vector.bitcast %parallel_loop3A_310 : vector<16xi32> to vector<16xf32>
          %parallel_loop3A_312 = arith.index_cast %parallel_loop3A_304 : i32 to index
          %parallel_loop3A_313 = arith.constant 0 : index
          %parallel_loop3A_314 = tpu.vector_load %arg11[%parallel_loop3A_312, %parallel_loop3A_313] {strides = array<i32>} : memref<128x64xf32, #tpu.memory_space<vmem>>, vector<16xf32>,
          tpu.vector_store %arg11[%parallel_loop3A_312, %parallel_loop3A_313], %parallel_loop3A_311 {strides = array<i32>} : memref<128x64xf32, #tpu.memory_space<vmem>>, vector<16xf32>,
          %parallel_loop3A_315 = vector.broadcast %parallel_loop3A_179 : i32 to vector<16xi32>
          %parallel_loop3A_316 = arith.andi %parallel_loop3A_307, %parallel_loop3A_315 : vector<16xi32>
          %parallel_loop3A_317 = vector.bitcast %parallel_loop3A_316 : vector<16xi32> to vector<16xf32>
          %parallel_loop3A_318 = arith.index_cast %parallel_loop3A_304 : i32 to index
          %parallel_loop3A_319 = arith.constant 16 : index
          %parallel_loop3A_320 = tpu.vector_load %arg11[%parallel_loop3A_318, %parallel_loop3A_319] {strides = array<i32>} : memref<128x64xf32, #tpu.memory_space<vmem>>, vector<16xf32>,
          tpu.vector_store %arg11[%parallel_loop3A_318, %parallel_loop3A_319], %parallel_loop3A_317 {strides = array<i32>} : memref<128x64xf32, #tpu.memory_space<vmem>>, vector<16xf32>,
          %parallel_loop3A_321 = arith.index_cast %parallel_loop3A_304 : i32 to index
          %parallel_loop3A_322 = arith.constant 16 : index
          %parallel_loop3A_323 = tpu.vector_load %arg9[%parallel_loop3A_321, %parallel_loop3A_322] {strides = array<i32>} : memref<128x32xi32, #tpu.memory_space<vmem>>, vector<16xi32>,
          %parallel_loop3A_324 = arith.constant 16 : i32
          %parallel_loop3A_325 = vector.broadcast %parallel_loop3A_324 : i32 to vector<16xi32>
          %parallel_loop3A_326 = arith.shli %parallel_loop3A_323, %parallel_loop3A_325 : vector<16xi32>
          %parallel_loop3A_327 = vector.bitcast %parallel_loop3A_326 : vector<16xi32> to vector<16xf32>
          %parallel_loop3A_328 = arith.index_cast %parallel_loop3A_304 : i32 to index
          %parallel_loop3A_329 = arith.constant 32 : index
          %parallel_loop3A_330 = tpu.vector_load %arg11[%parallel_loop3A_328, %parallel_loop3A_329] {strides = array<i32>} : memref<128x64xf32, #tpu.memory_space<vmem>>, vector<16xf32>,
          tpu.vector_store %arg11[%parallel_loop3A_328, %parallel_loop3A_329], %parallel_loop3A_327 {strides = array<i32>} : memref<128x64xf32, #tpu.memory_space<vmem>>, vector<16xf32>,
          %parallel_loop3A_331 = vector.broadcast %parallel_loop3A_179 : i32 to vector<16xi32>
          %parallel_loop3A_332 = arith.andi %parallel_loop3A_323, %parallel_loop3A_331 : vector<16xi32>
          %parallel_loop3A_333 = vector.bitcast %parallel_loop3A_332 : vector<16xi32> to vector<16xf32>
          %parallel_loop3A_334 = arith.index_cast %parallel_loop3A_304 : i32 to index
          %parallel_loop3A_335 = arith.constant 48 : index
          %parallel_loop3A_336 = tpu.vector_load %arg11[%parallel_loop3A_334, %parallel_loop3A_335] {strides = array<i32>} : memref<128x64xf32, #tpu.memory_space<vmem>>, vector<16xf32>,
          tpu.vector_store %arg11[%parallel_loop3A_334, %parallel_loop3A_335], %parallel_loop3A_333 {strides = array<i32>} : memref<128x64xf32, #tpu.memory_space<vmem>>, vector<16xf32>,
        } {sc.loop_unroll_factor = 16 : i64, sc.parallel_access}
        %dma_start3A_180 = arith.constant 4 : i32
        %dma_start3A_181 = arith.constant 1 : i32
        %dma_start3A_182 = arith.constant 0 : i32
        %dma_start3A_183 = tpu.memref_slice %arg8[%dma_start3A_180, %dma_start3A_181, %dma_start3A_182] : memref<8x2x128xi32, #tpu.memory_space<vmem>> -> memref<1x1x128xi32, #tpu.memory_space<vmem>>
        %dma_start3A_184 = tpu.memref_squeeze %dma_start3A_183 : memref<1x1x128xi32, #tpu.memory_space<vmem>> -> memref<128xi32, #tpu.memory_space<vmem>>
        %dma_start3A_185 = arith.constant 0 : i32
        %dma_start3A_186 = arith.constant 0 : i32
        %dma_start3A_187 = tpu.memref_slice %arg13[%dma_start3A_185, %dma_start3A_186] : memref<25088x64xf32, #tpu.memory_space<vmem_shared>> -> memref<25088x64xf32, #tpu.memory_space<vmem_shared>>
        tpu.enqueue_indirect_dma source(%arg11 : memref<128x64xf32, #tpu.memory_space<vmem>>) target(%dma_start3A_187 : memref<25088x64xf32, #tpu.memory_space<vmem_shared>>) offsets(%dma_start3A_184 : memref<128xi32, #tpu.memory_space<vmem>>) semaphore(%arg16 : memref<!tpu.dma_semaphore, #tpu.memory_space<semaphore_mem>>) {add = true}
        %dma_start3A_188 = arith.constant 6 : i32
        %dma_start3A_189 = arith.constant 0 : i32
        %dma_start3A_190 = arith.constant 0 : i32
        %dma_start3A_191 = tpu.memref_slice %arg8[%dma_start3A_188, %dma_start3A_189, %dma_start3A_190] : memref<8x2x128xi32, #tpu.memory_space<vmem>> -> memref<1x1x128xi32, #tpu.memory_space<vmem>>
        %dma_start3A_192 = tpu.memref_squeeze %dma_start3A_191 : memref<1x1x128xi32, #tpu.memory_space<vmem>> -> memref<128xi32, #tpu.memory_space<vmem>>
        %dma_start3A_193 = arith.constant 0 : i32
        %dma_start3A_194 = arith.constant 0 : i32
        %dma_start3A_195 = tpu.memref_slice %arg3[%dma_start3A_193, %dma_start3A_194] : memref<25088x32xi32, #tpu.memory_space<hbm>> -> memref<25088x32xi32, #tpu.memory_space<hbm>>
        tpu.enqueue_indirect_dma source(%dma_start3A_195 : memref<25088x32xi32, #tpu.memory_space<hbm>>) target(%arg9 : memref<128x32xi32, #tpu.memory_space<vmem>>) offsets(%dma_start3A_192 : memref<128xi32, #tpu.memory_space<vmem>>) semaphore(%arg14 : memref<!tpu.dma_semaphore, #tpu.memory_space<semaphore_mem>>)
        %dma_wait3A_196 = arith.constant 5 : i32
        %dma_wait3A_197 = arith.constant 0 : i32
        %dma_wait3A_198 = arith.constant 0 : i32
        %dma_wait3A_199 = tpu.memref_slice %arg8[%dma_wait3A_196, %dma_wait3A_197, %dma_wait3A_198] : memref<8x2x128xi32, #tpu.memory_space<vmem>> -> memref<1x1x128xi32, #tpu.memory_space<vmem>>
        %dma_wait3A_200 = tpu.memref_squeeze %dma_wait3A_199 : memref<1x1x128xi32, #tpu.memory_space<vmem>> -> memref<128xi32, #tpu.memory_space<vmem>>
        %dma_wait3A_201 = arith.constant 0 : i32
        %dma_wait3A_202 = arith.constant 0 : i32
        %dma_wait3A_203 = tpu.memref_slice %arg3[%dma_wait3A_201, %dma_wait3A_202] : memref<25088x32xi32, #tpu.memory_space<hbm>> -> memref<25088x32xi32, #tpu.memory_space<hbm>>
        tpu.wait_indirect_dma semaphore(%arg15 : memref<!tpu.dma_semaphore, #tpu.memory_space<semaphore_mem>>) src(%dma_wait3A_203 : memref<25088x32xi32, #tpu.memory_space<hbm>>) dst(%arg10 : memref<128x32xi32, #tpu.memory_space<vmem>>)
        %dma_wait3A_204 = arith.constant 3 : i32
        %dma_wait3A_205 = arith.constant 1 : i32
        %dma_wait3A_206 = arith.constant 0 : i32
        %dma_wait3A_207 = tpu.memref_slice %arg8[%dma_wait3A_204, %dma_wait3A_205, %dma_wait3A_206] : memref<8x2x128xi32, #tpu.memory_space<vmem>> -> memref<1x1x128xi32, #tpu.memory_space<vmem>>
        %dma_wait3A_208 = tpu.memref_squeeze %dma_wait3A_207 : memref<1x1x128xi32, #tpu.memory_space<vmem>> -> memref<128xi32, #tpu.memory_space<vmem>>
        %dma_wait3A_209 = arith.constant 0 : i32
        %dma_wait3A_210 = arith.constant 0 : i32
        %dma_wait3A_211 = tpu.memref_slice %arg13[%dma_wait3A_209, %dma_wait3A_210] : memref<25088x64xf32, #tpu.memory_space<vmem_shared>> -> memref<25088x64xf32, #tpu.memory_space<vmem_shared>>
        tpu.wait_indirect_dma semaphore(%arg17 : memref<!tpu.dma_semaphore, #tpu.memory_space<semaphore_mem>>) src(%arg12 : memref<128x64xf32, #tpu.memory_space<vmem>>) dst(%dma_wait3A_211 : memref<25088x64xf32, #tpu.memory_space<vmem_shared>>)
        %parallel_loop3A_212 = arith.constant 0 : i32
        %parallel_loop3A_213 = arith.constant 128 : i32
        %parallel_loop3A_214 = arith.constant 1 : i32
        %parallel_loop3A_215 = arith.constant -65536 : i32
        scf.for %parallel_loop3A_304 = %parallel_loop3A_212 to %parallel_loop3A_213 step %parallel_loop3A_214  : i32 {
          %parallel_loop3A_305 = arith.index_cast %parallel_loop3A_304 : i32 to index
          %parallel_loop3A_306 = arith.constant 0 : index
          %parallel_loop3A_307 = tpu.vector_load %arg10[%parallel_loop3A_305, %parallel_loop3A_306] {strides = array<i32>} : memref<128x32xi32, #tpu.memory_space<vmem>>, vector<16xi32>,
          %parallel_loop3A_308 = arith.constant 16 : i32
          %parallel_loop3A_309 = vector.broadcast %parallel_loop3A_308 : i32 to vector<16xi32>
          %parallel_loop3A_310 = arith.shli %parallel_loop3A_307, %parallel_loop3A_309 : vector<16xi32>
          %parallel_loop3A_311 = vector.bitcast %parallel_loop3A_310 : vector<16xi32> to vector<16xf32>
          %parallel_loop3A_312 = arith.index_cast %parallel_loop3A_304 : i32 to index
          %parallel_loop3A_313 = arith.constant 0 : index
          %parallel_loop3A_314 = tpu.vector_load %arg12[%parallel_loop3A_312, %parallel_loop3A_313] {strides = array<i32>} : memref<128x64xf32, #tpu.memory_space<vmem>>, vector<16xf32>,
          tpu.vector_store %arg12[%parallel_loop3A_312, %parallel_loop3A_313], %parallel_loop3A_311 {strides = array<i32>} : memref<128x64xf32, #tpu.memory_space<vmem>>, vector<16xf32>,
          %parallel_loop3A_315 = vector.broadcast %parallel_loop3A_215 : i32 to vector<16xi32>
          %parallel_loop3A_316 = arith.andi %parallel_loop3A_307, %parallel_loop3A_315 : vector<16xi32>
          %parallel_loop3A_317 = vector.bitcast %parallel_loop3A_316 : vector<16xi32> to vector<16xf32>
          %parallel_loop3A_318 = arith.index_cast %parallel_loop3A_304 : i32 to index
          %parallel_loop3A_319 = arith.constant 16 : index
          %parallel_loop3A_320 = tpu.vector_load %arg12[%parallel_loop3A_318, %parallel_loop3A_319] {strides = array<i32>} : memref<128x64xf32, #tpu.memory_space<vmem>>, vector<16xf32>,
          tpu.vector_store %arg12[%parallel_loop3A_318, %parallel_loop3A_319], %parallel_loop3A_317 {strides = array<i32>} : memref<128x64xf32, #tpu.memory_space<vmem>>, vector<16xf32>,
          %parallel_loop3A_321 = arith.index_cast %parallel_loop3A_304 : i32 to index
          %parallel_loop3A_322 = arith.constant 16 : index
          %parallel_loop3A_323 = tpu.vector_load %arg10[%parallel_loop3A_321, %parallel_loop3A_322] {strides = array<i32>} : memref<128x32xi32, #tpu.memory_space<vmem>>, vector<16xi32>,
          %parallel_loop3A_324 = arith.constant 16 : i32
          %parallel_loop3A_325 = vector.broadcast %parallel_loop3A_324 : i32 to vector<16xi32>
          %parallel_loop3A_326 = arith.shli %parallel_loop3A_323, %parallel_loop3A_325 : vector<16xi32>
          %parallel_loop3A_327 = vector.bitcast %parallel_loop3A_326 : vector<16xi32> to vector<16xf32>
          %parallel_loop3A_328 = arith.index_cast %parallel_loop3A_304 : i32 to index
          %parallel_loop3A_329 = arith.constant 32 : index
          %parallel_loop3A_330 = tpu.vector_load %arg12[%parallel_loop3A_328, %parallel_loop3A_329] {strides = array<i32>} : memref<128x64xf32, #tpu.memory_space<vmem>>, vector<16xf32>,
          tpu.vector_store %arg12[%parallel_loop3A_328, %parallel_loop3A_329], %parallel_loop3A_327 {strides = array<i32>} : memref<128x64xf32, #tpu.memory_space<vmem>>, vector<16xf32>,
          %parallel_loop3A_331 = vector.broadcast %parallel_loop3A_215 : i32 to vector<16xi32>
          %parallel_loop3A_332 = arith.andi %parallel_loop3A_323, %parallel_loop3A_331 : vector<16xi32>
          %parallel_loop3A_333 = vector.bitcast %parallel_loop3A_332 : vector<16xi32> to vector<16xf32>
          %parallel_loop3A_334 = arith.index_cast %parallel_loop3A_304 : i32 to index
          %parallel_loop3A_335 = arith.constant 48 : index
          %parallel_loop3A_336 = tpu.vector_load %arg12[%parallel_loop3A_334, %parallel_loop3A_335] {strides = array<i32>} : memref<128x64xf32, #tpu.memory_space<vmem>>, vector<16xf32>,
          tpu.vector_store %arg12[%parallel_loop3A_334, %parallel_loop3A_335], %parallel_loop3A_333 {strides = array<i32>} : memref<128x64xf32, #tpu.memory_space<vmem>>, vector<16xf32>,
        } {sc.loop_unroll_factor = 16 : i64, sc.parallel_access}
        %dma_start3A_216 = arith.constant 5 : i32
        %dma_start3A_217 = arith.constant 1 : i32
        %dma_start3A_218 = arith.constant 0 : i32
        %dma_start3A_219 = tpu.memref_slice %arg8[%dma_start3A_216, %dma_start3A_217, %dma_start3A_218] : memref<8x2x128xi32, #tpu.memory_space<vmem>> -> memref<1x1x128xi32, #tpu.memory_space<vmem>>
        %dma_start3A_220 = tpu.memref_squeeze %dma_start3A_219 : memref<1x1x128xi32, #tpu.memory_space<vmem>> -> memref<128xi32, #tpu.memory_space<vmem>>
        %dma_start3A_221 = arith.constant 0 : i32
        %dma_start3A_222 = arith.constant 0 : i32
        %dma_start3A_223 = tpu.memref_slice %arg13[%dma_start3A_221, %dma_start3A_222] : memref<25088x64xf32, #tpu.memory_space<vmem_shared>> -> memref<25088x64xf32, #tpu.memory_space<vmem_shared>>
        tpu.enqueue_indirect_dma source(%arg12 : memref<128x64xf32, #tpu.memory_space<vmem>>) target(%dma_start3A_223 : memref<25088x64xf32, #tpu.memory_space<vmem_shared>>) offsets(%dma_start3A_220 : memref<128xi32, #tpu.memory_space<vmem>>) semaphore(%arg17 : memref<!tpu.dma_semaphore, #tpu.memory_space<semaphore_mem>>) {add = true}
        %dma_start3A_224 = arith.constant 7 : i32
        %dma_start3A_225 = arith.constant 0 : i32
        %dma_start3A_226 = arith.constant 0 : i32
        %dma_start3A_227 = tpu.memref_slice %arg8[%dma_start3A_224, %dma_start3A_225, %dma_start3A_226] : memref<8x2x128xi32, #tpu.memory_space<vmem>> -> memref<1x1x128xi32, #tpu.memory_space<vmem>>
        %dma_start3A_228 = tpu.memref_squeeze %dma_start3A_227 : memref<1x1x128xi32, #tpu.memory_space<vmem>> -> memref<128xi32, #tpu.memory_space<vmem>>
        %dma_start3A_229 = arith.constant 0 : i32
        %dma_start3A_230 = arith.constant 0 : i32
        %dma_start3A_231 = tpu.memref_slice %arg3[%dma_start3A_229, %dma_start3A_230] : memref<25088x32xi32, #tpu.memory_space<hbm>> -> memref<25088x32xi32, #tpu.memory_space<hbm>>
        tpu.enqueue_indirect_dma source(%dma_start3A_231 : memref<25088x32xi32, #tpu.memory_space<hbm>>) target(%arg10 : memref<128x32xi32, #tpu.memory_space<vmem>>) offsets(%dma_start3A_228 : memref<128xi32, #tpu.memory_space<vmem>>) semaphore(%arg15 : memref<!tpu.dma_semaphore, #tpu.memory_space<semaphore_mem>>)
        %dma_wait3A_232 = arith.constant 6 : i32
        %dma_wait3A_233 = arith.constant 0 : i32
        %dma_wait3A_234 = arith.constant 0 : i32
        %dma_wait3A_235 = tpu.memref_slice %arg8[%dma_wait3A_232, %dma_wait3A_233, %dma_wait3A_234] : memref<8x2x128xi32, #tpu.memory_space<vmem>> -> memref<1x1x128xi32, #tpu.memory_space<vmem>>
        %dma_wait3A_236 = tpu.memref_squeeze %dma_wait3A_235 : memref<1x1x128xi32, #tpu.memory_space<vmem>> -> memref<128xi32, #tpu.memory_space<vmem>>
        %dma_wait3A_237 = arith.constant 0 : i32
        %dma_wait3A_238 = arith.constant 0 : i32
        %dma_wait3A_239 = tpu.memref_slice %arg3[%dma_wait3A_237, %dma_wait3A_238] : memref<25088x32xi32, #tpu.memory_space<hbm>> -> memref<25088x32xi32, #tpu.memory_space<hbm>>
        tpu.wait_indirect_dma semaphore(%arg14 : memref<!tpu.dma_semaphore, #tpu.memory_space<semaphore_mem>>) src(%dma_wait3A_239 : memref<25088x32xi32, #tpu.memory_space<hbm>>) dst(%arg9 : memref<128x32xi32, #tpu.memory_space<vmem>>)
        %dma_wait3A_240 = arith.constant 4 : i32
        %dma_wait3A_241 = arith.constant 1 : i32
        %dma_wait3A_242 = arith.constant 0 : i32
        %dma_wait3A_243 = tpu.memref_slice %arg8[%dma_wait3A_240, %dma_wait3A_241, %dma_wait3A_242] : memref<8x2x128xi32, #tpu.memory_space<vmem>> -> memref<1x1x128xi32, #tpu.memory_space<vmem>>
        %dma_wait3A_244 = tpu.memref_squeeze %dma_wait3A_243 : memref<1x1x128xi32, #tpu.memory_space<vmem>> -> memref<128xi32, #tpu.memory_space<vmem>>
        %dma_wait3A_245 = arith.constant 0 : i32
        %dma_wait3A_246 = arith.constant 0 : i32
        %dma_wait3A_247 = tpu.memref_slice %arg13[%dma_wait3A_245, %dma_wait3A_246] : memref<25088x64xf32, #tpu.memory_space<vmem_shared>> -> memref<25088x64xf32, #tpu.memory_space<vmem_shared>>
        tpu.wait_indirect_dma semaphore(%arg16 : memref<!tpu.dma_semaphore, #tpu.memory_space<semaphore_mem>>) src(%arg11 : memref<128x64xf32, #tpu.memory_space<vmem>>) dst(%dma_wait3A_247 : memref<25088x64xf32, #tpu.memory_space<vmem_shared>>)
        %parallel_loop3A_248 = arith.constant 0 : i32
        %parallel_loop3A_249 = arith.constant 128 : i32
        %parallel_loop3A_250 = arith.constant 1 : i32
        %parallel_loop3A_251 = arith.constant -65536 : i32
        scf.for %parallel_loop3A_304 = %parallel_loop3A_248 to %parallel_loop3A_249 step %parallel_loop3A_250  : i32 {
          %parallel_loop3A_305 = arith.index_cast %parallel_loop3A_304 : i32 to index
          %parallel_loop3A_306 = arith.constant 0 : index
          %parallel_loop3A_307 = tpu.vector_load %arg9[%parallel_loop3A_305, %parallel_loop3A_306] {strides = array<i32>} : memref<128x32xi32, #tpu.memory_space<vmem>>, vector<16xi32>,
          %parallel_loop3A_308 = arith.constant 16 : i32
          %parallel_loop3A_309 = vector.broadcast %parallel_loop3A_308 : i32 to vector<16xi32>
          %parallel_loop3A_310 = arith.shli %parallel_loop3A_307, %parallel_loop3A_309 : vector<16xi32>
          %parallel_loop3A_311 = vector.bitcast %parallel_loop3A_310 : vector<16xi32> to vector<16xf32>
          %parallel_loop3A_312 = arith.index_cast %parallel_loop3A_304 : i32 to index
          %parallel_loop3A_313 = arith.constant 0 : index
          %parallel_loop3A_314 = tpu.vector_load %arg11[%parallel_loop3A_312, %parallel_loop3A_313] {strides = array<i32>} : memref<128x64xf32, #tpu.memory_space<vmem>>, vector<16xf32>,
          tpu.vector_store %arg11[%parallel_loop3A_312, %parallel_loop3A_313], %parallel_loop3A_311 {strides = array<i32>} : memref<128x64xf32, #tpu.memory_space<vmem>>, vector<16xf32>,
          %parallel_loop3A_315 = vector.broadcast %parallel_loop3A_251 : i32 to vector<16xi32>
          %parallel_loop3A_316 = arith.andi %parallel_loop3A_307, %parallel_loop3A_315 : vector<16xi32>
          %parallel_loop3A_317 = vector.bitcast %parallel_loop3A_316 : vector<16xi32> to vector<16xf32>
          %parallel_loop3A_318 = arith.index_cast %parallel_loop3A_304 : i32 to index
          %parallel_loop3A_319 = arith.constant 16 : index
          %parallel_loop3A_320 = tpu.vector_load %arg11[%parallel_loop3A_318, %parallel_loop3A_319] {strides = array<i32>} : memref<128x64xf32, #tpu.memory_space<vmem>>, vector<16xf32>,
          tpu.vector_store %arg11[%parallel_loop3A_318, %parallel_loop3A_319], %parallel_loop3A_317 {strides = array<i32>} : memref<128x64xf32, #tpu.memory_space<vmem>>, vector<16xf32>,
          %parallel_loop3A_321 = arith.index_cast %parallel_loop3A_304 : i32 to index
          %parallel_loop3A_322 = arith.constant 16 : index
          %parallel_loop3A_323 = tpu.vector_load %arg9[%parallel_loop3A_321, %parallel_loop3A_322] {strides = array<i32>} : memref<128x32xi32, #tpu.memory_space<vmem>>, vector<16xi32>,
          %parallel_loop3A_324 = arith.constant 16 : i32
          %parallel_loop3A_325 = vector.broadcast %parallel_loop3A_324 : i32 to vector<16xi32>
          %parallel_loop3A_326 = arith.shli %parallel_loop3A_323, %parallel_loop3A_325 : vector<16xi32>
          %parallel_loop3A_327 = vector.bitcast %parallel_loop3A_326 : vector<16xi32> to vector<16xf32>
          %parallel_loop3A_328 = arith.index_cast %parallel_loop3A_304 : i32 to index
          %parallel_loop3A_329 = arith.constant 32 : index
          %parallel_loop3A_330 = tpu.vector_load %arg11[%parallel_loop3A_328, %parallel_loop3A_329] {strides = array<i32>} : memref<128x64xf32, #tpu.memory_space<vmem>>, vector<16xf32>,
          tpu.vector_store %arg11[%parallel_loop3A_328, %parallel_loop3A_329], %parallel_loop3A_327 {strides = array<i32>} : memref<128x64xf32, #tpu.memory_space<vmem>>, vector<16xf32>,
          %parallel_loop3A_331 = vector.broadcast %parallel_loop3A_251 : i32 to vector<16xi32>
          %parallel_loop3A_332 = arith.andi %parallel_loop3A_323, %parallel_loop3A_331 : vector<16xi32>
          %parallel_loop3A_333 = vector.bitcast %parallel_loop3A_332 : vector<16xi32> to vector<16xf32>
          %parallel_loop3A_334 = arith.index_cast %parallel_loop3A_304 : i32 to index
          %parallel_loop3A_335 = arith.constant 48 : index
          %parallel_loop3A_336 = tpu.vector_load %arg11[%parallel_loop3A_334, %parallel_loop3A_335] {strides = array<i32>} : memref<128x64xf32, #tpu.memory_space<vmem>>, vector<16xf32>,
          tpu.vector_store %arg11[%parallel_loop3A_334, %parallel_loop3A_335], %parallel_loop3A_333 {strides = array<i32>} : memref<128x64xf32, #tpu.memory_space<vmem>>, vector<16xf32>,
        } {sc.loop_unroll_factor = 16 : i64, sc.parallel_access}
        %dma_start3A_252 = arith.constant 6 : i32
        %dma_start3A_253 = arith.constant 1 : i32
        %dma_start3A_254 = arith.constant 0 : i32
        %dma_start3A_255 = tpu.memref_slice %arg8[%dma_start3A_252, %dma_start3A_253, %dma_start3A_254] : memref<8x2x128xi32, #tpu.memory_space<vmem>> -> memref<1x1x128xi32, #tpu.memory_space<vmem>>
        %dma_start3A_256 = tpu.memref_squeeze %dma_start3A_255 : memref<1x1x128xi32, #tpu.memory_space<vmem>> -> memref<128xi32, #tpu.memory_space<vmem>>
        %dma_start3A_257 = arith.constant 0 : i32
        %dma_start3A_258 = arith.constant 0 : i32
        %dma_start3A_259 = tpu.memref_slice %arg13[%dma_start3A_257, %dma_start3A_258] : memref<25088x64xf32, #tpu.memory_space<vmem_shared>> -> memref<25088x64xf32, #tpu.memory_space<vmem_shared>>
        tpu.enqueue_indirect_dma source(%arg11 : memref<128x64xf32, #tpu.memory_space<vmem>>) target(%dma_start3A_259 : memref<25088x64xf32, #tpu.memory_space<vmem_shared>>) offsets(%dma_start3A_256 : memref<128xi32, #tpu.memory_space<vmem>>) semaphore(%arg16 : memref<!tpu.dma_semaphore, #tpu.memory_space<semaphore_mem>>) {add = true}
        %dma_wait3A_260 = arith.constant 7 : i32
        %dma_wait3A_261 = arith.constant 0 : i32
        %dma_wait3A_262 = arith.constant 0 : i32
        %dma_wait3A_263 = tpu.memref_slice %arg8[%dma_wait3A_260, %dma_wait3A_261, %dma_wait3A_262] : memref<8x2x128xi32, #tpu.memory_space<vmem>> -> memref<1x1x128xi32, #tpu.memory_space<vmem>>
        %dma_wait3A_264 = tpu.memref_squeeze %dma_wait3A_263 : memref<1x1x128xi32, #tpu.memory_space<vmem>> -> memref<128xi32, #tpu.memory_space<vmem>>
        %dma_wait3A_265 = arith.constant 0 : i32
        %dma_wait3A_266 = arith.constant 0 : i32
        %dma_wait3A_267 = tpu.memref_slice %arg3[%dma_wait3A_265, %dma_wait3A_266] : memref<25088x32xi32, #tpu.memory_space<hbm>> -> memref<25088x32xi32, #tpu.memory_space<hbm>>
        tpu.wait_indirect_dma semaphore(%arg15 : memref<!tpu.dma_semaphore, #tpu.memory_space<semaphore_mem>>) src(%dma_wait3A_267 : memref<25088x32xi32, #tpu.memory_space<hbm>>) dst(%arg10 : memref<128x32xi32, #tpu.memory_space<vmem>>)
        %dma_wait3A_268 = arith.constant 5 : i32
        %dma_wait3A_269 = arith.constant 1 : i32
        %dma_wait3A_270 = arith.constant 0 : i32
        %dma_wait3A_271 = tpu.memref_slice %arg8[%dma_wait3A_268, %dma_wait3A_269, %dma_wait3A_270] : memref<8x2x128xi32, #tpu.memory_space<vmem>> -> memref<1x1x128xi32, #tpu.memory_space<vmem>>
        %dma_wait3A_272 = tpu.memref_squeeze %dma_wait3A_271 : memref<1x1x128xi32, #tpu.memory_space<vmem>> -> memref<128xi32, #tpu.memory_space<vmem>>
        %dma_wait3A_273 = arith.constant 0 : i32
        %dma_wait3A_274 = arith.constant 0 : i32
        %dma_wait3A_275 = tpu.memref_slice %arg13[%dma_wait3A_273, %dma_wait3A_274] : memref<25088x64xf32, #tpu.memory_space<vmem_shared>> -> memref<25088x64xf32, #tpu.memory_space<vmem_shared>>
        tpu.wait_indirect_dma semaphore(%arg17 : memref<!tpu.dma_semaphore, #tpu.memory_space<semaphore_mem>>) src(%arg12 : memref<128x64xf32, #tpu.memory_space<vmem>>) dst(%dma_wait3A_275 : memref<25088x64xf32, #tpu.memory_space<vmem_shared>>)
        %parallel_loop3A_276 = arith.constant 0 : i32
        %parallel_loop3A_277 = arith.constant 128 : i32
        %parallel_loop3A_278 = arith.constant 1 : i32
        %parallel_loop3A_279 = arith.constant -65536 : i32
        scf.for %parallel_loop3A_304 = %parallel_loop3A_276 to %parallel_loop3A_277 step %parallel_loop3A_278  : i32 {
          %parallel_loop3A_305 = arith.index_cast %parallel_loop3A_304 : i32 to index
          %parallel_loop3A_306 = arith.constant 0 : index
          %parallel_loop3A_307 = tpu.vector_load %arg10[%parallel_loop3A_305, %parallel_loop3A_306] {strides = array<i32>} : memref<128x32xi32, #tpu.memory_space<vmem>>, vector<16xi32>,
          %parallel_loop3A_308 = arith.constant 16 : i32
          %parallel_loop3A_309 = vector.broadcast %parallel_loop3A_308 : i32 to vector<16xi32>
          %parallel_loop3A_310 = arith.shli %parallel_loop3A_307, %parallel_loop3A_309 : vector<16xi32>
          %parallel_loop3A_311 = vector.bitcast %parallel_loop3A_310 : vector<16xi32> to vector<16xf32>
          %parallel_loop3A_312 = arith.index_cast %parallel_loop3A_304 : i32 to index
          %parallel_loop3A_313 = arith.constant 0 : index
          %parallel_loop3A_314 = tpu.vector_load %arg12[%parallel_loop3A_312, %parallel_loop3A_313] {strides = array<i32>} : memref<128x64xf32, #tpu.memory_space<vmem>>, vector<16xf32>,
          tpu.vector_store %arg12[%parallel_loop3A_312, %parallel_loop3A_313], %parallel_loop3A_311 {strides = array<i32>} : memref<128x64xf32, #tpu.memory_space<vmem>>, vector<16xf32>,
          %parallel_loop3A_315 = vector.broadcast %parallel_loop3A_279 : i32 to vector<16xi32>
          %parallel_loop3A_316 = arith.andi %parallel_loop3A_307, %parallel_loop3A_315 : vector<16xi32>
          %parallel_loop3A_317 = vector.bitcast %parallel_loop3A_316 : vector<16xi32> to vector<16xf32>
          %parallel_loop3A_318 = arith.index_cast %parallel_loop3A_304 : i32 to index
          %parallel_loop3A_319 = arith.constant 16 : index
          %parallel_loop3A_320 = tpu.vector_load %arg12[%parallel_loop3A_318, %parallel_loop3A_319] {strides = array<i32>} : memref<128x64xf32, #tpu.memory_space<vmem>>, vector<16xf32>,
          tpu.vector_store %arg12[%parallel_loop3A_318, %parallel_loop3A_319], %parallel_loop3A_317 {strides = array<i32>} : memref<128x64xf32, #tpu.memory_space<vmem>>, vector<16xf32>,
          %parallel_loop3A_321 = arith.index_cast %parallel_loop3A_304 : i32 to index
          %parallel_loop3A_322 = arith.constant 16 : index
          %parallel_loop3A_323 = tpu.vector_load %arg10[%parallel_loop3A_321, %parallel_loop3A_322] {strides = array<i32>} : memref<128x32xi32, #tpu.memory_space<vmem>>, vector<16xi32>,
          %parallel_loop3A_324 = arith.constant 16 : i32
          %parallel_loop3A_325 = vector.broadcast %parallel_loop3A_324 : i32 to vector<16xi32>
          %parallel_loop3A_326 = arith.shli %parallel_loop3A_323, %parallel_loop3A_325 : vector<16xi32>
          %parallel_loop3A_327 = vector.bitcast %parallel_loop3A_326 : vector<16xi32> to vector<16xf32>
          %parallel_loop3A_328 = arith.index_cast %parallel_loop3A_304 : i32 to index
          %parallel_loop3A_329 = arith.constant 32 : index
          %parallel_loop3A_330 = tpu.vector_load %arg12[%parallel_loop3A_328, %parallel_loop3A_329] {strides = array<i32>} : memref<128x64xf32, #tpu.memory_space<vmem>>, vector<16xf32>,
          tpu.vector_store %arg12[%parallel_loop3A_328, %parallel_loop3A_329], %parallel_loop3A_327 {strides = array<i32>} : memref<128x64xf32, #tpu.memory_space<vmem>>, vector<16xf32>,
          %parallel_loop3A_331 = vector.broadcast %parallel_loop3A_279 : i32 to vector<16xi32>
          %parallel_loop3A_332 = arith.andi %parallel_loop3A_323, %parallel_loop3A_331 : vector<16xi32>
          %parallel_loop3A_333 = vector.bitcast %parallel_loop3A_332 : vector<16xi32> to vector<16xf32>
          %parallel_loop3A_334 = arith.index_cast %parallel_loop3A_304 : i32 to index
          %parallel_loop3A_335 = arith.constant 48 : index
          %parallel_loop3A_336 = tpu.vector_load %arg12[%parallel_loop3A_334, %parallel_loop3A_335] {strides = array<i32>} : memref<128x64xf32, #tpu.memory_space<vmem>>, vector<16xf32>,
          tpu.vector_store %arg12[%parallel_loop3A_334, %parallel_loop3A_335], %parallel_loop3A_333 {strides = array<i32>} : memref<128x64xf32, #tpu.memory_space<vmem>>, vector<16xf32>,
        } {sc.loop_unroll_factor = 16 : i64, sc.parallel_access}
        %dma_start3A_280 = arith.constant 7 : i32
        %dma_start3A_281 = arith.constant 1 : i32
        %dma_start3A_282 = arith.constant 0 : i32
        %dma_start3A_283 = tpu.memref_slice %arg8[%dma_start3A_280, %dma_start3A_281, %dma_start3A_282] : memref<8x2x128xi32, #tpu.memory_space<vmem>> -> memref<1x1x128xi32, #tpu.memory_space<vmem>>
        %dma_start3A_284 = tpu.memref_squeeze %dma_start3A_283 : memref<1x1x128xi32, #tpu.memory_space<vmem>> -> memref<128xi32, #tpu.memory_space<vmem>>
        %dma_start3A_285 = arith.constant 0 : i32
        %dma_start3A_286 = arith.constant 0 : i32
        %dma_start3A_287 = tpu.memref_slice %arg13[%dma_start3A_285, %dma_start3A_286] : memref<25088x64xf32, #tpu.memory_space<vmem_shared>> -> memref<25088x64xf32, #tpu.memory_space<vmem_shared>>
        tpu.enqueue_indirect_dma source(%arg12 : memref<128x64xf32, #tpu.memory_space<vmem>>) target(%dma_start3A_287 : memref<25088x64xf32, #tpu.memory_space<vmem_shared>>) offsets(%dma_start3A_284 : memref<128xi32, #tpu.memory_space<vmem>>) semaphore(%arg17 : memref<!tpu.dma_semaphore, #tpu.memory_space<semaphore_mem>>) {add = true}
        %dma_wait3A_288 = arith.constant 6 : i32
        %dma_wait3A_289 = arith.constant 1 : i32
        %dma_wait3A_290 = arith.constant 0 : i32
        %dma_wait3A_291 = tpu.memref_slice %arg8[%dma_wait3A_288, %dma_wait3A_289, %dma_wait3A_290] : memref<8x2x128xi32, #tpu.memory_space<vmem>> -> memref<1x1x128xi32, #tpu.memory_space<vmem>>
        %dma_wait3A_292 = tpu.memref_squeeze %dma_wait3A_291 : memref<1x1x128xi32, #tpu.memory_space<vmem>> -> memref<128xi32, #tpu.memory_space<vmem>>
        %dma_wait3A_293 = arith.constant 0 : i32
        %dma_wait3A_294 = arith.constant 0 : i32
        %dma_wait3A_295 = tpu.memref_slice %arg13[%dma_wait3A_293, %dma_wait3A_294] : memref<25088x64xf32, #tpu.memory_space<vmem_shared>> -> memref<25088x64xf32, #tpu.memory_space<vmem_shared>>
        tpu.wait_indirect_dma semaphore(%arg16 : memref<!tpu.dma_semaphore, #tpu.memory_space<semaphore_mem>>) src(%arg11 : memref<128x64xf32, #tpu.memory_space<vmem>>) dst(%dma_wait3A_295 : memref<25088x64xf32, #tpu.memory_space<vmem_shared>>)
        %dma_wait3A_296 = arith.constant 7 : i32
        %dma_wait3A_297 = arith.constant 1 : i32
        %dma_wait3A_298 = arith.constant 0 : i32
        %dma_wait3A_299 = tpu.memref_slice %arg8[%dma_wait3A_296, %dma_wait3A_297, %dma_wait3A_298] : memref<8x2x128xi32, #tpu.memory_space<vmem>> -> memref<1x1x128xi32, #tpu.memory_space<vmem>>
        %dma_wait3A_300 = tpu.memref_squeeze %dma_wait3A_299 : memref<1x1x128xi32, #tpu.memory_space<vmem>> -> memref<128xi32, #tpu.memory_space<vmem>>
        %dma_wait3A_301 = arith.constant 0 : i32
        %dma_wait3A_302 = arith.constant 0 : i32
        %dma_wait3A_303 = tpu.memref_slice %arg13[%dma_wait3A_301, %dma_wait3A_302] : memref<25088x64xf32, #tpu.memory_space<vmem_shared>> -> memref<25088x64xf32, #tpu.memory_space<vmem_shared>>
        tpu.wait_indirect_dma semaphore(%arg17 : memref<!tpu.dma_semaphore, #tpu.memory_space<semaphore_mem>>) src(%arg12 : memref<128x64xf32, #tpu.memory_space<vmem>>) dst(%dma_wait3A_303 : memref<25088x64xf32, #tpu.memory_space<vmem_shared>>)
      }
      %scan3A_14 = arith.constant 25 : i32
      %barrier3A_15 = arith.constant 0 : index
      tpu.barrier barrier_id(%barrier3A_15)
      "tpu.region"() ({
        %run_scoped3A = tpu.sem_alloc : memref<!tpu.dma_semaphore, #tpu.memory_space<semaphore_mem>>
        %dma_start3A = arith.constant 64 : i32
        %dma_start3A_16 = tpu.memref_slice %arg7[%mul3A_7, %dma_start3A] : memref<25088x128xf32, #tpu.memory_space<hbm>> -> memref<1568x64xf32, #tpu.memory_space<hbm>>
        %dma_start3A_17 = arith.constant 0 : i32
        %dma_start3A_18 = tpu.memref_slice %arg13[%mul3A_7, %dma_start3A_17] : memref<25088x64xf32, #tpu.memory_space<vmem_shared>> -> memref<1568x64xf32, #tpu.memory_space<vmem_shared>>
        tpu.enqueue_dma source(%dma_start3A_18 : memref<1568x64xf32, #tpu.memory_space<vmem_shared>>) target(%dma_start3A_16 : memref<1568x64xf32, #tpu.memory_space<hbm>>) target_semaphore(%run_scoped3A : memref<!tpu.dma_semaphore, #tpu.memory_space<semaphore_mem>>)
        %dma_wait3A = arith.constant 64 : i32
        %dma_wait3A_19 = tpu.memref_slice %arg7[%mul3A_7, %dma_wait3A] : memref<25088x128xf32, #tpu.memory_space<hbm>> -> memref<1568x64xf32, #tpu.memory_space<hbm>>
        %dma_wait3A_20 = arith.constant 0 : i32
        %dma_wait3A_21 = tpu.memref_slice %arg13[%mul3A_7, %dma_wait3A_20] : memref<25088x64xf32, #tpu.memory_space<vmem_shared>> -> memref<1568x64xf32, #tpu.memory_space<vmem_shared>>
        tpu.wait_dma2 semaphore(%run_scoped3A : memref<!tpu.dma_semaphore, #tpu.memory_space<semaphore_mem>>) src(%dma_wait3A_21 : memref<1568x64xf32, #tpu.memory_space<vmem_shared>>) dst(%dma_wait3A_19 : memref<1568x64xf32, #tpu.memory_space<hbm>>)
        tpu.yield
      }) : () -> ()
    } else {
    }
    return
  }
}

module attributes {stable_mosaic.version = 14 : i64} {
  func.func @_tc_pre_body(%arg0: i32, %arg1: memref<3136x128xf32, #tpu.memory_space<vmem>>, %arg2: memref<3136x128xf32, #tpu.memory_space<vmem>>, %arg3: memref<32x128xf32, #tpu.memory_space<vmem>>, %arg4: memref<32x128xf32, #tpu.memory_space<vmem>>, %arg5: memref<32x128xf32, #tpu.memory_space<vmem>>, %arg6: memref<32x128xf32, #tpu.memory_space<vmem>>, %arg7: memref<64x128xf32, #tpu.memory_space<vmem>>, %arg8: memref<64x128xf32, #tpu.memory_space<vmem>>, %arg9: memref<1x64xf32, #tpu.memory_space<vmem>>, %arg10: memref<1x64xf32, #tpu.memory_space<vmem>>, %arg11: memref<3136x32xi32, #tpu.memory_space<vmem>>, %arg12: memref<3136x32xi32, #tpu.memory_space<vmem>>, %arg13: memref<3136x128xf32, #tpu.memory_space<vmem>>) attributes {dimension_semantics = [#tpu.dimension_semantics<arbitrary>], iteration_bounds = array<i64: 8>, scalar_prefetch = 0 : i64, scratch_operands = 0 : i64, tpu.core_type = #tpu.core_type<tc>, window_params = [{transform_indices = @transform_0, window_bounds = array<i64: 3136, 128>}, {transform_indices = @transform_1, window_bounds = array<i64: 3136, 128>}, {pipeline_mode = #tpu.pipeline_mode<synchronous>, transform_indices = @transform_2, window_bounds = array<i64: 32, 128>}, {pipeline_mode = #tpu.pipeline_mode<synchronous>, transform_indices = @transform_3, window_bounds = array<i64: 32, 128>}, {pipeline_mode = #tpu.pipeline_mode<synchronous>, transform_indices = @transform_4, window_bounds = array<i64: 32, 128>}, {pipeline_mode = #tpu.pipeline_mode<synchronous>, transform_indices = @transform_5, window_bounds = array<i64: 32, 128>}, {pipeline_mode = #tpu.pipeline_mode<synchronous>, transform_indices = @transform_6, window_bounds = array<i64: 64, 128>}, {pipeline_mode = #tpu.pipeline_mode<synchronous>, transform_indices = @transform_7, window_bounds = array<i64: 64, 128>}, {pipeline_mode = #tpu.pipeline_mode<synchronous>, transform_indices = @transform_8, window_bounds = array<i64: 1, 64>}, {pipeline_mode = #tpu.pipeline_mode<synchronous>, transform_indices = @transform_9, window_bounds = array<i64: 1, 64>}, {transform_indices = @transform_10, window_bounds = array<i64: 3136, 32>}, {transform_indices = @transform_11, window_bounds = array<i64: 3136, 32>}, {transform_indices = @transform_12, window_bounds = array<i64: 3136, 128>}]} {
    %get3A = arith.constant 0 : index
    %get3A_0 = arith.constant 0 : index
    %get3A_1 = vector.load %arg1[%get3A, %get3A_0] : memref<3136x128xf32, #tpu.memory_space<vmem>>, vector<3136x128xf32>
    %get3A_2 = arith.constant 0 : index
    %get3A_3 = arith.constant 0 : index
    %get3A_4 = vector.load %arg2[%get3A_2, %get3A_3] : memref<3136x128xf32, #tpu.memory_space<vmem>>, vector<3136x128xf32>
    %get3A_5 = arith.constant 0 : index
    %get3A_6 = arith.constant 0 : index
    %get3A_7 = vector.load %arg3[%get3A_5, %get3A_6] : memref<32x128xf32, #tpu.memory_space<vmem>>, vector<32x128xf32>
    %dot_general3A = arith.constant dense<0.000000e+00> : vector<3136x32xf32>
    %dot_general3A_8 = tpu.matmul %get3A_1, %get3A_7, %dot_general3A {dimension_numbers = #tpu.dot_dimension_numbers<[1], [1], [0], [0], [0, 0, 1, 0], [], []>, transpose_lhs_hint = false} : vector<3136x128xf32>, vector<32x128xf32>, vector<3136x32xf32> -> vector<3136x32xf32>
    %get3A_9 = arith.constant 0 : index
    %get3A_10 = arith.constant 0 : index
    %get3A_11 = vector.load %arg4[%get3A_9, %get3A_10] : memref<32x128xf32, #tpu.memory_space<vmem>>, vector<32x128xf32>
    %dot_general3A_12 = arith.constant dense<0.000000e+00> : vector<3136x32xf32>
    %dot_general3A_13 = tpu.matmul %get3A_1, %get3A_11, %dot_general3A_12 {dimension_numbers = #tpu.dot_dimension_numbers<[1], [1], [0], [0], [0, 0, 1, 0], [], []>, transpose_lhs_hint = false} : vector<3136x128xf32>, vector<32x128xf32>, vector<3136x32xf32> -> vector<3136x32xf32>
    %convert_element_type3A = arith.truncf %dot_general3A_8 : vector<3136x32xf32> to vector<3136x32xbf16>
    %bitcast_convert_type3A = tpu.bitcast %convert_element_type3A : vector<3136x32xbf16> -> vector<3136x32xi16>
    %convert_element_type3A_14 = arith.extui %bitcast_convert_type3A : vector<3136x32xi16> to vector<3136x32xi32>
    %convert_element_type3A_15 = arith.truncf %dot_general3A_13 : vector<3136x32xf32> to vector<3136x32xbf16>
    %bitcast_convert_type3A_16 = tpu.bitcast %convert_element_type3A_15 : vector<3136x32xbf16> -> vector<3136x32xi16>
    %convert_element_type3A_17 = arith.extui %bitcast_convert_type3A_16 : vector<3136x32xi16> to vector<3136x32xi32>
    %shift_left3A = arith.constant 16 : i32
    %shift_left3A_18 = vector.broadcast %shift_left3A : i32 to vector<3136x32xi32>
    %shift_left3A_19 = arith.shli %convert_element_type3A_17, %shift_left3A_18 : vector<3136x32xi32>
    %or3A = arith.ori %convert_element_type3A_14, %shift_left3A_19 : vector<3136x32xi32>
    %bitcast_convert_type3A_20 = tpu.bitcast %or3A : vector<3136x32xi32> -> vector<3136x32xi32>
    %swap3A = arith.constant 0 : index
    %swap3A_21 = arith.constant 0 : index
    %swap3A_22 = vector.load %arg11[%swap3A, %swap3A_21] : memref<3136x32xi32, #tpu.memory_space<vmem>>, vector<3136x32xi32>
    tpu.vector_store %arg11[%swap3A, %swap3A_21], %bitcast_convert_type3A_20 {strides = array<i32>} : memref<3136x32xi32, #tpu.memory_space<vmem>>, vector<3136x32xi32>,
    %get3A_23 = arith.constant 0 : index
    %get3A_24 = arith.constant 0 : index
    %get3A_25 = vector.load %arg5[%get3A_23, %get3A_24] : memref<32x128xf32, #tpu.memory_space<vmem>>, vector<32x128xf32>
    %dot_general3A_26 = arith.constant dense<0.000000e+00> : vector<3136x32xf32>
    %dot_general3A_27 = tpu.matmul %get3A_4, %get3A_25, %dot_general3A_26 {dimension_numbers = #tpu.dot_dimension_numbers<[1], [1], [0], [0], [0, 0, 1, 0], [], []>, transpose_lhs_hint = false} : vector<3136x128xf32>, vector<32x128xf32>, vector<3136x32xf32> -> vector<3136x32xf32>
    %get3A_28 = arith.constant 0 : index
    %get3A_29 = arith.constant 0 : index
    %get3A_30 = vector.load %arg6[%get3A_28, %get3A_29] : memref<32x128xf32, #tpu.memory_space<vmem>>, vector<32x128xf32>
    %dot_general3A_31 = arith.constant dense<0.000000e+00> : vector<3136x32xf32>
    %dot_general3A_32 = tpu.matmul %get3A_4, %get3A_30, %dot_general3A_31 {dimension_numbers = #tpu.dot_dimension_numbers<[1], [1], [0], [0], [0, 0, 1, 0], [], []>, transpose_lhs_hint = false} : vector<3136x128xf32>, vector<32x128xf32>, vector<3136x32xf32> -> vector<3136x32xf32>
    %convert_element_type3A_33 = arith.truncf %dot_general3A_27 : vector<3136x32xf32> to vector<3136x32xbf16>
    %bitcast_convert_type3A_34 = tpu.bitcast %convert_element_type3A_33 : vector<3136x32xbf16> -> vector<3136x32xi16>
    %convert_element_type3A_35 = arith.extui %bitcast_convert_type3A_34 : vector<3136x32xi16> to vector<3136x32xi32>
    %convert_element_type3A_36 = arith.truncf %dot_general3A_32 : vector<3136x32xf32> to vector<3136x32xbf16>
    %bitcast_convert_type3A_37 = tpu.bitcast %convert_element_type3A_36 : vector<3136x32xbf16> -> vector<3136x32xi16>
    %convert_element_type3A_38 = arith.extui %bitcast_convert_type3A_37 : vector<3136x32xi16> to vector<3136x32xi32>
    %shift_left3A_39 = arith.constant 16 : i32
    %shift_left3A_40 = vector.broadcast %shift_left3A_39 : i32 to vector<3136x32xi32>
    %shift_left3A_41 = arith.shli %convert_element_type3A_38, %shift_left3A_40 : vector<3136x32xi32>
    %or3A_42 = arith.ori %convert_element_type3A_35, %shift_left3A_41 : vector<3136x32xi32>
    %bitcast_convert_type3A_43 = tpu.bitcast %or3A_42 : vector<3136x32xi32> -> vector<3136x32xi32>
    %swap3A_44 = arith.constant 0 : index
    %swap3A_45 = arith.constant 0 : index
    %swap3A_46 = vector.load %arg12[%swap3A_44, %swap3A_45] : memref<3136x32xi32, #tpu.memory_space<vmem>>, vector<3136x32xi32>
    tpu.vector_store %arg12[%swap3A_44, %swap3A_45], %bitcast_convert_type3A_43 {strides = array<i32>} : memref<3136x32xi32, #tpu.memory_space<vmem>>, vector<3136x32xi32>,
    %get3A_47 = arith.constant 0 : index
    %get3A_48 = arith.constant 0 : index
    %get3A_49 = vector.load %arg7[%get3A_47, %get3A_48] : memref<64x128xf32, #tpu.memory_space<vmem>>, vector<64x128xf32>
    %dot_general3A_50 = arith.constant dense<0.000000e+00> : vector<3136x64xf32>
    %dot_general3A_51 = tpu.matmul %get3A_1, %get3A_49, %dot_general3A_50 {dimension_numbers = #tpu.dot_dimension_numbers<[1], [1], [0], [0], [0, 0, 1, 0], [], []>, transpose_lhs_hint = false} : vector<3136x128xf32>, vector<64x128xf32>, vector<3136x64xf32> -> vector<3136x64xf32>
    %get3A_52 = arith.constant 0 : index
    %get3A_53 = arith.constant 0 : index
    %get3A_54 = vector.load %arg9[%get3A_52, %get3A_53] : memref<1x64xf32, #tpu.memory_space<vmem>>, vector<1x64xf32>
    %add3A = vector.broadcast %get3A_54 : vector<1x64xf32> to vector<3136x64xf32>
    %add3A_55 = arith.addf %dot_general3A_51, %add3A : vector<3136x64xf32>
    %swap3A_56 = arith.constant 0 : index
    %swap3A_57 = arith.constant 0 : index
    %swap3A_58 = vector.load %arg13[%swap3A_56, %swap3A_57] : memref<3136x128xf32, #tpu.memory_space<vmem>>, vector<3136x64xf32>
    tpu.vector_store %arg13[%swap3A_56, %swap3A_57], %add3A_55 {strides = array<i32>} : memref<3136x128xf32, #tpu.memory_space<vmem>>, vector<3136x64xf32>,
    %get3A_59 = arith.constant 0 : index
    %get3A_60 = arith.constant 0 : index
    %get3A_61 = vector.load %arg8[%get3A_59, %get3A_60] : memref<64x128xf32, #tpu.memory_space<vmem>>, vector<64x128xf32>
    %dot_general3A_62 = arith.constant dense<0.000000e+00> : vector<3136x64xf32>
    %dot_general3A_63 = tpu.matmul %get3A_4, %get3A_61, %dot_general3A_62 {dimension_numbers = #tpu.dot_dimension_numbers<[1], [1], [0], [0], [0, 0, 1, 0], [], []>, transpose_lhs_hint = false} : vector<3136x128xf32>, vector<64x128xf32>, vector<3136x64xf32> -> vector<3136x64xf32>
    %get3A_64 = arith.constant 0 : index
    %get3A_65 = arith.constant 0 : index
    %get3A_66 = vector.load %arg10[%get3A_64, %get3A_65] : memref<1x64xf32, #tpu.memory_space<vmem>>, vector<1x64xf32>
    %add3A_67 = vector.broadcast %get3A_66 : vector<1x64xf32> to vector<3136x64xf32>
    %add3A_68 = arith.addf %dot_general3A_63, %add3A_67 : vector<3136x64xf32>
    %swap3A_69 = arith.constant 0 : index
    %swap3A_70 = arith.constant 64 : index
    %swap3A_71 = vector.load %arg13[%swap3A_69, %swap3A_70] : memref<3136x128xf32, #tpu.memory_space<vmem>>, vector<3136x64xf32>
    tpu.vector_store %arg13[%swap3A_69, %swap3A_70], %add3A_68 {strides = array<i32>} : memref<3136x128xf32, #tpu.memory_space<vmem>>, vector<3136x64xf32>,
    return
  }
  func.func @transform_0(%arg0: i32) -> (i32, i32) {
    %c0_i32 = arith.constant 0 : i32
    %c0_i32_0 = arith.constant 0 : i32
    return %arg0, %c0_i32 : i32, i32
  }
  func.func @transform_1(%arg0: i32) -> (i32, i32) {
    %c0_i32 = arith.constant 0 : i32
    %c0_i32_0 = arith.constant 0 : i32
    return %arg0, %c0_i32 : i32, i32
  }
  func.func @transform_2(%arg0: i32) -> (i32, i32) {
    %c0_i32 = arith.constant 0 : i32
    %c0_i32_0 = arith.constant 0 : i32
    %c0_i32_1 = arith.constant 0 : i32
    return %c0_i32, %c0_i32_0 : i32, i32
  }
  func.func @transform_3(%arg0: i32) -> (i32, i32) {
    %c0_i32 = arith.constant 0 : i32
    %c0_i32_0 = arith.constant 0 : i32
    %c0_i32_1 = arith.constant 0 : i32
    return %c0_i32, %c0_i32_0 : i32, i32
  }
  func.func @transform_4(%arg0: i32) -> (i32, i32) {
    %c0_i32 = arith.constant 0 : i32
    %c0_i32_0 = arith.constant 0 : i32
    %c0_i32_1 = arith.constant 0 : i32
    return %c0_i32, %c0_i32_0 : i32, i32
  }
  func.func @transform_5(%arg0: i32) -> (i32, i32) {
    %c0_i32 = arith.constant 0 : i32
    %c0_i32_0 = arith.constant 0 : i32
    %c0_i32_1 = arith.constant 0 : i32
    return %c0_i32, %c0_i32_0 : i32, i32
  }
  func.func @transform_6(%arg0: i32) -> (i32, i32) {
    %c0_i32 = arith.constant 0 : i32
    %c0_i32_0 = arith.constant 0 : i32
    %c0_i32_1 = arith.constant 0 : i32
    return %c0_i32, %c0_i32_0 : i32, i32
  }
  func.func @transform_7(%arg0: i32) -> (i32, i32) {
    %c0_i32 = arith.constant 0 : i32
    %c0_i32_0 = arith.constant 0 : i32
    %c0_i32_1 = arith.constant 0 : i32
    return %c0_i32, %c0_i32_0 : i32, i32
  }
  func.func @transform_8(%arg0: i32) -> (i32, i32) {
    %c0_i32 = arith.constant 0 : i32
    %c0_i32_0 = arith.constant 0 : i32
    %c0_i32_1 = arith.constant 0 : i32
    return %c0_i32, %c0_i32_0 : i32, i32
  }
  func.func @transform_9(%arg0: i32) -> (i32, i32) {
    %c0_i32 = arith.constant 0 : i32
    %c0_i32_0 = arith.constant 0 : i32
    %c0_i32_1 = arith.constant 0 : i32
    return %c0_i32, %c0_i32_0 : i32, i32
  }
  func.func @transform_10(%arg0: i32) -> (i32, i32) {
    %c0_i32 = arith.constant 0 : i32
    %c0_i32_0 = arith.constant 0 : i32
    return %arg0, %c0_i32 : i32, i32
  }
  func.func @transform_11(%arg0: i32) -> (i32, i32) {
    %c0_i32 = arith.constant 0 : i32
    %c0_i32_0 = arith.constant 0 : i32
    return %arg0, %c0_i32 : i32, i32
  }
  func.func @transform_12(%arg0: i32) -> (i32, i32) {
    %c0_i32 = arith.constant 0 : i32
    %c0_i32_0 = arith.constant 0 : i32
    return %arg0, %c0_i32 : i32, i32
  }
}

module attributes {stable_mosaic.version = 14 : i64} {
  func.func @_tc_post_body(%arg0: i32, %arg1: memref<3136x128xf32, #tpu.memory_space<vmem>>, %arg2: memref<1x128xf32, #tpu.memory_space<vmem>>, %arg3: memref<1x1xf32, #tpu.memory_space<vmem>>, %arg4: memref<3136x1xf32, #tpu.memory_space<vmem>>) attributes {dimension_semantics = [#tpu.dimension_semantics<arbitrary>], iteration_bounds = array<i64: 8>, scalar_prefetch = 0 : i64, scratch_operands = 0 : i64, tpu.core_type = #tpu.core_type<tc>, window_params = [{transform_indices = @transform_0, window_bounds = array<i64: 3136, 128>}, {pipeline_mode = #tpu.pipeline_mode<synchronous>, transform_indices = @transform_1, window_bounds = array<i64: 1, 128>}, {pipeline_mode = #tpu.pipeline_mode<synchronous>, transform_indices = @transform_2, window_bounds = array<i64: 1, 1>}, {transform_indices = @transform_3, window_bounds = array<i64: 3136, 1>}]} {
    %get3A = arith.constant 0 : index
    %get3A_0 = arith.constant 0 : index
    %get3A_1 = vector.load %arg1[%get3A, %get3A_0] : memref<3136x128xf32, #tpu.memory_space<vmem>>, vector<3136x128xf32>
    %max3A = arith.constant 0.000000e+00 : f32
    %max3A_2 = vector.broadcast %max3A : f32 to vector<3136x128xf32>
    %max3A_3 = arith.maximumf %get3A_1, %max3A_2 : vector<3136x128xf32>
    %get3A_4 = arith.constant 0 : index
    %get3A_5 = arith.constant 0 : index
    %get3A_6 = vector.load %arg2[%get3A_4, %get3A_5] : memref<1x128xf32, #tpu.memory_space<vmem>>, vector<1x128xf32>
    %mul3A = vector.broadcast %get3A_6 : vector<1x128xf32> to vector<3136x128xf32>
    %mul3A_7 = arith.mulf %max3A_3, %mul3A : vector<3136x128xf32>
    %reduce_sum3A = arith.constant dense<0.000000e+00> : vector<3136xf32>
    %reduce_sum3A_8 = vector.multi_reduction <add>, %mul3A_7, %reduce_sum3A [1] : vector<3136x128xf32> to vector<3136xf32>
    %broadcast_in_dim3A = vector.shape_cast %reduce_sum3A_8 : vector<3136xf32> to vector<3136x1xf32>
    %get3A_9 = arith.constant 0 : index
    %get3A_10 = arith.constant 0 : index
    %get3A_11 = vector.load %arg3[%get3A_9, %get3A_10] : memref<1x1xf32, #tpu.memory_space<vmem>>, vector<1x1xf32>
    %add3A = vector.broadcast %get3A_11 : vector<1x1xf32> to vector<3136x1xf32>
    %add3A_12 = arith.addf %broadcast_in_dim3A, %add3A : vector<3136x1xf32>
    %swap3A = arith.constant 0 : index
    %swap3A_13 = arith.constant 0 : index
    %swap3A_14 = vector.load %arg4[%swap3A, %swap3A_13] : memref<3136x1xf32, #tpu.memory_space<vmem>>, vector<3136x1xf32>
    tpu.vector_store %arg4[%swap3A, %swap3A_13], %add3A_12 {strides = array<i32>} : memref<3136x1xf32, #tpu.memory_space<vmem>>, vector<3136x1xf32>,
    return
  }
  func.func @transform_0(%arg0: i32) -> (i32, i32) {
    %c0_i32 = arith.constant 0 : i32
    %c0_i32_0 = arith.constant 0 : i32
    return %arg0, %c0_i32 : i32, i32
  }
  func.func @transform_1(%arg0: i32) -> (i32, i32) {
    %c0_i32 = arith.constant 0 : i32
    %c0_i32_0 = arith.constant 0 : i32
    %c0_i32_1 = arith.constant 0 : i32
    return %c0_i32, %c0_i32_0 : i32, i32
  }
  func.func @transform_2(%arg0: i32) -> (i32, i32) {
    %c0_i32 = arith.constant 0 : i32
    %c0_i32_0 = arith.constant 0 : i32
    %c0_i32_1 = arith.constant 0 : i32
    return %c0_i32, %c0_i32_0 : i32, i32
  }
  func.func @transform_3(%arg0: i32) -> (i32, i32) {
    %c0_i32 = arith.constant 0 : i32
    %c0_i32_0 = arith.constant 0 : i32
    return %arg0, %c0_i32 : i32, i32
  }
}

</mosaic_0001>

<sc_bundles>
// kernel: kernel.5.cloned.1.call-start
scs
__scs_entry_jumppad:
0x0: {  	(pc) =	sbr.rel $0x88, $3  }
0x1: {  	(tag) =	ssettag $0x0;
	lr =	simm.s32 $0x1  }
0x2: {  	[smem:$0x3F95] =	sst lr;
	_ =	strace $0xD0000000  }
0x3: {  	_ = 	snop  }
0x4: {  	_ = 	snop  }
0x5: {  	_ = 	snop  }
0x6: {  	_ = 	snop  }
0x7: {  	_ = 	snop  }
__scs_overlays_trampoline_lowered:
0x8: {  	[smem:$0x3FA4] =	sst s0  }
0x9: {  	[smem:$0x3FA5] =	sst s1  }
0xa: {  	[smem:$0x3FA6] =	sst s2  }
0xb: {  	[smem:$0x3FA7] =	sst s3  }
0xc: {  	[smem:$0x3FA8] =	sst s4  }
0xd: {  	[smem:$0x3FA9] =	sst s5  }
0xe: {  	[smem:$0x3FAA] =	sst s6  }
0xf: {  	[smem:$0x3FAB] =	sst s7  }
0x10: {  	[smem:$0x3FAC] =	sst s8  }
0x11: {  	[smem:$0x3FAD] =	sst s9;
	s0 =	simm.s32 @!p0 $0x0  }
0x12: {  	s1 =	sld [smem:$0x3F93];
	s0 =	simm.s32 @p0 $0x1  }
0x13: {  	[smem:$0x3FAE] =	sst s0;
	s0 =	simm.s32 @!p1 $0x0  }
0x14: {  	s2 =	sld [smem:$0x3F92];
	s0 =	simm.s32 @p1 $0x1  }
0x15: {  	[smem:$0x3FAF] =	sst s0;
	s0 =	simm.s32 @!p2 $0x0  }
0x16: {  	s3 =	sld [smem:$0x3FDB];
	s0 =	simm.s32 @p2 $0x1  }
0x17: {  	s4 =	simm.s32 $0x1BF5;
	[smem:$0x3FB1] =	sst s0  }
0x18: {  	s0 =	sld [smem:$0x3F94];
	_ =	swait.ge [sflag:s4], $0x0  }
0x19: {  	s7 =	sld [smem:$0x3F95]  }
0x1a: {  	s8 =	sadd.s32 $0xFFFFE003, lr  }
0x1b: {  	s9 =	sadd.s32 $0xFFFFFEF7, lr;
	s5 =	simm.s32 $0xFFFFFFFF;
	p2 =	slt.u32 s8, $0xFFFFF086  }
0x1c: {  	p1 =	slt.u32 s9, $0xF7A;
	s5 =	simm.s32 @!p2 $0x0  }
0x1d: {  	s5 =	simm.s32 @p1 $0x1;
	p0 =	seq.s32 s7, s2  }
0x1e: {  	s7 =	smul.u32 @!p0 $0xF7A, s2;
	p2 =	seq.s32 @!p0 s5, $0x0  }
0x1f: {  	s9 =	smul.u32 $0xF7A, s1;
	s8 =	simm.s32 @!p0 $0x1BF5;
	p2 =	por !p2, p0  }
0x20: {  	[sflag:s8] =	ssyncset.s32 @!p0 $0xFFFFF086;
	s6 =	sadd.s32 @!p0 s3, s7;
	s7 =	simm.s32 @!p0 $0x108  }
0x21: {  	s3 =	sadd.s32 s3, s9;
	s6 =	sadd.s32 @!p0 $0x88, s6;
	s7 =	simm.s32 @p2 $0x1082  }
0x22: {  	[simem:s7], [sflag:s8] =	dma.local @!p0 [hbm:s6], $0xF7A  }
0x23: {  	s9 =	sor.u32 $0xD0000000, s2;
	s6 =	simm.s32 $0x108;
	_ =	swait.ge @!p0 [sflag:s8], $0x0  }
0x24: {  	s3 =	sadd.s32 $0x88, s3;
	s6 =	simm.s32 @!p1 $0x1082;
	[sflag:s4] =	ssyncset.s32 $0xFFFFF086  }
0x25: {  	[simem:s6], [sflag:s4] =	dma.local [hbm:s3], $0xF7A  }
0x26: {  	[smem:$0x3F95] =	sst s1;
	(tag) =	ssettag s2;
	_ =	strace s9  }
0x27: {  	s1 =	sld [smem:$0x3FA5]  }
0x28: {  	s2 =	sld [smem:$0x3FA6]  }
0x29: {  	s4 =	sld [smem:$0x3FA8]  }
0x2a: {  	p0 =	seq.s32 s5, $0x0;
	s5 =	sld [smem:$0x3FA9]  }
0x2b: {  	s6 =	sld [smem:$0x3FAA]  }
0x2c: {  	s7 =	sld [smem:$0x3FAB]  }
0x2d: {  	s3 =	simm.s32 $0x108;
	s8 =	sld [smem:$0x3FAC]  }
0x2e: {  	s3 =	simm.s32 @!p0 $0x1082;
	s9 =	sld [smem:$0x3FAD]  }
0x2f: {  	lr =	sadd.s32 s0, s3;
	s0 =	sld [smem:$0x3FA4]  }
0x30: {  	s3 =	sld [smem:$0x3FA7]  }
0x31: {  	[smem:$0x3FB0] =	sst s10  }
0x32: {  	s10 =	sld [smem:$0x3FAE];
	_ =	sdelay $0x3  }
0x33: {  	p0 =	seq.s32 s10, $0x1;
	s10 =	sld [smem:$0x3FB0];
	_ =	sdelay $0x3  }
0x34: {  	[smem:$0x3FB0] =	sst s10  }
0x35: {  	s10 =	sld [smem:$0x3FAF];
	_ =	sdelay $0x3  }
0x36: {  	p1 =	seq.s32 s10, $0x1;
	s10 =	sld [smem:$0x3FB0];
	_ =	sdelay $0x3  }
0x37: {  	[smem:$0x3FB0] =	sst s10  }
0x38: {  	s10 =	sld [smem:$0x3FB1]  }
0x39: {  	_ = 	snop;
	(pc) =	sbr.ind lr, $3  }
0x3a: {  	_ = 	snop  }
0x3b: {  	_ = 	snop  }
0x3c: {  	p2 =	seq.s32 s10, $0x1;
	s10 =	sld [smem:$0x3FB0]  }
0x3d: {  	_ =	shalt  }
0x3e: {  	_ =	shalt  }
0x3f: {  	_ =	shalt  }
0x40: {  	_ =	shalt  }
0x41: {  	_ =	shalt  }
0x42: {  	_ =	shalt  }
0x43: {  	_ =	shalt  }
0x44: {  	_ =	shalt  }
0x45: {  	_ =	shalt  }
0x46: {  	_ =	shalt  }
0x47: {  	_ =	shalt  }
0x48: {  	_ =	shalt  }
0x49: {  	_ =	shalt  }
0x4a: {  	_ =	shalt  }
0x4b: {  	_ =	shalt  }
0x4c: {  	_ =	shalt  }
0x4d: {  	_ =	shalt  }
0x4e: {  	_ =	shalt  }
0x4f: {  	_ =	shalt  }
0x50: {  	_ =	shalt  }
0x51: {  	_ =	shalt  }
0x52: {  	_ =	shalt  }
0x53: {  	_ =	shalt  }
0x54: {  	_ =	shalt  }
0x55: {  	_ =	shalt  }
0x56: {  	_ =	shalt  }
0x57: {  	_ =	shalt  }
0x58: {  	_ =	shalt  }
0x59: {  	_ =	shalt  }
0x5a: {  	_ =	shalt  }
0x5b: {  	_ =	shalt  }
0x5c: {  	_ =	shalt  }
0x5d: {  	_ =	shalt  }
0x5e: {  	_ =	shalt  }
0x5f: {  	_ =	shalt  }
0x60: {  	_ =	shalt  }
0x61: {  	_ =	shalt  }
0x62: {  	_ =	shalt  }
0x63: {  	_ =	shalt  }
0x64: {  	_ =	shalt  }
0x65: {  	_ =	shalt  }
0x66: {  	_ =	shalt  }
0x67: {  	_ =	shalt  }
0x68: {  	_ =	shalt  }
0x69: {  	_ =	shalt  }
0x6a: {  	_ =	shalt  }
0x6b: {  	_ =	shalt  }
0x6c: {  	_ =	shalt  }
0x6d: {  	_ =	shalt  }
0x6e: {  	_ =	shalt  }
0x6f: {  	_ =	shalt  }
0x70: {  	_ =	shalt  }
0x71: {  	_ =	shalt  }
0x72: {  	_ =	shalt  }
0x73: {  	_ =	shalt  }
0x74: {  	_ =	shalt  }
0x75: {  	_ =	shalt  }
0x76: {  	_ =	shalt  }
0x77: {  	_ =	shalt  }
0x78: {  	_ =	shalt  }
0x79: {  	_ =	shalt  }
0x7a: {  	_ =	shalt  }
0x7b: {  	_ =	shalt  }
0x7c: {  	_ =	shalt  }
0x7d: {  	_ =	shalt  }
0x7e: {  	_ =	shalt  }
0x7f: {  	_ =	shalt  }
0x80: {  	_ =	shalt  }
0x81: {  	_ =	shalt  }
0x82: {  	_ =	shalt  }
0x83: {  	_ =	shalt  }
0x84: {  	_ =	shalt  }
0x85: {  	_ =	shalt  }
0x86: {  	_ =	shalt  }
0x87: {  	_ =	shalt  }
.Lfunc_end0:
.L_simem_size_0:
called_computation_lowered:
.L_overlay_start_0:
0x88: {  	s2 =	sld [smem:$0x3FD9]  }
0x89: {  	s3 =	sld [smem:$0x3FFE];
	_ =	sdelay $0x1  }
0x8a: {  	s1 =	srdreg.scid  }
0x8b: {  	s0 =	sand.u32 $0x1, s1  }
0x8c: {  	s16 =	sshll.u32 s0, $0xA;
	s2 =	sadd.s32 s3, s2  }
0x8d: {  	s2 =	sadd.s32 s2, s16  }
0x8e: {  	[smem:$0x3FBC] =	sst s2  }
0x8f: {  	_ = 	snop  }
0x90: {  	(tm) =	ssettm $0x1  }
0x91: {  	s17 =	sld [smem:$0x3FFB];
	_ =	sdelay $0x3  }
0x92: {  	_ =	strace s17  }
0x93: {  	s2 =	sld [smem:$0x3FFC];
	_ =	sdelay $0x3  }
0x94: {  	_ =	strace s2  }
0x95: {  	s2 =	sld [smem:$0x3FFD];
	_ =	sdelay $0x3  }
0x96: {  	_ =	strace s2  }
0x97: {  	_ =	strace $0x8FFFFFFF  }
0x98: {  	s18 =	sld [smem:$0x3FDB];
	_ =	sdelay $0x1  }
0x99: {  	s19 =	simm.s32 $_scs_section_size  }
0x9a: {  	s4 =	simm.s32 $_size__tile_overlayer_lowered;
	s5 =	simm.s32 $_tile_overlayer_lowered  }
0x9b: {  	s22 =	simm.s32 $0x1BFF;
	s21 =	sshll.u32 s5, $0x1;
	s2 =	sadd.s32 s19, s18  }
0x9c: {  	s6 =	simm.s32 $0x0;
	s20 =	sshll.u32 s4, $0x1;
	s4 =	sadd.s32 s21, s2  }
0x9d: {  	[timem:s6], [sflag:s22] =	dma.local [hbm:s4], s20  }
0x9e: {  	_ =	swait.ge [sflag:s22], s20  }
0x9f: {  	s3 =	ssub.s32 $0x0, s20;
	[sflag:s22] =	ssyncset.done $0x0  }
0xa0: {  	[sflag:s22] =	ssyncadd.s32 s3;
	_ =	sdelay $0x1  }
0xa1: {  	s23 =	simm.s32 $0x1B8B  }
0xa2: {  	_ =	swait.ge [sflag:s23], $0x1  }
0xa3: {  	[sflag:s23] =	ssyncset.done $0x0  }
0xa4: {  	s25 =	simm.s32 $0x1B8E;
	s24 =	sld [smem:$0x3FFE];
	[sflag:s23] =	ssyncadd.s32 $0xFFFFFFFF  }
0xa5: {  	s26 =	simm.s32 $execute0_lowered;
	[smem:$0x3FD2] =	sst s25  }
0xa6: {  	s4 =	sshll.u32 s26, $0x1;
	_ =	strace $0x80000046;
	[dreg:$0x1] =	wrdreg $0xFFFFFFFF  }
0xa7: {  	s28 =	simm.s32 $_size_execute0_lowered;
	s2 =	sadd.s32 s2, s4;
	[dreg:$0x0] =	wrdreg $0x0  }
0xa8: {  	s4 =	sshll.u32 s28, $0x1;
	[dreg:$0x2] =	wrdreg s2  }
0xa9: {  	[dreg:$0x3] =	wrdreg s4  }
0xaa: {  	[dreg:$0x4] =	wrdreg $0xC0  }
0xab: {  	_ =	task [dreg:s6], $0x5FFFF  }
0xac: {  	[dreg:$0x1] =	wrdreg $0xFFFFFFFF  }
0xad: {  	[dreg:$0x0] =	wrdreg $0x60  }
0xae: {  	[dreg:$0x2] =	wrdreg s24  }
0xaf: {  	[dreg:$0x3] =	wrdreg $0x68000  }
0xb0: {  	[dreg:$0x4] =	wrdreg $0x9  }
0xb1: {  	_ =	task.clear_ibuf [dreg:s6], $0x5FFFF;
	_ =	strace $0x90000046  }
0xb2: {  	s29 =	simm.s32 $0x9;
	_ =	strace $0x80000048  }
0xb3: {  	_ =	swait.ge [sflag:s29], $0x1  }
0xb4: {  	[sflag:s29] =	ssyncadd.s32 $0xFFFFFFFF  }
0xb5: {  	_ =	strace $0x90000048  }
0xb6: {  	_ =	sfence  }
0xb7: {  	s30 =	sld [smem:$0x0];
	_ =	sdelay $0x2  }
0xb8: {  	s31 =	sshll.u32 s1, $0xD;
	s1 =	sshrl.u32 s1, $0x2  }
0xb9: {  	s3 =	sand.u32 $0x4000, s31;
	s1 =	sadd.s32 s1, s30  }
0xba: {  	s0 =	sor.u32 s3, s0;
	s1 =	sshll.u32 s1, $0x11  }
0xbb: {  	s0 =	sor.u32 s1, s0  }
0xbc: {  	s0 =	sadd.s32 $0x8F2B, s0  }
0xbd: {  	[sflag:s0] =	ssyncadd.remote.s32 $0x1  }
0xbe: {  	_ =	sfence.sel $0xFFFF  }
0xbf: {  	[dreg:$0x0] =	wrdreg $0xFFFFFFFF;
	(pc) =	sbr.abs _section_cstart, $3  }
0xc0: {  	[dreg:$0x1] =	wrdreg $0xFFFFFFFF  }
0xc1: {  	_ =	task.clear_ibuf [dreg:s6], $0x2FFFF;
	_ =	strace $0x9FFFFFFF  }
0xc2: {  	(tm) =	ssettm $0x7FFFFFFF  }
0xc3: {  	_ =	shalt  }
tec
execute0_lowered:
.L_overlay_start_1:
0x0: {  	(tag) =	ssettag $0x1  }
0x1: {  	s0 =	rddreg [dreg:$0x0]  }
0x2: {  	s1 =	rddreg [dreg:$0x1]  }
0x3: {  	s2 =	simm.s32 $0x0;
	s6 =	srdreg.scid;
	s9 =	stileid.u32  }
0x4: {  	s18 =	simm.s32 $0x1;
	s28 =	simm.s32 $0x8;
	s30 =	simm.s32 $0x100  }
0x5: {  	s29 =	simm.s32 $0x2;
	s31 =	simm.s32 $0x4800;
	s13 =	simm.s32 $0x400  }
0x6: {  	s14 =	simm.s32 $0x4;
	s11 =	simm.s32 $0x380;
	s15 =	simm.s32 $0x700  }
0x7: {  	s16 =	simm.s32 $0x680;
	s17 =	simm.s32 $0x780;
	[smem:$0x7FF] =	sst s2  }
0x8: {  	s3 =	sadd.s32 $0x600, s0;
	s5 =	sadd.s32 $0x126600, s0;
	s4 =	sadd.s32 $0xC4600, s0  }
0x9: {  	s7 =	sadd.s32 $0x31E00, s0;
	s6 =	sand.u32 $0x1, s6;
	s8 =	smul.u32 $0x62000, s9  }
0xa: {  	s19 =	sadd.s32 $0x18E00, s0;
	s0 =	sadd.s32 $0x4AE00, s0;
	s10 =	smul.u32 $0x6200, s9  }
0xb: {  	s12 =	smul.u32 $0xC800, s9;
	_ =	strace $0x80000047;
	[dreg:$0x3] =	wrdreg s7  }
0xc: {  	s25 =	sshll.u32 s9, $0x6;
	s9 =	simm.s32 $0x500;
	[dreg:$0x4] =	wrdreg s19  }
0xd: {  	s20 =	ssub.s32 $0x2, s6;
	[dreg:$0x5] =	wrdreg s0;
	p0 =	seq.s32 s6, $0x1  }
0xe: {  	[dreg:$0xa] =	wrdreg s25;
	s26 =	sor.u32 $0x1C05, s25;
	s25 =	simm.s32 $0x1800  }
0xf: {  	s19 =	simm.s32 $0x480;
	s21 =	sshrl.u32 s20, $0x1;
	s22 =	sshrl.u32 s8, $0x2  }
0x10: {  	s23 =	sadd.s32 s4, s10;
	[dreg:$0x6] =	wrdreg s10;
	s24 =	sor.u32 $0x8, s10  }
0x11: {  	[dreg:$0xc] =	wrdreg s26;
	s26 =	simm.s32 $0x2800;
	s10 =	simm.s32 $0x280  }
0x12: {  	s8 =	simm.s32 $0x580;
	s0 =	ssub.s32 s20, s21;
	[dreg:$0x7] =	wrdreg s23  }
.Ltmp0:
0x13: {  	s6 =	sadd.s32 s22, s1;
	[dreg:$0x8] =	wrdreg s24;
	(pc) =	sbr.rel .LBB2_1-.Ltmp0, $4  }
0x14: {  	s4 =	sadd.s32 s4, s24;
	s21 =	simm.s32 $0x5;
	s22 =	simm.s32 $0x80  }
0x15: {  	s23 =	simm.s32 $0x800;
	[dreg:$0x9] =	wrdreg s4;
	s0 =	smax.u32 s0, $0x1  }
0x16: {  	s20 =	simm.s32 $0x600;
	s24 =	sshrl.u32 s6, $0x3;
	[dreg:$0xb] =	wrdreg s0  }
0x17: {  	s4 =	simm.s32 $0x3;
	s0 =	simm.s32 $0x0;
	[dreg:$0xd] =	wrdreg s24  }
.LBB2_40:
0x18: {  	s7 =	rddreg [dreg:$0x5];
	[bflag:$0x0] =	sbarrier.arrive $0xFFFF;
	s28 =	simm.s32 $0x8  }
0x19: {  	s6 =	sadd.s32 s7, s6;
	s24 =	rddreg [dreg:$0xd];
	s7 =	simm.s32 $0x10  }
0x1a: {  	[hbm:s6@s7], [sflag:s10] =	dma.strided [spmem:s24@s28], $0x3100, s18, $0x8   }
0x1b: {  	_ =	swait.ge [sflag:s21], $0x3100  }
0x1c: {  	s0 =	sadd.s32 $0x1, s0;
	s10 =	rddreg [dreg:$0xb]  }
0x1d: {  	p1 =	sne.s32 s0, s10  }
.Ltmp1:
0x1e: {  	_ = 	snop;
	(pc) =	sbr.rel @!p1 .LBB2_41-.Ltmp1, $3  }
0x1f: {  	_ =	sdelay $0x1  }
0x20: {  	[sflag:s21] =	ssyncset.done $0x0  }
0x21: {  	[sflag:s21] =	ssyncadd.s32 $0xFFFFCF00;
	s10 =	simm.s32 $0x280  }
.LBB2_1:
.Ltmp2:
0x22: {  	(pc) =	sbr.rel @!p0 .LBB2_2-.Ltmp2, $2  }
0x23: {  	_ =	sdelay $0x2  }
0x24: {  	[dreg:$0xe] =	wrdreg s0  }
0x25: {  	s6 =	rddreg [dreg:$0x9]  }
0x26: {  	s7 =	rddreg [dreg:$0xc];
	s30 =	simm.s32 $0x10  }
0x27: {  	[spmem:s24@s28], [sflag:s7] =	dma.strided [hbm:s6@s30], $0x3100, s18, $0x8   }
0x28: {  	_ =	swait.ge [sflag:s21], $0x3100  }
0x29: {  	[sflag:s21] =	ssyncset.done $0x0  }
0x2a: {  	s0 =	simm.s32 $0x300;
	[sflag:s21] =	ssyncadd.s32 $0xFFFFCF00  }
0x2b: {  	s30 =	simm.s32 $0x100;
	s6 =	simm.s32 $0x0;
	[bflag:$0x0] =	sbarrier.arrive $0xFFFF  }
.LBB2_22:
0x2c: {  	s7 =	sshll.u32 s6, $0xB  }
0x2d: {  	s7 =	sadd.s32 s12, s7  }
0x2e: {  	s24 =	rddreg [dreg:$0x4];
	s7 =	sshrl.u32 s7, $0x3  }
0x2f: {  	s7 =	sadd.s32 s24, s7  }
0x30: {  	[tilespmem:s2], [sflag:$0x5] =	stream.linear.gather [hbm4b:s7+s2], $0x800, $0x38;
	[tilespmem:$0x1F000] =	vst v63  }
0x31: {  	_ =	swait.ge [sflag:s21], $0x800  }
0x32: {  	[sflag:s21] =	ssyncset.done $0x0  }
0x33: {  	[sflag:s21] =	ssyncadd.s32 $0xFFFFF800  }
0x34: {  	[tilespmem:s23], [sflag:$0x1] =	stream.indirect.gather [hbm4b:s5+s22], $0x20, s2, s22, $0xb8;
	[tilespmem:$0x1F000] =	vst v63  }
0x35: {  	_ = 	snop  }
0x36: {  	[tilespmem:s25], [sflag:$0x2] =	stream.indirect.gather [hbm4b:s5+s22], $0x20, s30, s22, $0xb8;
	[tilespmem:$0x1F000] =	vst v63  }
0x37: {  	_ =	swait.ge [sflag:s18], $0x1000  }
0x38: {  	[sflag:s18] =	ssyncset.done $0x0  }
0x39: {  	s24 =	simm.s32 $0x900;
	[sflag:s18] =	ssyncadd.s32 $0xFFFFF000  }
0x3a: {  	v0 =	vld [tilespmem:s24+$0xE0];
	_ =	sdelay $0x1  }
0x3b: {  	v2 =	vld [tilespmem:s24+$0xFFFFFF40]  }
0x3c: {  	v1 =	vld [tilespmem:s24+$0xFFFFFF20];
	_ =	sdelay $0x1  }
0x3d: {  	s7 =	simm.s32 $0x2A00;
	v4 =	vld [tilespmem:s24+$0xFFFFFF60];
	v3 =	vshll.u32 v0, $0x10  }
0x3e: {  	v0 =	vand.u32 $0xFFFF0000, v0;
	[tilespmem:s7+$0x1C0] =	vst v3  }
0x3f: {  	v5 =	vshll.u32 v2, $0x10;
	[tilespmem:s7+$0x1D0] =	vst v0  }
0x40: {  	v3 =	vshll.u32 v1, $0x10;
	[tilespmem:s7+$0xFFFFFE80] =	vst v5;
	v0 =	vld [tilespmem:s24+$0xF0]  }
0x41: {  	v1 =	vand.u32 $0xFFFF0000, v1;
	[tilespmem:s7+$0xFFFFFE40] =	vst v3;
	v3 =	vld [tilespmem:s24+$0xFFFFFF80]  }
0x42: {  	v5 =	vshll.u32 v4, $0x10;
	[tilespmem:s7+$0xFFFFFE50] =	vst v1  }
0x43: {  	v1 =	vand.u32 $0xFFFF0000, v2;
	v2 =	vld [tilespmem:s24+$0xFFFFFFA0];
	[tilespmem:s7+$0xFFFFFEC0] =	vst v5  }
0x44: {  	[tilespmem:s7+$0xFFFFFE90] =	vst v1;
	v1 =	vand.u32 $0xFFFF0000, v4  }
0x45: {  	v4 =	vld [tilespmem:s24+$0xFFFFFFC0];
	[tilespmem:s7+$0xFFFFFED0] =	vst v1;
	v1 =	vand.u32 $0xFFFF0000, v0  }
0x46: {  	v5 =	vshll.u32 v3, $0x10;
	[tilespmem:s7+$0x1F0] =	vst v1  }
0x47: {  	v6 =	vld [tilespmem:s24+$0xFFFFFF00];
	v3 =	vand.u32 $0xFFFF0000, v3;
	[tilespmem:s7+$0xFFFFFF00] =	vst v5  }
0x48: {  	v1 =	vld [tilespmem:s24+$0xFFFFFFE0];
	v5 =	vshll.u32 v2, $0x10;
	[tilespmem:s7+$0xFFFFFF10] =	vst v3  }
0x49: {  	v2 =	vand.u32 $0xFFFF0000, v2;
	[tilespmem:s7+$0xFFFFFF40] =	vst v5  }
0x4a: {  	v3 =	vshll.u32 v4, $0x10;
	[tilespmem:s7+$0xFFFFFF50] =	vst v2  }
0x4b: {  	v4 =	vand.u32 $0xFFFF0000, v4;
	v2 =	vld [tilespmem:s24+$0x0];
	[tilespmem:s7+$0xFFFFFF80] =	vst v3  }
0x4c: {  	[tilespmem:s7+$0xFFFFFF90] =	vst v4;
	v5 =	vshll.u32 v6, $0x10  }
0x4d: {  	v4 =	vld [tilespmem:s24+$0x20];
	[tilespmem:s7+$0xFFFFFE00] =	vst v5;
	v3 =	vshll.u32 v1, $0x10  }
0x4e: {  	v1 =	vand.u32 $0xFFFF0000, v1;
	[tilespmem:s7+$0xFFFFFFC0] =	vst v3  }
0x4f: {  	v5 =	vld [tilespmem:s24+$0x40];
	v3 =	vand.u32 $0xFFFF0000, v6;
	[tilespmem:s7+$0xFFFFFFD0] =	vst v1  }
0x50: {  	[tilespmem:s7+$0xFFFFFE10] =	vst v3;
	v3 =	vshll.u32 v2, $0x10  }
0x51: {  	v1 =	vld [tilespmem:s24+$0x60];
	v2 =	vand.u32 $0xFFFF0000, v2;
	[tilespmem:s7+$0x0] =	vst v3  }
0x52: {  	v3 =	vshll.u32 v4, $0x10;
	[tilespmem:s7+$0x10] =	vst v2  }
0x53: {  	v2 =	vld [tilespmem:s24+$0x80];
	v4 =	vand.u32 $0xFFFF0000, v4;
	[tilespmem:s7+$0x40] =	vst v3  }
0x54: {  	v3 =	vshll.u32 v5, $0x10;
	[tilespmem:s7+$0x50] =	vst v4  }
0x55: {  	v4 =	vld [tilespmem:s24+$0xA0];
	v5 =	vand.u32 $0xFFFF0000, v5;
	[tilespmem:s7+$0x80] =	vst v3  }
0x56: {  	[tilespmem:s7+$0x90] =	vst v5;
	v3 =	vshll.u32 v1, $0x10  }
0x57: {  	v5 =	vld [tilespmem:s24+$0xC0];
	v1 =	vand.u32 $0xFFFF0000, v1;
	[tilespmem:s7+$0xC0] =	vst v3  }
0x58: {  	[tilespmem:s7+$0xD0] =	vst v1;
	v3 =	vshll.u32 v2, $0x10  }
0x59: {  	v1 =	vand.u32 $0xFFFF0000, v2;
	v2 =	vld [tilespmem:s24+$0xFFFFFF10];
	[tilespmem:s7+$0x100] =	vst v3  }
0x5a: {  	v3 =	vshll.u32 v4, $0x10;
	[tilespmem:s7+$0x110] =	vst v1  }
0x5b: {  	v1 =	vld [tilespmem:s24+$0xFFFFFF30];
	v4 =	vand.u32 $0xFFFF0000, v4;
	[tilespmem:s7+$0x140] =	vst v3  }
0x5c: {  	v3 =	vshll.u32 v5, $0x10;
	[tilespmem:s7+$0x150] =	vst v4  }
0x5d: {  	v4 =	vld [tilespmem:s24+$0xFFFFFF50];
	v5 =	vand.u32 $0xFFFF0000, v5;
	[tilespmem:s7+$0x180] =	vst v3  }
0x5e: {  	[tilespmem:s7+$0x190] =	vst v5;
	v3 =	vshll.u32 v2, $0x10  }
0x5f: {  	v6 =	vld [tilespmem:s24+$0x90];
	v2 =	vand.u32 $0xFFFF0000, v2;
	[tilespmem:s7+$0xFFFFFE20] =	vst v3  }
0x60: {  	v5 =	vld [tilespmem:s24+$0xFFFFFF70];
	v3 =	vshll.u32 v1, $0x10;
	[tilespmem:s7+$0xFFFFFE30] =	vst v2  }
0x61: {  	v1 =	vand.u32 $0xFFFF0000, v1;
	[tilespmem:s7+$0xFFFFFE60] =	vst v3  }
0x62: {  	v2 =	vld [tilespmem:s24+$0xFFFFFF90];
	v3 =	vshll.u32 v4, $0x10;
	[tilespmem:s7+$0xFFFFFE70] =	vst v1  }
0x63: {  	v4 =	vand.u32 $0xFFFF0000, v4;
	[tilespmem:s7+$0xFFFFFEA0] =	vst v3  }
0x64: {  	v1 =	vld [tilespmem:s24+$0xFFFFFFB0];
	v9 =	vshll.u32 v6, $0x10;
	[tilespmem:s7+$0xFFFFFEB0] =	vst v4  }
0x65: {  	v3 =	vshll.u32 v5, $0x10;
	[tilespmem:s7+$0x120] =	vst v9  }
0x66: {  	v4 =	vld [tilespmem:s24+$0xFFFFFFD0];
	v5 =	vand.u32 $0xFFFF0000, v5;
	[tilespmem:s7+$0xFFFFFEE0] =	vst v3  }
0x67: {  	[tilespmem:s7+$0xFFFFFEF0] =	vst v5;
	v3 =	vshll.u32 v2, $0x10  }
0x68: {  	v5 =	vld [tilespmem:s24+$0xFFFFFFF0];
	v2 =	vand.u32 $0xFFFF0000, v2;
	[tilespmem:s7+$0xFFFFFF20] =	vst v3  }
0x69: {  	v3 =	vshll.u32 v1, $0x10;
	[tilespmem:s7+$0xFFFFFF30] =	vst v2  }
0x6a: {  	v1 =	vand.u32 $0xFFFF0000, v1;
	v2 =	vld [tilespmem:s24+$0x10];
	[tilespmem:s7+$0xFFFFFF60] =	vst v3  }
0x6b: {  	v3 =	vshll.u32 v4, $0x10;
	[tilespmem:s7+$0xFFFFFF70] =	vst v1  }
0x6c: {  	v1 =	vand.u32 $0xFFFF0000, v4;
	v4 =	vld [tilespmem:s24+$0x30];
	[tilespmem:s7+$0xFFFFFFA0] =	vst v3  }
0x6d: {  	v3 =	vshll.u32 v5, $0x10;
	[tilespmem:s7+$0xFFFFFFB0] =	vst v1  }
0x6e: {  	v1 =	vand.u32 $0xFFFF0000, v5;
	v5 =	vld [tilespmem:s24+$0x50];
	[tilespmem:s7+$0xFFFFFFE0] =	vst v3  }
0x6f: {  	v7 =	vld [tilespmem:s24+$0xB0];
	[tilespmem:s7+$0xFFFFFFF0] =	vst v1;
	v3 =	vshll.u32 v2, $0x10  }
0x70: {  	v1 =	vand.u32 $0xFFFF0000, v2;
	v2 =	vld [tilespmem:s24+$0x70];
	[tilespmem:s7+$0x20] =	vst v3  }
0x71: {  	v8 =	vld [tilespmem:s24+$0xD0];
	v3 =	vshll.u32 v4, $0x10;
	[tilespmem:s7+$0x30] =	vst v1  }
0x72: {  	v1 =	vand.u32 $0xFFFF0000, v4;
	[tilespmem:s7+$0x60] =	vst v3  }
0x73: {  	v3 =	vshll.u32 v5, $0x10;
	[tilespmem:s7+$0x70] =	vst v1  }
0x74: {  	v1 =	vand.u32 $0xFFFF0000, v5;
	[tilespmem:s7+$0xA0] =	vst v3  }
0x75: {  	v0 =	vshll.u32 v0, $0x10;
	[tilespmem:s7+$0xB0] =	vst v1;
	v3 =	vshll.u32 v2, $0x10  }
0x76: {  	v4 =	vshll.u32 v7, $0x10;
	v5 =	vshll.u32 v8, $0x10;
	v2 =	vand.u32 $0xFFFF0000, v2;
	[tilespmem:s7+$0xE0] =	vst v3  }
0x77: {  	s28 =	simm.s32 $0xB00;
	s24 =	simm.s32 $0x0;
	v1 =	vand.u32 $0xFFFF0000, v6;
	[tilespmem:s7+$0xF0] =	vst v2;
	v2 =	vand.u32 $0xFFFF0000, v7;
	v3 =	vand.u32 $0xFFFF0000, v8  }
.LBB2_23:
0x78: {  	v6 =	vld [tilespmem:s28+$0xE0];
	[tilespmem:s7+$0x130] =	vst v1  }
0x79: {  	s24 =	sadd.s32 $0x10, s24;
	v1 =	vld [tilespmem:s28+$0xFFFFFF20];
	[tilespmem:s7+$0x160] =	vst v4  }
0x7a: {  	p1 =	slt.u32 s24, $0x70;
	v4 =	vld [tilespmem:s28+$0xFFFFFF40];
	[tilespmem:s7+$0x170] =	vst v2  }
0x7b: {  	v2 =	vld [tilespmem:s28+$0xFFFFFF60];
	[tilespmem:s7+$0x1A0] =	vst v5  }
0x7c: {  	v5 =	vld [tilespmem:s28+$0xFFFFFF80];
	[tilespmem:s7+$0x1B0] =	vst v3  }
0x7d: {  	v3 =	vld [tilespmem:s28+$0xFFFFFFA0];
	v7 =	vshll.u32 v6, $0x10;
	[tilespmem:s7+$0x1E0] =	vst v0;
	s7 =	sadd.s32 $0x400, s7  }
0x7e: {  	v6 =	vand.u32 $0xFFFF0000, v6;
	v0 =	vshll.u32 v1, $0x10;
	v1 =	vand.u32 $0xFFFF0000, v1;
	v8 =	vld [tilespmem:s28+$0xFFFFFFC0];
	[tilespmem:s7+$0x1C0] =	vst v7  }
0x7f: {  	v7 =	vshll.u32 v4, $0x10;
	v4 =	vand.u32 $0xFFFF0000, v4;
	v9 =	vld [tilespmem:s28+$0xFFFFFFE0];
	[tilespmem:s7+$0x1D0] =	vst v6  }
0x80: {  	[tilespmem:s7+$0xFFFFFE40] =	vst v0;
	v0 =	vshll.u32 v2, $0x10;
	v2 =	vand.u32 $0xFFFF0000, v2;
	v6 =	vld [tilespmem:s28+$0xF0]  }
0x81: {  	[tilespmem:s7+$0xFFFFFE50] =	vst v1;
	v1 =	vshll.u32 v5, $0x10;
	v5 =	vand.u32 $0xFFFF0000, v5;
	v10 =	vld [tilespmem:s28+$0x0]  }
0x82: {  	[tilespmem:s7+$0xFFFFFE80] =	vst v7;
	v7 =	vshll.u32 v3, $0x10;
	v3 =	vand.u32 $0xFFFF0000, v3;
	v11 =	vld [tilespmem:s28+$0x20]  }
0x83: {  	[tilespmem:s7+$0xFFFFFE90] =	vst v4;
	v4 =	vshll.u32 v8, $0x10;
	v8 =	vand.u32 $0xFFFF0000, v8;
	v12 =	vld [tilespmem:s28+$0x40]  }
0x84: {  	[tilespmem:s7+$0xFFFFFEC0] =	vst v0;
	v13 =	vshll.u32 v9, $0x10;
	v9 =	vand.u32 $0xFFFF0000, v9;
	v14 =	vld [tilespmem:s28+$0x60]  }
0x85: {  	[tilespmem:s7+$0xFFFFFED0] =	vst v2;
	v2 =	vld [tilespmem:s28+$0x80];
	v0 =	vshll.u32 v6, $0x10;
	v6 =	vand.u32 $0xFFFF0000, v6  }
0x86: {  	v15 =	vshll.u32 v10, $0x10;
	v10 =	vand.u32 $0xFFFF0000, v10;
	v16 =	vld [tilespmem:s28+$0xA0];
	[tilespmem:s7+$0x1F0] =	vst v6  }
0x87: {  	[tilespmem:s7+$0xFFFFFF00] =	vst v1;
	v1 =	vshll.u32 v11, $0x10;
	v6 =	vand.u32 $0xFFFF0000, v11;
	v11 =	vld [tilespmem:s28+$0xC0]  }
0x88: {  	v17 =	vld [tilespmem:s28+$0xFFFFFF00];
	[tilespmem:s7+$0xFFFFFF10] =	vst v5;
	v5 =	vshll.u32 v12, $0x10;
	v12 =	vand.u32 $0xFFFF0000, v12  }
0x89: {  	v18 =	vld [tilespmem:s28+$0xFFFFFF30];
	[tilespmem:s7+$0xFFFFFF40] =	vst v7;
	v7 =	vshll.u32 v14, $0x10;
	v14 =	vand.u32 $0xFFFF0000, v14  }
0x8a: {  	v19 =	vld [tilespmem:s28+$0xFFFFFF50];
	[tilespmem:s7+$0xFFFFFF50] =	vst v3;
	v3 =	vshll.u32 v2, $0x10;
	v2 =	vand.u32 $0xFFFF0000, v2  }
0x8b: {  	v20 =	vld [tilespmem:s28+$0xFFFFFF70];
	[tilespmem:s7+$0xFFFFFF80] =	vst v4;
	v4 =	vshll.u32 v16, $0x10;
	v16 =	vand.u32 $0xFFFF0000, v16  }
0x8c: {  	v21 =	vld [tilespmem:s28+$0xFFFFFF90];
	[tilespmem:s7+$0xFFFFFF90] =	vst v8;
	v8 =	vshll.u32 v11, $0x10;
	v11 =	vand.u32 $0xFFFF0000, v11  }
0x8d: {  	v22 =	vshll.u32 v17, $0x10;
	v17 =	vand.u32 $0xFFFF0000, v17;
	v23 =	vld [tilespmem:s28+$0xFFFFFFB0];
	[tilespmem:s7+$0xFFFFFFC0] =	vst v13  }
0x8e: {  	[tilespmem:s7+$0xFFFFFE00] =	vst v22;
	v13 =	vshll.u32 v18, $0x10;
	v18 =	vand.u32 $0xFFFF0000, v18;
	v22 =	vld [tilespmem:s28+$0xFFFFFFD0]  }
0x8f: {  	[tilespmem:s7+$0xFFFFFE10] =	vst v17;
	v17 =	vshll.u32 v19, $0x10;
	v19 =	vand.u32 $0xFFFF0000, v19  }
0x90: {  	v24 =	vld [tilespmem:s28+$0xFFFFFF10];
	v25 =	vshll.u32 v20, $0x10;
	v20 =	vand.u32 $0xFFFF0000, v20;
	[tilespmem:s7+$0xFFFFFFD0] =	vst v9  }
0x91: {  	v9 =	vshll.u32 v21, $0x10;
	v21 =	vand.u32 $0xFFFF0000, v21;
	v26 =	vld [tilespmem:s28+$0xFFFFFFF0];
	[tilespmem:s7+$0x0] =	vst v15  }
0x92: {  	v15 =	vshll.u32 v23, $0x10;
	v23 =	vand.u32 $0xFFFF0000, v23;
	[tilespmem:s7+$0x10] =	vst v10  }
0x93: {  	v10 =	vshll.u32 v22, $0x10;
	v22 =	vand.u32 $0xFFFF0000, v22;
	v27 =	vld [tilespmem:s28+$0x10];
	[tilespmem:s7+$0x40] =	vst v1  }
0x94: {  	[tilespmem:s7+$0x50] =	vst v6  }
0x95: {  	v1 =	vshll.u32 v24, $0x10;
	v6 =	vand.u32 $0xFFFF0000, v24;
	v24 =	vld [tilespmem:s28+$0x30];
	[tilespmem:s7+$0x80] =	vst v5  }
0x96: {  	v28 =	vshll.u32 v26, $0x10;
	v26 =	vand.u32 $0xFFFF0000, v26;
	[tilespmem:s7+$0x90] =	vst v12  }
0x97: {  	v5 =	vld [tilespmem:s28+$0x50];
	[tilespmem:s7+$0xC0] =	vst v7  }
0x98: {  	v7 =	vshll.u32 v27, $0x10;
	v12 =	vand.u32 $0xFFFF0000, v27;
	[tilespmem:s7+$0xD0] =	vst v14  }
0x99: {  	v14 =	vld [tilespmem:s28+$0x70];
	[tilespmem:s7+$0x100] =	vst v3  }
0x9a: {  	v27 =	vshll.u32 v24, $0x10;
	v24 =	vand.u32 $0xFFFF0000, v24;
	[tilespmem:s7+$0x110] =	vst v2  }
0x9b: {  	v2 =	vld [tilespmem:s28+$0x90];
	[tilespmem:s7+$0x140] =	vst v4  }
0x9c: {  	v29 =	vshll.u32 v5, $0x10;
	v30 =	vand.u32 $0xFFFF0000, v5;
	[tilespmem:s7+$0x150] =	vst v16  }
0x9d: {  	v3 =	vld [tilespmem:s28+$0xB0];
	[tilespmem:s7+$0x180] =	vst v8  }
0x9e: {  	v8 =	vshll.u32 v14, $0x10;
	v14 =	vand.u32 $0xFFFF0000, v14;
	[tilespmem:s7+$0x190] =	vst v11  }
0x9f: {  	[tilespmem:s7+$0xFFFFFE20] =	vst v1;
	v11 =	vld [tilespmem:s28+$0xD0]  }
0xa0: {  	[tilespmem:s7+$0xFFFFFE30] =	vst v6;
	v6 =	vshll.u32 v2, $0x10;
	v1 =	vand.u32 $0xFFFF0000, v2  }
0xa1: {  	[tilespmem:s7+$0xFFFFFE60] =	vst v13  }
0xa2: {  	[tilespmem:s7+$0xFFFFFE70] =	vst v18;
	v4 =	vshll.u32 v3, $0x10;
	v2 =	vand.u32 $0xFFFF0000, v3  }
0xa3: {  	[tilespmem:s7+$0xFFFFFEA0] =	vst v17  }
0xa4: {  	[tilespmem:s7+$0xFFFFFEB0] =	vst v19;
	v5 =	vshll.u32 v11, $0x10;
	v3 =	vand.u32 $0xFFFF0000, v11  }
0xa5: {  	[tilespmem:s7+$0xFFFFFEE0] =	vst v25  }
0xa6: {  	[tilespmem:s7+$0xFFFFFEF0] =	vst v20  }
0xa7: {  	[tilespmem:s7+$0xFFFFFF20] =	vst v9  }
0xa8: {  	[tilespmem:s7+$0xFFFFFF30] =	vst v21  }
0xa9: {  	[tilespmem:s7+$0xFFFFFF60] =	vst v15  }
0xaa: {  	[tilespmem:s7+$0xFFFFFF70] =	vst v23  }
0xab: {  	[tilespmem:s7+$0xFFFFFFA0] =	vst v10  }
0xac: {  	[tilespmem:s7+$0xFFFFFFB0] =	vst v22  }
0xad: {  	[tilespmem:s7+$0xFFFFFFE0] =	vst v28  }
0xae: {  	[tilespmem:s7+$0xFFFFFFF0] =	vst v26  }
0xaf: {  	[tilespmem:s7+$0x20] =	vst v7  }
0xb0: {  	[tilespmem:s7+$0x30] =	vst v12  }
0xb1: {  	[tilespmem:s7+$0x60] =	vst v27  }
0xb2: {  	[tilespmem:s7+$0x70] =	vst v24  }
.Ltmp3:
0xb3: {  	[tilespmem:s7+$0xA0] =	vst v29;
	(pc) =	sbr.rel @p1 .LBB2_23-.Ltmp3, $4  }
0xb4: {  	[tilespmem:s7+$0xB0] =	vst v30  }
0xb5: {  	[tilespmem:s7+$0xE0] =	vst v8  }
0xb6: {  	[tilespmem:s7+$0xF0] =	vst v14  }
0xb7: {  	s28 =	sadd.s32 $0x200, s28;
	[tilespmem:s7+$0x120] =	vst v6  }
0xb8: {  	[tilespmem:s7+$0x130] =	vst v1  }
0xb9: {  	[tilespmem:s7+$0x160] =	vst v4  }
0xba: {  	[tilespmem:s7+$0x170] =	vst v2  }
0xbb: {  	[tilespmem:s7+$0x1A0] =	vst v5  }
0xbc: {  	[tilespmem:s7+$0x1B0] =	vst v3  }
0xbd: {  	[tilespmem:s7+$0x1E0] =	vst v0  }
0xbe: {  	[spmem:s1] =	stream.indirect.scatter.add.f32 [tilespmem:s26], [sflag:$0x3], $0x40, s22, s22, $0xb8;
	[tilespmem:$0x1F000] =	vst v63  }
0xbf: {  	s24 =	simm.s32 $0x200  }
0xc0: {  	[tilespmem:s23], [sflag:$0x1] =	stream.indirect.gather [hbm4b:s5+s22], $0x20, s24, s22, $0xb8;
	[tilespmem:$0x1F000] =	vst v63  }
0xc1: {  	_ =	swait.ge [sflag:s29], $0x1000  }
0xc2: {  	[sflag:s29] =	ssyncset.done $0x0  }
0xc3: {  	s24 =	simm.s32 $0x1900;
	[sflag:s29] =	ssyncadd.s32 $0xFFFFF000  }
0xc4: {  	v0 =	vld [tilespmem:s24+$0xE0];
	_ =	sdelay $0x1  }
0xc5: {  	v2 =	vld [tilespmem:s24+$0xFFFFFF40]  }
0xc6: {  	v1 =	vld [tilespmem:s24+$0xFFFFFF20];
	_ =	sdelay $0x1  }
0xc7: {  	s7 =	simm.s32 $0x4A00;
	v4 =	vld [tilespmem:s24+$0xFFFFFF60];
	v3 =	vshll.u32 v0, $0x10  }
0xc8: {  	v0 =	vand.u32 $0xFFFF0000, v0;
	[tilespmem:s7+$0x1C0] =	vst v3  }
0xc9: {  	v5 =	vshll.u32 v2, $0x10;
	[tilespmem:s7+$0x1D0] =	vst v0  }
0xca: {  	v3 =	vshll.u32 v1, $0x10;
	[tilespmem:s7+$0xFFFFFE80] =	vst v5;
	v0 =	vld [tilespmem:s24+$0xF0]  }
0xcb: {  	v1 =	vand.u32 $0xFFFF0000, v1;
	[tilespmem:s7+$0xFFFFFE40] =	vst v3;
	v3 =	vld [tilespmem:s24+$0xFFFFFF80]  }
0xcc: {  	v5 =	vshll.u32 v4, $0x10;
	[tilespmem:s7+$0xFFFFFE50] =	vst v1  }
0xcd: {  	v1 =	vand.u32 $0xFFFF0000, v2;
	v2 =	vld [tilespmem:s24+$0xFFFFFFA0];
	[tilespmem:s7+$0xFFFFFEC0] =	vst v5  }
0xce: {  	[tilespmem:s7+$0xFFFFFE90] =	vst v1;
	v1 =	vand.u32 $0xFFFF0000, v4  }
0xcf: {  	v4 =	vld [tilespmem:s24+$0xFFFFFFC0];
	[tilespmem:s7+$0xFFFFFED0] =	vst v1;
	v1 =	vand.u32 $0xFFFF0000, v0  }
0xd0: {  	v5 =	vshll.u32 v3, $0x10;
	[tilespmem:s7+$0x1F0] =	vst v1  }
0xd1: {  	v6 =	vld [tilespmem:s24+$0xFFFFFF00];
	v3 =	vand.u32 $0xFFFF0000, v3;
	[tilespmem:s7+$0xFFFFFF00] =	vst v5  }
0xd2: {  	v1 =	vld [tilespmem:s24+$0xFFFFFFE0];
	v5 =	vshll.u32 v2, $0x10;
	[tilespmem:s7+$0xFFFFFF10] =	vst v3  }
0xd3: {  	v2 =	vand.u32 $0xFFFF0000, v2;
	[tilespmem:s7+$0xFFFFFF40] =	vst v5  }
0xd4: {  	v3 =	vshll.u32 v4, $0x10;
	[tilespmem:s7+$0xFFFFFF50] =	vst v2  }
0xd5: {  	v4 =	vand.u32 $0xFFFF0000, v4;
	v2 =	vld [tilespmem:s24+$0x0];
	[tilespmem:s7+$0xFFFFFF80] =	vst v3  }
0xd6: {  	[tilespmem:s7+$0xFFFFFF90] =	vst v4;
	v5 =	vshll.u32 v6, $0x10  }
0xd7: {  	v4 =	vld [tilespmem:s24+$0x20];
	[tilespmem:s7+$0xFFFFFE00] =	vst v5;
	v3 =	vshll.u32 v1, $0x10  }
0xd8: {  	v1 =	vand.u32 $0xFFFF0000, v1;
	[tilespmem:s7+$0xFFFFFFC0] =	vst v3  }
0xd9: {  	v5 =	vld [tilespmem:s24+$0x40];
	v3 =	vand.u32 $0xFFFF0000, v6;
	[tilespmem:s7+$0xFFFFFFD0] =	vst v1  }
0xda: {  	[tilespmem:s7+$0xFFFFFE10] =	vst v3;
	v3 =	vshll.u32 v2, $0x10  }
0xdb: {  	v1 =	vld [tilespmem:s24+$0x60];
	v2 =	vand.u32 $0xFFFF0000, v2;
	[tilespmem:s7+$0x0] =	vst v3  }
0xdc: {  	v3 =	vshll.u32 v4, $0x10;
	[tilespmem:s7+$0x10] =	vst v2  }
0xdd: {  	v2 =	vld [tilespmem:s24+$0x80];
	v4 =	vand.u32 $0xFFFF0000, v4;
	[tilespmem:s7+$0x40] =	vst v3  }
0xde: {  	v3 =	vshll.u32 v5, $0x10;
	[tilespmem:s7+$0x50] =	vst v4  }
0xdf: {  	v4 =	vld [tilespmem:s24+$0xA0];
	v5 =	vand.u32 $0xFFFF0000, v5;
	[tilespmem:s7+$0x80] =	vst v3  }
0xe0: {  	[tilespmem:s7+$0x90] =	vst v5;
	v3 =	vshll.u32 v1, $0x10  }
0xe1: {  	v5 =	vld [tilespmem:s24+$0xC0];
	v1 =	vand.u32 $0xFFFF0000, v1;
	[tilespmem:s7+$0xC0] =	vst v3  }
0xe2: {  	[tilespmem:s7+$0xD0] =	vst v1;
	v3 =	vshll.u32 v2, $0x10  }
0xe3: {  	v1 =	vand.u32 $0xFFFF0000, v2;
	v2 =	vld [tilespmem:s24+$0xFFFFFF10];
	[tilespmem:s7+$0x100] =	vst v3  }
0xe4: {  	v3 =	vshll.u32 v4, $0x10;
	[tilespmem:s7+$0x110] =	vst v1  }
0xe5: {  	v1 =	vld [tilespmem:s24+$0xFFFFFF30];
	v4 =	vand.u32 $0xFFFF0000, v4;
	[tilespmem:s7+$0x140] =	vst v3  }
0xe6: {  	v3 =	vshll.u32 v5, $0x10;
	[tilespmem:s7+$0x150] =	vst v4  }
0xe7: {  	v4 =	vld [tilespmem:s24+$0xFFFFFF50];
	v5 =	vand.u32 $0xFFFF0000, v5;
	[tilespmem:s7+$0x180] =	vst v3  }
0xe8: {  	[tilespmem:s7+$0x190] =	vst v5;
	v3 =	vshll.u32 v2, $0x10  }
0xe9: {  	v6 =	vld [tilespmem:s24+$0x90];
	v2 =	vand.u32 $0xFFFF0000, v2;
	[tilespmem:s7+$0xFFFFFE20] =	vst v3  }
0xea: {  	v5 =	vld [tilespmem:s24+$0xFFFFFF70];
	v3 =	vshll.u32 v1, $0x10;
	[tilespmem:s7+$0xFFFFFE30] =	vst v2  }
0xeb: {  	v1 =	vand.u32 $0xFFFF0000, v1;
	[tilespmem:s7+$0xFFFFFE60] =	vst v3  }
0xec: {  	v2 =	vld [tilespmem:s24+$0xFFFFFF90];
	v3 =	vshll.u32 v4, $0x10;
	[tilespmem:s7+$0xFFFFFE70] =	vst v1  }
0xed: {  	v4 =	vand.u32 $0xFFFF0000, v4;
	[tilespmem:s7+$0xFFFFFEA0] =	vst v3  }
0xee: {  	v1 =	vld [tilespmem:s24+$0xFFFFFFB0];
	v9 =	vshll.u32 v6, $0x10;
	[tilespmem:s7+$0xFFFFFEB0] =	vst v4  }
0xef: {  	v3 =	vshll.u32 v5, $0x10;
	[tilespmem:s7+$0x120] =	vst v9  }
0xf0: {  	v4 =	vld [tilespmem:s24+$0xFFFFFFD0];
	v5 =	vand.u32 $0xFFFF0000, v5;
	[tilespmem:s7+$0xFFFFFEE0] =	vst v3  }
0xf1: {  	[tilespmem:s7+$0xFFFFFEF0] =	vst v5;
	v3 =	vshll.u32 v2, $0x10  }
0xf2: {  	v5 =	vld [tilespmem:s24+$0xFFFFFFF0];
	v2 =	vand.u32 $0xFFFF0000, v2;
	[tilespmem:s7+$0xFFFFFF20] =	vst v3  }
0xf3: {  	v3 =	vshll.u32 v1, $0x10;
	[tilespmem:s7+$0xFFFFFF30] =	vst v2  }
0xf4: {  	v1 =	vand.u32 $0xFFFF0000, v1;
	v2 =	vld [tilespmem:s24+$0x10];
	[tilespmem:s7+$0xFFFFFF60] =	vst v3  }
0xf5: {  	v3 =	vshll.u32 v4, $0x10;
	[tilespmem:s7+$0xFFFFFF70] =	vst v1  }
0xf6: {  	v1 =	vand.u32 $0xFFFF0000, v4;
	v4 =	vld [tilespmem:s24+$0x30];
	[tilespmem:s7+$0xFFFFFFA0] =	vst v3  }
0xf7: {  	v3 =	vshll.u32 v5, $0x10;
	[tilespmem:s7+$0xFFFFFFB0] =	vst v1  }
0xf8: {  	v1 =	vand.u32 $0xFFFF0000, v5;
	v5 =	vld [tilespmem:s24+$0x50];
	[tilespmem:s7+$0xFFFFFFE0] =	vst v3  }
0xf9: {  	v7 =	vld [tilespmem:s24+$0xB0];
	[tilespmem:s7+$0xFFFFFFF0] =	vst v1;
	v3 =	vshll.u32 v2, $0x10  }
0xfa: {  	v1 =	vand.u32 $0xFFFF0000, v2;
	v2 =	vld [tilespmem:s24+$0x70];
	[tilespmem:s7+$0x20] =	vst v3  }
0xfb: {  	v8 =	vld [tilespmem:s24+$0xD0];
	v3 =	vshll.u32 v4, $0x10;
	[tilespmem:s7+$0x30] =	vst v1  }
0xfc: {  	v1 =	vand.u32 $0xFFFF0000, v4;
	[tilespmem:s7+$0x60] =	vst v3  }
0xfd: {  	v3 =	vshll.u32 v5, $0x10;
	[tilespmem:s7+$0x70] =	vst v1  }
0xfe: {  	v1 =	vand.u32 $0xFFFF0000, v5;
	[tilespmem:s7+$0xA0] =	vst v3  }
0xff: {  	v0 =	vshll.u32 v0, $0x10;
	[tilespmem:s7+$0xB0] =	vst v1;
	v3 =	vshll.u32 v2, $0x10  }
0x100: {  	v4 =	vshll.u32 v7, $0x10;
	v5 =	vshll.u32 v8, $0x10;
	v2 =	vand.u32 $0xFFFF0000, v2;
	[tilespmem:s7+$0xE0] =	vst v3  }
0x101: {  	s28 =	simm.s32 $0x1B00;
	s24 =	simm.s32 $0x0;
	v1 =	vand.u32 $0xFFFF0000, v6;
	[tilespmem:s7+$0xF0] =	vst v2;
	v2 =	vand.u32 $0xFFFF0000, v7;
	v3 =	vand.u32 $0xFFFF0000, v8  }
.LBB2_25:
0x102: {  	v6 =	vld [tilespmem:s28+$0xE0];
	[tilespmem:s7+$0x130] =	vst v1  }
0x103: {  	s24 =	sadd.s32 $0x10, s24;
	v1 =	vld [tilespmem:s28+$0xFFFFFF20];
	[tilespmem:s7+$0x160] =	vst v4  }
0x104: {  	p1 =	slt.u32 s24, $0x70;
	v4 =	vld [tilespmem:s28+$0xFFFFFF40];
	[tilespmem:s7+$0x170] =	vst v2  }
0x105: {  	v2 =	vld [tilespmem:s28+$0xFFFFFF60];
	[tilespmem:s7+$0x1A0] =	vst v5  }
0x106: {  	v5 =	vld [tilespmem:s28+$0xFFFFFF80];
	[tilespmem:s7+$0x1B0] =	vst v3  }
0x107: {  	v3 =	vld [tilespmem:s28+$0xFFFFFFA0];
	v7 =	vshll.u32 v6, $0x10;
	[tilespmem:s7+$0x1E0] =	vst v0;
	s7 =	sadd.s32 $0x400, s7  }
0x108: {  	v6 =	vand.u32 $0xFFFF0000, v6;
	v0 =	vshll.u32 v1, $0x10;
	v1 =	vand.u32 $0xFFFF0000, v1;
	v8 =	vld [tilespmem:s28+$0xFFFFFFC0];
	[tilespmem:s7+$0x1C0] =	vst v7  }
0x109: {  	v7 =	vshll.u32 v4, $0x10;
	v4 =	vand.u32 $0xFFFF0000, v4;
	v9 =	vld [tilespmem:s28+$0xFFFFFFE0];
	[tilespmem:s7+$0x1D0] =	vst v6  }
0x10a: {  	[tilespmem:s7+$0xFFFFFE40] =	vst v0;
	v0 =	vshll.u32 v2, $0x10;
	v2 =	vand.u32 $0xFFFF0000, v2;
	v6 =	vld [tilespmem:s28+$0xF0]  }
0x10b: {  	[tilespmem:s7+$0xFFFFFE50] =	vst v1;
	v1 =	vshll.u32 v5, $0x10;
	v5 =	vand.u32 $0xFFFF0000, v5;
	v10 =	vld [tilespmem:s28+$0x0]  }
0x10c: {  	[tilespmem:s7+$0xFFFFFE80] =	vst v7;
	v7 =	vshll.u32 v3, $0x10;
	v3 =	vand.u32 $0xFFFF0000, v3;
	v11 =	vld [tilespmem:s28+$0x20]  }
0x10d: {  	[tilespmem:s7+$0xFFFFFE90] =	vst v4;
	v4 =	vshll.u32 v8, $0x10;
	v8 =	vand.u32 $0xFFFF0000, v8;
	v12 =	vld [tilespmem:s28+$0x40]  }
0x10e: {  	[tilespmem:s7+$0xFFFFFEC0] =	vst v0;
	v13 =	vshll.u32 v9, $0x10;
	v9 =	vand.u32 $0xFFFF0000, v9;
	v14 =	vld [tilespmem:s28+$0x60]  }
0x10f: {  	[tilespmem:s7+$0xFFFFFED0] =	vst v2;
	v2 =	vld [tilespmem:s28+$0x80];
	v0 =	vshll.u32 v6, $0x10;
	v6 =	vand.u32 $0xFFFF0000, v6  }
0x110: {  	v15 =	vshll.u32 v10, $0x10;
	v10 =	vand.u32 $0xFFFF0000, v10;
	v16 =	vld [tilespmem:s28+$0xA0];
	[tilespmem:s7+$0x1F0] =	vst v6  }
0x111: {  	[tilespmem:s7+$0xFFFFFF00] =	vst v1;
	v1 =	vshll.u32 v11, $0x10;
	v6 =	vand.u32 $0xFFFF0000, v11;
	v11 =	vld [tilespmem:s28+$0xC0]  }
0x112: {  	v17 =	vld [tilespmem:s28+$0xFFFFFF00];
	[tilespmem:s7+$0xFFFFFF10] =	vst v5;
	v5 =	vshll.u32 v12, $0x10;
	v12 =	vand.u32 $0xFFFF0000, v12  }
0x113: {  	v18 =	vld [tilespmem:s28+$0xFFFFFF30];
	[tilespmem:s7+$0xFFFFFF40] =	vst v7;
	v7 =	vshll.u32 v14, $0x10;
	v14 =	vand.u32 $0xFFFF0000, v14  }
0x114: {  	v19 =	vld [tilespmem:s28+$0xFFFFFF50];
	[tilespmem:s7+$0xFFFFFF50] =	vst v3;
	v3 =	vshll.u32 v2, $0x10;
	v2 =	vand.u32 $0xFFFF0000, v2  }
0x115: {  	v20 =	vld [tilespmem:s28+$0xFFFFFF70];
	[tilespmem:s7+$0xFFFFFF80] =	vst v4;
	v4 =	vshll.u32 v16, $0x10;
	v16 =	vand.u32 $0xFFFF0000, v16  }
0x116: {  	v21 =	vld [tilespmem:s28+$0xFFFFFF90];
	[tilespmem:s7+$0xFFFFFF90] =	vst v8;
	v8 =	vshll.u32 v11, $0x10;
	v11 =	vand.u32 $0xFFFF0000, v11  }
0x117: {  	v22 =	vshll.u32 v17, $0x10;
	v17 =	vand.u32 $0xFFFF0000, v17;
	v23 =	vld [tilespmem:s28+$0xFFFFFFB0];
	[tilespmem:s7+$0xFFFFFFC0] =	vst v13  }
0x118: {  	[tilespmem:s7+$0xFFFFFE00] =	vst v22;
	v13 =	vshll.u32 v18, $0x10;
	v18 =	vand.u32 $0xFFFF0000, v18;
	v22 =	vld [tilespmem:s28+$0xFFFFFFD0]  }
0x119: {  	[tilespmem:s7+$0xFFFFFE10] =	vst v17;
	v17 =	vshll.u32 v19, $0x10;
	v19 =	vand.u32 $0xFFFF0000, v19  }
0x11a: {  	v24 =	vld [tilespmem:s28+$0xFFFFFF10];
	v25 =	vshll.u32 v20, $0x10;
	v20 =	vand.u32 $0xFFFF0000, v20;
	[tilespmem:s7+$0xFFFFFFD0] =	vst v9  }
0x11b: {  	v9 =	vshll.u32 v21, $0x10;
	v21 =	vand.u32 $0xFFFF0000, v21;
	v26 =	vld [tilespmem:s28+$0xFFFFFFF0];
	[tilespmem:s7+$0x0] =	vst v15  }
0x11c: {  	v15 =	vshll.u32 v23, $0x10;
	v23 =	vand.u32 $0xFFFF0000, v23;
	[tilespmem:s7+$0x10] =	vst v10  }
0x11d: {  	v10 =	vshll.u32 v22, $0x10;
	v22 =	vand.u32 $0xFFFF0000, v22;
	v27 =	vld [tilespmem:s28+$0x10];
	[tilespmem:s7+$0x40] =	vst v1  }
0x11e: {  	[tilespmem:s7+$0x50] =	vst v6  }
0x11f: {  	v1 =	vshll.u32 v24, $0x10;
	v6 =	vand.u32 $0xFFFF0000, v24;
	v24 =	vld [tilespmem:s28+$0x30];
	[tilespmem:s7+$0x80] =	vst v5  }
0x120: {  	v28 =	vshll.u32 v26, $0x10;
	v26 =	vand.u32 $0xFFFF0000, v26;
	[tilespmem:s7+$0x90] =	vst v12  }
0x121: {  	v5 =	vld [tilespmem:s28+$0x50];
	[tilespmem:s7+$0xC0] =	vst v7  }
0x122: {  	v7 =	vshll.u32 v27, $0x10;
	v12 =	vand.u32 $0xFFFF0000, v27;
	[tilespmem:s7+$0xD0] =	vst v14  }
0x123: {  	v14 =	vld [tilespmem:s28+$0x70];
	[tilespmem:s7+$0x100] =	vst v3  }
0x124: {  	v27 =	vshll.u32 v24, $0x10;
	v24 =	vand.u32 $0xFFFF0000, v24;
	[tilespmem:s7+$0x110] =	vst v2  }
0x125: {  	v2 =	vld [tilespmem:s28+$0x90];
	[tilespmem:s7+$0x140] =	vst v4  }
0x126: {  	v29 =	vshll.u32 v5, $0x10;
	v30 =	vand.u32 $0xFFFF0000, v5;
	[tilespmem:s7+$0x150] =	vst v16  }
0x127: {  	v3 =	vld [tilespmem:s28+$0xB0];
	[tilespmem:s7+$0x180] =	vst v8  }
0x128: {  	v8 =	vshll.u32 v14, $0x10;
	v14 =	vand.u32 $0xFFFF0000, v14;
	[tilespmem:s7+$0x190] =	vst v11  }
0x129: {  	[tilespmem:s7+$0xFFFFFE20] =	vst v1;
	v11 =	vld [tilespmem:s28+$0xD0]  }
0x12a: {  	[tilespmem:s7+$0xFFFFFE30] =	vst v6;
	v6 =	vshll.u32 v2, $0x10;
	v1 =	vand.u32 $0xFFFF0000, v2  }
0x12b: {  	[tilespmem:s7+$0xFFFFFE60] =	vst v13  }
0x12c: {  	[tilespmem:s7+$0xFFFFFE70] =	vst v18;
	v4 =	vshll.u32 v3, $0x10;
	v2 =	vand.u32 $0xFFFF0000, v3  }
0x12d: {  	[tilespmem:s7+$0xFFFFFEA0] =	vst v17  }
0x12e: {  	[tilespmem:s7+$0xFFFFFEB0] =	vst v19;
	v5 =	vshll.u32 v11, $0x10;
	v3 =	vand.u32 $0xFFFF0000, v11  }
0x12f: {  	[tilespmem:s7+$0xFFFFFEE0] =	vst v25  }
0x130: {  	[tilespmem:s7+$0xFFFFFEF0] =	vst v20  }
0x131: {  	[tilespmem:s7+$0xFFFFFF20] =	vst v9  }
0x132: {  	[tilespmem:s7+$0xFFFFFF30] =	vst v21  }
0x133: {  	[tilespmem:s7+$0xFFFFFF60] =	vst v15  }
0x134: {  	[tilespmem:s7+$0xFFFFFF70] =	vst v23  }
0x135: {  	[tilespmem:s7+$0xFFFFFFA0] =	vst v10  }
0x136: {  	[tilespmem:s7+$0xFFFFFFB0] =	vst v22  }
0x137: {  	[tilespmem:s7+$0xFFFFFFE0] =	vst v28  }
0x138: {  	[tilespmem:s7+$0xFFFFFFF0] =	vst v26  }
0x139: {  	[tilespmem:s7+$0x20] =	vst v7  }
0x13a: {  	[tilespmem:s7+$0x30] =	vst v12  }
0x13b: {  	[tilespmem:s7+$0x60] =	vst v27  }
0x13c: {  	[tilespmem:s7+$0x70] =	vst v24  }
.Ltmp4:
0x13d: {  	[tilespmem:s7+$0xA0] =	vst v29;
	(pc) =	sbr.rel @p1 .LBB2_25-.Ltmp4, $4  }
0x13e: {  	[tilespmem:s7+$0xB0] =	vst v30  }
0x13f: {  	[tilespmem:s7+$0xE0] =	vst v8  }
0x140: {  	[tilespmem:s7+$0xF0] =	vst v14  }
0x141: {  	s28 =	sadd.s32 $0x200, s28;
	[tilespmem:s7+$0x120] =	vst v6  }
0x142: {  	[tilespmem:s7+$0x130] =	vst v1  }
0x143: {  	[tilespmem:s7+$0x160] =	vst v4  }
0x144: {  	[tilespmem:s7+$0x170] =	vst v2  }
0x145: {  	[tilespmem:s7+$0x1A0] =	vst v5  }
0x146: {  	[tilespmem:s7+$0x1B0] =	vst v3  }
0x147: {  	[tilespmem:s7+$0x1E0] =	vst v0;
	s24 =	simm.s32 $0x180  }
0x148: {  	[spmem:s1] =	stream.indirect.scatter.add.f32 [tilespmem:s31], [sflag:$0x4], $0x40, s24, s22, $0xb8;
	[tilespmem:$0x1F000] =	vst v63  }
0x149: {  	_ = 	snop  }
0x14a: {  	[tilespmem:s25], [sflag:$0x2] =	stream.indirect.gather [hbm4b:s5+s22], $0x20, s0, s22, $0xb8;
	[tilespmem:$0x1F000] =	vst v63  }
0x14b: {  	_ =	swait.ge [sflag:s18], $0x1000  }
0x14c: {  	[sflag:s18] =	ssyncset.done $0x0  }
0x14d: {  	[sflag:s18] =	ssyncadd.s32 $0xFFFFF000  }
0x14e: {  	_ =	swait.ge [sflag:s4], $0x2000  }
0x14f: {  	[sflag:s4] =	ssyncset.done $0x0  }
0x150: {  	s24 =	simm.s32 $0x900;
	[sflag:s4] =	ssyncadd.s32 $0xFFFFE000  }
0x151: {  	v0 =	vld [tilespmem:s24+$0xE0];
	_ =	sdelay $0x1  }
0x152: {  	v2 =	vld [tilespmem:s24+$0xFFFFFF40]  }
0x153: {  	v1 =	vld [tilespmem:s24+$0xFFFFFF20];
	_ =	sdelay $0x1  }
0x154: {  	s7 =	simm.s32 $0x2A00;
	v4 =	vld [tilespmem:s24+$0xFFFFFF60];
	v3 =	vshll.u32 v0, $0x10  }
0x155: {  	v0 =	vand.u32 $0xFFFF0000, v0;
	[tilespmem:s7+$0x1C0] =	vst v3  }
0x156: {  	v5 =	vshll.u32 v2, $0x10;
	[tilespmem:s7+$0x1D0] =	vst v0  }
0x157: {  	v3 =	vshll.u32 v1, $0x10;
	[tilespmem:s7+$0xFFFFFE80] =	vst v5;
	v0 =	vld [tilespmem:s24+$0xF0]  }
0x158: {  	v1 =	vand.u32 $0xFFFF0000, v1;
	[tilespmem:s7+$0xFFFFFE40] =	vst v3;
	v3 =	vld [tilespmem:s24+$0xFFFFFF80]  }
0x159: {  	v5 =	vshll.u32 v4, $0x10;
	[tilespmem:s7+$0xFFFFFE50] =	vst v1  }
0x15a: {  	v1 =	vand.u32 $0xFFFF0000, v2;
	v2 =	vld [tilespmem:s24+$0xFFFFFFA0];
	[tilespmem:s7+$0xFFFFFEC0] =	vst v5  }
0x15b: {  	[tilespmem:s7+$0xFFFFFE90] =	vst v1;
	v1 =	vand.u32 $0xFFFF0000, v4  }
0x15c: {  	v4 =	vld [tilespmem:s24+$0xFFFFFFC0];
	[tilespmem:s7+$0xFFFFFED0] =	vst v1;
	v1 =	vand.u32 $0xFFFF0000, v0  }
0x15d: {  	v5 =	vshll.u32 v3, $0x10;
	[tilespmem:s7+$0x1F0] =	vst v1  }
0x15e: {  	v6 =	vld [tilespmem:s24+$0xFFFFFF00];
	v3 =	vand.u32 $0xFFFF0000, v3;
	[tilespmem:s7+$0xFFFFFF00] =	vst v5  }
0x15f: {  	v1 =	vld [tilespmem:s24+$0xFFFFFFE0];
	v5 =	vshll.u32 v2, $0x10;
	[tilespmem:s7+$0xFFFFFF10] =	vst v3  }
0x160: {  	v2 =	vand.u32 $0xFFFF0000, v2;
	[tilespmem:s7+$0xFFFFFF40] =	vst v5  }
0x161: {  	v3 =	vshll.u32 v4, $0x10;
	[tilespmem:s7+$0xFFFFFF50] =	vst v2  }
0x162: {  	v4 =	vand.u32 $0xFFFF0000, v4;
	v2 =	vld [tilespmem:s24+$0x0];
	[tilespmem:s7+$0xFFFFFF80] =	vst v3  }
0x163: {  	[tilespmem:s7+$0xFFFFFF90] =	vst v4;
	v5 =	vshll.u32 v6, $0x10  }
0x164: {  	v4 =	vld [tilespmem:s24+$0x20];
	[tilespmem:s7+$0xFFFFFE00] =	vst v5;
	v3 =	vshll.u32 v1, $0x10  }
0x165: {  	v1 =	vand.u32 $0xFFFF0000, v1;
	[tilespmem:s7+$0xFFFFFFC0] =	vst v3  }
0x166: {  	v5 =	vld [tilespmem:s24+$0x40];
	v3 =	vand.u32 $0xFFFF0000, v6;
	[tilespmem:s7+$0xFFFFFFD0] =	vst v1  }
0x167: {  	[tilespmem:s7+$0xFFFFFE10] =	vst v3;
	v3 =	vshll.u32 v2, $0x10  }
0x168: {  	v1 =	vld [tilespmem:s24+$0x60];
	v2 =	vand.u32 $0xFFFF0000, v2;
	[tilespmem:s7+$0x0] =	vst v3  }
0x169: {  	v3 =	vshll.u32 v4, $0x10;
	[tilespmem:s7+$0x10] =	vst v2  }
0x16a: {  	v2 =	vld [tilespmem:s24+$0x80];
	v4 =	vand.u32 $0xFFFF0000, v4;
	[tilespmem:s7+$0x40] =	vst v3  }
0x16b: {  	v3 =	vshll.u32 v5, $0x10;
	[tilespmem:s7+$0x50] =	vst v4  }
0x16c: {  	v4 =	vld [tilespmem:s24+$0xA0];
	v5 =	vand.u32 $0xFFFF0000, v5;
	[tilespmem:s7+$0x80] =	vst v3  }
0x16d: {  	[tilespmem:s7+$0x90] =	vst v5;
	v3 =	vshll.u32 v1, $0x10  }
0x16e: {  	v5 =	vld [tilespmem:s24+$0xC0];
	v1 =	vand.u32 $0xFFFF0000, v1;
	[tilespmem:s7+$0xC0] =	vst v3  }
0x16f: {  	[tilespmem:s7+$0xD0] =	vst v1;
	v3 =	vshll.u32 v2, $0x10  }
0x170: {  	v1 =	vand.u32 $0xFFFF0000, v2;
	v2 =	vld [tilespmem:s24+$0xFFFFFF10];
	[tilespmem:s7+$0x100] =	vst v3  }
0x171: {  	v3 =	vshll.u32 v4, $0x10;
	[tilespmem:s7+$0x110] =	vst v1  }
0x172: {  	v1 =	vld [tilespmem:s24+$0xFFFFFF30];
	v4 =	vand.u32 $0xFFFF0000, v4;
	[tilespmem:s7+$0x140] =	vst v3  }
0x173: {  	v3 =	vshll.u32 v5, $0x10;
	[tilespmem:s7+$0x150] =	vst v4  }
0x174: {  	v4 =	vld [tilespmem:s24+$0xFFFFFF50];
	v5 =	vand.u32 $0xFFFF0000, v5;
	[tilespmem:s7+$0x180] =	vst v3  }
0x175: {  	[tilespmem:s7+$0x190] =	vst v5;
	v3 =	vshll.u32 v2, $0x10  }
0x176: {  	v6 =	vld [tilespmem:s24+$0x90];
	v2 =	vand.u32 $0xFFFF0000, v2;
	[tilespmem:s7+$0xFFFFFE20] =	vst v3  }
0x177: {  	v5 =	vld [tilespmem:s24+$0xFFFFFF70];
	v3 =	vshll.u32 v1, $0x10;
	[tilespmem:s7+$0xFFFFFE30] =	vst v2  }
0x178: {  	v1 =	vand.u32 $0xFFFF0000, v1;
	[tilespmem:s7+$0xFFFFFE60] =	vst v3  }
0x179: {  	v2 =	vld [tilespmem:s24+$0xFFFFFF90];
	v3 =	vshll.u32 v4, $0x10;
	[tilespmem:s7+$0xFFFFFE70] =	vst v1  }
0x17a: {  	v4 =	vand.u32 $0xFFFF0000, v4;
	[tilespmem:s7+$0xFFFFFEA0] =	vst v3  }
0x17b: {  	v1 =	vld [tilespmem:s24+$0xFFFFFFB0];
	v9 =	vshll.u32 v6, $0x10;
	[tilespmem:s7+$0xFFFFFEB0] =	vst v4  }
0x17c: {  	v3 =	vshll.u32 v5, $0x10;
	[tilespmem:s7+$0x120] =	vst v9  }
0x17d: {  	v4 =	vld [tilespmem:s24+$0xFFFFFFD0];
	v5 =	vand.u32 $0xFFFF0000, v5;
	[tilespmem:s7+$0xFFFFFEE0] =	vst v3  }
0x17e: {  	[tilespmem:s7+$0xFFFFFEF0] =	vst v5;
	v3 =	vshll.u32 v2, $0x10  }
0x17f: {  	v5 =	vld [tilespmem:s24+$0xFFFFFFF0];
	v2 =	vand.u32 $0xFFFF0000, v2;
	[tilespmem:s7+$0xFFFFFF20] =	vst v3  }
0x180: {  	v3 =	vshll.u32 v1, $0x10;
	[tilespmem:s7+$0xFFFFFF30] =	vst v2  }
0x181: {  	v1 =	vand.u32 $0xFFFF0000, v1;
	v2 =	vld [tilespmem:s24+$0x10];
	[tilespmem:s7+$0xFFFFFF60] =	vst v3  }
0x182: {  	v3 =	vshll.u32 v4, $0x10;
	[tilespmem:s7+$0xFFFFFF70] =	vst v1  }
0x183: {  	v1 =	vand.u32 $0xFFFF0000, v4;
	v4 =	vld [tilespmem:s24+$0x30];
	[tilespmem:s7+$0xFFFFFFA0] =	vst v3  }
0x184: {  	v3 =	vshll.u32 v5, $0x10;
	[tilespmem:s7+$0xFFFFFFB0] =	vst v1  }
0x185: {  	v1 =	vand.u32 $0xFFFF0000, v5;
	v5 =	vld [tilespmem:s24+$0x50];
	[tilespmem:s7+$0xFFFFFFE0] =	vst v3  }
0x186: {  	v7 =	vld [tilespmem:s24+$0xB0];
	[tilespmem:s7+$0xFFFFFFF0] =	vst v1;
	v3 =	vshll.u32 v2, $0x10  }
0x187: {  	v1 =	vand.u32 $0xFFFF0000, v2;
	v2 =	vld [tilespmem:s24+$0x70];
	[tilespmem:s7+$0x20] =	vst v3  }
0x188: {  	v8 =	vld [tilespmem:s24+$0xD0];
	v3 =	vshll.u32 v4, $0x10;
	[tilespmem:s7+$0x30] =	vst v1  }
0x189: {  	v1 =	vand.u32 $0xFFFF0000, v4;
	[tilespmem:s7+$0x60] =	vst v3  }
0x18a: {  	v3 =	vshll.u32 v5, $0x10;
	[tilespmem:s7+$0x70] =	vst v1  }
0x18b: {  	v1 =	vand.u32 $0xFFFF0000, v5;
	[tilespmem:s7+$0xA0] =	vst v3  }
0x18c: {  	v0 =	vshll.u32 v0, $0x10;
	[tilespmem:s7+$0xB0] =	vst v1;
	v3 =	vshll.u32 v2, $0x10  }
0x18d: {  	v4 =	vshll.u32 v7, $0x10;
	v5 =	vshll.u32 v8, $0x10;
	v2 =	vand.u32 $0xFFFF0000, v2;
	[tilespmem:s7+$0xE0] =	vst v3  }
0x18e: {  	s28 =	simm.s32 $0xB00;
	s24 =	simm.s32 $0x0;
	v1 =	vand.u32 $0xFFFF0000, v6;
	[tilespmem:s7+$0xF0] =	vst v2;
	v2 =	vand.u32 $0xFFFF0000, v7;
	v3 =	vand.u32 $0xFFFF0000, v8  }
.LBB2_27:
0x18f: {  	v6 =	vld [tilespmem:s28+$0xE0];
	[tilespmem:s7+$0x130] =	vst v1  }
0x190: {  	s24 =	sadd.s32 $0x10, s24;
	v1 =	vld [tilespmem:s28+$0xFFFFFF20];
	[tilespmem:s7+$0x160] =	vst v4  }
0x191: {  	p1 =	slt.u32 s24, $0x70;
	v4 =	vld [tilespmem:s28+$0xFFFFFF40];
	[tilespmem:s7+$0x170] =	vst v2  }
0x192: {  	v2 =	vld [tilespmem:s28+$0xFFFFFF60];
	[tilespmem:s7+$0x1A0] =	vst v5  }
0x193: {  	v5 =	vld [tilespmem:s28+$0xFFFFFF80];
	[tilespmem:s7+$0x1B0] =	vst v3  }
0x194: {  	v3 =	vld [tilespmem:s28+$0xFFFFFFA0];
	v7 =	vshll.u32 v6, $0x10;
	[tilespmem:s7+$0x1E0] =	vst v0;
	s7 =	sadd.s32 $0x400, s7  }
0x195: {  	v6 =	vand.u32 $0xFFFF0000, v6;
	v0 =	vshll.u32 v1, $0x10;
	v1 =	vand.u32 $0xFFFF0000, v1;
	v8 =	vld [tilespmem:s28+$0xFFFFFFC0];
	[tilespmem:s7+$0x1C0] =	vst v7  }
0x196: {  	v7 =	vshll.u32 v4, $0x10;
	v4 =	vand.u32 $0xFFFF0000, v4;
	v9 =	vld [tilespmem:s28+$0xFFFFFFE0];
	[tilespmem:s7+$0x1D0] =	vst v6  }
0x197: {  	[tilespmem:s7+$0xFFFFFE40] =	vst v0;
	v0 =	vshll.u32 v2, $0x10;
	v2 =	vand.u32 $0xFFFF0000, v2;
	v6 =	vld [tilespmem:s28+$0xF0]  }
0x198: {  	[tilespmem:s7+$0xFFFFFE50] =	vst v1;
	v1 =	vshll.u32 v5, $0x10;
	v5 =	vand.u32 $0xFFFF0000, v5;
	v10 =	vld [tilespmem:s28+$0x0]  }
0x199: {  	[tilespmem:s7+$0xFFFFFE80] =	vst v7;
	v7 =	vshll.u32 v3, $0x10;
	v3 =	vand.u32 $0xFFFF0000, v3;
	v11 =	vld [tilespmem:s28+$0x20]  }
0x19a: {  	[tilespmem:s7+$0xFFFFFE90] =	vst v4;
	v4 =	vshll.u32 v8, $0x10;
	v8 =	vand.u32 $0xFFFF0000, v8;
	v12 =	vld [tilespmem:s28+$0x40]  }
0x19b: {  	[tilespmem:s7+$0xFFFFFEC0] =	vst v0;
	v13 =	vshll.u32 v9, $0x10;
	v9 =	vand.u32 $0xFFFF0000, v9;
	v14 =	vld [tilespmem:s28+$0x60]  }
0x19c: {  	[tilespmem:s7+$0xFFFFFED0] =	vst v2;
	v2 =	vld [tilespmem:s28+$0x80];
	v0 =	vshll.u32 v6, $0x10;
	v6 =	vand.u32 $0xFFFF0000, v6  }
0x19d: {  	v15 =	vshll.u32 v10, $0x10;
	v10 =	vand.u32 $0xFFFF0000, v10;
	v16 =	vld [tilespmem:s28+$0xA0];
	[tilespmem:s7+$0x1F0] =	vst v6  }
0x19e: {  	[tilespmem:s7+$0xFFFFFF00] =	vst v1;
	v1 =	vshll.u32 v11, $0x10;
	v6 =	vand.u32 $0xFFFF0000, v11;
	v11 =	vld [tilespmem:s28+$0xC0]  }
0x19f: {  	v17 =	vld [tilespmem:s28+$0xFFFFFF00];
	[tilespmem:s7+$0xFFFFFF10] =	vst v5;
	v5 =	vshll.u32 v12, $0x10;
	v12 =	vand.u32 $0xFFFF0000, v12  }
0x1a0: {  	v18 =	vld [tilespmem:s28+$0xFFFFFF30];
	[tilespmem:s7+$0xFFFFFF40] =	vst v7;
	v7 =	vshll.u32 v14, $0x10;
	v14 =	vand.u32 $0xFFFF0000, v14  }
0x1a1: {  	v19 =	vld [tilespmem:s28+$0xFFFFFF50];
	[tilespmem:s7+$0xFFFFFF50] =	vst v3;
	v3 =	vshll.u32 v2, $0x10;
	v2 =	vand.u32 $0xFFFF0000, v2  }
0x1a2: {  	v20 =	vld [tilespmem:s28+$0xFFFFFF70];
	[tilespmem:s7+$0xFFFFFF80] =	vst v4;
	v4 =	vshll.u32 v16, $0x10;
	v16 =	vand.u32 $0xFFFF0000, v16  }
0x1a3: {  	v21 =	vld [tilespmem:s28+$0xFFFFFF90];
	[tilespmem:s7+$0xFFFFFF90] =	vst v8;
	v8 =	vshll.u32 v11, $0x10;
	v11 =	vand.u32 $0xFFFF0000, v11  }
0x1a4: {  	v22 =	vshll.u32 v17, $0x10;
	v17 =	vand.u32 $0xFFFF0000, v17;
	v23 =	vld [tilespmem:s28+$0xFFFFFFB0];
	[tilespmem:s7+$0xFFFFFFC0] =	vst v13  }
0x1a5: {  	[tilespmem:s7+$0xFFFFFE00] =	vst v22;
	v13 =	vshll.u32 v18, $0x10;
	v18 =	vand.u32 $0xFFFF0000, v18;
	v22 =	vld [tilespmem:s28+$0xFFFFFFD0]  }
0x1a6: {  	[tilespmem:s7+$0xFFFFFE10] =	vst v17;
	v17 =	vshll.u32 v19, $0x10;
	v19 =	vand.u32 $0xFFFF0000, v19  }
0x1a7: {  	v24 =	vld [tilespmem:s28+$0xFFFFFF10];
	v25 =	vshll.u32 v20, $0x10;
	v20 =	vand.u32 $0xFFFF0000, v20;
	[tilespmem:s7+$0xFFFFFFD0] =	vst v9  }
0x1a8: {  	v9 =	vshll.u32 v21, $0x10;
	v21 =	vand.u32 $0xFFFF0000, v21;
	v26 =	vld [tilespmem:s28+$0xFFFFFFF0];
	[tilespmem:s7+$0x0] =	vst v15  }
0x1a9: {  	v15 =	vshll.u32 v23, $0x10;
	v23 =	vand.u32 $0xFFFF0000, v23;
	[tilespmem:s7+$0x10] =	vst v10  }
0x1aa: {  	v10 =	vshll.u32 v22, $0x10;
	v22 =	vand.u32 $0xFFFF0000, v22;
	v27 =	vld [tilespmem:s28+$0x10];
	[tilespmem:s7+$0x40] =	vst v1  }
0x1ab: {  	[tilespmem:s7+$0x50] =	vst v6  }
0x1ac: {  	v1 =	vshll.u32 v24, $0x10;
	v6 =	vand.u32 $0xFFFF0000, v24;
	v24 =	vld [tilespmem:s28+$0x30];
	[tilespmem:s7+$0x80] =	vst v5  }
0x1ad: {  	v28 =	vshll.u32 v26, $0x10;
	v26 =	vand.u32 $0xFFFF0000, v26;
	[tilespmem:s7+$0x90] =	vst v12  }
0x1ae: {  	v5 =	vld [tilespmem:s28+$0x50];
	[tilespmem:s7+$0xC0] =	vst v7  }
0x1af: {  	v7 =	vshll.u32 v27, $0x10;
	v12 =	vand.u32 $0xFFFF0000, v27;
	[tilespmem:s7+$0xD0] =	vst v14  }
0x1b0: {  	v14 =	vld [tilespmem:s28+$0x70];
	[tilespmem:s7+$0x100] =	vst v3  }
0x1b1: {  	v27 =	vshll.u32 v24, $0x10;
	v24 =	vand.u32 $0xFFFF0000, v24;
	[tilespmem:s7+$0x110] =	vst v2  }
0x1b2: {  	v2 =	vld [tilespmem:s28+$0x90];
	[tilespmem:s7+$0x140] =	vst v4  }
0x1b3: {  	v29 =	vshll.u32 v5, $0x10;
	v30 =	vand.u32 $0xFFFF0000, v5;
	[tilespmem:s7+$0x150] =	vst v16  }
0x1b4: {  	v3 =	vld [tilespmem:s28+$0xB0];
	[tilespmem:s7+$0x180] =	vst v8  }
0x1b5: {  	v8 =	vshll.u32 v14, $0x10;
	v14 =	vand.u32 $0xFFFF0000, v14;
	[tilespmem:s7+$0x190] =	vst v11  }
0x1b6: {  	[tilespmem:s7+$0xFFFFFE20] =	vst v1;
	v11 =	vld [tilespmem:s28+$0xD0]  }
0x1b7: {  	[tilespmem:s7+$0xFFFFFE30] =	vst v6;
	v6 =	vshll.u32 v2, $0x10;
	v1 =	vand.u32 $0xFFFF0000, v2  }
0x1b8: {  	[tilespmem:s7+$0xFFFFFE60] =	vst v13  }
0x1b9: {  	[tilespmem:s7+$0xFFFFFE70] =	vst v18;
	v4 =	vshll.u32 v3, $0x10;
	v2 =	vand.u32 $0xFFFF0000, v3  }
0x1ba: {  	[tilespmem:s7+$0xFFFFFEA0] =	vst v17  }
0x1bb: {  	[tilespmem:s7+$0xFFFFFEB0] =	vst v19;
	v5 =	vshll.u32 v11, $0x10;
	v3 =	vand.u32 $0xFFFF0000, v11  }
0x1bc: {  	[tilespmem:s7+$0xFFFFFEE0] =	vst v25  }
0x1bd: {  	[tilespmem:s7+$0xFFFFFEF0] =	vst v20  }
0x1be: {  	[tilespmem:s7+$0xFFFFFF20] =	vst v9  }
0x1bf: {  	[tilespmem:s7+$0xFFFFFF30] =	vst v21  }
0x1c0: {  	[tilespmem:s7+$0xFFFFFF60] =	vst v15  }
0x1c1: {  	[tilespmem:s7+$0xFFFFFF70] =	vst v23  }
0x1c2: {  	[tilespmem:s7+$0xFFFFFFA0] =	vst v10  }
0x1c3: {  	[tilespmem:s7+$0xFFFFFFB0] =	vst v22  }
0x1c4: {  	[tilespmem:s7+$0xFFFFFFE0] =	vst v28  }
0x1c5: {  	[tilespmem:s7+$0xFFFFFFF0] =	vst v26  }
0x1c6: {  	[tilespmem:s7+$0x20] =	vst v7  }
0x1c7: {  	[tilespmem:s7+$0x30] =	vst v12  }
0x1c8: {  	[tilespmem:s7+$0x60] =	vst v27  }
0x1c9: {  	[tilespmem:s7+$0x70] =	vst v24  }
.Ltmp5:
0x1ca: {  	[tilespmem:s7+$0xA0] =	vst v29;
	(pc) =	sbr.rel @p1 .LBB2_27-.Ltmp5, $4  }
0x1cb: {  	[tilespmem:s7+$0xB0] =	vst v30  }
0x1cc: {  	[tilespmem:s7+$0xE0] =	vst v8  }
0x1cd: {  	[tilespmem:s7+$0xF0] =	vst v14  }
0x1ce: {  	s28 =	sadd.s32 $0x200, s28;
	[tilespmem:s7+$0x120] =	vst v6  }
0x1cf: {  	[tilespmem:s7+$0x130] =	vst v1  }
0x1d0: {  	[tilespmem:s7+$0x160] =	vst v4  }
0x1d1: {  	[tilespmem:s7+$0x170] =	vst v2  }
0x1d2: {  	[tilespmem:s7+$0x1A0] =	vst v5  }
0x1d3: {  	[tilespmem:s7+$0x1B0] =	vst v3  }
0x1d4: {  	[tilespmem:s7+$0x1E0] =	vst v0  }
0x1d5: {  	[spmem:s1] =	stream.indirect.scatter.add.f32 [tilespmem:s26], [sflag:$0x3], $0x40, s10, s22, $0xb8;
	[tilespmem:$0x1F000] =	vst v63  }
0x1d6: {  	_ = 	snop  }
0x1d7: {  	[tilespmem:s23], [sflag:$0x1] =	stream.indirect.gather [hbm4b:s5+s22], $0x20, s13, s22, $0xb8;
	[tilespmem:$0x1F000] =	vst v63  }
0x1d8: {  	_ =	swait.ge [sflag:s29], $0x1000  }
0x1d9: {  	[sflag:s29] =	ssyncset.done $0x0  }
0x1da: {  	[sflag:s29] =	ssyncadd.s32 $0xFFFFF000  }
0x1db: {  	_ =	swait.ge [sflag:s14], $0x2000  }
0x1dc: {  	[sflag:s14] =	ssyncset.done $0x0  }
0x1dd: {  	s24 =	simm.s32 $0x1900;
	[sflag:s14] =	ssyncadd.s32 $0xFFFFE000  }
0x1de: {  	v0 =	vld [tilespmem:s24+$0xE0];
	_ =	sdelay $0x1  }
0x1df: {  	v2 =	vld [tilespmem:s24+$0xFFFFFF40]  }
0x1e0: {  	v1 =	vld [tilespmem:s24+$0xFFFFFF20];
	_ =	sdelay $0x1  }
0x1e1: {  	s7 =	simm.s32 $0x4A00;
	v4 =	vld [tilespmem:s24+$0xFFFFFF60];
	v3 =	vshll.u32 v0, $0x10  }
0x1e2: {  	v0 =	vand.u32 $0xFFFF0000, v0;
	[tilespmem:s7+$0x1C0] =	vst v3  }
0x1e3: {  	v5 =	vshll.u32 v2, $0x10;
	[tilespmem:s7+$0x1D0] =	vst v0  }
0x1e4: {  	v3 =	vshll.u32 v1, $0x10;
	[tilespmem:s7+$0xFFFFFE80] =	vst v5;
	v0 =	vld [tilespmem:s24+$0xF0]  }
0x1e5: {  	v1 =	vand.u32 $0xFFFF0000, v1;
	[tilespmem:s7+$0xFFFFFE40] =	vst v3;
	v3 =	vld [tilespmem:s24+$0xFFFFFF80]  }
0x1e6: {  	v5 =	vshll.u32 v4, $0x10;
	[tilespmem:s7+$0xFFFFFE50] =	vst v1  }
0x1e7: {  	v1 =	vand.u32 $0xFFFF0000, v2;
	v2 =	vld [tilespmem:s24+$0xFFFFFFA0];
	[tilespmem:s7+$0xFFFFFEC0] =	vst v5  }
0x1e8: {  	[tilespmem:s7+$0xFFFFFE90] =	vst v1;
	v1 =	vand.u32 $0xFFFF0000, v4  }
0x1e9: {  	v4 =	vld [tilespmem:s24+$0xFFFFFFC0];
	[tilespmem:s7+$0xFFFFFED0] =	vst v1;
	v1 =	vand.u32 $0xFFFF0000, v0  }
0x1ea: {  	v5 =	vshll.u32 v3, $0x10;
	[tilespmem:s7+$0x1F0] =	vst v1  }
0x1eb: {  	v6 =	vld [tilespmem:s24+$0xFFFFFF00];
	v3 =	vand.u32 $0xFFFF0000, v3;
	[tilespmem:s7+$0xFFFFFF00] =	vst v5  }
0x1ec: {  	v1 =	vld [tilespmem:s24+$0xFFFFFFE0];
	v5 =	vshll.u32 v2, $0x10;
	[tilespmem:s7+$0xFFFFFF10] =	vst v3  }
0x1ed: {  	v2 =	vand.u32 $0xFFFF0000, v2;
	[tilespmem:s7+$0xFFFFFF40] =	vst v5  }
0x1ee: {  	v3 =	vshll.u32 v4, $0x10;
	[tilespmem:s7+$0xFFFFFF50] =	vst v2  }
0x1ef: {  	v4 =	vand.u32 $0xFFFF0000, v4;
	v2 =	vld [tilespmem:s24+$0x0];
	[tilespmem:s7+$0xFFFFFF80] =	vst v3  }
0x1f0: {  	[tilespmem:s7+$0xFFFFFF90] =	vst v4;
	v5 =	vshll.u32 v6, $0x10  }
0x1f1: {  	v4 =	vld [tilespmem:s24+$0x20];
	[tilespmem:s7+$0xFFFFFE00] =	vst v5;
	v3 =	vshll.u32 v1, $0x10  }
0x1f2: {  	v1 =	vand.u32 $0xFFFF0000, v1;
	[tilespmem:s7+$0xFFFFFFC0] =	vst v3  }
0x1f3: {  	v5 =	vld [tilespmem:s24+$0x40];
	v3 =	vand.u32 $0xFFFF0000, v6;
	[tilespmem:s7+$0xFFFFFFD0] =	vst v1  }
0x1f4: {  	[tilespmem:s7+$0xFFFFFE10] =	vst v3;
	v3 =	vshll.u32 v2, $0x10  }
0x1f5: {  	v1 =	vld [tilespmem:s24+$0x60];
	v2 =	vand.u32 $0xFFFF0000, v2;
	[tilespmem:s7+$0x0] =	vst v3  }
0x1f6: {  	v3 =	vshll.u32 v4, $0x10;
	[tilespmem:s7+$0x10] =	vst v2  }
0x1f7: {  	v2 =	vld [tilespmem:s24+$0x80];
	v4 =	vand.u32 $0xFFFF0000, v4;
	[tilespmem:s7+$0x40] =	vst v3  }
0x1f8: {  	v3 =	vshll.u32 v5, $0x10;
	[tilespmem:s7+$0x50] =	vst v4  }
0x1f9: {  	v4 =	vld [tilespmem:s24+$0xA0];
	v5 =	vand.u32 $0xFFFF0000, v5;
	[tilespmem:s7+$0x80] =	vst v3  }
0x1fa: {  	[tilespmem:s7+$0x90] =	vst v5;
	v3 =	vshll.u32 v1, $0x10  }
0x1fb: {  	v5 =	vld [tilespmem:s24+$0xC0];
	v1 =	vand.u32 $0xFFFF0000, v1;
	[tilespmem:s7+$0xC0] =	vst v3  }
0x1fc: {  	[tilespmem:s7+$0xD0] =	vst v1;
	v3 =	vshll.u32 v2, $0x10  }
0x1fd: {  	v1 =	vand.u32 $0xFFFF0000, v2;
	v2 =	vld [tilespmem:s24+$0xFFFFFF10];
	[tilespmem:s7+$0x100] =	vst v3  }
0x1fe: {  	v3 =	vshll.u32 v4, $0x10;
	[tilespmem:s7+$0x110] =	vst v1  }
0x1ff: {  	v1 =	vld [tilespmem:s24+$0xFFFFFF30];
	v4 =	vand.u32 $0xFFFF0000, v4;
	[tilespmem:s7+$0x140] =	vst v3  }
0x200: {  	v3 =	vshll.u32 v5, $0x10;
	[tilespmem:s7+$0x150] =	vst v4  }
0x201: {  	v4 =	vld [tilespmem:s24+$0xFFFFFF50];
	v5 =	vand.u32 $0xFFFF0000, v5;
	[tilespmem:s7+$0x180] =	vst v3  }
0x202: {  	[tilespmem:s7+$0x190] =	vst v5;
	v3 =	vshll.u32 v2, $0x10  }
0x203: {  	v6 =	vld [tilespmem:s24+$0x90];
	v2 =	vand.u32 $0xFFFF0000, v2;
	[tilespmem:s7+$0xFFFFFE20] =	vst v3  }
0x204: {  	v5 =	vld [tilespmem:s24+$0xFFFFFF70];
	v3 =	vshll.u32 v1, $0x10;
	[tilespmem:s7+$0xFFFFFE30] =	vst v2  }
0x205: {  	v1 =	vand.u32 $0xFFFF0000, v1;
	[tilespmem:s7+$0xFFFFFE60] =	vst v3  }
0x206: {  	v2 =	vld [tilespmem:s24+$0xFFFFFF90];
	v3 =	vshll.u32 v4, $0x10;
	[tilespmem:s7+$0xFFFFFE70] =	vst v1  }
0x207: {  	v4 =	vand.u32 $0xFFFF0000, v4;
	[tilespmem:s7+$0xFFFFFEA0] =	vst v3  }
0x208: {  	v1 =	vld [tilespmem:s24+$0xFFFFFFB0];
	v9 =	vshll.u32 v6, $0x10;
	[tilespmem:s7+$0xFFFFFEB0] =	vst v4  }
0x209: {  	v3 =	vshll.u32 v5, $0x10;
	[tilespmem:s7+$0x120] =	vst v9  }
0x20a: {  	v4 =	vld [tilespmem:s24+$0xFFFFFFD0];
	v5 =	vand.u32 $0xFFFF0000, v5;
	[tilespmem:s7+$0xFFFFFEE0] =	vst v3  }
0x20b: {  	[tilespmem:s7+$0xFFFFFEF0] =	vst v5;
	v3 =	vshll.u32 v2, $0x10  }
0x20c: {  	v5 =	vld [tilespmem:s24+$0xFFFFFFF0];
	v2 =	vand.u32 $0xFFFF0000, v2;
	[tilespmem:s7+$0xFFFFFF20] =	vst v3  }
0x20d: {  	v3 =	vshll.u32 v1, $0x10;
	[tilespmem:s7+$0xFFFFFF30] =	vst v2  }
0x20e: {  	v1 =	vand.u32 $0xFFFF0000, v1;
	v2 =	vld [tilespmem:s24+$0x10];
	[tilespmem:s7+$0xFFFFFF60] =	vst v3  }
0x20f: {  	v3 =	vshll.u32 v4, $0x10;
	[tilespmem:s7+$0xFFFFFF70] =	vst v1  }
0x210: {  	v1 =	vand.u32 $0xFFFF0000, v4;
	v4 =	vld [tilespmem:s24+$0x30];
	[tilespmem:s7+$0xFFFFFFA0] =	vst v3  }
0x211: {  	v3 =	vshll.u32 v5, $0x10;
	[tilespmem:s7+$0xFFFFFFB0] =	vst v1  }
0x212: {  	v1 =	vand.u32 $0xFFFF0000, v5;
	v5 =	vld [tilespmem:s24+$0x50];
	[tilespmem:s7+$0xFFFFFFE0] =	vst v3  }
0x213: {  	v7 =	vld [tilespmem:s24+$0xB0];
	[tilespmem:s7+$0xFFFFFFF0] =	vst v1;
	v3 =	vshll.u32 v2, $0x10  }
0x214: {  	v1 =	vand.u32 $0xFFFF0000, v2;
	v2 =	vld [tilespmem:s24+$0x70];
	[tilespmem:s7+$0x20] =	vst v3  }
0x215: {  	v8 =	vld [tilespmem:s24+$0xD0];
	v3 =	vshll.u32 v4, $0x10;
	[tilespmem:s7+$0x30] =	vst v1  }
0x216: {  	v1 =	vand.u32 $0xFFFF0000, v4;
	[tilespmem:s7+$0x60] =	vst v3  }
0x217: {  	v3 =	vshll.u32 v5, $0x10;
	[tilespmem:s7+$0x70] =	vst v1  }
0x218: {  	v1 =	vand.u32 $0xFFFF0000, v5;
	[tilespmem:s7+$0xA0] =	vst v3  }
0x219: {  	v0 =	vshll.u32 v0, $0x10;
	[tilespmem:s7+$0xB0] =	vst v1;
	v3 =	vshll.u32 v2, $0x10  }
0x21a: {  	v4 =	vshll.u32 v7, $0x10;
	v5 =	vshll.u32 v8, $0x10;
	v2 =	vand.u32 $0xFFFF0000, v2;
	[tilespmem:s7+$0xE0] =	vst v3  }
0x21b: {  	s28 =	simm.s32 $0x1B00;
	s24 =	simm.s32 $0x0;
	v1 =	vand.u32 $0xFFFF0000, v6;
	[tilespmem:s7+$0xF0] =	vst v2;
	v2 =	vand.u32 $0xFFFF0000, v7;
	v3 =	vand.u32 $0xFFFF0000, v8  }
.LBB2_29:
0x21c: {  	v6 =	vld [tilespmem:s28+$0xE0];
	[tilespmem:s7+$0x130] =	vst v1  }
0x21d: {  	s24 =	sadd.s32 $0x10, s24;
	v1 =	vld [tilespmem:s28+$0xFFFFFF20];
	[tilespmem:s7+$0x160] =	vst v4  }
0x21e: {  	p1 =	slt.u32 s24, $0x70;
	v4 =	vld [tilespmem:s28+$0xFFFFFF40];
	[tilespmem:s7+$0x170] =	vst v2  }
0x21f: {  	v2 =	vld [tilespmem:s28+$0xFFFFFF60];
	[tilespmem:s7+$0x1A0] =	vst v5  }
0x220: {  	v5 =	vld [tilespmem:s28+$0xFFFFFF80];
	[tilespmem:s7+$0x1B0] =	vst v3  }
0x221: {  	v3 =	vld [tilespmem:s28+$0xFFFFFFA0];
	v7 =	vshll.u32 v6, $0x10;
	[tilespmem:s7+$0x1E0] =	vst v0;
	s7 =	sadd.s32 $0x400, s7  }
0x222: {  	v6 =	vand.u32 $0xFFFF0000, v6;
	v0 =	vshll.u32 v1, $0x10;
	v1 =	vand.u32 $0xFFFF0000, v1;
	v8 =	vld [tilespmem:s28+$0xFFFFFFC0];
	[tilespmem:s7+$0x1C0] =	vst v7  }
0x223: {  	v7 =	vshll.u32 v4, $0x10;
	v4 =	vand.u32 $0xFFFF0000, v4;
	v9 =	vld [tilespmem:s28+$0xFFFFFFE0];
	[tilespmem:s7+$0x1D0] =	vst v6  }
0x224: {  	[tilespmem:s7+$0xFFFFFE40] =	vst v0;
	v0 =	vshll.u32 v2, $0x10;
	v2 =	vand.u32 $0xFFFF0000, v2;
	v6 =	vld [tilespmem:s28+$0xF0]  }
0x225: {  	[tilespmem:s7+$0xFFFFFE50] =	vst v1;
	v1 =	vshll.u32 v5, $0x10;
	v5 =	vand.u32 $0xFFFF0000, v5;
	v10 =	vld [tilespmem:s28+$0x0]  }
0x226: {  	[tilespmem:s7+$0xFFFFFE80] =	vst v7;
	v7 =	vshll.u32 v3, $0x10;
	v3 =	vand.u32 $0xFFFF0000, v3;
	v11 =	vld [tilespmem:s28+$0x20]  }
0x227: {  	[tilespmem:s7+$0xFFFFFE90] =	vst v4;
	v4 =	vshll.u32 v8, $0x10;
	v8 =	vand.u32 $0xFFFF0000, v8;
	v12 =	vld [tilespmem:s28+$0x40]  }
0x228: {  	[tilespmem:s7+$0xFFFFFEC0] =	vst v0;
	v13 =	vshll.u32 v9, $0x10;
	v9 =	vand.u32 $0xFFFF0000, v9;
	v14 =	vld [tilespmem:s28+$0x60]  }
0x229: {  	[tilespmem:s7+$0xFFFFFED0] =	vst v2;
	v2 =	vld [tilespmem:s28+$0x80];
	v0 =	vshll.u32 v6, $0x10;
	v6 =	vand.u32 $0xFFFF0000, v6  }
0x22a: {  	v15 =	vshll.u32 v10, $0x10;
	v10 =	vand.u32 $0xFFFF0000, v10;
	v16 =	vld [tilespmem:s28+$0xA0];
	[tilespmem:s7+$0x1F0] =	vst v6  }
0x22b: {  	[tilespmem:s7+$0xFFFFFF00] =	vst v1;
	v1 =	vshll.u32 v11, $0x10;
	v6 =	vand.u32 $0xFFFF0000, v11;
	v11 =	vld [tilespmem:s28+$0xC0]  }
0x22c: {  	v17 =	vld [tilespmem:s28+$0xFFFFFF00];
	[tilespmem:s7+$0xFFFFFF10] =	vst v5;
	v5 =	vshll.u32 v12, $0x10;
	v12 =	vand.u32 $0xFFFF0000, v12  }
0x22d: {  	v18 =	vld [tilespmem:s28+$0xFFFFFF30];
	[tilespmem:s7+$0xFFFFFF40] =	vst v7;
	v7 =	vshll.u32 v14, $0x10;
	v14 =	vand.u32 $0xFFFF0000, v14  }
0x22e: {  	v19 =	vld [tilespmem:s28+$0xFFFFFF50];
	[tilespmem:s7+$0xFFFFFF50] =	vst v3;
	v3 =	vshll.u32 v2, $0x10;
	v2 =	vand.u32 $0xFFFF0000, v2  }
0x22f: {  	v20 =	vld [tilespmem:s28+$0xFFFFFF70];
	[tilespmem:s7+$0xFFFFFF80] =	vst v4;
	v4 =	vshll.u32 v16, $0x10;
	v16 =	vand.u32 $0xFFFF0000, v16  }
0x230: {  	v21 =	vld [tilespmem:s28+$0xFFFFFF90];
	[tilespmem:s7+$0xFFFFFF90] =	vst v8;
	v8 =	vshll.u32 v11, $0x10;
	v11 =	vand.u32 $0xFFFF0000, v11  }
0x231: {  	v22 =	vshll.u32 v17, $0x10;
	v17 =	vand.u32 $0xFFFF0000, v17;
	v23 =	vld [tilespmem:s28+$0xFFFFFFB0];
	[tilespmem:s7+$0xFFFFFFC0] =	vst v13  }
0x232: {  	[tilespmem:s7+$0xFFFFFE00] =	vst v22;
	v13 =	vshll.u32 v18, $0x10;
	v18 =	vand.u32 $0xFFFF0000, v18;
	v22 =	vld [tilespmem:s28+$0xFFFFFFD0]  }
0x233: {  	[tilespmem:s7+$0xFFFFFE10] =	vst v17;
	v17 =	vshll.u32 v19, $0x10;
	v19 =	vand.u32 $0xFFFF0000, v19  }
0x234: {  	v24 =	vld [tilespmem:s28+$0xFFFFFF10];
	v25 =	vshll.u32 v20, $0x10;
	v20 =	vand.u32 $0xFFFF0000, v20;
	[tilespmem:s7+$0xFFFFFFD0] =	vst v9  }
0x235: {  	v9 =	vshll.u32 v21, $0x10;
	v21 =	vand.u32 $0xFFFF0000, v21;
	v26 =	vld [tilespmem:s28+$0xFFFFFFF0];
	[tilespmem:s7+$0x0] =	vst v15  }
0x236: {  	v15 =	vshll.u32 v23, $0x10;
	v23 =	vand.u32 $0xFFFF0000, v23;
	[tilespmem:s7+$0x10] =	vst v10  }
0x237: {  	v10 =	vshll.u32 v22, $0x10;
	v22 =	vand.u32 $0xFFFF0000, v22;
	v27 =	vld [tilespmem:s28+$0x10];
	[tilespmem:s7+$0x40] =	vst v1  }
0x238: {  	[tilespmem:s7+$0x50] =	vst v6  }
0x239: {  	v1 =	vshll.u32 v24, $0x10;
	v6 =	vand.u32 $0xFFFF0000, v24;
	v24 =	vld [tilespmem:s28+$0x30];
	[tilespmem:s7+$0x80] =	vst v5  }
0x23a: {  	v28 =	vshll.u32 v26, $0x10;
	v26 =	vand.u32 $0xFFFF0000, v26;
	[tilespmem:s7+$0x90] =	vst v12  }
0x23b: {  	v5 =	vld [tilespmem:s28+$0x50];
	[tilespmem:s7+$0xC0] =	vst v7  }
0x23c: {  	v7 =	vshll.u32 v27, $0x10;
	v12 =	vand.u32 $0xFFFF0000, v27;
	[tilespmem:s7+$0xD0] =	vst v14  }
0x23d: {  	v14 =	vld [tilespmem:s28+$0x70];
	[tilespmem:s7+$0x100] =	vst v3  }
0x23e: {  	v27 =	vshll.u32 v24, $0x10;
	v24 =	vand.u32 $0xFFFF0000, v24;
	[tilespmem:s7+$0x110] =	vst v2  }
0x23f: {  	v2 =	vld [tilespmem:s28+$0x90];
	[tilespmem:s7+$0x140] =	vst v4  }
0x240: {  	v29 =	vshll.u32 v5, $0x10;
	v30 =	vand.u32 $0xFFFF0000, v5;
	[tilespmem:s7+$0x150] =	vst v16  }
0x241: {  	v3 =	vld [tilespmem:s28+$0xB0];
	[tilespmem:s7+$0x180] =	vst v8  }
0x242: {  	v8 =	vshll.u32 v14, $0x10;
	v14 =	vand.u32 $0xFFFF0000, v14;
	[tilespmem:s7+$0x190] =	vst v11  }
0x243: {  	[tilespmem:s7+$0xFFFFFE20] =	vst v1;
	v11 =	vld [tilespmem:s28+$0xD0]  }
0x244: {  	[tilespmem:s7+$0xFFFFFE30] =	vst v6;
	v6 =	vshll.u32 v2, $0x10;
	v1 =	vand.u32 $0xFFFF0000, v2  }
0x245: {  	[tilespmem:s7+$0xFFFFFE60] =	vst v13  }
0x246: {  	[tilespmem:s7+$0xFFFFFE70] =	vst v18;
	v4 =	vshll.u32 v3, $0x10;
	v2 =	vand.u32 $0xFFFF0000, v3  }
0x247: {  	[tilespmem:s7+$0xFFFFFEA0] =	vst v17  }
0x248: {  	[tilespmem:s7+$0xFFFFFEB0] =	vst v19;
	v5 =	vshll.u32 v11, $0x10;
	v3 =	vand.u32 $0xFFFF0000, v11  }
0x249: {  	[tilespmem:s7+$0xFFFFFEE0] =	vst v25  }
0x24a: {  	[tilespmem:s7+$0xFFFFFEF0] =	vst v20  }
0x24b: {  	[tilespmem:s7+$0xFFFFFF20] =	vst v9  }
0x24c: {  	[tilespmem:s7+$0xFFFFFF30] =	vst v21  }
0x24d: {  	[tilespmem:s7+$0xFFFFFF60] =	vst v15  }
0x24e: {  	[tilespmem:s7+$0xFFFFFF70] =	vst v23  }
0x24f: {  	[tilespmem:s7+$0xFFFFFFA0] =	vst v10  }
0x250: {  	[tilespmem:s7+$0xFFFFFFB0] =	vst v22  }
0x251: {  	[tilespmem:s7+$0xFFFFFFE0] =	vst v28  }
0x252: {  	[tilespmem:s7+$0xFFFFFFF0] =	vst v26  }
0x253: {  	[tilespmem:s7+$0x20] =	vst v7  }
0x254: {  	[tilespmem:s7+$0x30] =	vst v12  }
0x255: {  	[tilespmem:s7+$0x60] =	vst v27  }
0x256: {  	[tilespmem:s7+$0x70] =	vst v24  }
.Ltmp6:
0x257: {  	[tilespmem:s7+$0xA0] =	vst v29;
	(pc) =	sbr.rel @p1 .LBB2_29-.Ltmp6, $4  }
0x258: {  	[tilespmem:s7+$0xB0] =	vst v30  }
0x259: {  	[tilespmem:s7+$0xE0] =	vst v8  }
0x25a: {  	[tilespmem:s7+$0xF0] =	vst v14  }
0x25b: {  	s28 =	sadd.s32 $0x200, s28;
	[tilespmem:s7+$0x120] =	vst v6  }
0x25c: {  	[tilespmem:s7+$0x130] =	vst v1  }
0x25d: {  	[tilespmem:s7+$0x160] =	vst v4  }
0x25e: {  	[tilespmem:s7+$0x170] =	vst v2  }
0x25f: {  	[tilespmem:s7+$0x1A0] =	vst v5  }
0x260: {  	[tilespmem:s7+$0x1B0] =	vst v3  }
0x261: {  	[tilespmem:s7+$0x1E0] =	vst v0  }
0x262: {  	[spmem:s1] =	stream.indirect.scatter.add.f32 [tilespmem:s31], [sflag:$0x4], $0x40, s11, s22, $0xb8;
	[tilespmem:$0x1F000] =	vst v63  }
0x263: {  	_ = 	snop  }
0x264: {  	[tilespmem:s25], [sflag:$0x2] =	stream.indirect.gather [hbm4b:s5+s22], $0x20, s9, s22, $0xb8;
	[tilespmem:$0x1F000] =	vst v63  }
0x265: {  	_ =	swait.ge [sflag:s18], $0x1000  }
0x266: {  	[sflag:s18] =	ssyncset.done $0x0  }
0x267: {  	[sflag:s18] =	ssyncadd.s32 $0xFFFFF000  }
0x268: {  	_ =	swait.ge [sflag:s4], $0x2000  }
0x269: {  	[sflag:s4] =	ssyncset.done $0x0  }
0x26a: {  	s24 =	simm.s32 $0x900;
	[sflag:s4] =	ssyncadd.s32 $0xFFFFE000  }
0x26b: {  	v0 =	vld [tilespmem:s24+$0xE0];
	_ =	sdelay $0x1  }
0x26c: {  	v2 =	vld [tilespmem:s24+$0xFFFFFF40]  }
0x26d: {  	v1 =	vld [tilespmem:s24+$0xFFFFFF20];
	_ =	sdelay $0x1  }
0x26e: {  	s7 =	simm.s32 $0x2A00;
	v4 =	vld [tilespmem:s24+$0xFFFFFF60];
	v3 =	vshll.u32 v0, $0x10  }
0x26f: {  	v0 =	vand.u32 $0xFFFF0000, v0;
	[tilespmem:s7+$0x1C0] =	vst v3  }
0x270: {  	v5 =	vshll.u32 v2, $0x10;
	[tilespmem:s7+$0x1D0] =	vst v0  }
0x271: {  	v3 =	vshll.u32 v1, $0x10;
	[tilespmem:s7+$0xFFFFFE80] =	vst v5;
	v0 =	vld [tilespmem:s24+$0xF0]  }
0x272: {  	v1 =	vand.u32 $0xFFFF0000, v1;
	[tilespmem:s7+$0xFFFFFE40] =	vst v3;
	v3 =	vld [tilespmem:s24+$0xFFFFFF80]  }
0x273: {  	v5 =	vshll.u32 v4, $0x10;
	[tilespmem:s7+$0xFFFFFE50] =	vst v1  }
0x274: {  	v1 =	vand.u32 $0xFFFF0000, v2;
	v2 =	vld [tilespmem:s24+$0xFFFFFFA0];
	[tilespmem:s7+$0xFFFFFEC0] =	vst v5  }
0x275: {  	[tilespmem:s7+$0xFFFFFE90] =	vst v1;
	v1 =	vand.u32 $0xFFFF0000, v4  }
0x276: {  	v4 =	vld [tilespmem:s24+$0xFFFFFFC0];
	[tilespmem:s7+$0xFFFFFED0] =	vst v1;
	v1 =	vand.u32 $0xFFFF0000, v0  }
0x277: {  	v5 =	vshll.u32 v3, $0x10;
	[tilespmem:s7+$0x1F0] =	vst v1  }
0x278: {  	v6 =	vld [tilespmem:s24+$0xFFFFFF00];
	v3 =	vand.u32 $0xFFFF0000, v3;
	[tilespmem:s7+$0xFFFFFF00] =	vst v5  }
0x279: {  	v1 =	vld [tilespmem:s24+$0xFFFFFFE0];
	v5 =	vshll.u32 v2, $0x10;
	[tilespmem:s7+$0xFFFFFF10] =	vst v3  }
0x27a: {  	v2 =	vand.u32 $0xFFFF0000, v2;
	[tilespmem:s7+$0xFFFFFF40] =	vst v5  }
0x27b: {  	v3 =	vshll.u32 v4, $0x10;
	[tilespmem:s7+$0xFFFFFF50] =	vst v2  }
0x27c: {  	v4 =	vand.u32 $0xFFFF0000, v4;
	v2 =	vld [tilespmem:s24+$0x0];
	[tilespmem:s7+$0xFFFFFF80] =	vst v3  }
0x27d: {  	[tilespmem:s7+$0xFFFFFF90] =	vst v4;
	v5 =	vshll.u32 v6, $0x10  }
0x27e: {  	v4 =	vld [tilespmem:s24+$0x20];
	[tilespmem:s7+$0xFFFFFE00] =	vst v5;
	v3 =	vshll.u32 v1, $0x10  }
0x27f: {  	v1 =	vand.u32 $0xFFFF0000, v1;
	[tilespmem:s7+$0xFFFFFFC0] =	vst v3  }
0x280: {  	v5 =	vld [tilespmem:s24+$0x40];
	v3 =	vand.u32 $0xFFFF0000, v6;
	[tilespmem:s7+$0xFFFFFFD0] =	vst v1  }
0x281: {  	[tilespmem:s7+$0xFFFFFE10] =	vst v3;
	v3 =	vshll.u32 v2, $0x10  }
0x282: {  	v1 =	vld [tilespmem:s24+$0x60];
	v2 =	vand.u32 $0xFFFF0000, v2;
	[tilespmem:s7+$0x0] =	vst v3  }
0x283: {  	v3 =	vshll.u32 v4, $0x10;
	[tilespmem:s7+$0x10] =	vst v2  }
0x284: {  	v2 =	vld [tilespmem:s24+$0x80];
	v4 =	vand.u32 $0xFFFF0000, v4;
	[tilespmem:s7+$0x40] =	vst v3  }
0x285: {  	v3 =	vshll.u32 v5, $0x10;
	[tilespmem:s7+$0x50] =	vst v4  }
0x286: {  	v4 =	vld [tilespmem:s24+$0xA0];
	v5 =	vand.u32 $0xFFFF0000, v5;
	[tilespmem:s7+$0x80] =	vst v3  }
0x287: {  	[tilespmem:s7+$0x90] =	vst v5;
	v3 =	vshll.u32 v1, $0x10  }
0x288: {  	v5 =	vld [tilespmem:s24+$0xC0];
	v1 =	vand.u32 $0xFFFF0000, v1;
	[tilespmem:s7+$0xC0] =	vst v3  }
0x289: {  	[tilespmem:s7+$0xD0] =	vst v1;
	v3 =	vshll.u32 v2, $0x10  }
0x28a: {  	v1 =	vand.u32 $0xFFFF0000, v2;
	v2 =	vld [tilespmem:s24+$0xFFFFFF10];
	[tilespmem:s7+$0x100] =	vst v3  }
0x28b: {  	v3 =	vshll.u32 v4, $0x10;
	[tilespmem:s7+$0x110] =	vst v1  }
0x28c: {  	v1 =	vld [tilespmem:s24+$0xFFFFFF30];
	v4 =	vand.u32 $0xFFFF0000, v4;
	[tilespmem:s7+$0x140] =	vst v3  }
0x28d: {  	v3 =	vshll.u32 v5, $0x10;
	[tilespmem:s7+$0x150] =	vst v4  }
0x28e: {  	v4 =	vld [tilespmem:s24+$0xFFFFFF50];
	v5 =	vand.u32 $0xFFFF0000, v5;
	[tilespmem:s7+$0x180] =	vst v3  }
0x28f: {  	[tilespmem:s7+$0x190] =	vst v5;
	v3 =	vshll.u32 v2, $0x10  }
0x290: {  	v6 =	vld [tilespmem:s24+$0x90];
	v2 =	vand.u32 $0xFFFF0000, v2;
	[tilespmem:s7+$0xFFFFFE20] =	vst v3  }
0x291: {  	v5 =	vld [tilespmem:s24+$0xFFFFFF70];
	v3 =	vshll.u32 v1, $0x10;
	[tilespmem:s7+$0xFFFFFE30] =	vst v2  }
0x292: {  	v1 =	vand.u32 $0xFFFF0000, v1;
	[tilespmem:s7+$0xFFFFFE60] =	vst v3  }
0x293: {  	v2 =	vld [tilespmem:s24+$0xFFFFFF90];
	v3 =	vshll.u32 v4, $0x10;
	[tilespmem:s7+$0xFFFFFE70] =	vst v1  }
0x294: {  	v4 =	vand.u32 $0xFFFF0000, v4;
	[tilespmem:s7+$0xFFFFFEA0] =	vst v3  }
0x295: {  	v1 =	vld [tilespmem:s24+$0xFFFFFFB0];
	v9 =	vshll.u32 v6, $0x10;
	[tilespmem:s7+$0xFFFFFEB0] =	vst v4  }
0x296: {  	v3 =	vshll.u32 v5, $0x10;
	[tilespmem:s7+$0x120] =	vst v9  }
0x297: {  	v4 =	vld [tilespmem:s24+$0xFFFFFFD0];
	v5 =	vand.u32 $0xFFFF0000, v5;
	[tilespmem:s7+$0xFFFFFEE0] =	vst v3  }
0x298: {  	[tilespmem:s7+$0xFFFFFEF0] =	vst v5;
	v3 =	vshll.u32 v2, $0x10  }
0x299: {  	v5 =	vld [tilespmem:s24+$0xFFFFFFF0];
	v2 =	vand.u32 $0xFFFF0000, v2;
	[tilespmem:s7+$0xFFFFFF20] =	vst v3  }
0x29a: {  	v3 =	vshll.u32 v1, $0x10;
	[tilespmem:s7+$0xFFFFFF30] =	vst v2  }
0x29b: {  	v1 =	vand.u32 $0xFFFF0000, v1;
	v2 =	vld [tilespmem:s24+$0x10];
	[tilespmem:s7+$0xFFFFFF60] =	vst v3  }
0x29c: {  	v3 =	vshll.u32 v4, $0x10;
	[tilespmem:s7+$0xFFFFFF70] =	vst v1  }
0x29d: {  	v1 =	vand.u32 $0xFFFF0000, v4;
	v4 =	vld [tilespmem:s24+$0x30];
	[tilespmem:s7+$0xFFFFFFA0] =	vst v3  }
0x29e: {  	v3 =	vshll.u32 v5, $0x10;
	[tilespmem:s7+$0xFFFFFFB0] =	vst v1  }
0x29f: {  	v1 =	vand.u32 $0xFFFF0000, v5;
	v5 =	vld [tilespmem:s24+$0x50];
	[tilespmem:s7+$0xFFFFFFE0] =	vst v3  }
0x2a0: {  	v7 =	vld [tilespmem:s24+$0xB0];
	[tilespmem:s7+$0xFFFFFFF0] =	vst v1;
	v3 =	vshll.u32 v2, $0x10  }
0x2a1: {  	v1 =	vand.u32 $0xFFFF0000, v2;
	v2 =	vld [tilespmem:s24+$0x70];
	[tilespmem:s7+$0x20] =	vst v3  }
0x2a2: {  	v8 =	vld [tilespmem:s24+$0xD0];
	v3 =	vshll.u32 v4, $0x10;
	[tilespmem:s7+$0x30] =	vst v1  }
0x2a3: {  	v1 =	vand.u32 $0xFFFF0000, v4;
	[tilespmem:s7+$0x60] =	vst v3  }
0x2a4: {  	v3 =	vshll.u32 v5, $0x10;
	[tilespmem:s7+$0x70] =	vst v1  }
0x2a5: {  	v1 =	vand.u32 $0xFFFF0000, v5;
	[tilespmem:s7+$0xA0] =	vst v3  }
0x2a6: {  	v0 =	vshll.u32 v0, $0x10;
	[tilespmem:s7+$0xB0] =	vst v1;
	v3 =	vshll.u32 v2, $0x10  }
0x2a7: {  	v4 =	vshll.u32 v7, $0x10;
	v5 =	vshll.u32 v8, $0x10;
	v2 =	vand.u32 $0xFFFF0000, v2;
	[tilespmem:s7+$0xE0] =	vst v3  }
0x2a8: {  	s28 =	simm.s32 $0xB00;
	s24 =	simm.s32 $0x0;
	v1 =	vand.u32 $0xFFFF0000, v6;
	[tilespmem:s7+$0xF0] =	vst v2;
	v2 =	vand.u32 $0xFFFF0000, v7;
	v3 =	vand.u32 $0xFFFF0000, v8  }
.LBB2_31:
0x2a9: {  	v6 =	vld [tilespmem:s28+$0xE0];
	[tilespmem:s7+$0x130] =	vst v1  }
0x2aa: {  	s24 =	sadd.s32 $0x10, s24;
	v1 =	vld [tilespmem:s28+$0xFFFFFF20];
	[tilespmem:s7+$0x160] =	vst v4  }
0x2ab: {  	p1 =	slt.u32 s24, $0x70;
	v4 =	vld [tilespmem:s28+$0xFFFFFF40];
	[tilespmem:s7+$0x170] =	vst v2  }
0x2ac: {  	v2 =	vld [tilespmem:s28+$0xFFFFFF60];
	[tilespmem:s7+$0x1A0] =	vst v5  }
0x2ad: {  	v5 =	vld [tilespmem:s28+$0xFFFFFF80];
	[tilespmem:s7+$0x1B0] =	vst v3  }
0x2ae: {  	v3 =	vld [tilespmem:s28+$0xFFFFFFA0];
	v7 =	vshll.u32 v6, $0x10;
	[tilespmem:s7+$0x1E0] =	vst v0;
	s7 =	sadd.s32 $0x400, s7  }
0x2af: {  	v6 =	vand.u32 $0xFFFF0000, v6;
	v0 =	vshll.u32 v1, $0x10;
	v1 =	vand.u32 $0xFFFF0000, v1;
	v8 =	vld [tilespmem:s28+$0xFFFFFFC0];
	[tilespmem:s7+$0x1C0] =	vst v7  }
0x2b0: {  	v7 =	vshll.u32 v4, $0x10;
	v4 =	vand.u32 $0xFFFF0000, v4;
	v9 =	vld [tilespmem:s28+$0xFFFFFFE0];
	[tilespmem:s7+$0x1D0] =	vst v6  }
0x2b1: {  	[tilespmem:s7+$0xFFFFFE40] =	vst v0;
	v0 =	vshll.u32 v2, $0x10;
	v2 =	vand.u32 $0xFFFF0000, v2;
	v6 =	vld [tilespmem:s28+$0xF0]  }
0x2b2: {  	[tilespmem:s7+$0xFFFFFE50] =	vst v1;
	v1 =	vshll.u32 v5, $0x10;
	v5 =	vand.u32 $0xFFFF0000, v5;
	v10 =	vld [tilespmem:s28+$0x0]  }
0x2b3: {  	[tilespmem:s7+$0xFFFFFE80] =	vst v7;
	v7 =	vshll.u32 v3, $0x10;
	v3 =	vand.u32 $0xFFFF0000, v3;
	v11 =	vld [tilespmem:s28+$0x20]  }
0x2b4: {  	[tilespmem:s7+$0xFFFFFE90] =	vst v4;
	v4 =	vshll.u32 v8, $0x10;
	v8 =	vand.u32 $0xFFFF0000, v8;
	v12 =	vld [tilespmem:s28+$0x40]  }
0x2b5: {  	[tilespmem:s7+$0xFFFFFEC0] =	vst v0;
	v13 =	vshll.u32 v9, $0x10;
	v9 =	vand.u32 $0xFFFF0000, v9;
	v14 =	vld [tilespmem:s28+$0x60]  }
0x2b6: {  	[tilespmem:s7+$0xFFFFFED0] =	vst v2;
	v2 =	vld [tilespmem:s28+$0x80];
	v0 =	vshll.u32 v6, $0x10;
	v6 =	vand.u32 $0xFFFF0000, v6  }
0x2b7: {  	v15 =	vshll.u32 v10, $0x10;
	v10 =	vand.u32 $0xFFFF0000, v10;
	v16 =	vld [tilespmem:s28+$0xA0];
	[tilespmem:s7+$0x1F0] =	vst v6  }
0x2b8: {  	[tilespmem:s7+$0xFFFFFF00] =	vst v1;
	v1 =	vshll.u32 v11, $0x10;
	v6 =	vand.u32 $0xFFFF0000, v11;
	v11 =	vld [tilespmem:s28+$0xC0]  }
0x2b9: {  	v17 =	vld [tilespmem:s28+$0xFFFFFF00];
	[tilespmem:s7+$0xFFFFFF10] =	vst v5;
	v5 =	vshll.u32 v12, $0x10;
	v12 =	vand.u32 $0xFFFF0000, v12  }
0x2ba: {  	v18 =	vld [tilespmem:s28+$0xFFFFFF30];
	[tilespmem:s7+$0xFFFFFF40] =	vst v7;
	v7 =	vshll.u32 v14, $0x10;
	v14 =	vand.u32 $0xFFFF0000, v14  }
0x2bb: {  	v19 =	vld [tilespmem:s28+$0xFFFFFF50];
	[tilespmem:s7+$0xFFFFFF50] =	vst v3;
	v3 =	vshll.u32 v2, $0x10;
	v2 =	vand.u32 $0xFFFF0000, v2  }
0x2bc: {  	v20 =	vld [tilespmem:s28+$0xFFFFFF70];
	[tilespmem:s7+$0xFFFFFF80] =	vst v4;
	v4 =	vshll.u32 v16, $0x10;
	v16 =	vand.u32 $0xFFFF0000, v16  }
0x2bd: {  	v21 =	vld [tilespmem:s28+$0xFFFFFF90];
	[tilespmem:s7+$0xFFFFFF90] =	vst v8;
	v8 =	vshll.u32 v11, $0x10;
	v11 =	vand.u32 $0xFFFF0000, v11  }
0x2be: {  	v22 =	vshll.u32 v17, $0x10;
	v17 =	vand.u32 $0xFFFF0000, v17;
	v23 =	vld [tilespmem:s28+$0xFFFFFFB0];
	[tilespmem:s7+$0xFFFFFFC0] =	vst v13  }
0x2bf: {  	[tilespmem:s7+$0xFFFFFE00] =	vst v22;
	v13 =	vshll.u32 v18, $0x10;
	v18 =	vand.u32 $0xFFFF0000, v18;
	v22 =	vld [tilespmem:s28+$0xFFFFFFD0]  }
0x2c0: {  	[tilespmem:s7+$0xFFFFFE10] =	vst v17;
	v17 =	vshll.u32 v19, $0x10;
	v19 =	vand.u32 $0xFFFF0000, v19  }
0x2c1: {  	v24 =	vld [tilespmem:s28+$0xFFFFFF10];
	v25 =	vshll.u32 v20, $0x10;
	v20 =	vand.u32 $0xFFFF0000, v20;
	[tilespmem:s7+$0xFFFFFFD0] =	vst v9  }
0x2c2: {  	v9 =	vshll.u32 v21, $0x10;
	v21 =	vand.u32 $0xFFFF0000, v21;
	v26 =	vld [tilespmem:s28+$0xFFFFFFF0];
	[tilespmem:s7+$0x0] =	vst v15  }
0x2c3: {  	v15 =	vshll.u32 v23, $0x10;
	v23 =	vand.u32 $0xFFFF0000, v23;
	[tilespmem:s7+$0x10] =	vst v10  }
0x2c4: {  	v10 =	vshll.u32 v22, $0x10;
	v22 =	vand.u32 $0xFFFF0000, v22;
	v27 =	vld [tilespmem:s28+$0x10];
	[tilespmem:s7+$0x40] =	vst v1  }
0x2c5: {  	[tilespmem:s7+$0x50] =	vst v6  }
0x2c6: {  	v1 =	vshll.u32 v24, $0x10;
	v6 =	vand.u32 $0xFFFF0000, v24;
	v24 =	vld [tilespmem:s28+$0x30];
	[tilespmem:s7+$0x80] =	vst v5  }
0x2c7: {  	v28 =	vshll.u32 v26, $0x10;
	v26 =	vand.u32 $0xFFFF0000, v26;
	[tilespmem:s7+$0x90] =	vst v12  }
0x2c8: {  	v5 =	vld [tilespmem:s28+$0x50];
	[tilespmem:s7+$0xC0] =	vst v7  }
0x2c9: {  	v7 =	vshll.u32 v27, $0x10;
	v12 =	vand.u32 $0xFFFF0000, v27;
	[tilespmem:s7+$0xD0] =	vst v14  }
0x2ca: {  	v14 =	vld [tilespmem:s28+$0x70];
	[tilespmem:s7+$0x100] =	vst v3  }
0x2cb: {  	v27 =	vshll.u32 v24, $0x10;
	v24 =	vand.u32 $0xFFFF0000, v24;
	[tilespmem:s7+$0x110] =	vst v2  }
0x2cc: {  	v2 =	vld [tilespmem:s28+$0x90];
	[tilespmem:s7+$0x140] =	vst v4  }
0x2cd: {  	v29 =	vshll.u32 v5, $0x10;
	v30 =	vand.u32 $0xFFFF0000, v5;
	[tilespmem:s7+$0x150] =	vst v16  }
0x2ce: {  	v3 =	vld [tilespmem:s28+$0xB0];
	[tilespmem:s7+$0x180] =	vst v8  }
0x2cf: {  	v8 =	vshll.u32 v14, $0x10;
	v14 =	vand.u32 $0xFFFF0000, v14;
	[tilespmem:s7+$0x190] =	vst v11  }
0x2d0: {  	[tilespmem:s7+$0xFFFFFE20] =	vst v1;
	v11 =	vld [tilespmem:s28+$0xD0]  }
0x2d1: {  	[tilespmem:s7+$0xFFFFFE30] =	vst v6;
	v6 =	vshll.u32 v2, $0x10;
	v1 =	vand.u32 $0xFFFF0000, v2  }
0x2d2: {  	[tilespmem:s7+$0xFFFFFE60] =	vst v13  }
0x2d3: {  	[tilespmem:s7+$0xFFFFFE70] =	vst v18;
	v4 =	vshll.u32 v3, $0x10;
	v2 =	vand.u32 $0xFFFF0000, v3  }
0x2d4: {  	[tilespmem:s7+$0xFFFFFEA0] =	vst v17  }
0x2d5: {  	[tilespmem:s7+$0xFFFFFEB0] =	vst v19;
	v5 =	vshll.u32 v11, $0x10;
	v3 =	vand.u32 $0xFFFF0000, v11  }
0x2d6: {  	[tilespmem:s7+$0xFFFFFEE0] =	vst v25  }
0x2d7: {  	[tilespmem:s7+$0xFFFFFEF0] =	vst v20  }
0x2d8: {  	[tilespmem:s7+$0xFFFFFF20] =	vst v9  }
0x2d9: {  	[tilespmem:s7+$0xFFFFFF30] =	vst v21  }
0x2da: {  	[tilespmem:s7+$0xFFFFFF60] =	vst v15  }
0x2db: {  	[tilespmem:s7+$0xFFFFFF70] =	vst v23  }
0x2dc: {  	[tilespmem:s7+$0xFFFFFFA0] =	vst v10  }
0x2dd: {  	[tilespmem:s7+$0xFFFFFFB0] =	vst v22  }
0x2de: {  	[tilespmem:s7+$0xFFFFFFE0] =	vst v28  }
0x2df: {  	[tilespmem:s7+$0xFFFFFFF0] =	vst v26  }
0x2e0: {  	[tilespmem:s7+$0x20] =	vst v7  }
0x2e1: {  	[tilespmem:s7+$0x30] =	vst v12  }
0x2e2: {  	[tilespmem:s7+$0x60] =	vst v27  }
0x2e3: {  	[tilespmem:s7+$0x70] =	vst v24  }
.Ltmp7:
0x2e4: {  	[tilespmem:s7+$0xA0] =	vst v29;
	(pc) =	sbr.rel @p1 .LBB2_31-.Ltmp7, $4  }
0x2e5: {  	[tilespmem:s7+$0xB0] =	vst v30  }
0x2e6: {  	[tilespmem:s7+$0xE0] =	vst v8  }
0x2e7: {  	[tilespmem:s7+$0xF0] =	vst v14  }
0x2e8: {  	s28 =	sadd.s32 $0x200, s28;
	[tilespmem:s7+$0x120] =	vst v6  }
0x2e9: {  	[tilespmem:s7+$0x130] =	vst v1  }
0x2ea: {  	[tilespmem:s7+$0x160] =	vst v4  }
0x2eb: {  	[tilespmem:s7+$0x170] =	vst v2  }
0x2ec: {  	[tilespmem:s7+$0x1A0] =	vst v5  }
0x2ed: {  	[tilespmem:s7+$0x1B0] =	vst v3  }
0x2ee: {  	[tilespmem:s7+$0x1E0] =	vst v0  }
0x2ef: {  	[spmem:s1] =	stream.indirect.scatter.add.f32 [tilespmem:s26], [sflag:$0x3], $0x40, s19, s22, $0xb8;
	[tilespmem:$0x1F000] =	vst v63  }
0x2f0: {  	_ = 	snop  }
0x2f1: {  	[tilespmem:s23], [sflag:$0x1] =	stream.indirect.gather [hbm4b:s5+s22], $0x20, s20, s22, $0xb8;
	[tilespmem:$0x1F000] =	vst v63  }
0x2f2: {  	_ =	swait.ge [sflag:s29], $0x1000  }
0x2f3: {  	[sflag:s29] =	ssyncset.done $0x0  }
0x2f4: {  	[sflag:s29] =	ssyncadd.s32 $0xFFFFF000  }
0x2f5: {  	_ =	swait.ge [sflag:s14], $0x2000  }
0x2f6: {  	[sflag:s14] =	ssyncset.done $0x0  }
0x2f7: {  	s24 =	simm.s32 $0x1900;
	[sflag:s14] =	ssyncadd.s32 $0xFFFFE000  }
0x2f8: {  	v0 =	vld [tilespmem:s24+$0xE0];
	_ =	sdelay $0x1  }
0x2f9: {  	v2 =	vld [tilespmem:s24+$0xFFFFFF40]  }
0x2fa: {  	v1 =	vld [tilespmem:s24+$0xFFFFFF20];
	_ =	sdelay $0x1  }
0x2fb: {  	s7 =	simm.s32 $0x4A00;
	v4 =	vld [tilespmem:s24+$0xFFFFFF60];
	v3 =	vshll.u32 v0, $0x10  }
0x2fc: {  	v0 =	vand.u32 $0xFFFF0000, v0;
	[tilespmem:s7+$0x1C0] =	vst v3  }
0x2fd: {  	v5 =	vshll.u32 v2, $0x10;
	[tilespmem:s7+$0x1D0] =	vst v0  }
0x2fe: {  	v3 =	vshll.u32 v1, $0x10;
	[tilespmem:s7+$0xFFFFFE80] =	vst v5;
	v0 =	vld [tilespmem:s24+$0xF0]  }
0x2ff: {  	v1 =	vand.u32 $0xFFFF0000, v1;
	[tilespmem:s7+$0xFFFFFE40] =	vst v3;
	v3 =	vld [tilespmem:s24+$0xFFFFFF80]  }
0x300: {  	v5 =	vshll.u32 v4, $0x10;
	[tilespmem:s7+$0xFFFFFE50] =	vst v1  }
0x301: {  	v1 =	vand.u32 $0xFFFF0000, v2;
	v2 =	vld [tilespmem:s24+$0xFFFFFFA0];
	[tilespmem:s7+$0xFFFFFEC0] =	vst v5  }
0x302: {  	[tilespmem:s7+$0xFFFFFE90] =	vst v1;
	v1 =	vand.u32 $0xFFFF0000, v4  }
0x303: {  	v4 =	vld [tilespmem:s24+$0xFFFFFFC0];
	[tilespmem:s7+$0xFFFFFED0] =	vst v1;
	v1 =	vand.u32 $0xFFFF0000, v0  }
0x304: {  	v5 =	vshll.u32 v3, $0x10;
	[tilespmem:s7+$0x1F0] =	vst v1  }
0x305: {  	v6 =	vld [tilespmem:s24+$0xFFFFFF00];
	v3 =	vand.u32 $0xFFFF0000, v3;
	[tilespmem:s7+$0xFFFFFF00] =	vst v5  }
0x306: {  	v1 =	vld [tilespmem:s24+$0xFFFFFFE0];
	v5 =	vshll.u32 v2, $0x10;
	[tilespmem:s7+$0xFFFFFF10] =	vst v3  }
0x307: {  	v2 =	vand.u32 $0xFFFF0000, v2;
	[tilespmem:s7+$0xFFFFFF40] =	vst v5  }
0x308: {  	v3 =	vshll.u32 v4, $0x10;
	[tilespmem:s7+$0xFFFFFF50] =	vst v2  }
0x309: {  	v4 =	vand.u32 $0xFFFF0000, v4;
	v2 =	vld [tilespmem:s24+$0x0];
	[tilespmem:s7+$0xFFFFFF80] =	vst v3  }
0x30a: {  	[tilespmem:s7+$0xFFFFFF90] =	vst v4;
	v5 =	vshll.u32 v6, $0x10  }
0x30b: {  	v4 =	vld [tilespmem:s24+$0x20];
	[tilespmem:s7+$0xFFFFFE00] =	vst v5;
	v3 =	vshll.u32 v1, $0x10  }
0x30c: {  	v1 =	vand.u32 $0xFFFF0000, v1;
	[tilespmem:s7+$0xFFFFFFC0] =	vst v3  }
0x30d: {  	v5 =	vld [tilespmem:s24+$0x40];
	v3 =	vand.u32 $0xFFFF0000, v6;
	[tilespmem:s7+$0xFFFFFFD0] =	vst v1  }
0x30e: {  	[tilespmem:s7+$0xFFFFFE10] =	vst v3;
	v3 =	vshll.u32 v2, $0x10  }
0x30f: {  	v1 =	vld [tilespmem:s24+$0x60];
	v2 =	vand.u32 $0xFFFF0000, v2;
	[tilespmem:s7+$0x0] =	vst v3  }
0x310: {  	v3 =	vshll.u32 v4, $0x10;
	[tilespmem:s7+$0x10] =	vst v2  }
0x311: {  	v2 =	vld [tilespmem:s24+$0x80];
	v4 =	vand.u32 $0xFFFF0000, v4;
	[tilespmem:s7+$0x40] =	vst v3  }
0x312: {  	v3 =	vshll.u32 v5, $0x10;
	[tilespmem:s7+$0x50] =	vst v4  }
0x313: {  	v4 =	vld [tilespmem:s24+$0xA0];
	v5 =	vand.u32 $0xFFFF0000, v5;
	[tilespmem:s7+$0x80] =	vst v3  }
0x314: {  	[tilespmem:s7+$0x90] =	vst v5;
	v3 =	vshll.u32 v1, $0x10  }
0x315: {  	v5 =	vld [tilespmem:s24+$0xC0];
	v1 =	vand.u32 $0xFFFF0000, v1;
	[tilespmem:s7+$0xC0] =	vst v3  }
0x316: {  	[tilespmem:s7+$0xD0] =	vst v1;
	v3 =	vshll.u32 v2, $0x10  }
0x317: {  	v1 =	vand.u32 $0xFFFF0000, v2;
	v2 =	vld [tilespmem:s24+$0xFFFFFF10];
	[tilespmem:s7+$0x100] =	vst v3  }
0x318: {  	v3 =	vshll.u32 v4, $0x10;
	[tilespmem:s7+$0x110] =	vst v1  }
0x319: {  	v1 =	vld [tilespmem:s24+$0xFFFFFF30];
	v4 =	vand.u32 $0xFFFF0000, v4;
	[tilespmem:s7+$0x140] =	vst v3  }
0x31a: {  	v3 =	vshll.u32 v5, $0x10;
	[tilespmem:s7+$0x150] =	vst v4  }
0x31b: {  	v4 =	vld [tilespmem:s24+$0xFFFFFF50];
	v5 =	vand.u32 $0xFFFF0000, v5;
	[tilespmem:s7+$0x180] =	vst v3  }
0x31c: {  	[tilespmem:s7+$0x190] =	vst v5;
	v3 =	vshll.u32 v2, $0x10  }
0x31d: {  	v6 =	vld [tilespmem:s24+$0x90];
	v2 =	vand.u32 $0xFFFF0000, v2;
	[tilespmem:s7+$0xFFFFFE20] =	vst v3  }
0x31e: {  	v5 =	vld [tilespmem:s24+$0xFFFFFF70];
	v3 =	vshll.u32 v1, $0x10;
	[tilespmem:s7+$0xFFFFFE30] =	vst v2  }
0x31f: {  	v1 =	vand.u32 $0xFFFF0000, v1;
	[tilespmem:s7+$0xFFFFFE60] =	vst v3  }
0x320: {  	v2 =	vld [tilespmem:s24+$0xFFFFFF90];
	v3 =	vshll.u32 v4, $0x10;
	[tilespmem:s7+$0xFFFFFE70] =	vst v1  }
0x321: {  	v4 =	vand.u32 $0xFFFF0000, v4;
	[tilespmem:s7+$0xFFFFFEA0] =	vst v3  }
0x322: {  	v1 =	vld [tilespmem:s24+$0xFFFFFFB0];
	v9 =	vshll.u32 v6, $0x10;
	[tilespmem:s7+$0xFFFFFEB0] =	vst v4  }
0x323: {  	v3 =	vshll.u32 v5, $0x10;
	[tilespmem:s7+$0x120] =	vst v9  }
0x324: {  	v4 =	vld [tilespmem:s24+$0xFFFFFFD0];
	v5 =	vand.u32 $0xFFFF0000, v5;
	[tilespmem:s7+$0xFFFFFEE0] =	vst v3  }
0x325: {  	[tilespmem:s7+$0xFFFFFEF0] =	vst v5;
	v3 =	vshll.u32 v2, $0x10  }
0x326: {  	v5 =	vld [tilespmem:s24+$0xFFFFFFF0];
	v2 =	vand.u32 $0xFFFF0000, v2;
	[tilespmem:s7+$0xFFFFFF20] =	vst v3  }
0x327: {  	v3 =	vshll.u32 v1, $0x10;
	[tilespmem:s7+$0xFFFFFF30] =	vst v2  }
0x328: {  	v1 =	vand.u32 $0xFFFF0000, v1;
	v2 =	vld [tilespmem:s24+$0x10];
	[tilespmem:s7+$0xFFFFFF60] =	vst v3  }
0x329: {  	v3 =	vshll.u32 v4, $0x10;
	[tilespmem:s7+$0xFFFFFF70] =	vst v1  }
0x32a: {  	v1 =	vand.u32 $0xFFFF0000, v4;
	v4 =	vld [tilespmem:s24+$0x30];
	[tilespmem:s7+$0xFFFFFFA0] =	vst v3  }
0x32b: {  	v3 =	vshll.u32 v5, $0x10;
	[tilespmem:s7+$0xFFFFFFB0] =	vst v1  }
0x32c: {  	v1 =	vand.u32 $0xFFFF0000, v5;
	v5 =	vld [tilespmem:s24+$0x50];
	[tilespmem:s7+$0xFFFFFFE0] =	vst v3  }
0x32d: {  	v7 =	vld [tilespmem:s24+$0xB0];
	[tilespmem:s7+$0xFFFFFFF0] =	vst v1;
	v3 =	vshll.u32 v2, $0x10  }
0x32e: {  	v1 =	vand.u32 $0xFFFF0000, v2;
	v2 =	vld [tilespmem:s24+$0x70];
	[tilespmem:s7+$0x20] =	vst v3  }
0x32f: {  	v8 =	vld [tilespmem:s24+$0xD0];
	v3 =	vshll.u32 v4, $0x10;
	[tilespmem:s7+$0x30] =	vst v1  }
0x330: {  	v1 =	vand.u32 $0xFFFF0000, v4;
	[tilespmem:s7+$0x60] =	vst v3  }
0x331: {  	v3 =	vshll.u32 v5, $0x10;
	[tilespmem:s7+$0x70] =	vst v1  }
0x332: {  	v1 =	vand.u32 $0xFFFF0000, v5;
	[tilespmem:s7+$0xA0] =	vst v3  }
0x333: {  	v0 =	vshll.u32 v0, $0x10;
	[tilespmem:s7+$0xB0] =	vst v1;
	v3 =	vshll.u32 v2, $0x10  }
0x334: {  	v4 =	vshll.u32 v7, $0x10;
	v5 =	vshll.u32 v8, $0x10;
	v2 =	vand.u32 $0xFFFF0000, v2;
	[tilespmem:s7+$0xE0] =	vst v3  }
0x335: {  	s28 =	simm.s32 $0x1B00;
	s24 =	simm.s32 $0x0;
	v1 =	vand.u32 $0xFFFF0000, v6;
	[tilespmem:s7+$0xF0] =	vst v2;
	v2 =	vand.u32 $0xFFFF0000, v7;
	v3 =	vand.u32 $0xFFFF0000, v8  }
.LBB2_33:
0x336: {  	v6 =	vld [tilespmem:s28+$0xE0];
	[tilespmem:s7+$0x130] =	vst v1  }
0x337: {  	s24 =	sadd.s32 $0x10, s24;
	v1 =	vld [tilespmem:s28+$0xFFFFFF20];
	[tilespmem:s7+$0x160] =	vst v4  }
0x338: {  	p1 =	slt.u32 s24, $0x70;
	v4 =	vld [tilespmem:s28+$0xFFFFFF40];
	[tilespmem:s7+$0x170] =	vst v2  }
0x339: {  	v2 =	vld [tilespmem:s28+$0xFFFFFF60];
	[tilespmem:s7+$0x1A0] =	vst v5  }
0x33a: {  	v5 =	vld [tilespmem:s28+$0xFFFFFF80];
	[tilespmem:s7+$0x1B0] =	vst v3  }
0x33b: {  	v3 =	vld [tilespmem:s28+$0xFFFFFFA0];
	v7 =	vshll.u32 v6, $0x10;
	[tilespmem:s7+$0x1E0] =	vst v0;
	s7 =	sadd.s32 $0x400, s7  }
0x33c: {  	v6 =	vand.u32 $0xFFFF0000, v6;
	v0 =	vshll.u32 v1, $0x10;
	v1 =	vand.u32 $0xFFFF0000, v1;
	v8 =	vld [tilespmem:s28+$0xFFFFFFC0];
	[tilespmem:s7+$0x1C0] =	vst v7  }
0x33d: {  	v7 =	vshll.u32 v4, $0x10;
	v4 =	vand.u32 $0xFFFF0000, v4;
	v9 =	vld [tilespmem:s28+$0xFFFFFFE0];
	[tilespmem:s7+$0x1D0] =	vst v6  }
0x33e: {  	[tilespmem:s7+$0xFFFFFE40] =	vst v0;
	v0 =	vshll.u32 v2, $0x10;
	v2 =	vand.u32 $0xFFFF0000, v2;
	v6 =	vld [tilespmem:s28+$0xF0]  }
0x33f: {  	[tilespmem:s7+$0xFFFFFE50] =	vst v1;
	v1 =	vshll.u32 v5, $0x10;
	v5 =	vand.u32 $0xFFFF0000, v5;
	v10 =	vld [tilespmem:s28+$0x0]  }
0x340: {  	[tilespmem:s7+$0xFFFFFE80] =	vst v7;
	v7 =	vshll.u32 v3, $0x10;
	v3 =	vand.u32 $0xFFFF0000, v3;
	v11 =	vld [tilespmem:s28+$0x20]  }
0x341: {  	[tilespmem:s7+$0xFFFFFE90] =	vst v4;
	v4 =	vshll.u32 v8, $0x10;
	v8 =	vand.u32 $0xFFFF0000, v8;
	v12 =	vld [tilespmem:s28+$0x40]  }
0x342: {  	[tilespmem:s7+$0xFFFFFEC0] =	vst v0;
	v13 =	vshll.u32 v9, $0x10;
	v9 =	vand.u32 $0xFFFF0000, v9;
	v14 =	vld [tilespmem:s28+$0x60]  }
0x343: {  	[tilespmem:s7+$0xFFFFFED0] =	vst v2;
	v2 =	vld [tilespmem:s28+$0x80];
	v0 =	vshll.u32 v6, $0x10;
	v6 =	vand.u32 $0xFFFF0000, v6  }
0x344: {  	v15 =	vshll.u32 v10, $0x10;
	v10 =	vand.u32 $0xFFFF0000, v10;
	v16 =	vld [tilespmem:s28+$0xA0];
	[tilespmem:s7+$0x1F0] =	vst v6  }
0x345: {  	[tilespmem:s7+$0xFFFFFF00] =	vst v1;
	v1 =	vshll.u32 v11, $0x10;
	v6 =	vand.u32 $0xFFFF0000, v11;
	v11 =	vld [tilespmem:s28+$0xC0]  }
0x346: {  	v17 =	vld [tilespmem:s28+$0xFFFFFF00];
	[tilespmem:s7+$0xFFFFFF10] =	vst v5;
	v5 =	vshll.u32 v12, $0x10;
	v12 =	vand.u32 $0xFFFF0000, v12  }
0x347: {  	v18 =	vld [tilespmem:s28+$0xFFFFFF30];
	[tilespmem:s7+$0xFFFFFF40] =	vst v7;
	v7 =	vshll.u32 v14, $0x10;
	v14 =	vand.u32 $0xFFFF0000, v14  }
0x348: {  	v19 =	vld [tilespmem:s28+$0xFFFFFF50];
	[tilespmem:s7+$0xFFFFFF50] =	vst v3;
	v3 =	vshll.u32 v2, $0x10;
	v2 =	vand.u32 $0xFFFF0000, v2  }
0x349: {  	v20 =	vld [tilespmem:s28+$0xFFFFFF70];
	[tilespmem:s7+$0xFFFFFF80] =	vst v4;
	v4 =	vshll.u32 v16, $0x10;
	v16 =	vand.u32 $0xFFFF0000, v16  }
0x34a: {  	v21 =	vld [tilespmem:s28+$0xFFFFFF90];
	[tilespmem:s7+$0xFFFFFF90] =	vst v8;
	v8 =	vshll.u32 v11, $0x10;
	v11 =	vand.u32 $0xFFFF0000, v11  }
0x34b: {  	v22 =	vshll.u32 v17, $0x10;
	v17 =	vand.u32 $0xFFFF0000, v17;
	v23 =	vld [tilespmem:s28+$0xFFFFFFB0];
	[tilespmem:s7+$0xFFFFFFC0] =	vst v13  }
0x34c: {  	[tilespmem:s7+$0xFFFFFE00] =	vst v22;
	v13 =	vshll.u32 v18, $0x10;
	v18 =	vand.u32 $0xFFFF0000, v18;
	v22 =	vld [tilespmem:s28+$0xFFFFFFD0]  }
0x34d: {  	[tilespmem:s7+$0xFFFFFE10] =	vst v17;
	v17 =	vshll.u32 v19, $0x10;
	v19 =	vand.u32 $0xFFFF0000, v19  }
0x34e: {  	v24 =	vld [tilespmem:s28+$0xFFFFFF10];
	v25 =	vshll.u32 v20, $0x10;
	v20 =	vand.u32 $0xFFFF0000, v20;
	[tilespmem:s7+$0xFFFFFFD0] =	vst v9  }
0x34f: {  	v9 =	vshll.u32 v21, $0x10;
	v21 =	vand.u32 $0xFFFF0000, v21;
	v26 =	vld [tilespmem:s28+$0xFFFFFFF0];
	[tilespmem:s7+$0x0] =	vst v15  }
0x350: {  	v15 =	vshll.u32 v23, $0x10;
	v23 =	vand.u32 $0xFFFF0000, v23;
	[tilespmem:s7+$0x10] =	vst v10  }
0x351: {  	v10 =	vshll.u32 v22, $0x10;
	v22 =	vand.u32 $0xFFFF0000, v22;
	v27 =	vld [tilespmem:s28+$0x10];
	[tilespmem:s7+$0x40] =	vst v1  }
0x352: {  	[tilespmem:s7+$0x50] =	vst v6  }
0x353: {  	v1 =	vshll.u32 v24, $0x10;
	v6 =	vand.u32 $0xFFFF0000, v24;
	v24 =	vld [tilespmem:s28+$0x30];
	[tilespmem:s7+$0x80] =	vst v5  }
0x354: {  	v28 =	vshll.u32 v26, $0x10;
	v26 =	vand.u32 $0xFFFF0000, v26;
	[tilespmem:s7+$0x90] =	vst v12  }
0x355: {  	v5 =	vld [tilespmem:s28+$0x50];
	[tilespmem:s7+$0xC0] =	vst v7  }
0x356: {  	v7 =	vshll.u32 v27, $0x10;
	v12 =	vand.u32 $0xFFFF0000, v27;
	[tilespmem:s7+$0xD0] =	vst v14  }
0x357: {  	v14 =	vld [tilespmem:s28+$0x70];
	[tilespmem:s7+$0x100] =	vst v3  }
0x358: {  	v27 =	vshll.u32 v24, $0x10;
	v24 =	vand.u32 $0xFFFF0000, v24;
	[tilespmem:s7+$0x110] =	vst v2  }
0x359: {  	v2 =	vld [tilespmem:s28+$0x90];
	[tilespmem:s7+$0x140] =	vst v4  }
0x35a: {  	v29 =	vshll.u32 v5, $0x10;
	v30 =	vand.u32 $0xFFFF0000, v5;
	[tilespmem:s7+$0x150] =	vst v16  }
0x35b: {  	v3 =	vld [tilespmem:s28+$0xB0];
	[tilespmem:s7+$0x180] =	vst v8  }
0x35c: {  	v8 =	vshll.u32 v14, $0x10;
	v14 =	vand.u32 $0xFFFF0000, v14;
	[tilespmem:s7+$0x190] =	vst v11  }
0x35d: {  	[tilespmem:s7+$0xFFFFFE20] =	vst v1;
	v11 =	vld [tilespmem:s28+$0xD0]  }
0x35e: {  	[tilespmem:s7+$0xFFFFFE30] =	vst v6;
	v6 =	vshll.u32 v2, $0x10;
	v1 =	vand.u32 $0xFFFF0000, v2  }
0x35f: {  	[tilespmem:s7+$0xFFFFFE60] =	vst v13  }
0x360: {  	[tilespmem:s7+$0xFFFFFE70] =	vst v18;
	v4 =	vshll.u32 v3, $0x10;
	v2 =	vand.u32 $0xFFFF0000, v3  }
0x361: {  	[tilespmem:s7+$0xFFFFFEA0] =	vst v17  }
0x362: {  	[tilespmem:s7+$0xFFFFFEB0] =	vst v19;
	v5 =	vshll.u32 v11, $0x10;
	v3 =	vand.u32 $0xFFFF0000, v11  }
0x363: {  	[tilespmem:s7+$0xFFFFFEE0] =	vst v25  }
0x364: {  	[tilespmem:s7+$0xFFFFFEF0] =	vst v20  }
0x365: {  	[tilespmem:s7+$0xFFFFFF20] =	vst v9  }
0x366: {  	[tilespmem:s7+$0xFFFFFF30] =	vst v21  }
0x367: {  	[tilespmem:s7+$0xFFFFFF60] =	vst v15  }
0x368: {  	[tilespmem:s7+$0xFFFFFF70] =	vst v23  }
0x369: {  	[tilespmem:s7+$0xFFFFFFA0] =	vst v10  }
0x36a: {  	[tilespmem:s7+$0xFFFFFFB0] =	vst v22  }
0x36b: {  	[tilespmem:s7+$0xFFFFFFE0] =	vst v28  }
0x36c: {  	[tilespmem:s7+$0xFFFFFFF0] =	vst v26  }
0x36d: {  	[tilespmem:s7+$0x20] =	vst v7  }
0x36e: {  	[tilespmem:s7+$0x30] =	vst v12  }
0x36f: {  	[tilespmem:s7+$0x60] =	vst v27  }
0x370: {  	[tilespmem:s7+$0x70] =	vst v24  }
.Ltmp8:
0x371: {  	[tilespmem:s7+$0xA0] =	vst v29;
	(pc) =	sbr.rel @p1 .LBB2_33-.Ltmp8, $4  }
0x372: {  	[tilespmem:s7+$0xB0] =	vst v30  }
0x373: {  	[tilespmem:s7+$0xE0] =	vst v8  }
0x374: {  	[tilespmem:s7+$0xF0] =	vst v14  }
0x375: {  	s28 =	sadd.s32 $0x200, s28;
	[tilespmem:s7+$0x120] =	vst v6  }
0x376: {  	[tilespmem:s7+$0x130] =	vst v1  }
0x377: {  	[tilespmem:s7+$0x160] =	vst v4  }
0x378: {  	[tilespmem:s7+$0x170] =	vst v2  }
0x379: {  	[tilespmem:s7+$0x1A0] =	vst v5  }
0x37a: {  	[tilespmem:s7+$0x1B0] =	vst v3  }
0x37b: {  	[tilespmem:s7+$0x1E0] =	vst v0  }
0x37c: {  	[spmem:s1] =	stream.indirect.scatter.add.f32 [tilespmem:s31], [sflag:$0x4], $0x40, s8, s22, $0xb8;
	[tilespmem:$0x1F000] =	vst v63  }
0x37d: {  	_ = 	snop  }
0x37e: {  	[tilespmem:s25], [sflag:$0x2] =	stream.indirect.gather [hbm4b:s5+s22], $0x20, s15, s22, $0xb8;
	[tilespmem:$0x1F000] =	vst v63  }
0x37f: {  	_ =	swait.ge [sflag:s18], $0x1000  }
0x380: {  	[sflag:s18] =	ssyncset.done $0x0  }
0x381: {  	[sflag:s18] =	ssyncadd.s32 $0xFFFFF000  }
0x382: {  	_ =	swait.ge [sflag:s4], $0x2000  }
0x383: {  	[sflag:s4] =	ssyncset.done $0x0  }
0x384: {  	s24 =	simm.s32 $0x900;
	[sflag:s4] =	ssyncadd.s32 $0xFFFFE000  }
0x385: {  	v0 =	vld [tilespmem:s24+$0xE0];
	_ =	sdelay $0x1  }
0x386: {  	v2 =	vld [tilespmem:s24+$0xFFFFFF40]  }
0x387: {  	v1 =	vld [tilespmem:s24+$0xFFFFFF20];
	_ =	sdelay $0x1  }
0x388: {  	s7 =	simm.s32 $0x2A00;
	v4 =	vld [tilespmem:s24+$0xFFFFFF60];
	v3 =	vshll.u32 v0, $0x10  }
0x389: {  	v0 =	vand.u32 $0xFFFF0000, v0;
	[tilespmem:s7+$0x1C0] =	vst v3  }
0x38a: {  	v5 =	vshll.u32 v2, $0x10;
	[tilespmem:s7+$0x1D0] =	vst v0  }
0x38b: {  	v3 =	vshll.u32 v1, $0x10;
	[tilespmem:s7+$0xFFFFFE80] =	vst v5;
	v0 =	vld [tilespmem:s24+$0xF0]  }
0x38c: {  	v1 =	vand.u32 $0xFFFF0000, v1;
	[tilespmem:s7+$0xFFFFFE40] =	vst v3;
	v3 =	vld [tilespmem:s24+$0xFFFFFF80]  }
0x38d: {  	v5 =	vshll.u32 v4, $0x10;
	[tilespmem:s7+$0xFFFFFE50] =	vst v1  }
0x38e: {  	v1 =	vand.u32 $0xFFFF0000, v2;
	v2 =	vld [tilespmem:s24+$0xFFFFFFA0];
	[tilespmem:s7+$0xFFFFFEC0] =	vst v5  }
0x38f: {  	[tilespmem:s7+$0xFFFFFE90] =	vst v1;
	v1 =	vand.u32 $0xFFFF0000, v4  }
0x390: {  	v4 =	vld [tilespmem:s24+$0xFFFFFFC0];
	[tilespmem:s7+$0xFFFFFED0] =	vst v1;
	v1 =	vand.u32 $0xFFFF0000, v0  }
0x391: {  	v5 =	vshll.u32 v3, $0x10;
	[tilespmem:s7+$0x1F0] =	vst v1  }
0x392: {  	v6 =	vld [tilespmem:s24+$0xFFFFFF00];
	v3 =	vand.u32 $0xFFFF0000, v3;
	[tilespmem:s7+$0xFFFFFF00] =	vst v5  }
0x393: {  	v1 =	vld [tilespmem:s24+$0xFFFFFFE0];
	v5 =	vshll.u32 v2, $0x10;
	[tilespmem:s7+$0xFFFFFF10] =	vst v3  }
0x394: {  	v2 =	vand.u32 $0xFFFF0000, v2;
	[tilespmem:s7+$0xFFFFFF40] =	vst v5  }
0x395: {  	v3 =	vshll.u32 v4, $0x10;
	[tilespmem:s7+$0xFFFFFF50] =	vst v2  }
0x396: {  	v4 =	vand.u32 $0xFFFF0000, v4;
	v2 =	vld [tilespmem:s24+$0x0];
	[tilespmem:s7+$0xFFFFFF80] =	vst v3  }
0x397: {  	[tilespmem:s7+$0xFFFFFF90] =	vst v4;
	v5 =	vshll.u32 v6, $0x10  }
0x398: {  	v4 =	vld [tilespmem:s24+$0x20];
	[tilespmem:s7+$0xFFFFFE00] =	vst v5;
	v3 =	vshll.u32 v1, $0x10  }
0x399: {  	v1 =	vand.u32 $0xFFFF0000, v1;
	[tilespmem:s7+$0xFFFFFFC0] =	vst v3  }
0x39a: {  	v5 =	vld [tilespmem:s24+$0x40];
	v3 =	vand.u32 $0xFFFF0000, v6;
	[tilespmem:s7+$0xFFFFFFD0] =	vst v1  }
0x39b: {  	[tilespmem:s7+$0xFFFFFE10] =	vst v3;
	v3 =	vshll.u32 v2, $0x10  }
0x39c: {  	v1 =	vld [tilespmem:s24+$0x60];
	v2 =	vand.u32 $0xFFFF0000, v2;
	[tilespmem:s7+$0x0] =	vst v3  }
0x39d: {  	v3 =	vshll.u32 v4, $0x10;
	[tilespmem:s7+$0x10] =	vst v2  }
0x39e: {  	v2 =	vld [tilespmem:s24+$0x80];
	v4 =	vand.u32 $0xFFFF0000, v4;
	[tilespmem:s7+$0x40] =	vst v3  }
0x39f: {  	v3 =	vshll.u32 v5, $0x10;
	[tilespmem:s7+$0x50] =	vst v4  }
0x3a0: {  	v4 =	vld [tilespmem:s24+$0xA0];
	v5 =	vand.u32 $0xFFFF0000, v5;
	[tilespmem:s7+$0x80] =	vst v3  }
0x3a1: {  	[tilespmem:s7+$0x90] =	vst v5;
	v3 =	vshll.u32 v1, $0x10  }
0x3a2: {  	v5 =	vld [tilespmem:s24+$0xC0];
	v1 =	vand.u32 $0xFFFF0000, v1;
	[tilespmem:s7+$0xC0] =	vst v3  }
0x3a3: {  	[tilespmem:s7+$0xD0] =	vst v1;
	v3 =	vshll.u32 v2, $0x10  }
0x3a4: {  	v1 =	vand.u32 $0xFFFF0000, v2;
	v2 =	vld [tilespmem:s24+$0xFFFFFF10];
	[tilespmem:s7+$0x100] =	vst v3  }
0x3a5: {  	v3 =	vshll.u32 v4, $0x10;
	[tilespmem:s7+$0x110] =	vst v1  }
0x3a6: {  	v1 =	vld [tilespmem:s24+$0xFFFFFF30];
	v4 =	vand.u32 $0xFFFF0000, v4;
	[tilespmem:s7+$0x140] =	vst v3  }
0x3a7: {  	v3 =	vshll.u32 v5, $0x10;
	[tilespmem:s7+$0x150] =	vst v4  }
0x3a8: {  	v4 =	vld [tilespmem:s24+$0xFFFFFF50];
	v5 =	vand.u32 $0xFFFF0000, v5;
	[tilespmem:s7+$0x180] =	vst v3  }
0x3a9: {  	[tilespmem:s7+$0x190] =	vst v5;
	v3 =	vshll.u32 v2, $0x10  }
0x3aa: {  	v6 =	vld [tilespmem:s24+$0x90];
	v2 =	vand.u32 $0xFFFF0000, v2;
	[tilespmem:s7+$0xFFFFFE20] =	vst v3  }
0x3ab: {  	v5 =	vld [tilespmem:s24+$0xFFFFFF70];
	v3 =	vshll.u32 v1, $0x10;
	[tilespmem:s7+$0xFFFFFE30] =	vst v2  }
0x3ac: {  	v1 =	vand.u32 $0xFFFF0000, v1;
	[tilespmem:s7+$0xFFFFFE60] =	vst v3  }
0x3ad: {  	v2 =	vld [tilespmem:s24+$0xFFFFFF90];
	v3 =	vshll.u32 v4, $0x10;
	[tilespmem:s7+$0xFFFFFE70] =	vst v1  }
0x3ae: {  	v4 =	vand.u32 $0xFFFF0000, v4;
	[tilespmem:s7+$0xFFFFFEA0] =	vst v3  }
0x3af: {  	v1 =	vld [tilespmem:s24+$0xFFFFFFB0];
	v9 =	vshll.u32 v6, $0x10;
	[tilespmem:s7+$0xFFFFFEB0] =	vst v4  }
0x3b0: {  	v3 =	vshll.u32 v5, $0x10;
	[tilespmem:s7+$0x120] =	vst v9  }
0x3b1: {  	v4 =	vld [tilespmem:s24+$0xFFFFFFD0];
	v5 =	vand.u32 $0xFFFF0000, v5;
	[tilespmem:s7+$0xFFFFFEE0] =	vst v3  }
0x3b2: {  	[tilespmem:s7+$0xFFFFFEF0] =	vst v5;
	v3 =	vshll.u32 v2, $0x10  }
0x3b3: {  	v5 =	vld [tilespmem:s24+$0xFFFFFFF0];
	v2 =	vand.u32 $0xFFFF0000, v2;
	[tilespmem:s7+$0xFFFFFF20] =	vst v3  }
0x3b4: {  	v3 =	vshll.u32 v1, $0x10;
	[tilespmem:s7+$0xFFFFFF30] =	vst v2  }
0x3b5: {  	v1 =	vand.u32 $0xFFFF0000, v1;
	v2 =	vld [tilespmem:s24+$0x10];
	[tilespmem:s7+$0xFFFFFF60] =	vst v3  }
0x3b6: {  	v3 =	vshll.u32 v4, $0x10;
	[tilespmem:s7+$0xFFFFFF70] =	vst v1  }
0x3b7: {  	v1 =	vand.u32 $0xFFFF0000, v4;
	v4 =	vld [tilespmem:s24+$0x30];
	[tilespmem:s7+$0xFFFFFFA0] =	vst v3  }
0x3b8: {  	v3 =	vshll.u32 v5, $0x10;
	[tilespmem:s7+$0xFFFFFFB0] =	vst v1  }
0x3b9: {  	v1 =	vand.u32 $0xFFFF0000, v5;
	v5 =	vld [tilespmem:s24+$0x50];
	[tilespmem:s7+$0xFFFFFFE0] =	vst v3  }
0x3ba: {  	v7 =	vld [tilespmem:s24+$0xB0];
	[tilespmem:s7+$0xFFFFFFF0] =	vst v1;
	v3 =	vshll.u32 v2, $0x10  }
0x3bb: {  	v1 =	vand.u32 $0xFFFF0000, v2;
	v2 =	vld [tilespmem:s24+$0x70];
	[tilespmem:s7+$0x20] =	vst v3  }
0x3bc: {  	v8 =	vld [tilespmem:s24+$0xD0];
	v3 =	vshll.u32 v4, $0x10;
	[tilespmem:s7+$0x30] =	vst v1  }
0x3bd: {  	v1 =	vand.u32 $0xFFFF0000, v4;
	[tilespmem:s7+$0x60] =	vst v3  }
0x3be: {  	v3 =	vshll.u32 v5, $0x10;
	[tilespmem:s7+$0x70] =	vst v1  }
0x3bf: {  	v1 =	vand.u32 $0xFFFF0000, v5;
	[tilespmem:s7+$0xA0] =	vst v3  }
0x3c0: {  	v0 =	vshll.u32 v0, $0x10;
	[tilespmem:s7+$0xB0] =	vst v1;
	v3 =	vshll.u32 v2, $0x10  }
0x3c1: {  	v4 =	vshll.u32 v7, $0x10;
	v5 =	vshll.u32 v8, $0x10;
	v2 =	vand.u32 $0xFFFF0000, v2;
	[tilespmem:s7+$0xE0] =	vst v3  }
0x3c2: {  	s28 =	simm.s32 $0xB00;
	s24 =	simm.s32 $0x0;
	v1 =	vand.u32 $0xFFFF0000, v6;
	[tilespmem:s7+$0xF0] =	vst v2;
	v2 =	vand.u32 $0xFFFF0000, v7;
	v3 =	vand.u32 $0xFFFF0000, v8  }
.LBB2_35:
0x3c3: {  	v6 =	vld [tilespmem:s28+$0xE0];
	[tilespmem:s7+$0x130] =	vst v1  }
0x3c4: {  	s24 =	sadd.s32 $0x10, s24;
	v1 =	vld [tilespmem:s28+$0xFFFFFF20];
	[tilespmem:s7+$0x160] =	vst v4  }
0x3c5: {  	p1 =	slt.u32 s24, $0x70;
	v4 =	vld [tilespmem:s28+$0xFFFFFF40];
	[tilespmem:s7+$0x170] =	vst v2  }
0x3c6: {  	v2 =	vld [tilespmem:s28+$0xFFFFFF60];
	[tilespmem:s7+$0x1A0] =	vst v5  }
0x3c7: {  	v5 =	vld [tilespmem:s28+$0xFFFFFF80];
	[tilespmem:s7+$0x1B0] =	vst v3  }
0x3c8: {  	v3 =	vld [tilespmem:s28+$0xFFFFFFA0];
	v7 =	vshll.u32 v6, $0x10;
	[tilespmem:s7+$0x1E0] =	vst v0;
	s7 =	sadd.s32 $0x400, s7  }
0x3c9: {  	v6 =	vand.u32 $0xFFFF0000, v6;
	v0 =	vshll.u32 v1, $0x10;
	v1 =	vand.u32 $0xFFFF0000, v1;
	v8 =	vld [tilespmem:s28+$0xFFFFFFC0];
	[tilespmem:s7+$0x1C0] =	vst v7  }
0x3ca: {  	v7 =	vshll.u32 v4, $0x10;
	v4 =	vand.u32 $0xFFFF0000, v4;
	v9 =	vld [tilespmem:s28+$0xFFFFFFE0];
	[tilespmem:s7+$0x1D0] =	vst v6  }
0x3cb: {  	[tilespmem:s7+$0xFFFFFE40] =	vst v0;
	v0 =	vshll.u32 v2, $0x10;
	v2 =	vand.u32 $0xFFFF0000, v2;
	v6 =	vld [tilespmem:s28+$0xF0]  }
0x3cc: {  	[tilespmem:s7+$0xFFFFFE50] =	vst v1;
	v1 =	vshll.u32 v5, $0x10;
	v5 =	vand.u32 $0xFFFF0000, v5;
	v10 =	vld [tilespmem:s28+$0x0]  }
0x3cd: {  	[tilespmem:s7+$0xFFFFFE80] =	vst v7;
	v7 =	vshll.u32 v3, $0x10;
	v3 =	vand.u32 $0xFFFF0000, v3;
	v11 =	vld [tilespmem:s28+$0x20]  }
0x3ce: {  	[tilespmem:s7+$0xFFFFFE90] =	vst v4;
	v4 =	vshll.u32 v8, $0x10;
	v8 =	vand.u32 $0xFFFF0000, v8;
	v12 =	vld [tilespmem:s28+$0x40]  }
0x3cf: {  	[tilespmem:s7+$0xFFFFFEC0] =	vst v0;
	v13 =	vshll.u32 v9, $0x10;
	v9 =	vand.u32 $0xFFFF0000, v9;
	v14 =	vld [tilespmem:s28+$0x60]  }
0x3d0: {  	[tilespmem:s7+$0xFFFFFED0] =	vst v2;
	v2 =	vld [tilespmem:s28+$0x80];
	v0 =	vshll.u32 v6, $0x10;
	v6 =	vand.u32 $0xFFFF0000, v6  }
0x3d1: {  	v15 =	vshll.u32 v10, $0x10;
	v10 =	vand.u32 $0xFFFF0000, v10;
	v16 =	vld [tilespmem:s28+$0xA0];
	[tilespmem:s7+$0x1F0] =	vst v6  }
0x3d2: {  	[tilespmem:s7+$0xFFFFFF00] =	vst v1;
	v1 =	vshll.u32 v11, $0x10;
	v6 =	vand.u32 $0xFFFF0000, v11;
	v11 =	vld [tilespmem:s28+$0xC0]  }
0x3d3: {  	v17 =	vld [tilespmem:s28+$0xFFFFFF00];
	[tilespmem:s7+$0xFFFFFF10] =	vst v5;
	v5 =	vshll.u32 v12, $0x10;
	v12 =	vand.u32 $0xFFFF0000, v12  }
0x3d4: {  	v18 =	vld [tilespmem:s28+$0xFFFFFF30];
	[tilespmem:s7+$0xFFFFFF40] =	vst v7;
	v7 =	vshll.u32 v14, $0x10;
	v14 =	vand.u32 $0xFFFF0000, v14  }
0x3d5: {  	v19 =	vld [tilespmem:s28+$0xFFFFFF50];
	[tilespmem:s7+$0xFFFFFF50] =	vst v3;
	v3 =	vshll.u32 v2, $0x10;
	v2 =	vand.u32 $0xFFFF0000, v2  }
0x3d6: {  	v20 =	vld [tilespmem:s28+$0xFFFFFF70];
	[tilespmem:s7+$0xFFFFFF80] =	vst v4;
	v4 =	vshll.u32 v16, $0x10;
	v16 =	vand.u32 $0xFFFF0000, v16  }
0x3d7: {  	v21 =	vld [tilespmem:s28+$0xFFFFFF90];
	[tilespmem:s7+$0xFFFFFF90] =	vst v8;
	v8 =	vshll.u32 v11, $0x10;
	v11 =	vand.u32 $0xFFFF0000, v11  }
0x3d8: {  	v22 =	vshll.u32 v17, $0x10;
	v17 =	vand.u32 $0xFFFF0000, v17;
	v23 =	vld [tilespmem:s28+$0xFFFFFFB0];
	[tilespmem:s7+$0xFFFFFFC0] =	vst v13  }
0x3d9: {  	[tilespmem:s7+$0xFFFFFE00] =	vst v22;
	v13 =	vshll.u32 v18, $0x10;
	v18 =	vand.u32 $0xFFFF0000, v18;
	v22 =	vld [tilespmem:s28+$0xFFFFFFD0]  }
0x3da: {  	[tilespmem:s7+$0xFFFFFE10] =	vst v17;
	v17 =	vshll.u32 v19, $0x10;
	v19 =	vand.u32 $0xFFFF0000, v19  }
0x3db: {  	v24 =	vld [tilespmem:s28+$0xFFFFFF10];
	v25 =	vshll.u32 v20, $0x10;
	v20 =	vand.u32 $0xFFFF0000, v20;
	[tilespmem:s7+$0xFFFFFFD0] =	vst v9  }
0x3dc: {  	v9 =	vshll.u32 v21, $0x10;
	v21 =	vand.u32 $0xFFFF0000, v21;
	v26 =	vld [tilespmem:s28+$0xFFFFFFF0];
	[tilespmem:s7+$0x0] =	vst v15  }
0x3dd: {  	v15 =	vshll.u32 v23, $0x10;
	v23 =	vand.u32 $0xFFFF0000, v23;
	[tilespmem:s7+$0x10] =	vst v10  }
0x3de: {  	v10 =	vshll.u32 v22, $0x10;
	v22 =	vand.u32 $0xFFFF0000, v22;
	v27 =	vld [tilespmem:s28+$0x10];
	[tilespmem:s7+$0x40] =	vst v1  }
0x3df: {  	[tilespmem:s7+$0x50] =	vst v6  }
0x3e0: {  	v1 =	vshll.u32 v24, $0x10;
	v6 =	vand.u32 $0xFFFF0000, v24;
	v24 =	vld [tilespmem:s28+$0x30];
	[tilespmem:s7+$0x80] =	vst v5  }
0x3e1: {  	v28 =	vshll.u32 v26, $0x10;
	v26 =	vand.u32 $0xFFFF0000, v26;
	[tilespmem:s7+$0x90] =	vst v12  }
0x3e2: {  	v5 =	vld [tilespmem:s28+$0x50];
	[tilespmem:s7+$0xC0] =	vst v7  }
0x3e3: {  	v7 =	vshll.u32 v27, $0x10;
	v12 =	vand.u32 $0xFFFF0000, v27;
	[tilespmem:s7+$0xD0] =	vst v14  }
0x3e4: {  	v14 =	vld [tilespmem:s28+$0x70];
	[tilespmem:s7+$0x100] =	vst v3  }
0x3e5: {  	v27 =	vshll.u32 v24, $0x10;
	v24 =	vand.u32 $0xFFFF0000, v24;
	[tilespmem:s7+$0x110] =	vst v2  }
0x3e6: {  	v2 =	vld [tilespmem:s28+$0x90];
	[tilespmem:s7+$0x140] =	vst v4  }
0x3e7: {  	v29 =	vshll.u32 v5, $0x10;
	v30 =	vand.u32 $0xFFFF0000, v5;
	[tilespmem:s7+$0x150] =	vst v16  }
0x3e8: {  	v3 =	vld [tilespmem:s28+$0xB0];
	[tilespmem:s7+$0x180] =	vst v8  }
0x3e9: {  	v8 =	vshll.u32 v14, $0x10;
	v14 =	vand.u32 $0xFFFF0000, v14;
	[tilespmem:s7+$0x190] =	vst v11  }
0x3ea: {  	[tilespmem:s7+$0xFFFFFE20] =	vst v1;
	v11 =	vld [tilespmem:s28+$0xD0]  }
0x3eb: {  	[tilespmem:s7+$0xFFFFFE30] =	vst v6;
	v6 =	vshll.u32 v2, $0x10;
	v1 =	vand.u32 $0xFFFF0000, v2  }
0x3ec: {  	[tilespmem:s7+$0xFFFFFE60] =	vst v13  }
0x3ed: {  	[tilespmem:s7+$0xFFFFFE70] =	vst v18;
	v4 =	vshll.u32 v3, $0x10;
	v2 =	vand.u32 $0xFFFF0000, v3  }
0x3ee: {  	[tilespmem:s7+$0xFFFFFEA0] =	vst v17  }
0x3ef: {  	[tilespmem:s7+$0xFFFFFEB0] =	vst v19;
	v5 =	vshll.u32 v11, $0x10;
	v3 =	vand.u32 $0xFFFF0000, v11  }
0x3f0: {  	[tilespmem:s7+$0xFFFFFEE0] =	vst v25  }
0x3f1: {  	[tilespmem:s7+$0xFFFFFEF0] =	vst v20  }
0x3f2: {  	[tilespmem:s7+$0xFFFFFF20] =	vst v9  }
0x3f3: {  	[tilespmem:s7+$0xFFFFFF30] =	vst v21  }
0x3f4: {  	[tilespmem:s7+$0xFFFFFF60] =	vst v15  }
0x3f5: {  	[tilespmem:s7+$0xFFFFFF70] =	vst v23  }
0x3f6: {  	[tilespmem:s7+$0xFFFFFFA0] =	vst v10  }
0x3f7: {  	[tilespmem:s7+$0xFFFFFFB0] =	vst v22  }
0x3f8: {  	[tilespmem:s7+$0xFFFFFFE0] =	vst v28  }
0x3f9: {  	[tilespmem:s7+$0xFFFFFFF0] =	vst v26  }
0x3fa: {  	[tilespmem:s7+$0x20] =	vst v7  }
0x3fb: {  	[tilespmem:s7+$0x30] =	vst v12  }
0x3fc: {  	[tilespmem:s7+$0x60] =	vst v27  }
0x3fd: {  	[tilespmem:s7+$0x70] =	vst v24  }
.Ltmp9:
0x3fe: {  	[tilespmem:s7+$0xA0] =	vst v29;
	(pc) =	sbr.rel @p1 .LBB2_35-.Ltmp9, $4  }
0x3ff: {  	[tilespmem:s7+$0xB0] =	vst v30  }
0x400: {  	[tilespmem:s7+$0xE0] =	vst v8  }
0x401: {  	[tilespmem:s7+$0xF0] =	vst v14  }
0x402: {  	s28 =	sadd.s32 $0x200, s28;
	[tilespmem:s7+$0x120] =	vst v6  }
0x403: {  	[tilespmem:s7+$0x130] =	vst v1  }
0x404: {  	[tilespmem:s7+$0x160] =	vst v4  }
0x405: {  	[tilespmem:s7+$0x170] =	vst v2  }
0x406: {  	[tilespmem:s7+$0x1A0] =	vst v5  }
0x407: {  	[tilespmem:s7+$0x1B0] =	vst v3  }
0x408: {  	[tilespmem:s7+$0x1E0] =	vst v0  }
0x409: {  	[spmem:s1] =	stream.indirect.scatter.add.f32 [tilespmem:s26], [sflag:$0x3], $0x40, s16, s22, $0xb8;
	[tilespmem:$0x1F000] =	vst v63  }
0x40a: {  	_ =	swait.ge [sflag:s29], $0x1000  }
0x40b: {  	[sflag:s29] =	ssyncset.done $0x0  }
0x40c: {  	[sflag:s29] =	ssyncadd.s32 $0xFFFFF000  }
0x40d: {  	_ =	swait.ge [sflag:s14], $0x2000  }
0x40e: {  	[sflag:s14] =	ssyncset.done $0x0  }
0x40f: {  	s24 =	simm.s32 $0x1900;
	[sflag:s14] =	ssyncadd.s32 $0xFFFFE000  }
0x410: {  	v0 =	vld [tilespmem:s24+$0xE0];
	_ =	sdelay $0x1  }
0x411: {  	v2 =	vld [tilespmem:s24+$0xFFFFFF40]  }
0x412: {  	v1 =	vld [tilespmem:s24+$0xFFFFFF20];
	_ =	sdelay $0x1  }
0x413: {  	s7 =	simm.s32 $0x4A00;
	v4 =	vld [tilespmem:s24+$0xFFFFFF60];
	v3 =	vshll.u32 v0, $0x10  }
0x414: {  	v0 =	vand.u32 $0xFFFF0000, v0;
	[tilespmem:s7+$0x1C0] =	vst v3  }
0x415: {  	v5 =	vshll.u32 v2, $0x10;
	[tilespmem:s7+$0x1D0] =	vst v0  }
0x416: {  	v3 =	vshll.u32 v1, $0x10;
	[tilespmem:s7+$0xFFFFFE80] =	vst v5;
	v0 =	vld [tilespmem:s24+$0xF0]  }
0x417: {  	v1 =	vand.u32 $0xFFFF0000, v1;
	[tilespmem:s7+$0xFFFFFE40] =	vst v3;
	v3 =	vld [tilespmem:s24+$0xFFFFFF80]  }
0x418: {  	v5 =	vshll.u32 v4, $0x10;
	[tilespmem:s7+$0xFFFFFE50] =	vst v1  }
0x419: {  	v1 =	vand.u32 $0xFFFF0000, v2;
	v2 =	vld [tilespmem:s24+$0xFFFFFFA0];
	[tilespmem:s7+$0xFFFFFEC0] =	vst v5  }
0x41a: {  	[tilespmem:s7+$0xFFFFFE90] =	vst v1;
	v1 =	vand.u32 $0xFFFF0000, v4  }
0x41b: {  	v4 =	vld [tilespmem:s24+$0xFFFFFFC0];
	[tilespmem:s7+$0xFFFFFED0] =	vst v1;
	v1 =	vand.u32 $0xFFFF0000, v0  }
0x41c: {  	v5 =	vshll.u32 v3, $0x10;
	[tilespmem:s7+$0x1F0] =	vst v1  }
0x41d: {  	v6 =	vld [tilespmem:s24+$0xFFFFFF00];
	v3 =	vand.u32 $0xFFFF0000, v3;
	[tilespmem:s7+$0xFFFFFF00] =	vst v5  }
0x41e: {  	v1 =	vld [tilespmem:s24+$0xFFFFFFE0];
	v5 =	vshll.u32 v2, $0x10;
	[tilespmem:s7+$0xFFFFFF10] =	vst v3  }
0x41f: {  	v2 =	vand.u32 $0xFFFF0000, v2;
	[tilespmem:s7+$0xFFFFFF40] =	vst v5  }
0x420: {  	v3 =	vshll.u32 v4, $0x10;
	[tilespmem:s7+$0xFFFFFF50] =	vst v2  }
0x421: {  	v4 =	vand.u32 $0xFFFF0000, v4;
	v2 =	vld [tilespmem:s24+$0x0];
	[tilespmem:s7+$0xFFFFFF80] =	vst v3  }
0x422: {  	[tilespmem:s7+$0xFFFFFF90] =	vst v4;
	v5 =	vshll.u32 v6, $0x10  }
0x423: {  	v4 =	vld [tilespmem:s24+$0x20];
	[tilespmem:s7+$0xFFFFFE00] =	vst v5;
	v3 =	vshll.u32 v1, $0x10  }
0x424: {  	v1 =	vand.u32 $0xFFFF0000, v1;
	[tilespmem:s7+$0xFFFFFFC0] =	vst v3  }
0x425: {  	v5 =	vld [tilespmem:s24+$0x40];
	v3 =	vand.u32 $0xFFFF0000, v6;
	[tilespmem:s7+$0xFFFFFFD0] =	vst v1  }
0x426: {  	[tilespmem:s7+$0xFFFFFE10] =	vst v3;
	v3 =	vshll.u32 v2, $0x10  }
0x427: {  	v1 =	vld [tilespmem:s24+$0x60];
	v2 =	vand.u32 $0xFFFF0000, v2;
	[tilespmem:s7+$0x0] =	vst v3  }
0x428: {  	v3 =	vshll.u32 v4, $0x10;
	[tilespmem:s7+$0x10] =	vst v2  }
0x429: {  	v2 =	vld [tilespmem:s24+$0x80];
	v4 =	vand.u32 $0xFFFF0000, v4;
	[tilespmem:s7+$0x40] =	vst v3  }
0x42a: {  	v3 =	vshll.u32 v5, $0x10;
	[tilespmem:s7+$0x50] =	vst v4  }
0x42b: {  	v4 =	vld [tilespmem:s24+$0xA0];
	v5 =	vand.u32 $0xFFFF0000, v5;
	[tilespmem:s7+$0x80] =	vst v3  }
0x42c: {  	[tilespmem:s7+$0x90] =	vst v5;
	v3 =	vshll.u32 v1, $0x10  }
0x42d: {  	v5 =	vld [tilespmem:s24+$0xC0];
	v1 =	vand.u32 $0xFFFF0000, v1;
	[tilespmem:s7+$0xC0] =	vst v3  }
0x42e: {  	[tilespmem:s7+$0xD0] =	vst v1;
	v3 =	vshll.u32 v2, $0x10  }
0x42f: {  	v1 =	vand.u32 $0xFFFF0000, v2;
	v2 =	vld [tilespmem:s24+$0xFFFFFF10];
	[tilespmem:s7+$0x100] =	vst v3  }
0x430: {  	v3 =	vshll.u32 v4, $0x10;
	[tilespmem:s7+$0x110] =	vst v1  }
0x431: {  	v1 =	vld [tilespmem:s24+$0xFFFFFF30];
	v4 =	vand.u32 $0xFFFF0000, v4;
	[tilespmem:s7+$0x140] =	vst v3  }
0x432: {  	v3 =	vshll.u32 v5, $0x10;
	[tilespmem:s7+$0x150] =	vst v4  }
0x433: {  	v4 =	vld [tilespmem:s24+$0xFFFFFF50];
	v5 =	vand.u32 $0xFFFF0000, v5;
	[tilespmem:s7+$0x180] =	vst v3  }
0x434: {  	[tilespmem:s7+$0x190] =	vst v5;
	v3 =	vshll.u32 v2, $0x10  }
0x435: {  	v6 =	vld [tilespmem:s24+$0x90];
	v2 =	vand.u32 $0xFFFF0000, v2;
	[tilespmem:s7+$0xFFFFFE20] =	vst v3  }
0x436: {  	v5 =	vld [tilespmem:s24+$0xFFFFFF70];
	v3 =	vshll.u32 v1, $0x10;
	[tilespmem:s7+$0xFFFFFE30] =	vst v2  }
0x437: {  	v1 =	vand.u32 $0xFFFF0000, v1;
	[tilespmem:s7+$0xFFFFFE60] =	vst v3  }
0x438: {  	v2 =	vld [tilespmem:s24+$0xFFFFFF90];
	v3 =	vshll.u32 v4, $0x10;
	[tilespmem:s7+$0xFFFFFE70] =	vst v1  }
0x439: {  	v4 =	vand.u32 $0xFFFF0000, v4;
	[tilespmem:s7+$0xFFFFFEA0] =	vst v3  }
0x43a: {  	v1 =	vld [tilespmem:s24+$0xFFFFFFB0];
	v9 =	vshll.u32 v6, $0x10;
	[tilespmem:s7+$0xFFFFFEB0] =	vst v4  }
0x43b: {  	v3 =	vshll.u32 v5, $0x10;
	[tilespmem:s7+$0x120] =	vst v9  }
0x43c: {  	v4 =	vld [tilespmem:s24+$0xFFFFFFD0];
	v5 =	vand.u32 $0xFFFF0000, v5;
	[tilespmem:s7+$0xFFFFFEE0] =	vst v3  }
0x43d: {  	[tilespmem:s7+$0xFFFFFEF0] =	vst v5;
	v3 =	vshll.u32 v2, $0x10  }
0x43e: {  	v5 =	vld [tilespmem:s24+$0xFFFFFFF0];
	v2 =	vand.u32 $0xFFFF0000, v2;
	[tilespmem:s7+$0xFFFFFF20] =	vst v3  }
0x43f: {  	v3 =	vshll.u32 v1, $0x10;
	[tilespmem:s7+$0xFFFFFF30] =	vst v2  }
0x440: {  	v1 =	vand.u32 $0xFFFF0000, v1;
	v2 =	vld [tilespmem:s24+$0x10];
	[tilespmem:s7+$0xFFFFFF60] =	vst v3  }
0x441: {  	v3 =	vshll.u32 v4, $0x10;
	[tilespmem:s7+$0xFFFFFF70] =	vst v1  }
0x442: {  	v1 =	vand.u32 $0xFFFF0000, v4;
	v4 =	vld [tilespmem:s24+$0x30];
	[tilespmem:s7+$0xFFFFFFA0] =	vst v3  }
0x443: {  	v3 =	vshll.u32 v5, $0x10;
	[tilespmem:s7+$0xFFFFFFB0] =	vst v1  }
0x444: {  	v1 =	vand.u32 $0xFFFF0000, v5;
	v5 =	vld [tilespmem:s24+$0x50];
	[tilespmem:s7+$0xFFFFFFE0] =	vst v3  }
0x445: {  	v7 =	vld [tilespmem:s24+$0xB0];
	[tilespmem:s7+$0xFFFFFFF0] =	vst v1;
	v3 =	vshll.u32 v2, $0x10  }
0x446: {  	v1 =	vand.u32 $0xFFFF0000, v2;
	v2 =	vld [tilespmem:s24+$0x70];
	[tilespmem:s7+$0x20] =	vst v3  }
0x447: {  	v8 =	vld [tilespmem:s24+$0xD0];
	v3 =	vshll.u32 v4, $0x10;
	[tilespmem:s7+$0x30] =	vst v1  }
0x448: {  	v1 =	vand.u32 $0xFFFF0000, v4;
	[tilespmem:s7+$0x60] =	vst v3  }
0x449: {  	v3 =	vshll.u32 v5, $0x10;
	[tilespmem:s7+$0x70] =	vst v1  }
0x44a: {  	v1 =	vand.u32 $0xFFFF0000, v5;
	[tilespmem:s7+$0xA0] =	vst v3  }
0x44b: {  	v0 =	vshll.u32 v0, $0x10;
	[tilespmem:s7+$0xB0] =	vst v1;
	v3 =	vshll.u32 v2, $0x10  }
0x44c: {  	v4 =	vshll.u32 v7, $0x10;
	v5 =	vshll.u32 v8, $0x10;
	v2 =	vand.u32 $0xFFFF0000, v2;
	[tilespmem:s7+$0xE0] =	vst v3  }
0x44d: {  	s28 =	simm.s32 $0x1B00;
	s24 =	simm.s32 $0x0;
	v1 =	vand.u32 $0xFFFF0000, v6;
	[tilespmem:s7+$0xF0] =	vst v2;
	v2 =	vand.u32 $0xFFFF0000, v7;
	v3 =	vand.u32 $0xFFFF0000, v8  }
.LBB2_37:
0x44e: {  	v6 =	vld [tilespmem:s28+$0xE0];
	[tilespmem:s7+$0x130] =	vst v1  }
0x44f: {  	s24 =	sadd.s32 $0x10, s24;
	v1 =	vld [tilespmem:s28+$0xFFFFFF20];
	[tilespmem:s7+$0x160] =	vst v4  }
0x450: {  	p1 =	slt.u32 s24, $0x70;
	v4 =	vld [tilespmem:s28+$0xFFFFFF40];
	[tilespmem:s7+$0x170] =	vst v2  }
0x451: {  	v2 =	vld [tilespmem:s28+$0xFFFFFF60];
	[tilespmem:s7+$0x1A0] =	vst v5  }
0x452: {  	v5 =	vld [tilespmem:s28+$0xFFFFFF80];
	[tilespmem:s7+$0x1B0] =	vst v3  }
0x453: {  	v3 =	vld [tilespmem:s28+$0xFFFFFFA0];
	v7 =	vshll.u32 v6, $0x10;
	[tilespmem:s7+$0x1E0] =	vst v0;
	s7 =	sadd.s32 $0x400, s7  }
0x454: {  	v6 =	vand.u32 $0xFFFF0000, v6;
	v0 =	vshll.u32 v1, $0x10;
	v1 =	vand.u32 $0xFFFF0000, v1;
	v8 =	vld [tilespmem:s28+$0xFFFFFFC0];
	[tilespmem:s7+$0x1C0] =	vst v7  }
0x455: {  	v7 =	vshll.u32 v4, $0x10;
	v4 =	vand.u32 $0xFFFF0000, v4;
	v9 =	vld [tilespmem:s28+$0xFFFFFFE0];
	[tilespmem:s7+$0x1D0] =	vst v6  }
0x456: {  	[tilespmem:s7+$0xFFFFFE40] =	vst v0;
	v0 =	vshll.u32 v2, $0x10;
	v2 =	vand.u32 $0xFFFF0000, v2;
	v6 =	vld [tilespmem:s28+$0xF0]  }
0x457: {  	[tilespmem:s7+$0xFFFFFE50] =	vst v1;
	v1 =	vshll.u32 v5, $0x10;
	v5 =	vand.u32 $0xFFFF0000, v5;
	v10 =	vld [tilespmem:s28+$0x0]  }
0x458: {  	[tilespmem:s7+$0xFFFFFE80] =	vst v7;
	v7 =	vshll.u32 v3, $0x10;
	v3 =	vand.u32 $0xFFFF0000, v3;
	v11 =	vld [tilespmem:s28+$0x20]  }
0x459: {  	[tilespmem:s7+$0xFFFFFE90] =	vst v4;
	v4 =	vshll.u32 v8, $0x10;
	v8 =	vand.u32 $0xFFFF0000, v8;
	v12 =	vld [tilespmem:s28+$0x40]  }
0x45a: {  	[tilespmem:s7+$0xFFFFFEC0] =	vst v0;
	v13 =	vshll.u32 v9, $0x10;
	v9 =	vand.u32 $0xFFFF0000, v9;
	v14 =	vld [tilespmem:s28+$0x60]  }
0x45b: {  	[tilespmem:s7+$0xFFFFFED0] =	vst v2;
	v2 =	vld [tilespmem:s28+$0x80];
	v0 =	vshll.u32 v6, $0x10;
	v6 =	vand.u32 $0xFFFF0000, v6  }
0x45c: {  	v15 =	vshll.u32 v10, $0x10;
	v10 =	vand.u32 $0xFFFF0000, v10;
	v16 =	vld [tilespmem:s28+$0xA0];
	[tilespmem:s7+$0x1F0] =	vst v6  }
0x45d: {  	[tilespmem:s7+$0xFFFFFF00] =	vst v1;
	v1 =	vshll.u32 v11, $0x10;
	v6 =	vand.u32 $0xFFFF0000, v11;
	v11 =	vld [tilespmem:s28+$0xC0]  }
0x45e: {  	v17 =	vld [tilespmem:s28+$0xFFFFFF00];
	[tilespmem:s7+$0xFFFFFF10] =	vst v5;
	v5 =	vshll.u32 v12, $0x10;
	v12 =	vand.u32 $0xFFFF0000, v12  }
0x45f: {  	v18 =	vld [tilespmem:s28+$0xFFFFFF30];
	[tilespmem:s7+$0xFFFFFF40] =	vst v7;
	v7 =	vshll.u32 v14, $0x10;
	v14 =	vand.u32 $0xFFFF0000, v14  }
0x460: {  	v19 =	vld [tilespmem:s28+$0xFFFFFF50];
	[tilespmem:s7+$0xFFFFFF50] =	vst v3;
	v3 =	vshll.u32 v2, $0x10;
	v2 =	vand.u32 $0xFFFF0000, v2  }
0x461: {  	v20 =	vld [tilespmem:s28+$0xFFFFFF70];
	[tilespmem:s7+$0xFFFFFF80] =	vst v4;
	v4 =	vshll.u32 v16, $0x10;
	v16 =	vand.u32 $0xFFFF0000, v16  }
0x462: {  	v21 =	vld [tilespmem:s28+$0xFFFFFF90];
	[tilespmem:s7+$0xFFFFFF90] =	vst v8;
	v8 =	vshll.u32 v11, $0x10;
	v11 =	vand.u32 $0xFFFF0000, v11  }
0x463: {  	v22 =	vshll.u32 v17, $0x10;
	v17 =	vand.u32 $0xFFFF0000, v17;
	v23 =	vld [tilespmem:s28+$0xFFFFFFB0];
	[tilespmem:s7+$0xFFFFFFC0] =	vst v13  }
0x464: {  	[tilespmem:s7+$0xFFFFFE00] =	vst v22;
	v13 =	vshll.u32 v18, $0x10;
	v18 =	vand.u32 $0xFFFF0000, v18;
	v22 =	vld [tilespmem:s28+$0xFFFFFFD0]  }
0x465: {  	[tilespmem:s7+$0xFFFFFE10] =	vst v17;
	v17 =	vshll.u32 v19, $0x10;
	v19 =	vand.u32 $0xFFFF0000, v19  }
0x466: {  	v24 =	vld [tilespmem:s28+$0xFFFFFF10];
	v25 =	vshll.u32 v20, $0x10;
	v20 =	vand.u32 $0xFFFF0000, v20;
	[tilespmem:s7+$0xFFFFFFD0] =	vst v9  }
0x467: {  	v9 =	vshll.u32 v21, $0x10;
	v21 =	vand.u32 $0xFFFF0000, v21;
	v26 =	vld [tilespmem:s28+$0xFFFFFFF0];
	[tilespmem:s7+$0x0] =	vst v15  }
0x468: {  	v15 =	vshll.u32 v23, $0x10;
	v23 =	vand.u32 $0xFFFF0000, v23;
	[tilespmem:s7+$0x10] =	vst v10  }
0x469: {  	v10 =	vshll.u32 v22, $0x10;
	v22 =	vand.u32 $0xFFFF0000, v22;
	v27 =	vld [tilespmem:s28+$0x10];
	[tilespmem:s7+$0x40] =	vst v1  }
0x46a: {  	[tilespmem:s7+$0x50] =	vst v6  }
0x46b: {  	v1 =	vshll.u32 v24, $0x10;
	v6 =	vand.u32 $0xFFFF0000, v24;
	v24 =	vld [tilespmem:s28+$0x30];
	[tilespmem:s7+$0x80] =	vst v5  }
0x46c: {  	v28 =	vshll.u32 v26, $0x10;
	v26 =	vand.u32 $0xFFFF0000, v26;
	[tilespmem:s7+$0x90] =	vst v12  }
0x46d: {  	v5 =	vld [tilespmem:s28+$0x50];
	[tilespmem:s7+$0xC0] =	vst v7  }
0x46e: {  	v7 =	vshll.u32 v27, $0x10;
	v12 =	vand.u32 $0xFFFF0000, v27;
	[tilespmem:s7+$0xD0] =	vst v14  }
0x46f: {  	v14 =	vld [tilespmem:s28+$0x70];
	[tilespmem:s7+$0x100] =	vst v3  }
0x470: {  	v27 =	vshll.u32 v24, $0x10;
	v24 =	vand.u32 $0xFFFF0000, v24;
	[tilespmem:s7+$0x110] =	vst v2  }
0x471: {  	v2 =	vld [tilespmem:s28+$0x90];
	[tilespmem:s7+$0x140] =	vst v4  }
0x472: {  	v29 =	vshll.u32 v5, $0x10;
	v30 =	vand.u32 $0xFFFF0000, v5;
	[tilespmem:s7+$0x150] =	vst v16  }
0x473: {  	v3 =	vld [tilespmem:s28+$0xB0];
	[tilespmem:s7+$0x180] =	vst v8  }
0x474: {  	v8 =	vshll.u32 v14, $0x10;
	v14 =	vand.u32 $0xFFFF0000, v14;
	[tilespmem:s7+$0x190] =	vst v11  }
0x475: {  	[tilespmem:s7+$0xFFFFFE20] =	vst v1;
	v11 =	vld [tilespmem:s28+$0xD0]  }
0x476: {  	[tilespmem:s7+$0xFFFFFE30] =	vst v6;
	v6 =	vshll.u32 v2, $0x10;
	v1 =	vand.u32 $0xFFFF0000, v2  }
0x477: {  	[tilespmem:s7+$0xFFFFFE60] =	vst v13  }
0x478: {  	[tilespmem:s7+$0xFFFFFE70] =	vst v18;
	v4 =	vshll.u32 v3, $0x10;
	v2 =	vand.u32 $0xFFFF0000, v3  }
0x479: {  	[tilespmem:s7+$0xFFFFFEA0] =	vst v17  }
0x47a: {  	[tilespmem:s7+$0xFFFFFEB0] =	vst v19;
	v5 =	vshll.u32 v11, $0x10;
	v3 =	vand.u32 $0xFFFF0000, v11  }
0x47b: {  	[tilespmem:s7+$0xFFFFFEE0] =	vst v25  }
0x47c: {  	[tilespmem:s7+$0xFFFFFEF0] =	vst v20  }
0x47d: {  	[tilespmem:s7+$0xFFFFFF20] =	vst v9  }
0x47e: {  	[tilespmem:s7+$0xFFFFFF30] =	vst v21  }
0x47f: {  	[tilespmem:s7+$0xFFFFFF60] =	vst v15  }
0x480: {  	[tilespmem:s7+$0xFFFFFF70] =	vst v23  }
0x481: {  	[tilespmem:s7+$0xFFFFFFA0] =	vst v10  }
0x482: {  	[tilespmem:s7+$0xFFFFFFB0] =	vst v22  }
0x483: {  	[tilespmem:s7+$0xFFFFFFE0] =	vst v28  }
0x484: {  	[tilespmem:s7+$0xFFFFFFF0] =	vst v26  }
0x485: {  	[tilespmem:s7+$0x20] =	vst v7  }
0x486: {  	[tilespmem:s7+$0x30] =	vst v12  }
0x487: {  	[tilespmem:s7+$0x60] =	vst v27  }
0x488: {  	[tilespmem:s7+$0x70] =	vst v24  }
.Ltmp10:
0x489: {  	[tilespmem:s7+$0xA0] =	vst v29;
	(pc) =	sbr.rel @p1 .LBB2_37-.Ltmp10, $4  }
0x48a: {  	[tilespmem:s7+$0xB0] =	vst v30  }
0x48b: {  	[tilespmem:s7+$0xE0] =	vst v8  }
0x48c: {  	[tilespmem:s7+$0xF0] =	vst v14  }
0x48d: {  	s28 =	sadd.s32 $0x200, s28;
	[tilespmem:s7+$0x120] =	vst v6  }
0x48e: {  	[tilespmem:s7+$0x130] =	vst v1  }
0x48f: {  	[tilespmem:s7+$0x160] =	vst v4  }
0x490: {  	[tilespmem:s7+$0x170] =	vst v2  }
0x491: {  	[tilespmem:s7+$0x1A0] =	vst v5  }
0x492: {  	[tilespmem:s7+$0x1B0] =	vst v3  }
0x493: {  	[tilespmem:s7+$0x1E0] =	vst v0;
	s6 =	sadd.s32 $0x1, s6  }
0x494: {  	[spmem:s1] =	stream.indirect.scatter.add.f32 [tilespmem:s31], [sflag:$0x4], $0x40, s17, s22, $0xb8;
	[tilespmem:$0x1F000] =	vst v63  }
0x495: {  	p1 =	sne.s32 s6, $0x19;
	_ =	swait.ge [sflag:s4], $0x2000  }
.Ltmp11:
0x496: {  	[sflag:s4] =	ssyncset.done $0x0;
	(pc) =	sbr.rel @p1 .LBB2_22-.Ltmp11, $4  }
0x497: {  	[sflag:s4] =	ssyncadd.s32 $0xFFFFE000  }
0x498: {  	_ =	swait.ge [sflag:s14], $0x2000  }
0x499: {  	[sflag:s14] =	ssyncset.done $0x0  }
0x49a: {  	[sflag:s14] =	ssyncadd.s32 $0xFFFFE000  }
.Ltmp12:
0x49b: {  	(pc) =	sbr.rel .LBB2_40-.Ltmp12, $4  }
0x49c: {  	_ = 	snop  }
0x49d: {  	s6 =	rddreg [dreg:$0x8]  }
0x49e: {  	s10 =	rddreg [dreg:$0xc]  }
0x49f: {  	s0 =	rddreg [dreg:$0xe]  }
.LBB2_2:
0x4a0: {  	s6 =	rddreg [dreg:$0xa]  }
0x4a1: {  	s0 =	sor.u32 $0x1C05, s6;
	s6 =	rddreg [dreg:$0x7]  }
0x4a2: {  	s7 =	simm.s32 $0x10;
	[dreg:$0xf] =	wrdreg s0  }
0x4a3: {  	[spmem:s24@s28], [sflag:s0] =	dma.strided [hbm:s6@s7], $0x3100, s18, $0x8   }
0x4a4: {  	_ =	swait.ge [sflag:s21], $0x3100  }
0x4a5: {  	[sflag:s21] =	ssyncset.done $0x0  }
0x4a6: {  	[sflag:s21] =	ssyncadd.s32 $0xFFFFCF00  }
0x4a7: {  	s6 =	simm.s32 $0x0;
	s0 =	simm.s32 $0x300;
	[bflag:$0x0] =	sbarrier.arrive $0xFFFF  }
.LBB2_3:
0x4a8: {  	s7 =	sshll.u32 s6, $0xB  }
0x4a9: {  	s7 =	sadd.s32 s12, s7  }
0x4aa: {  	s24 =	rddreg [dreg:$0x3];
	s7 =	sshrl.u32 s7, $0x3  }
0x4ab: {  	s7 =	sadd.s32 s24, s7  }
0x4ac: {  	[tilespmem:s2], [sflag:$0x5] =	stream.linear.gather [hbm4b:s7+s2], $0x800, $0x38;
	[tilespmem:$0x1F000] =	vst v63  }
0x4ad: {  	_ =	swait.ge [sflag:s21], $0x800  }
0x4ae: {  	[sflag:s21] =	ssyncset.done $0x0  }
0x4af: {  	[sflag:s21] =	ssyncadd.s32 $0xFFFFF800  }
0x4b0: {  	[tilespmem:s23], [sflag:$0x1] =	stream.indirect.gather [hbm4b:s3+s22], $0x20, s2, s22, $0xb8;
	[tilespmem:$0x1F000] =	vst v63  }
0x4b1: {  	_ = 	snop  }
0x4b2: {  	[tilespmem:s25], [sflag:$0x2] =	stream.indirect.gather [hbm4b:s3+s22], $0x20, s30, s22, $0xb8;
	[tilespmem:$0x1F000] =	vst v63  }
0x4b3: {  	_ =	swait.ge [sflag:s18], $0x1000  }
0x4b4: {  	[sflag:s18] =	ssyncset.done $0x0  }
0x4b5: {  	s24 =	simm.s32 $0x900;
	[sflag:s18] =	ssyncadd.s32 $0xFFFFF000  }
0x4b6: {  	v0 =	vld [tilespmem:s24+$0xE0];
	_ =	sdelay $0x1  }
0x4b7: {  	v2 =	vld [tilespmem:s24+$0xFFFFFF40]  }
0x4b8: {  	v1 =	vld [tilespmem:s24+$0xFFFFFF20];
	_ =	sdelay $0x1  }
0x4b9: {  	s7 =	simm.s32 $0x2A00;
	v4 =	vld [tilespmem:s24+$0xFFFFFF60];
	v3 =	vshll.u32 v0, $0x10  }
0x4ba: {  	v0 =	vand.u32 $0xFFFF0000, v0;
	[tilespmem:s7+$0x1C0] =	vst v3  }
0x4bb: {  	v5 =	vshll.u32 v2, $0x10;
	[tilespmem:s7+$0x1D0] =	vst v0  }
0x4bc: {  	v3 =	vshll.u32 v1, $0x10;
	[tilespmem:s7+$0xFFFFFE80] =	vst v5;
	v0 =	vld [tilespmem:s24+$0xF0]  }
0x4bd: {  	v1 =	vand.u32 $0xFFFF0000, v1;
	[tilespmem:s7+$0xFFFFFE40] =	vst v3;
	v3 =	vld [tilespmem:s24+$0xFFFFFF80]  }
0x4be: {  	v5 =	vshll.u32 v4, $0x10;
	[tilespmem:s7+$0xFFFFFE50] =	vst v1  }
0x4bf: {  	v1 =	vand.u32 $0xFFFF0000, v2;
	v2 =	vld [tilespmem:s24+$0xFFFFFFA0];
	[tilespmem:s7+$0xFFFFFEC0] =	vst v5  }
0x4c0: {  	[tilespmem:s7+$0xFFFFFE90] =	vst v1;
	v1 =	vand.u32 $0xFFFF0000, v4  }
0x4c1: {  	v4 =	vld [tilespmem:s24+$0xFFFFFFC0];
	[tilespmem:s7+$0xFFFFFED0] =	vst v1;
	v1 =	vand.u32 $0xFFFF0000, v0  }
0x4c2: {  	v5 =	vshll.u32 v3, $0x10;
	[tilespmem:s7+$0x1F0] =	vst v1  }
0x4c3: {  	v6 =	vld [tilespmem:s24+$0xFFFFFF00];
	v3 =	vand.u32 $0xFFFF0000, v3;
	[tilespmem:s7+$0xFFFFFF00] =	vst v5  }
0x4c4: {  	v1 =	vld [tilespmem:s24+$0xFFFFFFE0];
	v5 =	vshll.u32 v2, $0x10;
	[tilespmem:s7+$0xFFFFFF10] =	vst v3  }
0x4c5: {  	v2 =	vand.u32 $0xFFFF0000, v2;
	[tilespmem:s7+$0xFFFFFF40] =	vst v5  }
0x4c6: {  	v3 =	vshll.u32 v4, $0x10;
	[tilespmem:s7+$0xFFFFFF50] =	vst v2  }
0x4c7: {  	v4 =	vand.u32 $0xFFFF0000, v4;
	v2 =	vld [tilespmem:s24+$0x0];
	[tilespmem:s7+$0xFFFFFF80] =	vst v3  }
0x4c8: {  	[tilespmem:s7+$0xFFFFFF90] =	vst v4;
	v5 =	vshll.u32 v6, $0x10  }
0x4c9: {  	v4 =	vld [tilespmem:s24+$0x20];
	[tilespmem:s7+$0xFFFFFE00] =	vst v5;
	v3 =	vshll.u32 v1, $0x10  }
0x4ca: {  	v1 =	vand.u32 $0xFFFF0000, v1;
	[tilespmem:s7+$0xFFFFFFC0] =	vst v3  }
0x4cb: {  	v5 =	vld [tilespmem:s24+$0x40];
	v3 =	vand.u32 $0xFFFF0000, v6;
	[tilespmem:s7+$0xFFFFFFD0] =	vst v1  }
0x4cc: {  	[tilespmem:s7+$0xFFFFFE10] =	vst v3;
	v3 =	vshll.u32 v2, $0x10  }
0x4cd: {  	v1 =	vld [tilespmem:s24+$0x60];
	v2 =	vand.u32 $0xFFFF0000, v2;
	[tilespmem:s7+$0x0] =	vst v3  }
0x4ce: {  	v3 =	vshll.u32 v4, $0x10;
	[tilespmem:s7+$0x10] =	vst v2  }
0x4cf: {  	v2 =	vld [tilespmem:s24+$0x80];
	v4 =	vand.u32 $0xFFFF0000, v4;
	[tilespmem:s7+$0x40] =	vst v3  }
0x4d0: {  	v3 =	vshll.u32 v5, $0x10;
	[tilespmem:s7+$0x50] =	vst v4  }
0x4d1: {  	v4 =	vld [tilespmem:s24+$0xA0];
	v5 =	vand.u32 $0xFFFF0000, v5;
	[tilespmem:s7+$0x80] =	vst v3  }
0x4d2: {  	[tilespmem:s7+$0x90] =	vst v5;
	v3 =	vshll.u32 v1, $0x10  }
0x4d3: {  	v5 =	vld [tilespmem:s24+$0xC0];
	v1 =	vand.u32 $0xFFFF0000, v1;
	[tilespmem:s7+$0xC0] =	vst v3  }
0x4d4: {  	[tilespmem:s7+$0xD0] =	vst v1;
	v3 =	vshll.u32 v2, $0x10  }
0x4d5: {  	v1 =	vand.u32 $0xFFFF0000, v2;
	v2 =	vld [tilespmem:s24+$0xFFFFFF10];
	[tilespmem:s7+$0x100] =	vst v3  }
0x4d6: {  	v3 =	vshll.u32 v4, $0x10;
	[tilespmem:s7+$0x110] =	vst v1  }
0x4d7: {  	v1 =	vld [tilespmem:s24+$0xFFFFFF30];
	v4 =	vand.u32 $0xFFFF0000, v4;
	[tilespmem:s7+$0x140] =	vst v3  }
0x4d8: {  	v3 =	vshll.u32 v5, $0x10;
	[tilespmem:s7+$0x150] =	vst v4  }
0x4d9: {  	v4 =	vld [tilespmem:s24+$0xFFFFFF50];
	v5 =	vand.u32 $0xFFFF0000, v5;
	[tilespmem:s7+$0x180] =	vst v3  }
0x4da: {  	[tilespmem:s7+$0x190] =	vst v5;
	v3 =	vshll.u32 v2, $0x10  }
0x4db: {  	v6 =	vld [tilespmem:s24+$0x90];
	v2 =	vand.u32 $0xFFFF0000, v2;
	[tilespmem:s7+$0xFFFFFE20] =	vst v3  }
0x4dc: {  	v5 =	vld [tilespmem:s24+$0xFFFFFF70];
	v3 =	vshll.u32 v1, $0x10;
	[tilespmem:s7+$0xFFFFFE30] =	vst v2  }
0x4dd: {  	v1 =	vand.u32 $0xFFFF0000, v1;
	[tilespmem:s7+$0xFFFFFE60] =	vst v3  }
0x4de: {  	v2 =	vld [tilespmem:s24+$0xFFFFFF90];
	v3 =	vshll.u32 v4, $0x10;
	[tilespmem:s7+$0xFFFFFE70] =	vst v1  }
0x4df: {  	v4 =	vand.u32 $0xFFFF0000, v4;
	[tilespmem:s7+$0xFFFFFEA0] =	vst v3  }
0x4e0: {  	v1 =	vld [tilespmem:s24+$0xFFFFFFB0];
	v9 =	vshll.u32 v6, $0x10;
	[tilespmem:s7+$0xFFFFFEB0] =	vst v4  }
0x4e1: {  	v3 =	vshll.u32 v5, $0x10;
	[tilespmem:s7+$0x120] =	vst v9  }
0x4e2: {  	v4 =	vld [tilespmem:s24+$0xFFFFFFD0];
	v5 =	vand.u32 $0xFFFF0000, v5;
	[tilespmem:s7+$0xFFFFFEE0] =	vst v3  }
0x4e3: {  	[tilespmem:s7+$0xFFFFFEF0] =	vst v5;
	v3 =	vshll.u32 v2, $0x10  }
0x4e4: {  	v5 =	vld [tilespmem:s24+$0xFFFFFFF0];
	v2 =	vand.u32 $0xFFFF0000, v2;
	[tilespmem:s7+$0xFFFFFF20] =	vst v3  }
0x4e5: {  	v3 =	vshll.u32 v1, $0x10;
	[tilespmem:s7+$0xFFFFFF30] =	vst v2  }
0x4e6: {  	v1 =	vand.u32 $0xFFFF0000, v1;
	v2 =	vld [tilespmem:s24+$0x10];
	[tilespmem:s7+$0xFFFFFF60] =	vst v3  }
0x4e7: {  	v3 =	vshll.u32 v4, $0x10;
	[tilespmem:s7+$0xFFFFFF70] =	vst v1  }
0x4e8: {  	v1 =	vand.u32 $0xFFFF0000, v4;
	v4 =	vld [tilespmem:s24+$0x30];
	[tilespmem:s7+$0xFFFFFFA0] =	vst v3  }
0x4e9: {  	v3 =	vshll.u32 v5, $0x10;
	[tilespmem:s7+$0xFFFFFFB0] =	vst v1  }
0x4ea: {  	v1 =	vand.u32 $0xFFFF0000, v5;
	v5 =	vld [tilespmem:s24+$0x50];
	[tilespmem:s7+$0xFFFFFFE0] =	vst v3  }
0x4eb: {  	v7 =	vld [tilespmem:s24+$0xB0];
	[tilespmem:s7+$0xFFFFFFF0] =	vst v1;
	v3 =	vshll.u32 v2, $0x10  }
0x4ec: {  	v1 =	vand.u32 $0xFFFF0000, v2;
	v2 =	vld [tilespmem:s24+$0x70];
	[tilespmem:s7+$0x20] =	vst v3  }
0x4ed: {  	v8 =	vld [tilespmem:s24+$0xD0];
	v3 =	vshll.u32 v4, $0x10;
	[tilespmem:s7+$0x30] =	vst v1  }
0x4ee: {  	v1 =	vand.u32 $0xFFFF0000, v4;
	[tilespmem:s7+$0x60] =	vst v3  }
0x4ef: {  	v3 =	vshll.u32 v5, $0x10;
	[tilespmem:s7+$0x70] =	vst v1  }
0x4f0: {  	v1 =	vand.u32 $0xFFFF0000, v5;
	[tilespmem:s7+$0xA0] =	vst v3  }
0x4f1: {  	v0 =	vshll.u32 v0, $0x10;
	[tilespmem:s7+$0xB0] =	vst v1;
	v3 =	vshll.u32 v2, $0x10  }
0x4f2: {  	v4 =	vshll.u32 v7, $0x10;
	v5 =	vshll.u32 v8, $0x10;
	v2 =	vand.u32 $0xFFFF0000, v2;
	[tilespmem:s7+$0xE0] =	vst v3  }
0x4f3: {  	s28 =	simm.s32 $0xB00;
	s24 =	simm.s32 $0x0;
	v1 =	vand.u32 $0xFFFF0000, v6;
	[tilespmem:s7+$0xF0] =	vst v2;
	v2 =	vand.u32 $0xFFFF0000, v7;
	v3 =	vand.u32 $0xFFFF0000, v8  }
.LBB2_4:
0x4f4: {  	v6 =	vld [tilespmem:s28+$0xE0];
	[tilespmem:s7+$0x130] =	vst v1  }
0x4f5: {  	s24 =	sadd.s32 $0x10, s24;
	v1 =	vld [tilespmem:s28+$0xFFFFFF20];
	[tilespmem:s7+$0x160] =	vst v4  }
0x4f6: {  	p1 =	slt.u32 s24, $0x70;
	v4 =	vld [tilespmem:s28+$0xFFFFFF40];
	[tilespmem:s7+$0x170] =	vst v2  }
0x4f7: {  	v2 =	vld [tilespmem:s28+$0xFFFFFF60];
	[tilespmem:s7+$0x1A0] =	vst v5  }
0x4f8: {  	v5 =	vld [tilespmem:s28+$0xFFFFFF80];
	[tilespmem:s7+$0x1B0] =	vst v3  }
0x4f9: {  	v3 =	vld [tilespmem:s28+$0xFFFFFFA0];
	v7 =	vshll.u32 v6, $0x10;
	[tilespmem:s7+$0x1E0] =	vst v0;
	s7 =	sadd.s32 $0x400, s7  }
0x4fa: {  	v6 =	vand.u32 $0xFFFF0000, v6;
	v0 =	vshll.u32 v1, $0x10;
	v1 =	vand.u32 $0xFFFF0000, v1;
	v8 =	vld [tilespmem:s28+$0xFFFFFFC0];
	[tilespmem:s7+$0x1C0] =	vst v7  }
0x4fb: {  	v7 =	vshll.u32 v4, $0x10;
	v4 =	vand.u32 $0xFFFF0000, v4;
	v9 =	vld [tilespmem:s28+$0xFFFFFFE0];
	[tilespmem:s7+$0x1D0] =	vst v6  }
0x4fc: {  	[tilespmem:s7+$0xFFFFFE40] =	vst v0;
	v0 =	vshll.u32 v2, $0x10;
	v2 =	vand.u32 $0xFFFF0000, v2;
	v6 =	vld [tilespmem:s28+$0xF0]  }
0x4fd: {  	[tilespmem:s7+$0xFFFFFE50] =	vst v1;
	v1 =	vshll.u32 v5, $0x10;
	v5 =	vand.u32 $0xFFFF0000, v5;
	v10 =	vld [tilespmem:s28+$0x0]  }
0x4fe: {  	[tilespmem:s7+$0xFFFFFE80] =	vst v7;
	v7 =	vshll.u32 v3, $0x10;
	v3 =	vand.u32 $0xFFFF0000, v3;
	v11 =	vld [tilespmem:s28+$0x20]  }
0x4ff: {  	[tilespmem:s7+$0xFFFFFE90] =	vst v4;
	v4 =	vshll.u32 v8, $0x10;
	v8 =	vand.u32 $0xFFFF0000, v8;
	v12 =	vld [tilespmem:s28+$0x40]  }
0x500: {  	[tilespmem:s7+$0xFFFFFEC0] =	vst v0;
	v13 =	vshll.u32 v9, $0x10;
	v9 =	vand.u32 $0xFFFF0000, v9;
	v14 =	vld [tilespmem:s28+$0x60]  }
0x501: {  	[tilespmem:s7+$0xFFFFFED0] =	vst v2;
	v2 =	vld [tilespmem:s28+$0x80];
	v0 =	vshll.u32 v6, $0x10;
	v6 =	vand.u32 $0xFFFF0000, v6  }
0x502: {  	v15 =	vshll.u32 v10, $0x10;
	v10 =	vand.u32 $0xFFFF0000, v10;
	v16 =	vld [tilespmem:s28+$0xA0];
	[tilespmem:s7+$0x1F0] =	vst v6  }
0x503: {  	[tilespmem:s7+$0xFFFFFF00] =	vst v1;
	v1 =	vshll.u32 v11, $0x10;
	v6 =	vand.u32 $0xFFFF0000, v11;
	v11 =	vld [tilespmem:s28+$0xC0]  }
0x504: {  	v17 =	vld [tilespmem:s28+$0xFFFFFF00];
	[tilespmem:s7+$0xFFFFFF10] =	vst v5;
	v5 =	vshll.u32 v12, $0x10;
	v12 =	vand.u32 $0xFFFF0000, v12  }
0x505: {  	v18 =	vld [tilespmem:s28+$0xFFFFFF30];
	[tilespmem:s7+$0xFFFFFF40] =	vst v7;
	v7 =	vshll.u32 v14, $0x10;
	v14 =	vand.u32 $0xFFFF0000, v14  }
0x506: {  	v19 =	vld [tilespmem:s28+$0xFFFFFF50];
	[tilespmem:s7+$0xFFFFFF50] =	vst v3;
	v3 =	vshll.u32 v2, $0x10;
	v2 =	vand.u32 $0xFFFF0000, v2  }
0x507: {  	v20 =	vld [tilespmem:s28+$0xFFFFFF70];
	[tilespmem:s7+$0xFFFFFF80] =	vst v4;
	v4 =	vshll.u32 v16, $0x10;
	v16 =	vand.u32 $0xFFFF0000, v16  }
0x508: {  	v21 =	vld [tilespmem:s28+$0xFFFFFF90];
	[tilespmem:s7+$0xFFFFFF90] =	vst v8;
	v8 =	vshll.u32 v11, $0x10;
	v11 =	vand.u32 $0xFFFF0000, v11  }
0x509: {  	v22 =	vshll.u32 v17, $0x10;
	v17 =	vand.u32 $0xFFFF0000, v17;
	v23 =	vld [tilespmem:s28+$0xFFFFFFB0];
	[tilespmem:s7+$0xFFFFFFC0] =	vst v13  }
0x50a: {  	[tilespmem:s7+$0xFFFFFE00] =	vst v22;
	v13 =	vshll.u32 v18, $0x10;
	v18 =	vand.u32 $0xFFFF0000, v18;
	v22 =	vld [tilespmem:s28+$0xFFFFFFD0]  }
0x50b: {  	[tilespmem:s7+$0xFFFFFE10] =	vst v17;
	v17 =	vshll.u32 v19, $0x10;
	v19 =	vand.u32 $0xFFFF0000, v19  }
0x50c: {  	v24 =	vld [tilespmem:s28+$0xFFFFFF10];
	v25 =	vshll.u32 v20, $0x10;
	v20 =	vand.u32 $0xFFFF0000, v20;
	[tilespmem:s7+$0xFFFFFFD0] =	vst v9  }
0x50d: {  	v9 =	vshll.u32 v21, $0x10;
	v21 =	vand.u32 $0xFFFF0000, v21;
	v26 =	vld [tilespmem:s28+$0xFFFFFFF0];
	[tilespmem:s7+$0x0] =	vst v15  }
0x50e: {  	v15 =	vshll.u32 v23, $0x10;
	v23 =	vand.u32 $0xFFFF0000, v23;
	[tilespmem:s7+$0x10] =	vst v10  }
0x50f: {  	v10 =	vshll.u32 v22, $0x10;
	v22 =	vand.u32 $0xFFFF0000, v22;
	v27 =	vld [tilespmem:s28+$0x10];
	[tilespmem:s7+$0x40] =	vst v1  }
0x510: {  	[tilespmem:s7+$0x50] =	vst v6  }
0x511: {  	v1 =	vshll.u32 v24, $0x10;
	v6 =	vand.u32 $0xFFFF0000, v24;
	v24 =	vld [tilespmem:s28+$0x30];
	[tilespmem:s7+$0x80] =	vst v5  }
0x512: {  	v28 =	vshll.u32 v26, $0x10;
	v26 =	vand.u32 $0xFFFF0000, v26;
	[tilespmem:s7+$0x90] =	vst v12  }
0x513: {  	v5 =	vld [tilespmem:s28+$0x50];
	[tilespmem:s7+$0xC0] =	vst v7  }
0x514: {  	v7 =	vshll.u32 v27, $0x10;
	v12 =	vand.u32 $0xFFFF0000, v27;
	[tilespmem:s7+$0xD0] =	vst v14  }
0x515: {  	v14 =	vld [tilespmem:s28+$0x70];
	[tilespmem:s7+$0x100] =	vst v3  }
0x516: {  	v27 =	vshll.u32 v24, $0x10;
	v24 =	vand.u32 $0xFFFF0000, v24;
	[tilespmem:s7+$0x110] =	vst v2  }
0x517: {  	v2 =	vld [tilespmem:s28+$0x90];
	[tilespmem:s7+$0x140] =	vst v4  }
0x518: {  	v29 =	vshll.u32 v5, $0x10;
	v30 =	vand.u32 $0xFFFF0000, v5;
	[tilespmem:s7+$0x150] =	vst v16  }
0x519: {  	v3 =	vld [tilespmem:s28+$0xB0];
	[tilespmem:s7+$0x180] =	vst v8  }
0x51a: {  	v8 =	vshll.u32 v14, $0x10;
	v14 =	vand.u32 $0xFFFF0000, v14;
	[tilespmem:s7+$0x190] =	vst v11  }
0x51b: {  	[tilespmem:s7+$0xFFFFFE20] =	vst v1;
	v11 =	vld [tilespmem:s28+$0xD0]  }
0x51c: {  	[tilespmem:s7+$0xFFFFFE30] =	vst v6;
	v6 =	vshll.u32 v2, $0x10;
	v1 =	vand.u32 $0xFFFF0000, v2  }
0x51d: {  	[tilespmem:s7+$0xFFFFFE60] =	vst v13  }
0x51e: {  	[tilespmem:s7+$0xFFFFFE70] =	vst v18;
	v4 =	vshll.u32 v3, $0x10;
	v2 =	vand.u32 $0xFFFF0000, v3  }
0x51f: {  	[tilespmem:s7+$0xFFFFFEA0] =	vst v17  }
0x520: {  	[tilespmem:s7+$0xFFFFFEB0] =	vst v19;
	v5 =	vshll.u32 v11, $0x10;
	v3 =	vand.u32 $0xFFFF0000, v11  }
0x521: {  	[tilespmem:s7+$0xFFFFFEE0] =	vst v25  }
0x522: {  	[tilespmem:s7+$0xFFFFFEF0] =	vst v20  }
0x523: {  	[tilespmem:s7+$0xFFFFFF20] =	vst v9  }
0x524: {  	[tilespmem:s7+$0xFFFFFF30] =	vst v21  }
0x525: {  	[tilespmem:s7+$0xFFFFFF60] =	vst v15  }
0x526: {  	[tilespmem:s7+$0xFFFFFF70] =	vst v23  }
0x527: {  	[tilespmem:s7+$0xFFFFFFA0] =	vst v10  }
0x528: {  	[tilespmem:s7+$0xFFFFFFB0] =	vst v22  }
0x529: {  	[tilespmem:s7+$0xFFFFFFE0] =	vst v28  }
0x52a: {  	[tilespmem:s7+$0xFFFFFFF0] =	vst v26  }
0x52b: {  	[tilespmem:s7+$0x20] =	vst v7  }
0x52c: {  	[tilespmem:s7+$0x30] =	vst v12  }
0x52d: {  	[tilespmem:s7+$0x60] =	vst v27  }
0x52e: {  	[tilespmem:s7+$0x70] =	vst v24  }
.Ltmp13:
0x52f: {  	[tilespmem:s7+$0xA0] =	vst v29;
	(pc) =	sbr.rel @p1 .LBB2_4-.Ltmp13, $4  }
0x530: {  	[tilespmem:s7+$0xB0] =	vst v30  }
0x531: {  	[tilespmem:s7+$0xE0] =	vst v8  }
0x532: {  	[tilespmem:s7+$0xF0] =	vst v14  }
0x533: {  	s28 =	sadd.s32 $0x200, s28;
	[tilespmem:s7+$0x120] =	vst v6  }
0x534: {  	[tilespmem:s7+$0x130] =	vst v1  }
0x535: {  	[tilespmem:s7+$0x160] =	vst v4  }
0x536: {  	[tilespmem:s7+$0x170] =	vst v2  }
0x537: {  	[tilespmem:s7+$0x1A0] =	vst v5  }
0x538: {  	[tilespmem:s7+$0x1B0] =	vst v3  }
0x539: {  	[tilespmem:s7+$0x1E0] =	vst v0  }
0x53a: {  	[spmem:s1] =	stream.indirect.scatter.add.f32 [tilespmem:s26], [sflag:$0x3], $0x40, s22, s22, $0xb8;
	[tilespmem:$0x1F000] =	vst v63  }
0x53b: {  	s24 =	simm.s32 $0x200  }
0x53c: {  	[tilespmem:s23], [sflag:$0x1] =	stream.indirect.gather [hbm4b:s3+s22], $0x20, s24, s22, $0xb8;
	[tilespmem:$0x1F000] =	vst v63  }
0x53d: {  	_ =	swait.ge [sflag:s29], $0x1000  }
0x53e: {  	[sflag:s29] =	ssyncset.done $0x0  }
0x53f: {  	s24 =	simm.s32 $0x1900;
	[sflag:s29] =	ssyncadd.s32 $0xFFFFF000  }
0x540: {  	v0 =	vld [tilespmem:s24+$0xE0];
	_ =	sdelay $0x1  }
0x541: {  	v2 =	vld [tilespmem:s24+$0xFFFFFF40]  }
0x542: {  	v1 =	vld [tilespmem:s24+$0xFFFFFF20];
	_ =	sdelay $0x1  }
0x543: {  	s7 =	simm.s32 $0x4A00;
	v4 =	vld [tilespmem:s24+$0xFFFFFF60];
	v3 =	vshll.u32 v0, $0x10  }
0x544: {  	v0 =	vand.u32 $0xFFFF0000, v0;
	[tilespmem:s7+$0x1C0] =	vst v3  }
0x545: {  	v5 =	vshll.u32 v2, $0x10;
	[tilespmem:s7+$0x1D0] =	vst v0  }
0x546: {  	v3 =	vshll.u32 v1, $0x10;
	[tilespmem:s7+$0xFFFFFE80] =	vst v5;
	v0 =	vld [tilespmem:s24+$0xF0]  }
0x547: {  	v1 =	vand.u32 $0xFFFF0000, v1;
	[tilespmem:s7+$0xFFFFFE40] =	vst v3;
	v3 =	vld [tilespmem:s24+$0xFFFFFF80]  }
0x548: {  	v5 =	vshll.u32 v4, $0x10;
	[tilespmem:s7+$0xFFFFFE50] =	vst v1  }
0x549: {  	v1 =	vand.u32 $0xFFFF0000, v2;
	v2 =	vld [tilespmem:s24+$0xFFFFFFA0];
	[tilespmem:s7+$0xFFFFFEC0] =	vst v5  }
0x54a: {  	[tilespmem:s7+$0xFFFFFE90] =	vst v1;
	v1 =	vand.u32 $0xFFFF0000, v4  }
0x54b: {  	v4 =	vld [tilespmem:s24+$0xFFFFFFC0];
	[tilespmem:s7+$0xFFFFFED0] =	vst v1;
	v1 =	vand.u32 $0xFFFF0000, v0  }
0x54c: {  	v5 =	vshll.u32 v3, $0x10;
	[tilespmem:s7+$0x1F0] =	vst v1  }
0x54d: {  	v6 =	vld [tilespmem:s24+$0xFFFFFF00];
	v3 =	vand.u32 $0xFFFF0000, v3;
	[tilespmem:s7+$0xFFFFFF00] =	vst v5  }
0x54e: {  	v1 =	vld [tilespmem:s24+$0xFFFFFFE0];
	v5 =	vshll.u32 v2, $0x10;
	[tilespmem:s7+$0xFFFFFF10] =	vst v3  }
0x54f: {  	v2 =	vand.u32 $0xFFFF0000, v2;
	[tilespmem:s7+$0xFFFFFF40] =	vst v5  }
0x550: {  	v3 =	vshll.u32 v4, $0x10;
	[tilespmem:s7+$0xFFFFFF50] =	vst v2  }
0x551: {  	v4 =	vand.u32 $0xFFFF0000, v4;
	v2 =	vld [tilespmem:s24+$0x0];
	[tilespmem:s7+$0xFFFFFF80] =	vst v3  }
0x552: {  	[tilespmem:s7+$0xFFFFFF90] =	vst v4;
	v5 =	vshll.u32 v6, $0x10  }
0x553: {  	v4 =	vld [tilespmem:s24+$0x20];
	[tilespmem:s7+$0xFFFFFE00] =	vst v5;
	v3 =	vshll.u32 v1, $0x10  }
0x554: {  	v1 =	vand.u32 $0xFFFF0000, v1;
	[tilespmem:s7+$0xFFFFFFC0] =	vst v3  }
0x555: {  	v5 =	vld [tilespmem:s24+$0x40];
	v3 =	vand.u32 $0xFFFF0000, v6;
	[tilespmem:s7+$0xFFFFFFD0] =	vst v1  }
0x556: {  	[tilespmem:s7+$0xFFFFFE10] =	vst v3;
	v3 =	vshll.u32 v2, $0x10  }
0x557: {  	v1 =	vld [tilespmem:s24+$0x60];
	v2 =	vand.u32 $0xFFFF0000, v2;
	[tilespmem:s7+$0x0] =	vst v3  }
0x558: {  	v3 =	vshll.u32 v4, $0x10;
	[tilespmem:s7+$0x10] =	vst v2  }
0x559: {  	v2 =	vld [tilespmem:s24+$0x80];
	v4 =	vand.u32 $0xFFFF0000, v4;
	[tilespmem:s7+$0x40] =	vst v3  }
0x55a: {  	v3 =	vshll.u32 v5, $0x10;
	[tilespmem:s7+$0x50] =	vst v4  }
0x55b: {  	v4 =	vld [tilespmem:s24+$0xA0];
	v5 =	vand.u32 $0xFFFF0000, v5;
	[tilespmem:s7+$0x80] =	vst v3  }
0x55c: {  	[tilespmem:s7+$0x90] =	vst v5;
	v3 =	vshll.u32 v1, $0x10  }
0x55d: {  	v5 =	vld [tilespmem:s24+$0xC0];
	v1 =	vand.u32 $0xFFFF0000, v1;
	[tilespmem:s7+$0xC0] =	vst v3  }
0x55e: {  	[tilespmem:s7+$0xD0] =	vst v1;
	v3 =	vshll.u32 v2, $0x10  }
0x55f: {  	v1 =	vand.u32 $0xFFFF0000, v2;
	v2 =	vld [tilespmem:s24+$0xFFFFFF10];
	[tilespmem:s7+$0x100] =	vst v3  }
0x560: {  	v3 =	vshll.u32 v4, $0x10;
	[tilespmem:s7+$0x110] =	vst v1  }
0x561: {  	v1 =	vld [tilespmem:s24+$0xFFFFFF30];
	v4 =	vand.u32 $0xFFFF0000, v4;
	[tilespmem:s7+$0x140] =	vst v3  }
0x562: {  	v3 =	vshll.u32 v5, $0x10;
	[tilespmem:s7+$0x150] =	vst v4  }
0x563: {  	v4 =	vld [tilespmem:s24+$0xFFFFFF50];
	v5 =	vand.u32 $0xFFFF0000, v5;
	[tilespmem:s7+$0x180] =	vst v3  }
0x564: {  	[tilespmem:s7+$0x190] =	vst v5;
	v3 =	vshll.u32 v2, $0x10  }
0x565: {  	v6 =	vld [tilespmem:s24+$0x90];
	v2 =	vand.u32 $0xFFFF0000, v2;
	[tilespmem:s7+$0xFFFFFE20] =	vst v3  }
0x566: {  	v5 =	vld [tilespmem:s24+$0xFFFFFF70];
	v3 =	vshll.u32 v1, $0x10;
	[tilespmem:s7+$0xFFFFFE30] =	vst v2  }
0x567: {  	v1 =	vand.u32 $0xFFFF0000, v1;
	[tilespmem:s7+$0xFFFFFE60] =	vst v3  }
0x568: {  	v2 =	vld [tilespmem:s24+$0xFFFFFF90];
	v3 =	vshll.u32 v4, $0x10;
	[tilespmem:s7+$0xFFFFFE70] =	vst v1  }
0x569: {  	v4 =	vand.u32 $0xFFFF0000, v4;
	[tilespmem:s7+$0xFFFFFEA0] =	vst v3  }
0x56a: {  	v1 =	vld [tilespmem:s24+$0xFFFFFFB0];
	v9 =	vshll.u32 v6, $0x10;
	[tilespmem:s7+$0xFFFFFEB0] =	vst v4  }
0x56b: {  	v3 =	vshll.u32 v5, $0x10;
	[tilespmem:s7+$0x120] =	vst v9  }
0x56c: {  	v4 =	vld [tilespmem:s24+$0xFFFFFFD0];
	v5 =	vand.u32 $0xFFFF0000, v5;
	[tilespmem:s7+$0xFFFFFEE0] =	vst v3  }
0x56d: {  	[tilespmem:s7+$0xFFFFFEF0] =	vst v5;
	v3 =	vshll.u32 v2, $0x10  }
0x56e: {  	v5 =	vld [tilespmem:s24+$0xFFFFFFF0];
	v2 =	vand.u32 $0xFFFF0000, v2;
	[tilespmem:s7+$0xFFFFFF20] =	vst v3  }
0x56f: {  	v3 =	vshll.u32 v1, $0x10;
	[tilespmem:s7+$0xFFFFFF30] =	vst v2  }
0x570: {  	v1 =	vand.u32 $0xFFFF0000, v1;
	v2 =	vld [tilespmem:s24+$0x10];
	[tilespmem:s7+$0xFFFFFF60] =	vst v3  }
0x571: {  	v3 =	vshll.u32 v4, $0x10;
	[tilespmem:s7+$0xFFFFFF70] =	vst v1  }
0x572: {  	v1 =	vand.u32 $0xFFFF0000, v4;
	v4 =	vld [tilespmem:s24+$0x30];
	[tilespmem:s7+$0xFFFFFFA0] =	vst v3  }
0x573: {  	v3 =	vshll.u32 v5, $0x10;
	[tilespmem:s7+$0xFFFFFFB0] =	vst v1  }
0x574: {  	v1 =	vand.u32 $0xFFFF0000, v5;
	v5 =	vld [tilespmem:s24+$0x50];
	[tilespmem:s7+$0xFFFFFFE0] =	vst v3  }
0x575: {  	v7 =	vld [tilespmem:s24+$0xB0];
	[tilespmem:s7+$0xFFFFFFF0] =	vst v1;
	v3 =	vshll.u32 v2, $0x10  }
0x576: {  	v1 =	vand.u32 $0xFFFF0000, v2;
	v2 =	vld [tilespmem:s24+$0x70];
	[tilespmem:s7+$0x20] =	vst v3  }
0x577: {  	v8 =	vld [tilespmem:s24+$0xD0];
	v3 =	vshll.u32 v4, $0x10;
	[tilespmem:s7+$0x30] =	vst v1  }
0x578: {  	v1 =	vand.u32 $0xFFFF0000, v4;
	[tilespmem:s7+$0x60] =	vst v3  }
0x579: {  	v3 =	vshll.u32 v5, $0x10;
	[tilespmem:s7+$0x70] =	vst v1  }
0x57a: {  	v1 =	vand.u32 $0xFFFF0000, v5;
	[tilespmem:s7+$0xA0] =	vst v3  }
0x57b: {  	v0 =	vshll.u32 v0, $0x10;
	[tilespmem:s7+$0xB0] =	vst v1;
	v3 =	vshll.u32 v2, $0x10  }
0x57c: {  	v4 =	vshll.u32 v7, $0x10;
	v5 =	vshll.u32 v8, $0x10;
	v2 =	vand.u32 $0xFFFF0000, v2;
	[tilespmem:s7+$0xE0] =	vst v3  }
0x57d: {  	s28 =	simm.s32 $0x1B00;
	s24 =	simm.s32 $0x0;
	v1 =	vand.u32 $0xFFFF0000, v6;
	[tilespmem:s7+$0xF0] =	vst v2;
	v2 =	vand.u32 $0xFFFF0000, v7;
	v3 =	vand.u32 $0xFFFF0000, v8  }
.LBB2_6:
0x57e: {  	v6 =	vld [tilespmem:s28+$0xE0];
	[tilespmem:s7+$0x130] =	vst v1  }
0x57f: {  	s24 =	sadd.s32 $0x10, s24;
	v1 =	vld [tilespmem:s28+$0xFFFFFF20];
	[tilespmem:s7+$0x160] =	vst v4  }
0x580: {  	p1 =	slt.u32 s24, $0x70;
	v4 =	vld [tilespmem:s28+$0xFFFFFF40];
	[tilespmem:s7+$0x170] =	vst v2  }
0x581: {  	v2 =	vld [tilespmem:s28+$0xFFFFFF60];
	[tilespmem:s7+$0x1A0] =	vst v5  }
0x582: {  	v5 =	vld [tilespmem:s28+$0xFFFFFF80];
	[tilespmem:s7+$0x1B0] =	vst v3  }
0x583: {  	v3 =	vld [tilespmem:s28+$0xFFFFFFA0];
	v7 =	vshll.u32 v6, $0x10;
	[tilespmem:s7+$0x1E0] =	vst v0;
	s7 =	sadd.s32 $0x400, s7  }
0x584: {  	v6 =	vand.u32 $0xFFFF0000, v6;
	v0 =	vshll.u32 v1, $0x10;
	v1 =	vand.u32 $0xFFFF0000, v1;
	v8 =	vld [tilespmem:s28+$0xFFFFFFC0];
	[tilespmem:s7+$0x1C0] =	vst v7  }
0x585: {  	v7 =	vshll.u32 v4, $0x10;
	v4 =	vand.u32 $0xFFFF0000, v4;
	v9 =	vld [tilespmem:s28+$0xFFFFFFE0];
	[tilespmem:s7+$0x1D0] =	vst v6  }
0x586: {  	[tilespmem:s7+$0xFFFFFE40] =	vst v0;
	v0 =	vshll.u32 v2, $0x10;
	v2 =	vand.u32 $0xFFFF0000, v2;
	v6 =	vld [tilespmem:s28+$0xF0]  }
0x587: {  	[tilespmem:s7+$0xFFFFFE50] =	vst v1;
	v1 =	vshll.u32 v5, $0x10;
	v5 =	vand.u32 $0xFFFF0000, v5;
	v10 =	vld [tilespmem:s28+$0x0]  }
0x588: {  	[tilespmem:s7+$0xFFFFFE80] =	vst v7;
	v7 =	vshll.u32 v3, $0x10;
	v3 =	vand.u32 $0xFFFF0000, v3;
	v11 =	vld [tilespmem:s28+$0x20]  }
0x589: {  	[tilespmem:s7+$0xFFFFFE90] =	vst v4;
	v4 =	vshll.u32 v8, $0x10;
	v8 =	vand.u32 $0xFFFF0000, v8;
	v12 =	vld [tilespmem:s28+$0x40]  }
0x58a: {  	[tilespmem:s7+$0xFFFFFEC0] =	vst v0;
	v13 =	vshll.u32 v9, $0x10;
	v9 =	vand.u32 $0xFFFF0000, v9;
	v14 =	vld [tilespmem:s28+$0x60]  }
0x58b: {  	[tilespmem:s7+$0xFFFFFED0] =	vst v2;
	v2 =	vld [tilespmem:s28+$0x80];
	v0 =	vshll.u32 v6, $0x10;
	v6 =	vand.u32 $0xFFFF0000, v6  }
0x58c: {  	v15 =	vshll.u32 v10, $0x10;
	v10 =	vand.u32 $0xFFFF0000, v10;
	v16 =	vld [tilespmem:s28+$0xA0];
	[tilespmem:s7+$0x1F0] =	vst v6  }
0x58d: {  	[tilespmem:s7+$0xFFFFFF00] =	vst v1;
	v1 =	vshll.u32 v11, $0x10;
	v6 =	vand.u32 $0xFFFF0000, v11;
	v11 =	vld [tilespmem:s28+$0xC0]  }
0x58e: {  	v17 =	vld [tilespmem:s28+$0xFFFFFF00];
	[tilespmem:s7+$0xFFFFFF10] =	vst v5;
	v5 =	vshll.u32 v12, $0x10;
	v12 =	vand.u32 $0xFFFF0000, v12  }
0x58f: {  	v18 =	vld [tilespmem:s28+$0xFFFFFF30];
	[tilespmem:s7+$0xFFFFFF40] =	vst v7;
	v7 =	vshll.u32 v14, $0x10;
	v14 =	vand.u32 $0xFFFF0000, v14  }
0x590: {  	v19 =	vld [tilespmem:s28+$0xFFFFFF50];
	[tilespmem:s7+$0xFFFFFF50] =	vst v3;
	v3 =	vshll.u32 v2, $0x10;
	v2 =	vand.u32 $0xFFFF0000, v2  }
0x591: {  	v20 =	vld [tilespmem:s28+$0xFFFFFF70];
	[tilespmem:s7+$0xFFFFFF80] =	vst v4;
	v4 =	vshll.u32 v16, $0x10;
	v16 =	vand.u32 $0xFFFF0000, v16  }
0x592: {  	v21 =	vld [tilespmem:s28+$0xFFFFFF90];
	[tilespmem:s7+$0xFFFFFF90] =	vst v8;
	v8 =	vshll.u32 v11, $0x10;
	v11 =	vand.u32 $0xFFFF0000, v11  }
0x593: {  	v22 =	vshll.u32 v17, $0x10;
	v17 =	vand.u32 $0xFFFF0000, v17;
	v23 =	vld [tilespmem:s28+$0xFFFFFFB0];
	[tilespmem:s7+$0xFFFFFFC0] =	vst v13  }
0x594: {  	[tilespmem:s7+$0xFFFFFE00] =	vst v22;
	v13 =	vshll.u32 v18, $0x10;
	v18 =	vand.u32 $0xFFFF0000, v18;
	v22 =	vld [tilespmem:s28+$0xFFFFFFD0]  }
0x595: {  	[tilespmem:s7+$0xFFFFFE10] =	vst v17;
	v17 =	vshll.u32 v19, $0x10;
	v19 =	vand.u32 $0xFFFF0000, v19  }
0x596: {  	v24 =	vld [tilespmem:s28+$0xFFFFFF10];
	v25 =	vshll.u32 v20, $0x10;
	v20 =	vand.u32 $0xFFFF0000, v20;
	[tilespmem:s7+$0xFFFFFFD0] =	vst v9  }
0x597: {  	v9 =	vshll.u32 v21, $0x10;
	v21 =	vand.u32 $0xFFFF0000, v21;
	v26 =	vld [tilespmem:s28+$0xFFFFFFF0];
	[tilespmem:s7+$0x0] =	vst v15  }
0x598: {  	v15 =	vshll.u32 v23, $0x10;
	v23 =	vand.u32 $0xFFFF0000, v23;
	[tilespmem:s7+$0x10] =	vst v10  }
0x599: {  	v10 =	vshll.u32 v22, $0x10;
	v22 =	vand.u32 $0xFFFF0000, v22;
	v27 =	vld [tilespmem:s28+$0x10];
	[tilespmem:s7+$0x40] =	vst v1  }
0x59a: {  	[tilespmem:s7+$0x50] =	vst v6  }
0x59b: {  	v1 =	vshll.u32 v24, $0x10;
	v6 =	vand.u32 $0xFFFF0000, v24;
	v24 =	vld [tilespmem:s28+$0x30];
	[tilespmem:s7+$0x80] =	vst v5  }
0x59c: {  	v28 =	vshll.u32 v26, $0x10;
	v26 =	vand.u32 $0xFFFF0000, v26;
	[tilespmem:s7+$0x90] =	vst v12  }
0x59d: {  	v5 =	vld [tilespmem:s28+$0x50];
	[tilespmem:s7+$0xC0] =	vst v7  }
0x59e: {  	v7 =	vshll.u32 v27, $0x10;
	v12 =	vand.u32 $0xFFFF0000, v27;
	[tilespmem:s7+$0xD0] =	vst v14  }
0x59f: {  	v14 =	vld [tilespmem:s28+$0x70];
	[tilespmem:s7+$0x100] =	vst v3  }
0x5a0: {  	v27 =	vshll.u32 v24, $0x10;
	v24 =	vand.u32 $0xFFFF0000, v24;
	[tilespmem:s7+$0x110] =	vst v2  }
0x5a1: {  	v2 =	vld [tilespmem:s28+$0x90];
	[tilespmem:s7+$0x140] =	vst v4  }
0x5a2: {  	v29 =	vshll.u32 v5, $0x10;
	v30 =	vand.u32 $0xFFFF0000, v5;
	[tilespmem:s7+$0x150] =	vst v16  }
0x5a3: {  	v3 =	vld [tilespmem:s28+$0xB0];
	[tilespmem:s7+$0x180] =	vst v8  }
0x5a4: {  	v8 =	vshll.u32 v14, $0x10;
	v14 =	vand.u32 $0xFFFF0000, v14;
	[tilespmem:s7+$0x190] =	vst v11  }
0x5a5: {  	[tilespmem:s7+$0xFFFFFE20] =	vst v1;
	v11 =	vld [tilespmem:s28+$0xD0]  }
0x5a6: {  	[tilespmem:s7+$0xFFFFFE30] =	vst v6;
	v6 =	vshll.u32 v2, $0x10;
	v1 =	vand.u32 $0xFFFF0000, v2  }
0x5a7: {  	[tilespmem:s7+$0xFFFFFE60] =	vst v13  }
0x5a8: {  	[tilespmem:s7+$0xFFFFFE70] =	vst v18;
	v4 =	vshll.u32 v3, $0x10;
	v2 =	vand.u32 $0xFFFF0000, v3  }
0x5a9: {  	[tilespmem:s7+$0xFFFFFEA0] =	vst v17  }
0x5aa: {  	[tilespmem:s7+$0xFFFFFEB0] =	vst v19;
	v5 =	vshll.u32 v11, $0x10;
	v3 =	vand.u32 $0xFFFF0000, v11  }
0x5ab: {  	[tilespmem:s7+$0xFFFFFEE0] =	vst v25  }
0x5ac: {  	[tilespmem:s7+$0xFFFFFEF0] =	vst v20  }
0x5ad: {  	[tilespmem:s7+$0xFFFFFF20] =	vst v9  }
0x5ae: {  	[tilespmem:s7+$0xFFFFFF30] =	vst v21  }
0x5af: {  	[tilespmem:s7+$0xFFFFFF60] =	vst v15  }
0x5b0: {  	[tilespmem:s7+$0xFFFFFF70] =	vst v23  }
0x5b1: {  	[tilespmem:s7+$0xFFFFFFA0] =	vst v10  }
0x5b2: {  	[tilespmem:s7+$0xFFFFFFB0] =	vst v22  }
0x5b3: {  	[tilespmem:s7+$0xFFFFFFE0] =	vst v28  }
0x5b4: {  	[tilespmem:s7+$0xFFFFFFF0] =	vst v26  }
0x5b5: {  	[tilespmem:s7+$0x20] =	vst v7  }
0x5b6: {  	[tilespmem:s7+$0x30] =	vst v12  }
0x5b7: {  	[tilespmem:s7+$0x60] =	vst v27  }
0x5b8: {  	[tilespmem:s7+$0x70] =	vst v24  }
.Ltmp14:
0x5b9: {  	[tilespmem:s7+$0xA0] =	vst v29;
	(pc) =	sbr.rel @p1 .LBB2_6-.Ltmp14, $4  }
0x5ba: {  	[tilespmem:s7+$0xB0] =	vst v30  }
0x5bb: {  	[tilespmem:s7+$0xE0] =	vst v8  }
0x5bc: {  	[tilespmem:s7+$0xF0] =	vst v14  }
0x5bd: {  	s28 =	sadd.s32 $0x200, s28;
	[tilespmem:s7+$0x120] =	vst v6  }
0x5be: {  	[tilespmem:s7+$0x130] =	vst v1  }
0x5bf: {  	[tilespmem:s7+$0x160] =	vst v4  }
0x5c0: {  	[tilespmem:s7+$0x170] =	vst v2  }
0x5c1: {  	[tilespmem:s7+$0x1A0] =	vst v5  }
0x5c2: {  	[tilespmem:s7+$0x1B0] =	vst v3  }
0x5c3: {  	[tilespmem:s7+$0x1E0] =	vst v0;
	s24 =	simm.s32 $0x180  }
0x5c4: {  	[spmem:s1] =	stream.indirect.scatter.add.f32 [tilespmem:s31], [sflag:$0x4], $0x40, s24, s22, $0xb8;
	[tilespmem:$0x1F000] =	vst v63  }
0x5c5: {  	_ = 	snop  }
0x5c6: {  	[tilespmem:s25], [sflag:$0x2] =	stream.indirect.gather [hbm4b:s3+s22], $0x20, s0, s22, $0xb8;
	[tilespmem:$0x1F000] =	vst v63  }
0x5c7: {  	_ =	swait.ge [sflag:s18], $0x1000  }
0x5c8: {  	[sflag:s18] =	ssyncset.done $0x0  }
0x5c9: {  	[sflag:s18] =	ssyncadd.s32 $0xFFFFF000  }
0x5ca: {  	_ =	swait.ge [sflag:s4], $0x2000  }
0x5cb: {  	[sflag:s4] =	ssyncset.done $0x0  }
0x5cc: {  	s24 =	simm.s32 $0x900;
	[sflag:s4] =	ssyncadd.s32 $0xFFFFE000  }
0x5cd: {  	v0 =	vld [tilespmem:s24+$0xE0];
	_ =	sdelay $0x1  }
0x5ce: {  	v2 =	vld [tilespmem:s24+$0xFFFFFF40]  }
0x5cf: {  	v1 =	vld [tilespmem:s24+$0xFFFFFF20];
	_ =	sdelay $0x1  }
0x5d0: {  	s7 =	simm.s32 $0x2A00;
	v4 =	vld [tilespmem:s24+$0xFFFFFF60];
	v3 =	vshll.u32 v0, $0x10  }
0x5d1: {  	v0 =	vand.u32 $0xFFFF0000, v0;
	[tilespmem:s7+$0x1C0] =	vst v3  }
0x5d2: {  	v5 =	vshll.u32 v2, $0x10;
	[tilespmem:s7+$0x1D0] =	vst v0  }
0x5d3: {  	v3 =	vshll.u32 v1, $0x10;
	[tilespmem:s7+$0xFFFFFE80] =	vst v5;
	v0 =	vld [tilespmem:s24+$0xF0]  }
0x5d4: {  	v1 =	vand.u32 $0xFFFF0000, v1;
	[tilespmem:s7+$0xFFFFFE40] =	vst v3;
	v3 =	vld [tilespmem:s24+$0xFFFFFF80]  }
0x5d5: {  	v5 =	vshll.u32 v4, $0x10;
	[tilespmem:s7+$0xFFFFFE50] =	vst v1  }
0x5d6: {  	v1 =	vand.u32 $0xFFFF0000, v2;
	v2 =	vld [tilespmem:s24+$0xFFFFFFA0];
	[tilespmem:s7+$0xFFFFFEC0] =	vst v5  }
0x5d7: {  	[tilespmem:s7+$0xFFFFFE90] =	vst v1;
	v1 =	vand.u32 $0xFFFF0000, v4  }
0x5d8: {  	v4 =	vld [tilespmem:s24+$0xFFFFFFC0];
	[tilespmem:s7+$0xFFFFFED0] =	vst v1;
	v1 =	vand.u32 $0xFFFF0000, v0  }
0x5d9: {  	v5 =	vshll.u32 v3, $0x10;
	[tilespmem:s7+$0x1F0] =	vst v1  }
0x5da: {  	v6 =	vld [tilespmem:s24+$0xFFFFFF00];
	v3 =	vand.u32 $0xFFFF0000, v3;
	[tilespmem:s7+$0xFFFFFF00] =	vst v5  }
0x5db: {  	v1 =	vld [tilespmem:s24+$0xFFFFFFE0];
	v5 =	vshll.u32 v2, $0x10;
	[tilespmem:s7+$0xFFFFFF10] =	vst v3  }
0x5dc: {  	v2 =	vand.u32 $0xFFFF0000, v2;
	[tilespmem:s7+$0xFFFFFF40] =	vst v5  }
0x5dd: {  	v3 =	vshll.u32 v4, $0x10;
	[tilespmem:s7+$0xFFFFFF50] =	vst v2  }
0x5de: {  	v4 =	vand.u32 $0xFFFF0000, v4;
	v2 =	vld [tilespmem:s24+$0x0];
	[tilespmem:s7+$0xFFFFFF80] =	vst v3  }
0x5df: {  	[tilespmem:s7+$0xFFFFFF90] =	vst v4;
	v5 =	vshll.u32 v6, $0x10  }
0x5e0: {  	v4 =	vld [tilespmem:s24+$0x20];
	[tilespmem:s7+$0xFFFFFE00] =	vst v5;
	v3 =	vshll.u32 v1, $0x10  }
0x5e1: {  	v1 =	vand.u32 $0xFFFF0000, v1;
	[tilespmem:s7+$0xFFFFFFC0] =	vst v3  }
0x5e2: {  	v5 =	vld [tilespmem:s24+$0x40];
	v3 =	vand.u32 $0xFFFF0000, v6;
	[tilespmem:s7+$0xFFFFFFD0] =	vst v1  }
0x5e3: {  	[tilespmem:s7+$0xFFFFFE10] =	vst v3;
	v3 =	vshll.u32 v2, $0x10  }
0x5e4: {  	v1 =	vld [tilespmem:s24+$0x60];
	v2 =	vand.u32 $0xFFFF0000, v2;
	[tilespmem:s7+$0x0] =	vst v3  }
0x5e5: {  	v3 =	vshll.u32 v4, $0x10;
	[tilespmem:s7+$0x10] =	vst v2  }
0x5e6: {  	v2 =	vld [tilespmem:s24+$0x80];
	v4 =	vand.u32 $0xFFFF0000, v4;
	[tilespmem:s7+$0x40] =	vst v3  }
0x5e7: {  	v3 =	vshll.u32 v5, $0x10;
	[tilespmem:s7+$0x50] =	vst v4  }
0x5e8: {  	v4 =	vld [tilespmem:s24+$0xA0];
	v5 =	vand.u32 $0xFFFF0000, v5;
	[tilespmem:s7+$0x80] =	vst v3  }
0x5e9: {  	[tilespmem:s7+$0x90] =	vst v5;
	v3 =	vshll.u32 v1, $0x10  }
0x5ea: {  	v5 =	vld [tilespmem:s24+$0xC0];
	v1 =	vand.u32 $0xFFFF0000, v1;
	[tilespmem:s7+$0xC0] =	vst v3  }
0x5eb: {  	[tilespmem:s7+$0xD0] =	vst v1;
	v3 =	vshll.u32 v2, $0x10  }
0x5ec: {  	v1 =	vand.u32 $0xFFFF0000, v2;
	v2 =	vld [tilespmem:s24+$0xFFFFFF10];
	[tilespmem:s7+$0x100] =	vst v3  }
0x5ed: {  	v3 =	vshll.u32 v4, $0x10;
	[tilespmem:s7+$0x110] =	vst v1  }
0x5ee: {  	v1 =	vld [tilespmem:s24+$0xFFFFFF30];
	v4 =	vand.u32 $0xFFFF0000, v4;
	[tilespmem:s7+$0x140] =	vst v3  }
0x5ef: {  	v3 =	vshll.u32 v5, $0x10;
	[tilespmem:s7+$0x150] =	vst v4  }
0x5f0: {  	v4 =	vld [tilespmem:s24+$0xFFFFFF50];
	v5 =	vand.u32 $0xFFFF0000, v5;
	[tilespmem:s7+$0x180] =	vst v3  }
0x5f1: {  	[tilespmem:s7+$0x190] =	vst v5;
	v3 =	vshll.u32 v2, $0x10  }
0x5f2: {  	v6 =	vld [tilespmem:s24+$0x90];
	v2 =	vand.u32 $0xFFFF0000, v2;
	[tilespmem:s7+$0xFFFFFE20] =	vst v3  }
0x5f3: {  	v5 =	vld [tilespmem:s24+$0xFFFFFF70];
	v3 =	vshll.u32 v1, $0x10;
	[tilespmem:s7+$0xFFFFFE30] =	vst v2  }
0x5f4: {  	v1 =	vand.u32 $0xFFFF0000, v1;
	[tilespmem:s7+$0xFFFFFE60] =	vst v3  }
0x5f5: {  	v2 =	vld [tilespmem:s24+$0xFFFFFF90];
	v3 =	vshll.u32 v4, $0x10;
	[tilespmem:s7+$0xFFFFFE70] =	vst v1  }
0x5f6: {  	v4 =	vand.u32 $0xFFFF0000, v4;
	[tilespmem:s7+$0xFFFFFEA0] =	vst v3  }
0x5f7: {  	v1 =	vld [tilespmem:s24+$0xFFFFFFB0];
	v9 =	vshll.u32 v6, $0x10;
	[tilespmem:s7+$0xFFFFFEB0] =	vst v4  }
0x5f8: {  	v3 =	vshll.u32 v5, $0x10;
	[tilespmem:s7+$0x120] =	vst v9  }
0x5f9: {  	v4 =	vld [tilespmem:s24+$0xFFFFFFD0];
	v5 =	vand.u32 $0xFFFF0000, v5;
	[tilespmem:s7+$0xFFFFFEE0] =	vst v3  }
0x5fa: {  	[tilespmem:s7+$0xFFFFFEF0] =	vst v5;
	v3 =	vshll.u32 v2, $0x10  }
0x5fb: {  	v5 =	vld [tilespmem:s24+$0xFFFFFFF0];
	v2 =	vand.u32 $0xFFFF0000, v2;
	[tilespmem:s7+$0xFFFFFF20] =	vst v3  }
0x5fc: {  	v3 =	vshll.u32 v1, $0x10;
	[tilespmem:s7+$0xFFFFFF30] =	vst v2  }
0x5fd: {  	v1 =	vand.u32 $0xFFFF0000, v1;
	v2 =	vld [tilespmem:s24+$0x10];
	[tilespmem:s7+$0xFFFFFF60] =	vst v3  }
0x5fe: {  	v3 =	vshll.u32 v4, $0x10;
	[tilespmem:s7+$0xFFFFFF70] =	vst v1  }
0x5ff: {  	v1 =	vand.u32 $0xFFFF0000, v4;
	v4 =	vld [tilespmem:s24+$0x30];
	[tilespmem:s7+$0xFFFFFFA0] =	vst v3  }
0x600: {  	v3 =	vshll.u32 v5, $0x10;
	[tilespmem:s7+$0xFFFFFFB0] =	vst v1  }
0x601: {  	v1 =	vand.u32 $0xFFFF0000, v5;
	v5 =	vld [tilespmem:s24+$0x50];
	[tilespmem:s7+$0xFFFFFFE0] =	vst v3  }
0x602: {  	v7 =	vld [tilespmem:s24+$0xB0];
	[tilespmem:s7+$0xFFFFFFF0] =	vst v1;
	v3 =	vshll.u32 v2, $0x10  }
0x603: {  	v1 =	vand.u32 $0xFFFF0000, v2;
	v2 =	vld [tilespmem:s24+$0x70];
	[tilespmem:s7+$0x20] =	vst v3  }
0x604: {  	v8 =	vld [tilespmem:s24+$0xD0];
	v3 =	vshll.u32 v4, $0x10;
	[tilespmem:s7+$0x30] =	vst v1  }
0x605: {  	v1 =	vand.u32 $0xFFFF0000, v4;
	[tilespmem:s7+$0x60] =	vst v3  }
0x606: {  	v3 =	vshll.u32 v5, $0x10;
	[tilespmem:s7+$0x70] =	vst v1  }
0x607: {  	v1 =	vand.u32 $0xFFFF0000, v5;
	[tilespmem:s7+$0xA0] =	vst v3  }
0x608: {  	v0 =	vshll.u32 v0, $0x10;
	[tilespmem:s7+$0xB0] =	vst v1;
	v3 =	vshll.u32 v2, $0x10  }
0x609: {  	v4 =	vshll.u32 v7, $0x10;
	v5 =	vshll.u32 v8, $0x10;
	v2 =	vand.u32 $0xFFFF0000, v2;
	[tilespmem:s7+$0xE0] =	vst v3  }
0x60a: {  	s28 =	simm.s32 $0xB00;
	s24 =	simm.s32 $0x0;
	v1 =	vand.u32 $0xFFFF0000, v6;
	[tilespmem:s7+$0xF0] =	vst v2;
	v2 =	vand.u32 $0xFFFF0000, v7;
	v3 =	vand.u32 $0xFFFF0000, v8  }
.LBB2_8:
0x60b: {  	v6 =	vld [tilespmem:s28+$0xE0];
	[tilespmem:s7+$0x130] =	vst v1  }
0x60c: {  	s24 =	sadd.s32 $0x10, s24;
	v1 =	vld [tilespmem:s28+$0xFFFFFF20];
	[tilespmem:s7+$0x160] =	vst v4  }
0x60d: {  	p1 =	slt.u32 s24, $0x70;
	v4 =	vld [tilespmem:s28+$0xFFFFFF40];
	[tilespmem:s7+$0x170] =	vst v2  }
0x60e: {  	v2 =	vld [tilespmem:s28+$0xFFFFFF60];
	[tilespmem:s7+$0x1A0] =	vst v5  }
0x60f: {  	v5 =	vld [tilespmem:s28+$0xFFFFFF80];
	[tilespmem:s7+$0x1B0] =	vst v3  }
0x610: {  	v3 =	vld [tilespmem:s28+$0xFFFFFFA0];
	v7 =	vshll.u32 v6, $0x10;
	[tilespmem:s7+$0x1E0] =	vst v0;
	s7 =	sadd.s32 $0x400, s7  }
0x611: {  	v6 =	vand.u32 $0xFFFF0000, v6;
	v0 =	vshll.u32 v1, $0x10;
	v1 =	vand.u32 $0xFFFF0000, v1;
	v8 =	vld [tilespmem:s28+$0xFFFFFFC0];
	[tilespmem:s7+$0x1C0] =	vst v7  }
0x612: {  	v7 =	vshll.u32 v4, $0x10;
	v4 =	vand.u32 $0xFFFF0000, v4;
	v9 =	vld [tilespmem:s28+$0xFFFFFFE0];
	[tilespmem:s7+$0x1D0] =	vst v6  }
0x613: {  	[tilespmem:s7+$0xFFFFFE40] =	vst v0;
	v0 =	vshll.u32 v2, $0x10;
	v2 =	vand.u32 $0xFFFF0000, v2;
	v6 =	vld [tilespmem:s28+$0xF0]  }
0x614: {  	[tilespmem:s7+$0xFFFFFE50] =	vst v1;
	v1 =	vshll.u32 v5, $0x10;
	v5 =	vand.u32 $0xFFFF0000, v5;
	v10 =	vld [tilespmem:s28+$0x0]  }
0x615: {  	[tilespmem:s7+$0xFFFFFE80] =	vst v7;
	v7 =	vshll.u32 v3, $0x10;
	v3 =	vand.u32 $0xFFFF0000, v3;
	v11 =	vld [tilespmem:s28+$0x20]  }
0x616: {  	[tilespmem:s7+$0xFFFFFE90] =	vst v4;
	v4 =	vshll.u32 v8, $0x10;
	v8 =	vand.u32 $0xFFFF0000, v8;
	v12 =	vld [tilespmem:s28+$0x40]  }
0x617: {  	[tilespmem:s7+$0xFFFFFEC0] =	vst v0;
	v13 =	vshll.u32 v9, $0x10;
	v9 =	vand.u32 $0xFFFF0000, v9;
	v14 =	vld [tilespmem:s28+$0x60]  }
0x618: {  	[tilespmem:s7+$0xFFFFFED0] =	vst v2;
	v2 =	vld [tilespmem:s28+$0x80];
	v0 =	vshll.u32 v6, $0x10;
	v6 =	vand.u32 $0xFFFF0000, v6  }
0x619: {  	v15 =	vshll.u32 v10, $0x10;
	v10 =	vand.u32 $0xFFFF0000, v10;
	v16 =	vld [tilespmem:s28+$0xA0];
	[tilespmem:s7+$0x1F0] =	vst v6  }
0x61a: {  	[tilespmem:s7+$0xFFFFFF00] =	vst v1;
	v1 =	vshll.u32 v11, $0x10;
	v6 =	vand.u32 $0xFFFF0000, v11;
	v11 =	vld [tilespmem:s28+$0xC0]  }
0x61b: {  	v17 =	vld [tilespmem:s28+$0xFFFFFF00];
	[tilespmem:s7+$0xFFFFFF10] =	vst v5;
	v5 =	vshll.u32 v12, $0x10;
	v12 =	vand.u32 $0xFFFF0000, v12  }
0x61c: {  	v18 =	vld [tilespmem:s28+$0xFFFFFF30];
	[tilespmem:s7+$0xFFFFFF40] =	vst v7;
	v7 =	vshll.u32 v14, $0x10;
	v14 =	vand.u32 $0xFFFF0000, v14  }
0x61d: {  	v19 =	vld [tilespmem:s28+$0xFFFFFF50];
	[tilespmem:s7+$0xFFFFFF50] =	vst v3;
	v3 =	vshll.u32 v2, $0x10;
	v2 =	vand.u32 $0xFFFF0000, v2  }
0x61e: {  	v20 =	vld [tilespmem:s28+$0xFFFFFF70];
	[tilespmem:s7+$0xFFFFFF80] =	vst v4;
	v4 =	vshll.u32 v16, $0x10;
	v16 =	vand.u32 $0xFFFF0000, v16  }
0x61f: {  	v21 =	vld [tilespmem:s28+$0xFFFFFF90];
	[tilespmem:s7+$0xFFFFFF90] =	vst v8;
	v8 =	vshll.u32 v11, $0x10;
	v11 =	vand.u32 $0xFFFF0000, v11  }
0x620: {  	v22 =	vshll.u32 v17, $0x10;
	v17 =	vand.u32 $0xFFFF0000, v17;
	v23 =	vld [tilespmem:s28+$0xFFFFFFB0];
	[tilespmem:s7+$0xFFFFFFC0] =	vst v13  }
0x621: {  	[tilespmem:s7+$0xFFFFFE00] =	vst v22;
	v13 =	vshll.u32 v18, $0x10;
	v18 =	vand.u32 $0xFFFF0000, v18;
	v22 =	vld [tilespmem:s28+$0xFFFFFFD0]  }
0x622: {  	[tilespmem:s7+$0xFFFFFE10] =	vst v17;
	v17 =	vshll.u32 v19, $0x10;
	v19 =	vand.u32 $0xFFFF0000, v19  }
0x623: {  	v24 =	vld [tilespmem:s28+$0xFFFFFF10];
	v25 =	vshll.u32 v20, $0x10;
	v20 =	vand.u32 $0xFFFF0000, v20;
	[tilespmem:s7+$0xFFFFFFD0] =	vst v9  }
0x624: {  	v9 =	vshll.u32 v21, $0x10;
	v21 =	vand.u32 $0xFFFF0000, v21;
	v26 =	vld [tilespmem:s28+$0xFFFFFFF0];
	[tilespmem:s7+$0x0] =	vst v15  }
0x625: {  	v15 =	vshll.u32 v23, $0x10;
	v23 =	vand.u32 $0xFFFF0000, v23;
	[tilespmem:s7+$0x10] =	vst v10  }
0x626: {  	v10 =	vshll.u32 v22, $0x10;
	v22 =	vand.u32 $0xFFFF0000, v22;
	v27 =	vld [tilespmem:s28+$0x10];
	[tilespmem:s7+$0x40] =	vst v1  }
0x627: {  	[tilespmem:s7+$0x50] =	vst v6  }
0x628: {  	v1 =	vshll.u32 v24, $0x10;
	v6 =	vand.u32 $0xFFFF0000, v24;
	v24 =	vld [tilespmem:s28+$0x30];
	[tilespmem:s7+$0x80] =	vst v5  }
0x629: {  	v28 =	vshll.u32 v26, $0x10;
	v26 =	vand.u32 $0xFFFF0000, v26;
	[tilespmem:s7+$0x90] =	vst v12  }
0x62a: {  	v5 =	vld [tilespmem:s28+$0x50];
	[tilespmem:s7+$0xC0] =	vst v7  }
0x62b: {  	v7 =	vshll.u32 v27, $0x10;
	v12 =	vand.u32 $0xFFFF0000, v27;
	[tilespmem:s7+$0xD0] =	vst v14  }
0x62c: {  	v14 =	vld [tilespmem:s28+$0x70];
	[tilespmem:s7+$0x100] =	vst v3  }
0x62d: {  	v27 =	vshll.u32 v24, $0x10;
	v24 =	vand.u32 $0xFFFF0000, v24;
	[tilespmem:s7+$0x110] =	vst v2  }
0x62e: {  	v2 =	vld [tilespmem:s28+$0x90];
	[tilespmem:s7+$0x140] =	vst v4  }
0x62f: {  	v29 =	vshll.u32 v5, $0x10;
	v30 =	vand.u32 $0xFFFF0000, v5;
	[tilespmem:s7+$0x150] =	vst v16  }
0x630: {  	v3 =	vld [tilespmem:s28+$0xB0];
	[tilespmem:s7+$0x180] =	vst v8  }
0x631: {  	v8 =	vshll.u32 v14, $0x10;
	v14 =	vand.u32 $0xFFFF0000, v14;
	[tilespmem:s7+$0x190] =	vst v11  }
0x632: {  	[tilespmem:s7+$0xFFFFFE20] =	vst v1;
	v11 =	vld [tilespmem:s28+$0xD0]  }
0x633: {  	[tilespmem:s7+$0xFFFFFE30] =	vst v6;
	v6 =	vshll.u32 v2, $0x10;
	v1 =	vand.u32 $0xFFFF0000, v2  }
0x634: {  	[tilespmem:s7+$0xFFFFFE60] =	vst v13  }
0x635: {  	[tilespmem:s7+$0xFFFFFE70] =	vst v18;
	v4 =	vshll.u32 v3, $0x10;
	v2 =	vand.u32 $0xFFFF0000, v3  }
0x636: {  	[tilespmem:s7+$0xFFFFFEA0] =	vst v17  }
0x637: {  	[tilespmem:s7+$0xFFFFFEB0] =	vst v19;
	v5 =	vshll.u32 v11, $0x10;
	v3 =	vand.u32 $0xFFFF0000, v11  }
0x638: {  	[tilespmem:s7+$0xFFFFFEE0] =	vst v25  }
0x639: {  	[tilespmem:s7+$0xFFFFFEF0] =	vst v20  }
0x63a: {  	[tilespmem:s7+$0xFFFFFF20] =	vst v9  }
0x63b: {  	[tilespmem:s7+$0xFFFFFF30] =	vst v21  }
0x63c: {  	[tilespmem:s7+$0xFFFFFF60] =	vst v15  }
0x63d: {  	[tilespmem:s7+$0xFFFFFF70] =	vst v23  }
0x63e: {  	[tilespmem:s7+$0xFFFFFFA0] =	vst v10  }
0x63f: {  	[tilespmem:s7+$0xFFFFFFB0] =	vst v22  }
0x640: {  	[tilespmem:s7+$0xFFFFFFE0] =	vst v28  }
0x641: {  	[tilespmem:s7+$0xFFFFFFF0] =	vst v26  }
0x642: {  	[tilespmem:s7+$0x20] =	vst v7  }
0x643: {  	[tilespmem:s7+$0x30] =	vst v12  }
0x644: {  	[tilespmem:s7+$0x60] =	vst v27  }
0x645: {  	[tilespmem:s7+$0x70] =	vst v24  }
.Ltmp15:
0x646: {  	[tilespmem:s7+$0xA0] =	vst v29;
	(pc) =	sbr.rel @p1 .LBB2_8-.Ltmp15, $4  }
0x647: {  	[tilespmem:s7+$0xB0] =	vst v30  }
0x648: {  	[tilespmem:s7+$0xE0] =	vst v8  }
0x649: {  	[tilespmem:s7+$0xF0] =	vst v14  }
0x64a: {  	s28 =	sadd.s32 $0x200, s28;
	[tilespmem:s7+$0x120] =	vst v6  }
0x64b: {  	[tilespmem:s7+$0x130] =	vst v1  }
0x64c: {  	[tilespmem:s7+$0x160] =	vst v4  }
0x64d: {  	[tilespmem:s7+$0x170] =	vst v2  }
0x64e: {  	[tilespmem:s7+$0x1A0] =	vst v5  }
0x64f: {  	[tilespmem:s7+$0x1B0] =	vst v3  }
0x650: {  	[tilespmem:s7+$0x1E0] =	vst v0  }
0x651: {  	[spmem:s1] =	stream.indirect.scatter.add.f32 [tilespmem:s26], [sflag:$0x3], $0x40, s10, s22, $0xb8;
	[tilespmem:$0x1F000] =	vst v63  }
0x652: {  	_ = 	snop  }
0x653: {  	[tilespmem:s23], [sflag:$0x1] =	stream.indirect.gather [hbm4b:s3+s22], $0x20, s13, s22, $0xb8;
	[tilespmem:$0x1F000] =	vst v63  }
0x654: {  	_ =	swait.ge [sflag:s29], $0x1000  }
0x655: {  	[sflag:s29] =	ssyncset.done $0x0  }
0x656: {  	[sflag:s29] =	ssyncadd.s32 $0xFFFFF000  }
0x657: {  	_ =	swait.ge [sflag:s14], $0x2000  }
0x658: {  	[sflag:s14] =	ssyncset.done $0x0  }
0x659: {  	s24 =	simm.s32 $0x1900;
	[sflag:s14] =	ssyncadd.s32 $0xFFFFE000  }
0x65a: {  	v0 =	vld [tilespmem:s24+$0xE0];
	_ =	sdelay $0x1  }
0x65b: {  	v2 =	vld [tilespmem:s24+$0xFFFFFF40]  }
0x65c: {  	v1 =	vld [tilespmem:s24+$0xFFFFFF20];
	_ =	sdelay $0x1  }
0x65d: {  	s7 =	simm.s32 $0x4A00;
	v4 =	vld [tilespmem:s24+$0xFFFFFF60];
	v3 =	vshll.u32 v0, $0x10  }
0x65e: {  	v0 =	vand.u32 $0xFFFF0000, v0;
	[tilespmem:s7+$0x1C0] =	vst v3  }
0x65f: {  	v5 =	vshll.u32 v2, $0x10;
	[tilespmem:s7+$0x1D0] =	vst v0  }
0x660: {  	v3 =	vshll.u32 v1, $0x10;
	[tilespmem:s7+$0xFFFFFE80] =	vst v5;
	v0 =	vld [tilespmem:s24+$0xF0]  }
0x661: {  	v1 =	vand.u32 $0xFFFF0000, v1;
	[tilespmem:s7+$0xFFFFFE40] =	vst v3;
	v3 =	vld [tilespmem:s24+$0xFFFFFF80]  }
0x662: {  	v5 =	vshll.u32 v4, $0x10;
	[tilespmem:s7+$0xFFFFFE50] =	vst v1  }
0x663: {  	v1 =	vand.u32 $0xFFFF0000, v2;
	v2 =	vld [tilespmem:s24+$0xFFFFFFA0];
	[tilespmem:s7+$0xFFFFFEC0] =	vst v5  }
0x664: {  	[tilespmem:s7+$0xFFFFFE90] =	vst v1;
	v1 =	vand.u32 $0xFFFF0000, v4  }
0x665: {  	v4 =	vld [tilespmem:s24+$0xFFFFFFC0];
	[tilespmem:s7+$0xFFFFFED0] =	vst v1;
	v1 =	vand.u32 $0xFFFF0000, v0  }
0x666: {  	v5 =	vshll.u32 v3, $0x10;
	[tilespmem:s7+$0x1F0] =	vst v1  }
0x667: {  	v6 =	vld [tilespmem:s24+$0xFFFFFF00];
	v3 =	vand.u32 $0xFFFF0000, v3;
	[tilespmem:s7+$0xFFFFFF00] =	vst v5  }
0x668: {  	v1 =	vld [tilespmem:s24+$0xFFFFFFE0];
	v5 =	vshll.u32 v2, $0x10;
	[tilespmem:s7+$0xFFFFFF10] =	vst v3  }
0x669: {  	v2 =	vand.u32 $0xFFFF0000, v2;
	[tilespmem:s7+$0xFFFFFF40] =	vst v5  }
0x66a: {  	v3 =	vshll.u32 v4, $0x10;
	[tilespmem:s7+$0xFFFFFF50] =	vst v2  }
0x66b: {  	v4 =	vand.u32 $0xFFFF0000, v4;
	v2 =	vld [tilespmem:s24+$0x0];
	[tilespmem:s7+$0xFFFFFF80] =	vst v3  }
0x66c: {  	[tilespmem:s7+$0xFFFFFF90] =	vst v4;
	v5 =	vshll.u32 v6, $0x10  }
0x66d: {  	v4 =	vld [tilespmem:s24+$0x20];
	[tilespmem:s7+$0xFFFFFE00] =	vst v5;
	v3 =	vshll.u32 v1, $0x10  }
0x66e: {  	v1 =	vand.u32 $0xFFFF0000, v1;
	[tilespmem:s7+$0xFFFFFFC0] =	vst v3  }
0x66f: {  	v5 =	vld [tilespmem:s24+$0x40];
	v3 =	vand.u32 $0xFFFF0000, v6;
	[tilespmem:s7+$0xFFFFFFD0] =	vst v1  }
0x670: {  	[tilespmem:s7+$0xFFFFFE10] =	vst v3;
	v3 =	vshll.u32 v2, $0x10  }
0x671: {  	v1 =	vld [tilespmem:s24+$0x60];
	v2 =	vand.u32 $0xFFFF0000, v2;
	[tilespmem:s7+$0x0] =	vst v3  }
0x672: {  	v3 =	vshll.u32 v4, $0x10;
	[tilespmem:s7+$0x10] =	vst v2  }
0x673: {  	v2 =	vld [tilespmem:s24+$0x80];
	v4 =	vand.u32 $0xFFFF0000, v4;
	[tilespmem:s7+$0x40] =	vst v3  }
0x674: {  	v3 =	vshll.u32 v5, $0x10;
	[tilespmem:s7+$0x50] =	vst v4  }
0x675: {  	v4 =	vld [tilespmem:s24+$0xA0];
	v5 =	vand.u32 $0xFFFF0000, v5;
	[tilespmem:s7+$0x80] =	vst v3  }
0x676: {  	[tilespmem:s7+$0x90] =	vst v5;
	v3 =	vshll.u32 v1, $0x10  }
0x677: {  	v5 =	vld [tilespmem:s24+$0xC0];
	v1 =	vand.u32 $0xFFFF0000, v1;
	[tilespmem:s7+$0xC0] =	vst v3  }
0x678: {  	[tilespmem:s7+$0xD0] =	vst v1;
	v3 =	vshll.u32 v2, $0x10  }
0x679: {  	v1 =	vand.u32 $0xFFFF0000, v2;
	v2 =	vld [tilespmem:s24+$0xFFFFFF10];
	[tilespmem:s7+$0x100] =	vst v3  }
0x67a: {  	v3 =	vshll.u32 v4, $0x10;
	[tilespmem:s7+$0x110] =	vst v1  }
0x67b: {  	v1 =	vld [tilespmem:s24+$0xFFFFFF30];
	v4 =	vand.u32 $0xFFFF0000, v4;
	[tilespmem:s7+$0x140] =	vst v3  }
0x67c: {  	v3 =	vshll.u32 v5, $0x10;
	[tilespmem:s7+$0x150] =	vst v4  }
0x67d: {  	v4 =	vld [tilespmem:s24+$0xFFFFFF50];
	v5 =	vand.u32 $0xFFFF0000, v5;
	[tilespmem:s7+$0x180] =	vst v3  }
0x67e: {  	[tilespmem:s7+$0x190] =	vst v5;
	v3 =	vshll.u32 v2, $0x10  }
0x67f: {  	v6 =	vld [tilespmem:s24+$0x90];
	v2 =	vand.u32 $0xFFFF0000, v2;
	[tilespmem:s7+$0xFFFFFE20] =	vst v3  }
0x680: {  	v5 =	vld [tilespmem:s24+$0xFFFFFF70];
	v3 =	vshll.u32 v1, $0x10;
	[tilespmem:s7+$0xFFFFFE30] =	vst v2  }
0x681: {  	v1 =	vand.u32 $0xFFFF0000, v1;
	[tilespmem:s7+$0xFFFFFE60] =	vst v3  }
0x682: {  	v2 =	vld [tilespmem:s24+$0xFFFFFF90];
	v3 =	vshll.u32 v4, $0x10;
	[tilespmem:s7+$0xFFFFFE70] =	vst v1  }
0x683: {  	v4 =	vand.u32 $0xFFFF0000, v4;
	[tilespmem:s7+$0xFFFFFEA0] =	vst v3  }
0x684: {  	v1 =	vld [tilespmem:s24+$0xFFFFFFB0];
	v9 =	vshll.u32 v6, $0x10;
	[tilespmem:s7+$0xFFFFFEB0] =	vst v4  }
0x685: {  	v3 =	vshll.u32 v5, $0x10;
	[tilespmem:s7+$0x120] =	vst v9  }
0x686: {  	v4 =	vld [tilespmem:s24+$0xFFFFFFD0];
	v5 =	vand.u32 $0xFFFF0000, v5;
	[tilespmem:s7+$0xFFFFFEE0] =	vst v3  }
0x687: {  	[tilespmem:s7+$0xFFFFFEF0] =	vst v5;
	v3 =	vshll.u32 v2, $0x10  }
0x688: {  	v5 =	vld [tilespmem:s24+$0xFFFFFFF0];
	v2 =	vand.u32 $0xFFFF0000, v2;
	[tilespmem:s7+$0xFFFFFF20] =	vst v3  }
0x689: {  	v3 =	vshll.u32 v1, $0x10;
	[tilespmem:s7+$0xFFFFFF30] =	vst v2  }
0x68a: {  	v1 =	vand.u32 $0xFFFF0000, v1;
	v2 =	vld [tilespmem:s24+$0x10];
	[tilespmem:s7+$0xFFFFFF60] =	vst v3  }
0x68b: {  	v3 =	vshll.u32 v4, $0x10;
	[tilespmem:s7+$0xFFFFFF70] =	vst v1  }
0x68c: {  	v1 =	vand.u32 $0xFFFF0000, v4;
	v4 =	vld [tilespmem:s24+$0x30];
	[tilespmem:s7+$0xFFFFFFA0] =	vst v3  }
0x68d: {  	v3 =	vshll.u32 v5, $0x10;
	[tilespmem:s7+$0xFFFFFFB0] =	vst v1  }
0x68e: {  	v1 =	vand.u32 $0xFFFF0000, v5;
	v5 =	vld [tilespmem:s24+$0x50];
	[tilespmem:s7+$0xFFFFFFE0] =	vst v3  }
0x68f: {  	v7 =	vld [tilespmem:s24+$0xB0];
	[tilespmem:s7+$0xFFFFFFF0] =	vst v1;
	v3 =	vshll.u32 v2, $0x10  }
0x690: {  	v1 =	vand.u32 $0xFFFF0000, v2;
	v2 =	vld [tilespmem:s24+$0x70];
	[tilespmem:s7+$0x20] =	vst v3  }
0x691: {  	v8 =	vld [tilespmem:s24+$0xD0];
	v3 =	vshll.u32 v4, $0x10;
	[tilespmem:s7+$0x30] =	vst v1  }
0x692: {  	v1 =	vand.u32 $0xFFFF0000, v4;
	[tilespmem:s7+$0x60] =	vst v3  }
0x693: {  	v3 =	vshll.u32 v5, $0x10;
	[tilespmem:s7+$0x70] =	vst v1  }
0x694: {  	v1 =	vand.u32 $0xFFFF0000, v5;
	[tilespmem:s7+$0xA0] =	vst v3  }
0x695: {  	v0 =	vshll.u32 v0, $0x10;
	[tilespmem:s7+$0xB0] =	vst v1;
	v3 =	vshll.u32 v2, $0x10  }
0x696: {  	v4 =	vshll.u32 v7, $0x10;
	v5 =	vshll.u32 v8, $0x10;
	v2 =	vand.u32 $0xFFFF0000, v2;
	[tilespmem:s7+$0xE0] =	vst v3  }
0x697: {  	s28 =	simm.s32 $0x1B00;
	s24 =	simm.s32 $0x0;
	v1 =	vand.u32 $0xFFFF0000, v6;
	[tilespmem:s7+$0xF0] =	vst v2;
	v2 =	vand.u32 $0xFFFF0000, v7;
	v3 =	vand.u32 $0xFFFF0000, v8  }
.LBB2_10:
0x698: {  	v6 =	vld [tilespmem:s28+$0xE0];
	[tilespmem:s7+$0x130] =	vst v1  }
0x699: {  	s24 =	sadd.s32 $0x10, s24;
	v1 =	vld [tilespmem:s28+$0xFFFFFF20];
	[tilespmem:s7+$0x160] =	vst v4  }
0x69a: {  	p1 =	slt.u32 s24, $0x70;
	v4 =	vld [tilespmem:s28+$0xFFFFFF40];
	[tilespmem:s7+$0x170] =	vst v2  }
0x69b: {  	v2 =	vld [tilespmem:s28+$0xFFFFFF60];
	[tilespmem:s7+$0x1A0] =	vst v5  }
0x69c: {  	v5 =	vld [tilespmem:s28+$0xFFFFFF80];
	[tilespmem:s7+$0x1B0] =	vst v3  }
0x69d: {  	v3 =	vld [tilespmem:s28+$0xFFFFFFA0];
	v7 =	vshll.u32 v6, $0x10;
	[tilespmem:s7+$0x1E0] =	vst v0;
	s7 =	sadd.s32 $0x400, s7  }
0x69e: {  	v6 =	vand.u32 $0xFFFF0000, v6;
	v0 =	vshll.u32 v1, $0x10;
	v1 =	vand.u32 $0xFFFF0000, v1;
	v8 =	vld [tilespmem:s28+$0xFFFFFFC0];
	[tilespmem:s7+$0x1C0] =	vst v7  }
0x69f: {  	v7 =	vshll.u32 v4, $0x10;
	v4 =	vand.u32 $0xFFFF0000, v4;
	v9 =	vld [tilespmem:s28+$0xFFFFFFE0];
	[tilespmem:s7+$0x1D0] =	vst v6  }
0x6a0: {  	[tilespmem:s7+$0xFFFFFE40] =	vst v0;
	v0 =	vshll.u32 v2, $0x10;
	v2 =	vand.u32 $0xFFFF0000, v2;
	v6 =	vld [tilespmem:s28+$0xF0]  }
0x6a1: {  	[tilespmem:s7+$0xFFFFFE50] =	vst v1;
	v1 =	vshll.u32 v5, $0x10;
	v5 =	vand.u32 $0xFFFF0000, v5;
	v10 =	vld [tilespmem:s28+$0x0]  }
0x6a2: {  	[tilespmem:s7+$0xFFFFFE80] =	vst v7;
	v7 =	vshll.u32 v3, $0x10;
	v3 =	vand.u32 $0xFFFF0000, v3;
	v11 =	vld [tilespmem:s28+$0x20]  }
0x6a3: {  	[tilespmem:s7+$0xFFFFFE90] =	vst v4;
	v4 =	vshll.u32 v8, $0x10;
	v8 =	vand.u32 $0xFFFF0000, v8;
	v12 =	vld [tilespmem:s28+$0x40]  }
0x6a4: {  	[tilespmem:s7+$0xFFFFFEC0] =	vst v0;
	v13 =	vshll.u32 v9, $0x10;
	v9 =	vand.u32 $0xFFFF0000, v9;
	v14 =	vld [tilespmem:s28+$0x60]  }
0x6a5: {  	[tilespmem:s7+$0xFFFFFED0] =	vst v2;
	v2 =	vld [tilespmem:s28+$0x80];
	v0 =	vshll.u32 v6, $0x10;
	v6 =	vand.u32 $0xFFFF0000, v6  }
0x6a6: {  	v15 =	vshll.u32 v10, $0x10;
	v10 =	vand.u32 $0xFFFF0000, v10;
	v16 =	vld [tilespmem:s28+$0xA0];
	[tilespmem:s7+$0x1F0] =	vst v6  }
0x6a7: {  	[tilespmem:s7+$0xFFFFFF00] =	vst v1;
	v1 =	vshll.u32 v11, $0x10;
	v6 =	vand.u32 $0xFFFF0000, v11;
	v11 =	vld [tilespmem:s28+$0xC0]  }
0x6a8: {  	v17 =	vld [tilespmem:s28+$0xFFFFFF00];
	[tilespmem:s7+$0xFFFFFF10] =	vst v5;
	v5 =	vshll.u32 v12, $0x10;
	v12 =	vand.u32 $0xFFFF0000, v12  }
0x6a9: {  	v18 =	vld [tilespmem:s28+$0xFFFFFF30];
	[tilespmem:s7+$0xFFFFFF40] =	vst v7;
	v7 =	vshll.u32 v14, $0x10;
	v14 =	vand.u32 $0xFFFF0000, v14  }
0x6aa: {  	v19 =	vld [tilespmem:s28+$0xFFFFFF50];
	[tilespmem:s7+$0xFFFFFF50] =	vst v3;
	v3 =	vshll.u32 v2, $0x10;
	v2 =	vand.u32 $0xFFFF0000, v2  }
0x6ab: {  	v20 =	vld [tilespmem:s28+$0xFFFFFF70];
	[tilespmem:s7+$0xFFFFFF80] =	vst v4;
	v4 =	vshll.u32 v16, $0x10;
	v16 =	vand.u32 $0xFFFF0000, v16  }
0x6ac: {  	v21 =	vld [tilespmem:s28+$0xFFFFFF90];
	[tilespmem:s7+$0xFFFFFF90] =	vst v8;
	v8 =	vshll.u32 v11, $0x10;
	v11 =	vand.u32 $0xFFFF0000, v11  }
0x6ad: {  	v22 =	vshll.u32 v17, $0x10;
	v17 =	vand.u32 $0xFFFF0000, v17;
	v23 =	vld [tilespmem:s28+$0xFFFFFFB0];
	[tilespmem:s7+$0xFFFFFFC0] =	vst v13  }
0x6ae: {  	[tilespmem:s7+$0xFFFFFE00] =	vst v22;
	v13 =	vshll.u32 v18, $0x10;
	v18 =	vand.u32 $0xFFFF0000, v18;
	v22 =	vld [tilespmem:s28+$0xFFFFFFD0]  }
0x6af: {  	[tilespmem:s7+$0xFFFFFE10] =	vst v17;
	v17 =	vshll.u32 v19, $0x10;
	v19 =	vand.u32 $0xFFFF0000, v19  }
0x6b0: {  	v24 =	vld [tilespmem:s28+$0xFFFFFF10];
	v25 =	vshll.u32 v20, $0x10;
	v20 =	vand.u32 $0xFFFF0000, v20;
	[tilespmem:s7+$0xFFFFFFD0] =	vst v9  }
0x6b1: {  	v9 =	vshll.u32 v21, $0x10;
	v21 =	vand.u32 $0xFFFF0000, v21;
	v26 =	vld [tilespmem:s28+$0xFFFFFFF0];
	[tilespmem:s7+$0x0] =	vst v15  }
0x6b2: {  	v15 =	vshll.u32 v23, $0x10;
	v23 =	vand.u32 $0xFFFF0000, v23;
	[tilespmem:s7+$0x10] =	vst v10  }
0x6b3: {  	v10 =	vshll.u32 v22, $0x10;
	v22 =	vand.u32 $0xFFFF0000, v22;
	v27 =	vld [tilespmem:s28+$0x10];
	[tilespmem:s7+$0x40] =	vst v1  }
0x6b4: {  	[tilespmem:s7+$0x50] =	vst v6  }
0x6b5: {  	v1 =	vshll.u32 v24, $0x10;
	v6 =	vand.u32 $0xFFFF0000, v24;
	v24 =	vld [tilespmem:s28+$0x30];
	[tilespmem:s7+$0x80] =	vst v5  }
0x6b6: {  	v28 =	vshll.u32 v26, $0x10;
	v26 =	vand.u32 $0xFFFF0000, v26;
	[tilespmem:s7+$0x90] =	vst v12  }
0x6b7: {  	v5 =	vld [tilespmem:s28+$0x50];
	[tilespmem:s7+$0xC0] =	vst v7  }
0x6b8: {  	v7 =	vshll.u32 v27, $0x10;
	v12 =	vand.u32 $0xFFFF0000, v27;
	[tilespmem:s7+$0xD0] =	vst v14  }
0x6b9: {  	v14 =	vld [tilespmem:s28+$0x70];
	[tilespmem:s7+$0x100] =	vst v3  }
0x6ba: {  	v27 =	vshll.u32 v24, $0x10;
	v24 =	vand.u32 $0xFFFF0000, v24;
	[tilespmem:s7+$0x110] =	vst v2  }
0x6bb: {  	v2 =	vld [tilespmem:s28+$0x90];
	[tilespmem:s7+$0x140] =	vst v4  }
0x6bc: {  	v29 =	vshll.u32 v5, $0x10;
	v30 =	vand.u32 $0xFFFF0000, v5;
	[tilespmem:s7+$0x150] =	vst v16  }
0x6bd: {  	v3 =	vld [tilespmem:s28+$0xB0];
	[tilespmem:s7+$0x180] =	vst v8  }
0x6be: {  	v8 =	vshll.u32 v14, $0x10;
	v14 =	vand.u32 $0xFFFF0000, v14;
	[tilespmem:s7+$0x190] =	vst v11  }
0x6bf: {  	[tilespmem:s7+$0xFFFFFE20] =	vst v1;
	v11 =	vld [tilespmem:s28+$0xD0]  }
0x6c0: {  	[tilespmem:s7+$0xFFFFFE30] =	vst v6;
	v6 =	vshll.u32 v2, $0x10;
	v1 =	vand.u32 $0xFFFF0000, v2  }
0x6c1: {  	[tilespmem:s7+$0xFFFFFE60] =	vst v13  }
0x6c2: {  	[tilespmem:s7+$0xFFFFFE70] =	vst v18;
	v4 =	vshll.u32 v3, $0x10;
	v2 =	vand.u32 $0xFFFF0000, v3  }
0x6c3: {  	[tilespmem:s7+$0xFFFFFEA0] =	vst v17  }
0x6c4: {  	[tilespmem:s7+$0xFFFFFEB0] =	vst v19;
	v5 =	vshll.u32 v11, $0x10;
	v3 =	vand.u32 $0xFFFF0000, v11  }
0x6c5: {  	[tilespmem:s7+$0xFFFFFEE0] =	vst v25  }
0x6c6: {  	[tilespmem:s7+$0xFFFFFEF0] =	vst v20  }
0x6c7: {  	[tilespmem:s7+$0xFFFFFF20] =	vst v9  }
0x6c8: {  	[tilespmem:s7+$0xFFFFFF30] =	vst v21  }
0x6c9: {  	[tilespmem:s7+$0xFFFFFF60] =	vst v15  }
0x6ca: {  	[tilespmem:s7+$0xFFFFFF70] =	vst v23  }
0x6cb: {  	[tilespmem:s7+$0xFFFFFFA0] =	vst v10  }
0x6cc: {  	[tilespmem:s7+$0xFFFFFFB0] =	vst v22  }
0x6cd: {  	[tilespmem:s7+$0xFFFFFFE0] =	vst v28  }
0x6ce: {  	[tilespmem:s7+$0xFFFFFFF0] =	vst v26  }
0x6cf: {  	[tilespmem:s7+$0x20] =	vst v7  }
0x6d0: {  	[tilespmem:s7+$0x30] =	vst v12  }
0x6d1: {  	[tilespmem:s7+$0x60] =	vst v27  }
0x6d2: {  	[tilespmem:s7+$0x70] =	vst v24  }
.Ltmp16:
0x6d3: {  	[tilespmem:s7+$0xA0] =	vst v29;
	(pc) =	sbr.rel @p1 .LBB2_10-.Ltmp16, $4  }
0x6d4: {  	[tilespmem:s7+$0xB0] =	vst v30  }
0x6d5: {  	[tilespmem:s7+$0xE0] =	vst v8  }
0x6d6: {  	[tilespmem:s7+$0xF0] =	vst v14  }
0x6d7: {  	s28 =	sadd.s32 $0x200, s28;
	[tilespmem:s7+$0x120] =	vst v6  }
0x6d8: {  	[tilespmem:s7+$0x130] =	vst v1  }
0x6d9: {  	[tilespmem:s7+$0x160] =	vst v4  }
0x6da: {  	[tilespmem:s7+$0x170] =	vst v2  }
0x6db: {  	[tilespmem:s7+$0x1A0] =	vst v5  }
0x6dc: {  	[tilespmem:s7+$0x1B0] =	vst v3  }
0x6dd: {  	[tilespmem:s7+$0x1E0] =	vst v0  }
0x6de: {  	[spmem:s1] =	stream.indirect.scatter.add.f32 [tilespmem:s31], [sflag:$0x4], $0x40, s11, s22, $0xb8;
	[tilespmem:$0x1F000] =	vst v63  }
0x6df: {  	_ = 	snop  }
0x6e0: {  	[tilespmem:s25], [sflag:$0x2] =	stream.indirect.gather [hbm4b:s3+s22], $0x20, s9, s22, $0xb8;
	[tilespmem:$0x1F000] =	vst v63  }
0x6e1: {  	_ =	swait.ge [sflag:s18], $0x1000  }
0x6e2: {  	[sflag:s18] =	ssyncset.done $0x0  }
0x6e3: {  	[sflag:s18] =	ssyncadd.s32 $0xFFFFF000  }
0x6e4: {  	_ =	swait.ge [sflag:s4], $0x2000  }
0x6e5: {  	[sflag:s4] =	ssyncset.done $0x0  }
0x6e6: {  	s24 =	simm.s32 $0x900;
	[sflag:s4] =	ssyncadd.s32 $0xFFFFE000  }
0x6e7: {  	v0 =	vld [tilespmem:s24+$0xE0];
	_ =	sdelay $0x1  }
0x6e8: {  	v2 =	vld [tilespmem:s24+$0xFFFFFF40]  }
0x6e9: {  	v1 =	vld [tilespmem:s24+$0xFFFFFF20];
	_ =	sdelay $0x1  }
0x6ea: {  	s7 =	simm.s32 $0x2A00;
	v4 =	vld [tilespmem:s24+$0xFFFFFF60];
	v3 =	vshll.u32 v0, $0x10  }
0x6eb: {  	v0 =	vand.u32 $0xFFFF0000, v0;
	[tilespmem:s7+$0x1C0] =	vst v3  }
0x6ec: {  	v5 =	vshll.u32 v2, $0x10;
	[tilespmem:s7+$0x1D0] =	vst v0  }
0x6ed: {  	v3 =	vshll.u32 v1, $0x10;
	[tilespmem:s7+$0xFFFFFE80] =	vst v5;
	v0 =	vld [tilespmem:s24+$0xF0]  }
0x6ee: {  	v1 =	vand.u32 $0xFFFF0000, v1;
	[tilespmem:s7+$0xFFFFFE40] =	vst v3;
	v3 =	vld [tilespmem:s24+$0xFFFFFF80]  }
0x6ef: {  	v5 =	vshll.u32 v4, $0x10;
	[tilespmem:s7+$0xFFFFFE50] =	vst v1  }
0x6f0: {  	v1 =	vand.u32 $0xFFFF0000, v2;
	v2 =	vld [tilespmem:s24+$0xFFFFFFA0];
	[tilespmem:s7+$0xFFFFFEC0] =	vst v5  }
0x6f1: {  	[tilespmem:s7+$0xFFFFFE90] =	vst v1;
	v1 =	vand.u32 $0xFFFF0000, v4  }
0x6f2: {  	v4 =	vld [tilespmem:s24+$0xFFFFFFC0];
	[tilespmem:s7+$0xFFFFFED0] =	vst v1;
	v1 =	vand.u32 $0xFFFF0000, v0  }
0x6f3: {  	v5 =	vshll.u32 v3, $0x10;
	[tilespmem:s7+$0x1F0] =	vst v1  }
0x6f4: {  	v6 =	vld [tilespmem:s24+$0xFFFFFF00];
	v3 =	vand.u32 $0xFFFF0000, v3;
	[tilespmem:s7+$0xFFFFFF00] =	vst v5  }
0x6f5: {  	v1 =	vld [tilespmem:s24+$0xFFFFFFE0];
	v5 =	vshll.u32 v2, $0x10;
	[tilespmem:s7+$0xFFFFFF10] =	vst v3  }
0x6f6: {  	v2 =	vand.u32 $0xFFFF0000, v2;
	[tilespmem:s7+$0xFFFFFF40] =	vst v5  }
0x6f7: {  	v3 =	vshll.u32 v4, $0x10;
	[tilespmem:s7+$0xFFFFFF50] =	vst v2  }
0x6f8: {  	v4 =	vand.u32 $0xFFFF0000, v4;
	v2 =	vld [tilespmem:s24+$0x0];
	[tilespmem:s7+$0xFFFFFF80] =	vst v3  }
0x6f9: {  	[tilespmem:s7+$0xFFFFFF90] =	vst v4;
	v5 =	vshll.u32 v6, $0x10  }
0x6fa: {  	v4 =	vld [tilespmem:s24+$0x20];
	[tilespmem:s7+$0xFFFFFE00] =	vst v5;
	v3 =	vshll.u32 v1, $0x10  }
0x6fb: {  	v1 =	vand.u32 $0xFFFF0000, v1;
	[tilespmem:s7+$0xFFFFFFC0] =	vst v3  }
0x6fc: {  	v5 =	vld [tilespmem:s24+$0x40];
	v3 =	vand.u32 $0xFFFF0000, v6;
	[tilespmem:s7+$0xFFFFFFD0] =	vst v1  }
0x6fd: {  	[tilespmem:s7+$0xFFFFFE10] =	vst v3;
	v3 =	vshll.u32 v2, $0x10  }
0x6fe: {  	v1 =	vld [tilespmem:s24+$0x60];
	v2 =	vand.u32 $0xFFFF0000, v2;
	[tilespmem:s7+$0x0] =	vst v3  }
0x6ff: {  	v3 =	vshll.u32 v4, $0x10;
	[tilespmem:s7+$0x10] =	vst v2  }
0x700: {  	v2 =	vld [tilespmem:s24+$0x80];
	v4 =	vand.u32 $0xFFFF0000, v4;
	[tilespmem:s7+$0x40] =	vst v3  }
0x701: {  	v3 =	vshll.u32 v5, $0x10;
	[tilespmem:s7+$0x50] =	vst v4  }
0x702: {  	v4 =	vld [tilespmem:s24+$0xA0];
	v5 =	vand.u32 $0xFFFF0000, v5;
	[tilespmem:s7+$0x80] =	vst v3  }
0x703: {  	[tilespmem:s7+$0x90] =	vst v5;
	v3 =	vshll.u32 v1, $0x10  }
0x704: {  	v5 =	vld [tilespmem:s24+$0xC0];
	v1 =	vand.u32 $0xFFFF0000, v1;
	[tilespmem:s7+$0xC0] =	vst v3  }
0x705: {  	[tilespmem:s7+$0xD0] =	vst v1;
	v3 =	vshll.u32 v2, $0x10  }
0x706: {  	v1 =	vand.u32 $0xFFFF0000, v2;
	v2 =	vld [tilespmem:s24+$0xFFFFFF10];
	[tilespmem:s7+$0x100] =	vst v3  }
0x707: {  	v3 =	vshll.u32 v4, $0x10;
	[tilespmem:s7+$0x110] =	vst v1  }
0x708: {  	v1 =	vld [tilespmem:s24+$0xFFFFFF30];
	v4 =	vand.u32 $0xFFFF0000, v4;
	[tilespmem:s7+$0x140] =	vst v3  }
0x709: {  	v3 =	vshll.u32 v5, $0x10;
	[tilespmem:s7+$0x150] =	vst v4  }
0x70a: {  	v4 =	vld [tilespmem:s24+$0xFFFFFF50];
	v5 =	vand.u32 $0xFFFF0000, v5;
	[tilespmem:s7+$0x180] =	vst v3  }
0x70b: {  	[tilespmem:s7+$0x190] =	vst v5;
	v3 =	vshll.u32 v2, $0x10  }
0x70c: {  	v6 =	vld [tilespmem:s24+$0x90];
	v2 =	vand.u32 $0xFFFF0000, v2;
	[tilespmem:s7+$0xFFFFFE20] =	vst v3  }
0x70d: {  	v5 =	vld [tilespmem:s24+$0xFFFFFF70];
	v3 =	vshll.u32 v1, $0x10;
	[tilespmem:s7+$0xFFFFFE30] =	vst v2  }
0x70e: {  	v1 =	vand.u32 $0xFFFF0000, v1;
	[tilespmem:s7+$0xFFFFFE60] =	vst v3  }
0x70f: {  	v2 =	vld [tilespmem:s24+$0xFFFFFF90];
	v3 =	vshll.u32 v4, $0x10;
	[tilespmem:s7+$0xFFFFFE70] =	vst v1  }
0x710: {  	v4 =	vand.u32 $0xFFFF0000, v4;
	[tilespmem:s7+$0xFFFFFEA0] =	vst v3  }
0x711: {  	v1 =	vld [tilespmem:s24+$0xFFFFFFB0];
	v9 =	vshll.u32 v6, $0x10;
	[tilespmem:s7+$0xFFFFFEB0] =	vst v4  }
0x712: {  	v3 =	vshll.u32 v5, $0x10;
	[tilespmem:s7+$0x120] =	vst v9  }
0x713: {  	v4 =	vld [tilespmem:s24+$0xFFFFFFD0];
	v5 =	vand.u32 $0xFFFF0000, v5;
	[tilespmem:s7+$0xFFFFFEE0] =	vst v3  }
0x714: {  	[tilespmem:s7+$0xFFFFFEF0] =	vst v5;
	v3 =	vshll.u32 v2, $0x10  }
0x715: {  	v5 =	vld [tilespmem:s24+$0xFFFFFFF0];
	v2 =	vand.u32 $0xFFFF0000, v2;
	[tilespmem:s7+$0xFFFFFF20] =	vst v3  }
0x716: {  	v3 =	vshll.u32 v1, $0x10;
	[tilespmem:s7+$0xFFFFFF30] =	vst v2  }
0x717: {  	v1 =	vand.u32 $0xFFFF0000, v1;
	v2 =	vld [tilespmem:s24+$0x10];
	[tilespmem:s7+$0xFFFFFF60] =	vst v3  }
0x718: {  	v3 =	vshll.u32 v4, $0x10;
	[tilespmem:s7+$0xFFFFFF70] =	vst v1  }
0x719: {  	v1 =	vand.u32 $0xFFFF0000, v4;
	v4 =	vld [tilespmem:s24+$0x30];
	[tilespmem:s7+$0xFFFFFFA0] =	vst v3  }
0x71a: {  	v3 =	vshll.u32 v5, $0x10;
	[tilespmem:s7+$0xFFFFFFB0] =	vst v1  }
0x71b: {  	v1 =	vand.u32 $0xFFFF0000, v5;
	v5 =	vld [tilespmem:s24+$0x50];
	[tilespmem:s7+$0xFFFFFFE0] =	vst v3  }
0x71c: {  	v7 =	vld [tilespmem:s24+$0xB0];
	[tilespmem:s7+$0xFFFFFFF0] =	vst v1;
	v3 =	vshll.u32 v2, $0x10  }
0x71d: {  	v1 =	vand.u32 $0xFFFF0000, v2;
	v2 =	vld [tilespmem:s24+$0x70];
	[tilespmem:s7+$0x20] =	vst v3  }
0x71e: {  	v8 =	vld [tilespmem:s24+$0xD0];
	v3 =	vshll.u32 v4, $0x10;
	[tilespmem:s7+$0x30] =	vst v1  }
0x71f: {  	v1 =	vand.u32 $0xFFFF0000, v4;
	[tilespmem:s7+$0x60] =	vst v3  }
0x720: {  	v3 =	vshll.u32 v5, $0x10;
	[tilespmem:s7+$0x70] =	vst v1  }
0x721: {  	v1 =	vand.u32 $0xFFFF0000, v5;
	[tilespmem:s7+$0xA0] =	vst v3  }
0x722: {  	v0 =	vshll.u32 v0, $0x10;
	[tilespmem:s7+$0xB0] =	vst v1;
	v3 =	vshll.u32 v2, $0x10  }
0x723: {  	v4 =	vshll.u32 v7, $0x10;
	v5 =	vshll.u32 v8, $0x10;
	v2 =	vand.u32 $0xFFFF0000, v2;
	[tilespmem:s7+$0xE0] =	vst v3  }
0x724: {  	s28 =	simm.s32 $0xB00;
	s24 =	simm.s32 $0x0;
	v1 =	vand.u32 $0xFFFF0000, v6;
	[tilespmem:s7+$0xF0] =	vst v2;
	v2 =	vand.u32 $0xFFFF0000, v7;
	v3 =	vand.u32 $0xFFFF0000, v8  }
.LBB2_12:
0x725: {  	v6 =	vld [tilespmem:s28+$0xE0];
	[tilespmem:s7+$0x130] =	vst v1  }
0x726: {  	s24 =	sadd.s32 $0x10, s24;
	v1 =	vld [tilespmem:s28+$0xFFFFFF20];
	[tilespmem:s7+$0x160] =	vst v4  }
0x727: {  	p1 =	slt.u32 s24, $0x70;
	v4 =	vld [tilespmem:s28+$0xFFFFFF40];
	[tilespmem:s7+$0x170] =	vst v2  }
0x728: {  	v2 =	vld [tilespmem:s28+$0xFFFFFF60];
	[tilespmem:s7+$0x1A0] =	vst v5  }
0x729: {  	v5 =	vld [tilespmem:s28+$0xFFFFFF80];
	[tilespmem:s7+$0x1B0] =	vst v3  }
0x72a: {  	v3 =	vld [tilespmem:s28+$0xFFFFFFA0];
	v7 =	vshll.u32 v6, $0x10;
	[tilespmem:s7+$0x1E0] =	vst v0;
	s7 =	sadd.s32 $0x400, s7  }
0x72b: {  	v6 =	vand.u32 $0xFFFF0000, v6;
	v0 =	vshll.u32 v1, $0x10;
	v1 =	vand.u32 $0xFFFF0000, v1;
	v8 =	vld [tilespmem:s28+$0xFFFFFFC0];
	[tilespmem:s7+$0x1C0] =	vst v7  }
0x72c: {  	v7 =	vshll.u32 v4, $0x10;
	v4 =	vand.u32 $0xFFFF0000, v4;
	v9 =	vld [tilespmem:s28+$0xFFFFFFE0];
	[tilespmem:s7+$0x1D0] =	vst v6  }
0x72d: {  	[tilespmem:s7+$0xFFFFFE40] =	vst v0;
	v0 =	vshll.u32 v2, $0x10;
	v2 =	vand.u32 $0xFFFF0000, v2;
	v6 =	vld [tilespmem:s28+$0xF0]  }
0x72e: {  	[tilespmem:s7+$0xFFFFFE50] =	vst v1;
	v1 =	vshll.u32 v5, $0x10;
	v5 =	vand.u32 $0xFFFF0000, v5;
	v10 =	vld [tilespmem:s28+$0x0]  }
0x72f: {  	[tilespmem:s7+$0xFFFFFE80] =	vst v7;
	v7 =	vshll.u32 v3, $0x10;
	v3 =	vand.u32 $0xFFFF0000, v3;
	v11 =	vld [tilespmem:s28+$0x20]  }
0x730: {  	[tilespmem:s7+$0xFFFFFE90] =	vst v4;
	v4 =	vshll.u32 v8, $0x10;
	v8 =	vand.u32 $0xFFFF0000, v8;
	v12 =	vld [tilespmem:s28+$0x40]  }
0x731: {  	[tilespmem:s7+$0xFFFFFEC0] =	vst v0;
	v13 =	vshll.u32 v9, $0x10;
	v9 =	vand.u32 $0xFFFF0000, v9;
	v14 =	vld [tilespmem:s28+$0x60]  }
0x732: {  	[tilespmem:s7+$0xFFFFFED0] =	vst v2;
	v2 =	vld [tilespmem:s28+$0x80];
	v0 =	vshll.u32 v6, $0x10;
	v6 =	vand.u32 $0xFFFF0000, v6  }
0x733: {  	v15 =	vshll.u32 v10, $0x10;
	v10 =	vand.u32 $0xFFFF0000, v10;
	v16 =	vld [tilespmem:s28+$0xA0];
	[tilespmem:s7+$0x1F0] =	vst v6  }
0x734: {  	[tilespmem:s7+$0xFFFFFF00] =	vst v1;
	v1 =	vshll.u32 v11, $0x10;
	v6 =	vand.u32 $0xFFFF0000, v11;
	v11 =	vld [tilespmem:s28+$0xC0]  }
0x735: {  	v17 =	vld [tilespmem:s28+$0xFFFFFF00];
	[tilespmem:s7+$0xFFFFFF10] =	vst v5;
	v5 =	vshll.u32 v12, $0x10;
	v12 =	vand.u32 $0xFFFF0000, v12  }
0x736: {  	v18 =	vld [tilespmem:s28+$0xFFFFFF30];
	[tilespmem:s7+$0xFFFFFF40] =	vst v7;
	v7 =	vshll.u32 v14, $0x10;
	v14 =	vand.u32 $0xFFFF0000, v14  }
0x737: {  	v19 =	vld [tilespmem:s28+$0xFFFFFF50];
	[tilespmem:s7+$0xFFFFFF50] =	vst v3;
	v3 =	vshll.u32 v2, $0x10;
	v2 =	vand.u32 $0xFFFF0000, v2  }
0x738: {  	v20 =	vld [tilespmem:s28+$0xFFFFFF70];
	[tilespmem:s7+$0xFFFFFF80] =	vst v4;
	v4 =	vshll.u32 v16, $0x10;
	v16 =	vand.u32 $0xFFFF0000, v16  }
0x739: {  	v21 =	vld [tilespmem:s28+$0xFFFFFF90];
	[tilespmem:s7+$0xFFFFFF90] =	vst v8;
	v8 =	vshll.u32 v11, $0x10;
	v11 =	vand.u32 $0xFFFF0000, v11  }
0x73a: {  	v22 =	vshll.u32 v17, $0x10;
	v17 =	vand.u32 $0xFFFF0000, v17;
	v23 =	vld [tilespmem:s28+$0xFFFFFFB0];
	[tilespmem:s7+$0xFFFFFFC0] =	vst v13  }
0x73b: {  	[tilespmem:s7+$0xFFFFFE00] =	vst v22;
	v13 =	vshll.u32 v18, $0x10;
	v18 =	vand.u32 $0xFFFF0000, v18;
	v22 =	vld [tilespmem:s28+$0xFFFFFFD0]  }
0x73c: {  	[tilespmem:s7+$0xFFFFFE10] =	vst v17;
	v17 =	vshll.u32 v19, $0x10;
	v19 =	vand.u32 $0xFFFF0000, v19  }
0x73d: {  	v24 =	vld [tilespmem:s28+$0xFFFFFF10];
	v25 =	vshll.u32 v20, $0x10;
	v20 =	vand.u32 $0xFFFF0000, v20;
	[tilespmem:s7+$0xFFFFFFD0] =	vst v9  }
0x73e: {  	v9 =	vshll.u32 v21, $0x10;
	v21 =	vand.u32 $0xFFFF0000, v21;
	v26 =	vld [tilespmem:s28+$0xFFFFFFF0];
	[tilespmem:s7+$0x0] =	vst v15  }
0x73f: {  	v15 =	vshll.u32 v23, $0x10;
	v23 =	vand.u32 $0xFFFF0000, v23;
	[tilespmem:s7+$0x10] =	vst v10  }
0x740: {  	v10 =	vshll.u32 v22, $0x10;
	v22 =	vand.u32 $0xFFFF0000, v22;
	v27 =	vld [tilespmem:s28+$0x10];
	[tilespmem:s7+$0x40] =	vst v1  }
0x741: {  	[tilespmem:s7+$0x50] =	vst v6  }
0x742: {  	v1 =	vshll.u32 v24, $0x10;
	v6 =	vand.u32 $0xFFFF0000, v24;
	v24 =	vld [tilespmem:s28+$0x30];
	[tilespmem:s7+$0x80] =	vst v5  }
0x743: {  	v28 =	vshll.u32 v26, $0x10;
	v26 =	vand.u32 $0xFFFF0000, v26;
	[tilespmem:s7+$0x90] =	vst v12  }
0x744: {  	v5 =	vld [tilespmem:s28+$0x50];
	[tilespmem:s7+$0xC0] =	vst v7  }
0x745: {  	v7 =	vshll.u32 v27, $0x10;
	v12 =	vand.u32 $0xFFFF0000, v27;
	[tilespmem:s7+$0xD0] =	vst v14  }
0x746: {  	v14 =	vld [tilespmem:s28+$0x70];
	[tilespmem:s7+$0x100] =	vst v3  }
0x747: {  	v27 =	vshll.u32 v24, $0x10;
	v24 =	vand.u32 $0xFFFF0000, v24;
	[tilespmem:s7+$0x110] =	vst v2  }
0x748: {  	v2 =	vld [tilespmem:s28+$0x90];
	[tilespmem:s7+$0x140] =	vst v4  }
0x749: {  	v29 =	vshll.u32 v5, $0x10;
	v30 =	vand.u32 $0xFFFF0000, v5;
	[tilespmem:s7+$0x150] =	vst v16  }
0x74a: {  	v3 =	vld [tilespmem:s28+$0xB0];
	[tilespmem:s7+$0x180] =	vst v8  }
0x74b: {  	v8 =	vshll.u32 v14, $0x10;
	v14 =	vand.u32 $0xFFFF0000, v14;
	[tilespmem:s7+$0x190] =	vst v11  }
0x74c: {  	[tilespmem:s7+$0xFFFFFE20] =	vst v1;
	v11 =	vld [tilespmem:s28+$0xD0]  }
0x74d: {  	[tilespmem:s7+$0xFFFFFE30] =	vst v6;
	v6 =	vshll.u32 v2, $0x10;
	v1 =	vand.u32 $0xFFFF0000, v2  }
0x74e: {  	[tilespmem:s7+$0xFFFFFE60] =	vst v13  }
0x74f: {  	[tilespmem:s7+$0xFFFFFE70] =	vst v18;
	v4 =	vshll.u32 v3, $0x10;
	v2 =	vand.u32 $0xFFFF0000, v3  }
0x750: {  	[tilespmem:s7+$0xFFFFFEA0] =	vst v17  }
0x751: {  	[tilespmem:s7+$0xFFFFFEB0] =	vst v19;
	v5 =	vshll.u32 v11, $0x10;
	v3 =	vand.u32 $0xFFFF0000, v11  }
0x752: {  	[tilespmem:s7+$0xFFFFFEE0] =	vst v25  }
0x753: {  	[tilespmem:s7+$0xFFFFFEF0] =	vst v20  }
0x754: {  	[tilespmem:s7+$0xFFFFFF20] =	vst v9  }
0x755: {  	[tilespmem:s7+$0xFFFFFF30] =	vst v21  }
0x756: {  	[tilespmem:s7+$0xFFFFFF60] =	vst v15  }
0x757: {  	[tilespmem:s7+$0xFFFFFF70] =	vst v23  }
0x758: {  	[tilespmem:s7+$0xFFFFFFA0] =	vst v10  }
0x759: {  	[tilespmem:s7+$0xFFFFFFB0] =	vst v22  }
0x75a: {  	[tilespmem:s7+$0xFFFFFFE0] =	vst v28  }
0x75b: {  	[tilespmem:s7+$0xFFFFFFF0] =	vst v26  }
0x75c: {  	[tilespmem:s7+$0x20] =	vst v7  }
0x75d: {  	[tilespmem:s7+$0x30] =	vst v12  }
0x75e: {  	[tilespmem:s7+$0x60] =	vst v27  }
0x75f: {  	[tilespmem:s7+$0x70] =	vst v24  }
.Ltmp17:
0x760: {  	[tilespmem:s7+$0xA0] =	vst v29;
	(pc) =	sbr.rel @p1 .LBB2_12-.Ltmp17, $4  }
0x761: {  	[tilespmem:s7+$0xB0] =	vst v30  }
0x762: {  	[tilespmem:s7+$0xE0] =	vst v8  }
0x763: {  	[tilespmem:s7+$0xF0] =	vst v14  }
0x764: {  	s28 =	sadd.s32 $0x200, s28;
	[tilespmem:s7+$0x120] =	vst v6  }
0x765: {  	[tilespmem:s7+$0x130] =	vst v1  }
0x766: {  	[tilespmem:s7+$0x160] =	vst v4  }
0x767: {  	[tilespmem:s7+$0x170] =	vst v2  }
0x768: {  	[tilespmem:s7+$0x1A0] =	vst v5  }
0x769: {  	[tilespmem:s7+$0x1B0] =	vst v3  }
0x76a: {  	[tilespmem:s7+$0x1E0] =	vst v0  }
0x76b: {  	[spmem:s1] =	stream.indirect.scatter.add.f32 [tilespmem:s26], [sflag:$0x3], $0x40, s19, s22, $0xb8;
	[tilespmem:$0x1F000] =	vst v63  }
0x76c: {  	_ = 	snop  }
0x76d: {  	[tilespmem:s23], [sflag:$0x1] =	stream.indirect.gather [hbm4b:s3+s22], $0x20, s20, s22, $0xb8;
	[tilespmem:$0x1F000] =	vst v63  }
0x76e: {  	_ =	swait.ge [sflag:s29], $0x1000  }
0x76f: {  	[sflag:s29] =	ssyncset.done $0x0  }
0x770: {  	[sflag:s29] =	ssyncadd.s32 $0xFFFFF000  }
0x771: {  	_ =	swait.ge [sflag:s14], $0x2000  }
0x772: {  	[sflag:s14] =	ssyncset.done $0x0  }
0x773: {  	s24 =	simm.s32 $0x1900;
	[sflag:s14] =	ssyncadd.s32 $0xFFFFE000  }
0x774: {  	v0 =	vld [tilespmem:s24+$0xE0];
	_ =	sdelay $0x1  }
0x775: {  	v2 =	vld [tilespmem:s24+$0xFFFFFF40]  }
0x776: {  	v1 =	vld [tilespmem:s24+$0xFFFFFF20];
	_ =	sdelay $0x1  }
0x777: {  	s7 =	simm.s32 $0x4A00;
	v4 =	vld [tilespmem:s24+$0xFFFFFF60];
	v3 =	vshll.u32 v0, $0x10  }
0x778: {  	v0 =	vand.u32 $0xFFFF0000, v0;
	[tilespmem:s7+$0x1C0] =	vst v3  }
0x779: {  	v5 =	vshll.u32 v2, $0x10;
	[tilespmem:s7+$0x1D0] =	vst v0  }
0x77a: {  	v3 =	vshll.u32 v1, $0x10;
	[tilespmem:s7+$0xFFFFFE80] =	vst v5;
	v0 =	vld [tilespmem:s24+$0xF0]  }
0x77b: {  	v1 =	vand.u32 $0xFFFF0000, v1;
	[tilespmem:s7+$0xFFFFFE40] =	vst v3;
	v3 =	vld [tilespmem:s24+$0xFFFFFF80]  }
0x77c: {  	v5 =	vshll.u32 v4, $0x10;
	[tilespmem:s7+$0xFFFFFE50] =	vst v1  }
0x77d: {  	v1 =	vand.u32 $0xFFFF0000, v2;
	v2 =	vld [tilespmem:s24+$0xFFFFFFA0];
	[tilespmem:s7+$0xFFFFFEC0] =	vst v5  }
0x77e: {  	[tilespmem:s7+$0xFFFFFE90] =	vst v1;
	v1 =	vand.u32 $0xFFFF0000, v4  }
0x77f: {  	v4 =	vld [tilespmem:s24+$0xFFFFFFC0];
	[tilespmem:s7+$0xFFFFFED0] =	vst v1;
	v1 =	vand.u32 $0xFFFF0000, v0  }
0x780: {  	v5 =	vshll.u32 v3, $0x10;
	[tilespmem:s7+$0x1F0] =	vst v1  }
0x781: {  	v6 =	vld [tilespmem:s24+$0xFFFFFF00];
	v3 =	vand.u32 $0xFFFF0000, v3;
	[tilespmem:s7+$0xFFFFFF00] =	vst v5  }
0x782: {  	v1 =	vld [tilespmem:s24+$0xFFFFFFE0];
	v5 =	vshll.u32 v2, $0x10;
	[tilespmem:s7+$0xFFFFFF10] =	vst v3  }
0x783: {  	v2 =	vand.u32 $0xFFFF0000, v2;
	[tilespmem:s7+$0xFFFFFF40] =	vst v5  }
0x784: {  	v3 =	vshll.u32 v4, $0x10;
	[tilespmem:s7+$0xFFFFFF50] =	vst v2  }
0x785: {  	v4 =	vand.u32 $0xFFFF0000, v4;
	v2 =	vld [tilespmem:s24+$0x0];
	[tilespmem:s7+$0xFFFFFF80] =	vst v3  }
0x786: {  	[tilespmem:s7+$0xFFFFFF90] =	vst v4;
	v5 =	vshll.u32 v6, $0x10  }
0x787: {  	v4 =	vld [tilespmem:s24+$0x20];
	[tilespmem:s7+$0xFFFFFE00] =	vst v5;
	v3 =	vshll.u32 v1, $0x10  }
0x788: {  	v1 =	vand.u32 $0xFFFF0000, v1;
	[tilespmem:s7+$0xFFFFFFC0] =	vst v3  }
0x789: {  	v5 =	vld [tilespmem:s24+$0x40];
	v3 =	vand.u32 $0xFFFF0000, v6;
	[tilespmem:s7+$0xFFFFFFD0] =	vst v1  }
0x78a: {  	[tilespmem:s7+$0xFFFFFE10] =	vst v3;
	v3 =	vshll.u32 v2, $0x10  }
0x78b: {  	v1 =	vld [tilespmem:s24+$0x60];
	v2 =	vand.u32 $0xFFFF0000, v2;
	[tilespmem:s7+$0x0] =	vst v3  }
0x78c: {  	v3 =	vshll.u32 v4, $0x10;
	[tilespmem:s7+$0x10] =	vst v2  }
0x78d: {  	v2 =	vld [tilespmem:s24+$0x80];
	v4 =	vand.u32 $0xFFFF0000, v4;
	[tilespmem:s7+$0x40] =	vst v3  }
0x78e: {  	v3 =	vshll.u32 v5, $0x10;
	[tilespmem:s7+$0x50] =	vst v4  }
0x78f: {  	v4 =	vld [tilespmem:s24+$0xA0];
	v5 =	vand.u32 $0xFFFF0000, v5;
	[tilespmem:s7+$0x80] =	vst v3  }
0x790: {  	[tilespmem:s7+$0x90] =	vst v5;
	v3 =	vshll.u32 v1, $0x10  }
0x791: {  	v5 =	vld [tilespmem:s24+$0xC0];
	v1 =	vand.u32 $0xFFFF0000, v1;
	[tilespmem:s7+$0xC0] =	vst v3  }
0x792: {  	[tilespmem:s7+$0xD0] =	vst v1;
	v3 =	vshll.u32 v2, $0x10  }
0x793: {  	v1 =	vand.u32 $0xFFFF0000, v2;
	v2 =	vld [tilespmem:s24+$0xFFFFFF10];
	[tilespmem:s7+$0x100] =	vst v3  }
0x794: {  	v3 =	vshll.u32 v4, $0x10;
	[tilespmem:s7+$0x110] =	vst v1  }
0x795: {  	v1 =	vld [tilespmem:s24+$0xFFFFFF30];
	v4 =	vand.u32 $0xFFFF0000, v4;
	[tilespmem:s7+$0x140] =	vst v3  }
0x796: {  	v3 =	vshll.u32 v5, $0x10;
	[tilespmem:s7+$0x150] =	vst v4  }
0x797: {  	v4 =	vld [tilespmem:s24+$0xFFFFFF50];
	v5 =	vand.u32 $0xFFFF0000, v5;
	[tilespmem:s7+$0x180] =	vst v3  }
0x798: {  	[tilespmem:s7+$0x190] =	vst v5;
	v3 =	vshll.u32 v2, $0x10  }
0x799: {  	v6 =	vld [tilespmem:s24+$0x90];
	v2 =	vand.u32 $0xFFFF0000, v2;
	[tilespmem:s7+$0xFFFFFE20] =	vst v3  }
0x79a: {  	v5 =	vld [tilespmem:s24+$0xFFFFFF70];
	v3 =	vshll.u32 v1, $0x10;
	[tilespmem:s7+$0xFFFFFE30] =	vst v2  }
0x79b: {  	v1 =	vand.u32 $0xFFFF0000, v1;
	[tilespmem:s7+$0xFFFFFE60] =	vst v3  }
0x79c: {  	v2 =	vld [tilespmem:s24+$0xFFFFFF90];
	v3 =	vshll.u32 v4, $0x10;
	[tilespmem:s7+$0xFFFFFE70] =	vst v1  }
0x79d: {  	v4 =	vand.u32 $0xFFFF0000, v4;
	[tilespmem:s7+$0xFFFFFEA0] =	vst v3  }
0x79e: {  	v1 =	vld [tilespmem:s24+$0xFFFFFFB0];
	v9 =	vshll.u32 v6, $0x10;
	[tilespmem:s7+$0xFFFFFEB0] =	vst v4  }
0x79f: {  	v3 =	vshll.u32 v5, $0x10;
	[tilespmem:s7+$0x120] =	vst v9  }
0x7a0: {  	v4 =	vld [tilespmem:s24+$0xFFFFFFD0];
	v5 =	vand.u32 $0xFFFF0000, v5;
	[tilespmem:s7+$0xFFFFFEE0] =	vst v3  }
0x7a1: {  	[tilespmem:s7+$0xFFFFFEF0] =	vst v5;
	v3 =	vshll.u32 v2, $0x10  }
0x7a2: {  	v5 =	vld [tilespmem:s24+$0xFFFFFFF0];
	v2 =	vand.u32 $0xFFFF0000, v2;
	[tilespmem:s7+$0xFFFFFF20] =	vst v3  }
0x7a3: {  	v3 =	vshll.u32 v1, $0x10;
	[tilespmem:s7+$0xFFFFFF30] =	vst v2  }
0x7a4: {  	v1 =	vand.u32 $0xFFFF0000, v1;
	v2 =	vld [tilespmem:s24+$0x10];
	[tilespmem:s7+$0xFFFFFF60] =	vst v3  }
0x7a5: {  	v3 =	vshll.u32 v4, $0x10;
	[tilespmem:s7+$0xFFFFFF70] =	vst v1  }
0x7a6: {  	v1 =	vand.u32 $0xFFFF0000, v4;
	v4 =	vld [tilespmem:s24+$0x30];
	[tilespmem:s7+$0xFFFFFFA0] =	vst v3  }
0x7a7: {  	v3 =	vshll.u32 v5, $0x10;
	[tilespmem:s7+$0xFFFFFFB0] =	vst v1  }
0x7a8: {  	v1 =	vand.u32 $0xFFFF0000, v5;
	v5 =	vld [tilespmem:s24+$0x50];
	[tilespmem:s7+$0xFFFFFFE0] =	vst v3  }
0x7a9: {  	v7 =	vld [tilespmem:s24+$0xB0];
	[tilespmem:s7+$0xFFFFFFF0] =	vst v1;
	v3 =	vshll.u32 v2, $0x10  }
0x7aa: {  	v1 =	vand.u32 $0xFFFF0000, v2;
	v2 =	vld [tilespmem:s24+$0x70];
	[tilespmem:s7+$0x20] =	vst v3  }
0x7ab: {  	v8 =	vld [tilespmem:s24+$0xD0];
	v3 =	vshll.u32 v4, $0x10;
	[tilespmem:s7+$0x30] =	vst v1  }
0x7ac: {  	v1 =	vand.u32 $0xFFFF0000, v4;
	[tilespmem:s7+$0x60] =	vst v3  }
0x7ad: {  	v3 =	vshll.u32 v5, $0x10;
	[tilespmem:s7+$0x70] =	vst v1  }
0x7ae: {  	v1 =	vand.u32 $0xFFFF0000, v5;
	[tilespmem:s7+$0xA0] =	vst v3  }
0x7af: {  	v0 =	vshll.u32 v0, $0x10;
	[tilespmem:s7+$0xB0] =	vst v1;
	v3 =	vshll.u32 v2, $0x10  }
0x7b0: {  	v4 =	vshll.u32 v7, $0x10;
	v5 =	vshll.u32 v8, $0x10;
	v2 =	vand.u32 $0xFFFF0000, v2;
	[tilespmem:s7+$0xE0] =	vst v3  }
0x7b1: {  	s28 =	simm.s32 $0x1B00;
	s24 =	simm.s32 $0x0;
	v1 =	vand.u32 $0xFFFF0000, v6;
	[tilespmem:s7+$0xF0] =	vst v2;
	v2 =	vand.u32 $0xFFFF0000, v7;
	v3 =	vand.u32 $0xFFFF0000, v8  }
.LBB2_14:
0x7b2: {  	v6 =	vld [tilespmem:s28+$0xE0];
	[tilespmem:s7+$0x130] =	vst v1  }
0x7b3: {  	s24 =	sadd.s32 $0x10, s24;
	v1 =	vld [tilespmem:s28+$0xFFFFFF20];
	[tilespmem:s7+$0x160] =	vst v4  }
0x7b4: {  	p1 =	slt.u32 s24, $0x70;
	v4 =	vld [tilespmem:s28+$0xFFFFFF40];
	[tilespmem:s7+$0x170] =	vst v2  }
0x7b5: {  	v2 =	vld [tilespmem:s28+$0xFFFFFF60];
	[tilespmem:s7+$0x1A0] =	vst v5  }
0x7b6: {  	v5 =	vld [tilespmem:s28+$0xFFFFFF80];
	[tilespmem:s7+$0x1B0] =	vst v3  }
0x7b7: {  	v3 =	vld [tilespmem:s28+$0xFFFFFFA0];
	v7 =	vshll.u32 v6, $0x10;
	[tilespmem:s7+$0x1E0] =	vst v0;
	s7 =	sadd.s32 $0x400, s7  }
0x7b8: {  	v6 =	vand.u32 $0xFFFF0000, v6;
	v0 =	vshll.u32 v1, $0x10;
	v1 =	vand.u32 $0xFFFF0000, v1;
	v8 =	vld [tilespmem:s28+$0xFFFFFFC0];
	[tilespmem:s7+$0x1C0] =	vst v7  }
0x7b9: {  	v7 =	vshll.u32 v4, $0x10;
	v4 =	vand.u32 $0xFFFF0000, v4;
	v9 =	vld [tilespmem:s28+$0xFFFFFFE0];
	[tilespmem:s7+$0x1D0] =	vst v6  }
0x7ba: {  	[tilespmem:s7+$0xFFFFFE40] =	vst v0;
	v0 =	vshll.u32 v2, $0x10;
	v2 =	vand.u32 $0xFFFF0000, v2;
	v6 =	vld [tilespmem:s28+$0xF0]  }
0x7bb: {  	[tilespmem:s7+$0xFFFFFE50] =	vst v1;
	v1 =	vshll.u32 v5, $0x10;
	v5 =	vand.u32 $0xFFFF0000, v5;
	v10 =	vld [tilespmem:s28+$0x0]  }
0x7bc: {  	[tilespmem:s7+$0xFFFFFE80] =	vst v7;
	v7 =	vshll.u32 v3, $0x10;
	v3 =	vand.u32 $0xFFFF0000, v3;
	v11 =	vld [tilespmem:s28+$0x20]  }
0x7bd: {  	[tilespmem:s7+$0xFFFFFE90] =	vst v4;
	v4 =	vshll.u32 v8, $0x10;
	v8 =	vand.u32 $0xFFFF0000, v8;
	v12 =	vld [tilespmem:s28+$0x40]  }
0x7be: {  	[tilespmem:s7+$0xFFFFFEC0] =	vst v0;
	v13 =	vshll.u32 v9, $0x10;
	v9 =	vand.u32 $0xFFFF0000, v9;
	v14 =	vld [tilespmem:s28+$0x60]  }
0x7bf: {  	[tilespmem:s7+$0xFFFFFED0] =	vst v2;
	v2 =	vld [tilespmem:s28+$0x80];
	v0 =	vshll.u32 v6, $0x10;
	v6 =	vand.u32 $0xFFFF0000, v6  }
0x7c0: {  	v15 =	vshll.u32 v10, $0x10;
	v10 =	vand.u32 $0xFFFF0000, v10;
	v16 =	vld [tilespmem:s28+$0xA0];
	[tilespmem:s7+$0x1F0] =	vst v6  }
0x7c1: {  	[tilespmem:s7+$0xFFFFFF00] =	vst v1;
	v1 =	vshll.u32 v11, $0x10;
	v6 =	vand.u32 $0xFFFF0000, v11;
	v11 =	vld [tilespmem:s28+$0xC0]  }
0x7c2: {  	v17 =	vld [tilespmem:s28+$0xFFFFFF00];
	[tilespmem:s7+$0xFFFFFF10] =	vst v5;
	v5 =	vshll.u32 v12, $0x10;
	v12 =	vand.u32 $0xFFFF0000, v12  }
0x7c3: {  	v18 =	vld [tilespmem:s28+$0xFFFFFF30];
	[tilespmem:s7+$0xFFFFFF40] =	vst v7;
	v7 =	vshll.u32 v14, $0x10;
	v14 =	vand.u32 $0xFFFF0000, v14  }
0x7c4: {  	v19 =	vld [tilespmem:s28+$0xFFFFFF50];
	[tilespmem:s7+$0xFFFFFF50] =	vst v3;
	v3 =	vshll.u32 v2, $0x10;
	v2 =	vand.u32 $0xFFFF0000, v2  }
0x7c5: {  	v20 =	vld [tilespmem:s28+$0xFFFFFF70];
	[tilespmem:s7+$0xFFFFFF80] =	vst v4;
	v4 =	vshll.u32 v16, $0x10;
	v16 =	vand.u32 $0xFFFF0000, v16  }
0x7c6: {  	v21 =	vld [tilespmem:s28+$0xFFFFFF90];
	[tilespmem:s7+$0xFFFFFF90] =	vst v8;
	v8 =	vshll.u32 v11, $0x10;
	v11 =	vand.u32 $0xFFFF0000, v11  }
0x7c7: {  	v22 =	vshll.u32 v17, $0x10;
	v17 =	vand.u32 $0xFFFF0000, v17;
	v23 =	vld [tilespmem:s28+$0xFFFFFFB0];
	[tilespmem:s7+$0xFFFFFFC0] =	vst v13  }
0x7c8: {  	[tilespmem:s7+$0xFFFFFE00] =	vst v22;
	v13 =	vshll.u32 v18, $0x10;
	v18 =	vand.u32 $0xFFFF0000, v18;
	v22 =	vld [tilespmem:s28+$0xFFFFFFD0]  }
0x7c9: {  	[tilespmem:s7+$0xFFFFFE10] =	vst v17;
	v17 =	vshll.u32 v19, $0x10;
	v19 =	vand.u32 $0xFFFF0000, v19  }
0x7ca: {  	v24 =	vld [tilespmem:s28+$0xFFFFFF10];
	v25 =	vshll.u32 v20, $0x10;
	v20 =	vand.u32 $0xFFFF0000, v20;
	[tilespmem:s7+$0xFFFFFFD0] =	vst v9  }
0x7cb: {  	v9 =	vshll.u32 v21, $0x10;
	v21 =	vand.u32 $0xFFFF0000, v21;
	v26 =	vld [tilespmem:s28+$0xFFFFFFF0];
	[tilespmem:s7+$0x0] =	vst v15  }
0x7cc: {  	v15 =	vshll.u32 v23, $0x10;
	v23 =	vand.u32 $0xFFFF0000, v23;
	[tilespmem:s7+$0x10] =	vst v10  }
0x7cd: {  	v10 =	vshll.u32 v22, $0x10;
	v22 =	vand.u32 $0xFFFF0000, v22;
	v27 =	vld [tilespmem:s28+$0x10];
	[tilespmem:s7+$0x40] =	vst v1  }
0x7ce: {  	[tilespmem:s7+$0x50] =	vst v6  }
0x7cf: {  	v1 =	vshll.u32 v24, $0x10;
	v6 =	vand.u32 $0xFFFF0000, v24;
	v24 =	vld [tilespmem:s28+$0x30];
	[tilespmem:s7+$0x80] =	vst v5  }
0x7d0: {  	v28 =	vshll.u32 v26, $0x10;
	v26 =	vand.u32 $0xFFFF0000, v26;
	[tilespmem:s7+$0x90] =	vst v12  }
0x7d1: {  	v5 =	vld [tilespmem:s28+$0x50];
	[tilespmem:s7+$0xC0] =	vst v7  }
0x7d2: {  	v7 =	vshll.u32 v27, $0x10;
	v12 =	vand.u32 $0xFFFF0000, v27;
	[tilespmem:s7+$0xD0] =	vst v14  }
0x7d3: {  	v14 =	vld [tilespmem:s28+$0x70];
	[tilespmem:s7+$0x100] =	vst v3  }
0x7d4: {  	v27 =	vshll.u32 v24, $0x10;
	v24 =	vand.u32 $0xFFFF0000, v24;
	[tilespmem:s7+$0x110] =	vst v2  }
0x7d5: {  	v2 =	vld [tilespmem:s28+$0x90];
	[tilespmem:s7+$0x140] =	vst v4  }
0x7d6: {  	v29 =	vshll.u32 v5, $0x10;
	v30 =	vand.u32 $0xFFFF0000, v5;
	[tilespmem:s7+$0x150] =	vst v16  }
0x7d7: {  	v3 =	vld [tilespmem:s28+$0xB0];
	[tilespmem:s7+$0x180] =	vst v8  }
0x7d8: {  	v8 =	vshll.u32 v14, $0x10;
	v14 =	vand.u32 $0xFFFF0000, v14;
	[tilespmem:s7+$0x190] =	vst v11  }
0x7d9: {  	[tilespmem:s7+$0xFFFFFE20] =	vst v1;
	v11 =	vld [tilespmem:s28+$0xD0]  }
0x7da: {  	[tilespmem:s7+$0xFFFFFE30] =	vst v6;
	v6 =	vshll.u32 v2, $0x10;
	v1 =	vand.u32 $0xFFFF0000, v2  }
0x7db: {  	[tilespmem:s7+$0xFFFFFE60] =	vst v13  }
0x7dc: {  	[tilespmem:s7+$0xFFFFFE70] =	vst v18;
	v4 =	vshll.u32 v3, $0x10;
	v2 =	vand.u32 $0xFFFF0000, v3  }
0x7dd: {  	[tilespmem:s7+$0xFFFFFEA0] =	vst v17  }
0x7de: {  	[tilespmem:s7+$0xFFFFFEB0] =	vst v19;
	v5 =	vshll.u32 v11, $0x10;
	v3 =	vand.u32 $0xFFFF0000, v11  }
0x7df: {  	[tilespmem:s7+$0xFFFFFEE0] =	vst v25  }
0x7e0: {  	[tilespmem:s7+$0xFFFFFEF0] =	vst v20  }
0x7e1: {  	[tilespmem:s7+$0xFFFFFF20] =	vst v9  }
0x7e2: {  	[tilespmem:s7+$0xFFFFFF30] =	vst v21  }
0x7e3: {  	[tilespmem:s7+$0xFFFFFF60] =	vst v15  }
0x7e4: {  	[tilespmem:s7+$0xFFFFFF70] =	vst v23  }
0x7e5: {  	[tilespmem:s7+$0xFFFFFFA0] =	vst v10  }
0x7e6: {  	[tilespmem:s7+$0xFFFFFFB0] =	vst v22  }
0x7e7: {  	[tilespmem:s7+$0xFFFFFFE0] =	vst v28  }
0x7e8: {  	[tilespmem:s7+$0xFFFFFFF0] =	vst v26  }
0x7e9: {  	[tilespmem:s7+$0x20] =	vst v7  }
0x7ea: {  	[tilespmem:s7+$0x30] =	vst v12  }
0x7eb: {  	[tilespmem:s7+$0x60] =	vst v27  }
0x7ec: {  	[tilespmem:s7+$0x70] =	vst v24  }
.Ltmp18:
0x7ed: {  	[tilespmem:s7+$0xA0] =	vst v29;
	(pc) =	sbr.rel @p1 .LBB2_14-.Ltmp18, $4  }
0x7ee: {  	[tilespmem:s7+$0xB0] =	vst v30  }
0x7ef: {  	[tilespmem:s7+$0xE0] =	vst v8  }
0x7f0: {  	[tilespmem:s7+$0xF0] =	vst v14  }
0x7f1: {  	s28 =	sadd.s32 $0x200, s28;
	[tilespmem:s7+$0x120] =	vst v6  }
0x7f2: {  	[tilespmem:s7+$0x130] =	vst v1  }
0x7f3: {  	[tilespmem:s7+$0x160] =	vst v4  }
0x7f4: {  	[tilespmem:s7+$0x170] =	vst v2  }
0x7f5: {  	[tilespmem:s7+$0x1A0] =	vst v5  }
0x7f6: {  	[tilespmem:s7+$0x1B0] =	vst v3  }
0x7f7: {  	[tilespmem:s7+$0x1E0] =	vst v0  }
0x7f8: {  	[spmem:s1] =	stream.indirect.scatter.add.f32 [tilespmem:s31], [sflag:$0x4], $0x40, s8, s22, $0xb8;
	[tilespmem:$0x1F000] =	vst v63  }
0x7f9: {  	_ = 	snop  }
0x7fa: {  	[tilespmem:s25], [sflag:$0x2] =	stream.indirect.gather [hbm4b:s3+s22], $0x20, s15, s22, $0xb8;
	[tilespmem:$0x1F000] =	vst v63  }
0x7fb: {  	_ =	swait.ge [sflag:s18], $0x1000  }
0x7fc: {  	[sflag:s18] =	ssyncset.done $0x0  }
0x7fd: {  	[sflag:s18] =	ssyncadd.s32 $0xFFFFF000  }
0x7fe: {  	_ =	swait.ge [sflag:s4], $0x2000  }
0x7ff: {  	[sflag:s4] =	ssyncset.done $0x0  }
0x800: {  	s24 =	simm.s32 $0x900;
	[sflag:s4] =	ssyncadd.s32 $0xFFFFE000  }
0x801: {  	v0 =	vld [tilespmem:s24+$0xE0];
	_ =	sdelay $0x1  }
0x802: {  	v2 =	vld [tilespmem:s24+$0xFFFFFF40]  }
0x803: {  	v1 =	vld [tilespmem:s24+$0xFFFFFF20];
	_ =	sdelay $0x1  }
0x804: {  	s7 =	simm.s32 $0x2A00;
	v4 =	vld [tilespmem:s24+$0xFFFFFF60];
	v3 =	vshll.u32 v0, $0x10  }
0x805: {  	v0 =	vand.u32 $0xFFFF0000, v0;
	[tilespmem:s7+$0x1C0] =	vst v3  }
0x806: {  	v5 =	vshll.u32 v2, $0x10;
	[tilespmem:s7+$0x1D0] =	vst v0  }
0x807: {  	v3 =	vshll.u32 v1, $0x10;
	[tilespmem:s7+$0xFFFFFE80] =	vst v5;
	v0 =	vld [tilespmem:s24+$0xF0]  }
0x808: {  	v1 =	vand.u32 $0xFFFF0000, v1;
	[tilespmem:s7+$0xFFFFFE40] =	vst v3;
	v3 =	vld [tilespmem:s24+$0xFFFFFF80]  }
0x809: {  	v5 =	vshll.u32 v4, $0x10;
	[tilespmem:s7+$0xFFFFFE50] =	vst v1  }
0x80a: {  	v1 =	vand.u32 $0xFFFF0000, v2;
	v2 =	vld [tilespmem:s24+$0xFFFFFFA0];
	[tilespmem:s7+$0xFFFFFEC0] =	vst v5  }
0x80b: {  	[tilespmem:s7+$0xFFFFFE90] =	vst v1;
	v1 =	vand.u32 $0xFFFF0000, v4  }
0x80c: {  	v4 =	vld [tilespmem:s24+$0xFFFFFFC0];
	[tilespmem:s7+$0xFFFFFED0] =	vst v1;
	v1 =	vand.u32 $0xFFFF0000, v0  }
0x80d: {  	v5 =	vshll.u32 v3, $0x10;
	[tilespmem:s7+$0x1F0] =	vst v1  }
0x80e: {  	v6 =	vld [tilespmem:s24+$0xFFFFFF00];
	v3 =	vand.u32 $0xFFFF0000, v3;
	[tilespmem:s7+$0xFFFFFF00] =	vst v5  }
0x80f: {  	v1 =	vld [tilespmem:s24+$0xFFFFFFE0];
	v5 =	vshll.u32 v2, $0x10;
	[tilespmem:s7+$0xFFFFFF10] =	vst v3  }
0x810: {  	v2 =	vand.u32 $0xFFFF0000, v2;
	[tilespmem:s7+$0xFFFFFF40] =	vst v5  }
0x811: {  	v3 =	vshll.u32 v4, $0x10;
	[tilespmem:s7+$0xFFFFFF50] =	vst v2  }
0x812: {  	v4 =	vand.u32 $0xFFFF0000, v4;
	v2 =	vld [tilespmem:s24+$0x0];
	[tilespmem:s7+$0xFFFFFF80] =	vst v3  }
0x813: {  	[tilespmem:s7+$0xFFFFFF90] =	vst v4;
	v5 =	vshll.u32 v6, $0x10  }
0x814: {  	v4 =	vld [tilespmem:s24+$0x20];
	[tilespmem:s7+$0xFFFFFE00] =	vst v5;
	v3 =	vshll.u32 v1, $0x10  }
0x815: {  	v1 =	vand.u32 $0xFFFF0000, v1;
	[tilespmem:s7+$0xFFFFFFC0] =	vst v3  }
0x816: {  	v5 =	vld [tilespmem:s24+$0x40];
	v3 =	vand.u32 $0xFFFF0000, v6;
	[tilespmem:s7+$0xFFFFFFD0] =	vst v1  }
0x817: {  	[tilespmem:s7+$0xFFFFFE10] =	vst v3;
	v3 =	vshll.u32 v2, $0x10  }
0x818: {  	v1 =	vld [tilespmem:s24+$0x60];
	v2 =	vand.u32 $0xFFFF0000, v2;
	[tilespmem:s7+$0x0] =	vst v3  }
0x819: {  	v3 =	vshll.u32 v4, $0x10;
	[tilespmem:s7+$0x10] =	vst v2  }
0x81a: {  	v2 =	vld [tilespmem:s24+$0x80];
	v4 =	vand.u32 $0xFFFF0000, v4;
	[tilespmem:s7+$0x40] =	vst v3  }
0x81b: {  	v3 =	vshll.u32 v5, $0x10;
	[tilespmem:s7+$0x50] =	vst v4  }
0x81c: {  	v4 =	vld [tilespmem:s24+$0xA0];
	v5 =	vand.u32 $0xFFFF0000, v5;
	[tilespmem:s7+$0x80] =	vst v3  }
0x81d: {  	[tilespmem:s7+$0x90] =	vst v5;
	v3 =	vshll.u32 v1, $0x10  }
0x81e: {  	v5 =	vld [tilespmem:s24+$0xC0];
	v1 =	vand.u32 $0xFFFF0000, v1;
	[tilespmem:s7+$0xC0] =	vst v3  }
0x81f: {  	[tilespmem:s7+$0xD0] =	vst v1;
	v3 =	vshll.u32 v2, $0x10  }
0x820: {  	v1 =	vand.u32 $0xFFFF0000, v2;
	v2 =	vld [tilespmem:s24+$0xFFFFFF10];
	[tilespmem:s7+$0x100] =	vst v3  }
0x821: {  	v3 =	vshll.u32 v4, $0x10;
	[tilespmem:s7+$0x110] =	vst v1  }
0x822: {  	v1 =	vld [tilespmem:s24+$0xFFFFFF30];
	v4 =	vand.u32 $0xFFFF0000, v4;
	[tilespmem:s7+$0x140] =	vst v3  }
0x823: {  	v3 =	vshll.u32 v5, $0x10;
	[tilespmem:s7+$0x150] =	vst v4  }
0x824: {  	v4 =	vld [tilespmem:s24+$0xFFFFFF50];
	v5 =	vand.u32 $0xFFFF0000, v5;
	[tilespmem:s7+$0x180] =	vst v3  }
0x825: {  	[tilespmem:s7+$0x190] =	vst v5;
	v3 =	vshll.u32 v2, $0x10  }
0x826: {  	v6 =	vld [tilespmem:s24+$0x90];
	v2 =	vand.u32 $0xFFFF0000, v2;
	[tilespmem:s7+$0xFFFFFE20] =	vst v3  }
0x827: {  	v5 =	vld [tilespmem:s24+$0xFFFFFF70];
	v3 =	vshll.u32 v1, $0x10;
	[tilespmem:s7+$0xFFFFFE30] =	vst v2  }
0x828: {  	v1 =	vand.u32 $0xFFFF0000, v1;
	[tilespmem:s7+$0xFFFFFE60] =	vst v3  }
0x829: {  	v2 =	vld [tilespmem:s24+$0xFFFFFF90];
	v3 =	vshll.u32 v4, $0x10;
	[tilespmem:s7+$0xFFFFFE70] =	vst v1  }
0x82a: {  	v4 =	vand.u32 $0xFFFF0000, v4;
	[tilespmem:s7+$0xFFFFFEA0] =	vst v3  }
0x82b: {  	v1 =	vld [tilespmem:s24+$0xFFFFFFB0];
	v9 =	vshll.u32 v6, $0x10;
	[tilespmem:s7+$0xFFFFFEB0] =	vst v4  }
0x82c: {  	v3 =	vshll.u32 v5, $0x10;
	[tilespmem:s7+$0x120] =	vst v9  }
0x82d: {  	v4 =	vld [tilespmem:s24+$0xFFFFFFD0];
	v5 =	vand.u32 $0xFFFF0000, v5;
	[tilespmem:s7+$0xFFFFFEE0] =	vst v3  }
0x82e: {  	[tilespmem:s7+$0xFFFFFEF0] =	vst v5;
	v3 =	vshll.u32 v2, $0x10  }
0x82f: {  	v5 =	vld [tilespmem:s24+$0xFFFFFFF0];
	v2 =	vand.u32 $0xFFFF0000, v2;
	[tilespmem:s7+$0xFFFFFF20] =	vst v3  }
0x830: {  	v3 =	vshll.u32 v1, $0x10;
	[tilespmem:s7+$0xFFFFFF30] =	vst v2  }
0x831: {  	v1 =	vand.u32 $0xFFFF0000, v1;
	v2 =	vld [tilespmem:s24+$0x10];
	[tilespmem:s7+$0xFFFFFF60] =	vst v3  }
0x832: {  	v3 =	vshll.u32 v4, $0x10;
	[tilespmem:s7+$0xFFFFFF70] =	vst v1  }
0x833: {  	v1 =	vand.u32 $0xFFFF0000, v4;
	v4 =	vld [tilespmem:s24+$0x30];
	[tilespmem:s7+$0xFFFFFFA0] =	vst v3  }
0x834: {  	v3 =	vshll.u32 v5, $0x10;
	[tilespmem:s7+$0xFFFFFFB0] =	vst v1  }
0x835: {  	v1 =	vand.u32 $0xFFFF0000, v5;
	v5 =	vld [tilespmem:s24+$0x50];
	[tilespmem:s7+$0xFFFFFFE0] =	vst v3  }
0x836: {  	v7 =	vld [tilespmem:s24+$0xB0];
	[tilespmem:s7+$0xFFFFFFF0] =	vst v1;
	v3 =	vshll.u32 v2, $0x10  }
0x837: {  	v1 =	vand.u32 $0xFFFF0000, v2;
	v2 =	vld [tilespmem:s24+$0x70];
	[tilespmem:s7+$0x20] =	vst v3  }
0x838: {  	v8 =	vld [tilespmem:s24+$0xD0];
	v3 =	vshll.u32 v4, $0x10;
	[tilespmem:s7+$0x30] =	vst v1  }
0x839: {  	v1 =	vand.u32 $0xFFFF0000, v4;
	[tilespmem:s7+$0x60] =	vst v3  }
0x83a: {  	v3 =	vshll.u32 v5, $0x10;
	[tilespmem:s7+$0x70] =	vst v1  }
0x83b: {  	v1 =	vand.u32 $0xFFFF0000, v5;
	[tilespmem:s7+$0xA0] =	vst v3  }
0x83c: {  	v0 =	vshll.u32 v0, $0x10;
	[tilespmem:s7+$0xB0] =	vst v1;
	v3 =	vshll.u32 v2, $0x10  }
0x83d: {  	v4 =	vshll.u32 v7, $0x10;
	v5 =	vshll.u32 v8, $0x10;
	v2 =	vand.u32 $0xFFFF0000, v2;
	[tilespmem:s7+$0xE0] =	vst v3  }
0x83e: {  	s28 =	simm.s32 $0xB00;
	s24 =	simm.s32 $0x0;
	v1 =	vand.u32 $0xFFFF0000, v6;
	[tilespmem:s7+$0xF0] =	vst v2;
	v2 =	vand.u32 $0xFFFF0000, v7;
	v3 =	vand.u32 $0xFFFF0000, v8  }
.LBB2_16:
0x83f: {  	v6 =	vld [tilespmem:s28+$0xE0];
	[tilespmem:s7+$0x130] =	vst v1  }
0x840: {  	s24 =	sadd.s32 $0x10, s24;
	v1 =	vld [tilespmem:s28+$0xFFFFFF20];
	[tilespmem:s7+$0x160] =	vst v4  }
0x841: {  	p1 =	slt.u32 s24, $0x70;
	v4 =	vld [tilespmem:s28+$0xFFFFFF40];
	[tilespmem:s7+$0x170] =	vst v2  }
0x842: {  	v2 =	vld [tilespmem:s28+$0xFFFFFF60];
	[tilespmem:s7+$0x1A0] =	vst v5  }
0x843: {  	v5 =	vld [tilespmem:s28+$0xFFFFFF80];
	[tilespmem:s7+$0x1B0] =	vst v3  }
0x844: {  	v3 =	vld [tilespmem:s28+$0xFFFFFFA0];
	v7 =	vshll.u32 v6, $0x10;
	[tilespmem:s7+$0x1E0] =	vst v0;
	s7 =	sadd.s32 $0x400, s7  }
0x845: {  	v6 =	vand.u32 $0xFFFF0000, v6;
	v0 =	vshll.u32 v1, $0x10;
	v1 =	vand.u32 $0xFFFF0000, v1;
	v8 =	vld [tilespmem:s28+$0xFFFFFFC0];
	[tilespmem:s7+$0x1C0] =	vst v7  }
0x846: {  	v7 =	vshll.u32 v4, $0x10;
	v4 =	vand.u32 $0xFFFF0000, v4;
	v9 =	vld [tilespmem:s28+$0xFFFFFFE0];
	[tilespmem:s7+$0x1D0] =	vst v6  }
0x847: {  	[tilespmem:s7+$0xFFFFFE40] =	vst v0;
	v0 =	vshll.u32 v2, $0x10;
	v2 =	vand.u32 $0xFFFF0000, v2;
	v6 =	vld [tilespmem:s28+$0xF0]  }
0x848: {  	[tilespmem:s7+$0xFFFFFE50] =	vst v1;
	v1 =	vshll.u32 v5, $0x10;
	v5 =	vand.u32 $0xFFFF0000, v5;
	v10 =	vld [tilespmem:s28+$0x0]  }
0x849: {  	[tilespmem:s7+$0xFFFFFE80] =	vst v7;
	v7 =	vshll.u32 v3, $0x10;
	v3 =	vand.u32 $0xFFFF0000, v3;
	v11 =	vld [tilespmem:s28+$0x20]  }
0x84a: {  	[tilespmem:s7+$0xFFFFFE90] =	vst v4;
	v4 =	vshll.u32 v8, $0x10;
	v8 =	vand.u32 $0xFFFF0000, v8;
	v12 =	vld [tilespmem:s28+$0x40]  }
0x84b: {  	[tilespmem:s7+$0xFFFFFEC0] =	vst v0;
	v13 =	vshll.u32 v9, $0x10;
	v9 =	vand.u32 $0xFFFF0000, v9;
	v14 =	vld [tilespmem:s28+$0x60]  }
0x84c: {  	[tilespmem:s7+$0xFFFFFED0] =	vst v2;
	v2 =	vld [tilespmem:s28+$0x80];
	v0 =	vshll.u32 v6, $0x10;
	v6 =	vand.u32 $0xFFFF0000, v6  }
0x84d: {  	v15 =	vshll.u32 v10, $0x10;
	v10 =	vand.u32 $0xFFFF0000, v10;
	v16 =	vld [tilespmem:s28+$0xA0];
	[tilespmem:s7+$0x1F0] =	vst v6  }
0x84e: {  	[tilespmem:s7+$0xFFFFFF00] =	vst v1;
	v1 =	vshll.u32 v11, $0x10;
	v6 =	vand.u32 $0xFFFF0000, v11;
	v11 =	vld [tilespmem:s28+$0xC0]  }
0x84f: {  	v17 =	vld [tilespmem:s28+$0xFFFFFF00];
	[tilespmem:s7+$0xFFFFFF10] =	vst v5;
	v5 =	vshll.u32 v12, $0x10;
	v12 =	vand.u32 $0xFFFF0000, v12  }
0x850: {  	v18 =	vld [tilespmem:s28+$0xFFFFFF30];
	[tilespmem:s7+$0xFFFFFF40] =	vst v7;
	v7 =	vshll.u32 v14, $0x10;
	v14 =	vand.u32 $0xFFFF0000, v14  }
0x851: {  	v19 =	vld [tilespmem:s28+$0xFFFFFF50];
	[tilespmem:s7+$0xFFFFFF50] =	vst v3;
	v3 =	vshll.u32 v2, $0x10;
	v2 =	vand.u32 $0xFFFF0000, v2  }
0x852: {  	v20 =	vld [tilespmem:s28+$0xFFFFFF70];
	[tilespmem:s7+$0xFFFFFF80] =	vst v4;
	v4 =	vshll.u32 v16, $0x10;
	v16 =	vand.u32 $0xFFFF0000, v16  }
0x853: {  	v21 =	vld [tilespmem:s28+$0xFFFFFF90];
	[tilespmem:s7+$0xFFFFFF90] =	vst v8;
	v8 =	vshll.u32 v11, $0x10;
	v11 =	vand.u32 $0xFFFF0000, v11  }
0x854: {  	v22 =	vshll.u32 v17, $0x10;
	v17 =	vand.u32 $0xFFFF0000, v17;
	v23 =	vld [tilespmem:s28+$0xFFFFFFB0];
	[tilespmem:s7+$0xFFFFFFC0] =	vst v13  }
0x855: {  	[tilespmem:s7+$0xFFFFFE00] =	vst v22;
	v13 =	vshll.u32 v18, $0x10;
	v18 =	vand.u32 $0xFFFF0000, v18;
	v22 =	vld [tilespmem:s28+$0xFFFFFFD0]  }
0x856: {  	[tilespmem:s7+$0xFFFFFE10] =	vst v17;
	v17 =	vshll.u32 v19, $0x10;
	v19 =	vand.u32 $0xFFFF0000, v19  }
0x857: {  	v24 =	vld [tilespmem:s28+$0xFFFFFF10];
	v25 =	vshll.u32 v20, $0x10;
	v20 =	vand.u32 $0xFFFF0000, v20;
	[tilespmem:s7+$0xFFFFFFD0] =	vst v9  }
0x858: {  	v9 =	vshll.u32 v21, $0x10;
	v21 =	vand.u32 $0xFFFF0000, v21;
	v26 =	vld [tilespmem:s28+$0xFFFFFFF0];
	[tilespmem:s7+$0x0] =	vst v15  }
0x859: {  	v15 =	vshll.u32 v23, $0x10;
	v23 =	vand.u32 $0xFFFF0000, v23;
	[tilespmem:s7+$0x10] =	vst v10  }
0x85a: {  	v10 =	vshll.u32 v22, $0x10;
	v22 =	vand.u32 $0xFFFF0000, v22;
	v27 =	vld [tilespmem:s28+$0x10];
	[tilespmem:s7+$0x40] =	vst v1  }
0x85b: {  	[tilespmem:s7+$0x50] =	vst v6  }
0x85c: {  	v1 =	vshll.u32 v24, $0x10;
	v6 =	vand.u32 $0xFFFF0000, v24;
	v24 =	vld [tilespmem:s28+$0x30];
	[tilespmem:s7+$0x80] =	vst v5  }
0x85d: {  	v28 =	vshll.u32 v26, $0x10;
	v26 =	vand.u32 $0xFFFF0000, v26;
	[tilespmem:s7+$0x90] =	vst v12  }
0x85e: {  	v5 =	vld [tilespmem:s28+$0x50];
	[tilespmem:s7+$0xC0] =	vst v7  }
0x85f: {  	v7 =	vshll.u32 v27, $0x10;
	v12 =	vand.u32 $0xFFFF0000, v27;
	[tilespmem:s7+$0xD0] =	vst v14  }
0x860: {  	v14 =	vld [tilespmem:s28+$0x70];
	[tilespmem:s7+$0x100] =	vst v3  }
0x861: {  	v27 =	vshll.u32 v24, $0x10;
	v24 =	vand.u32 $0xFFFF0000, v24;
	[tilespmem:s7+$0x110] =	vst v2  }
0x862: {  	v2 =	vld [tilespmem:s28+$0x90];
	[tilespmem:s7+$0x140] =	vst v4  }
0x863: {  	v29 =	vshll.u32 v5, $0x10;
	v30 =	vand.u32 $0xFFFF0000, v5;
	[tilespmem:s7+$0x150] =	vst v16  }
0x864: {  	v3 =	vld [tilespmem:s28+$0xB0];
	[tilespmem:s7+$0x180] =	vst v8  }
0x865: {  	v8 =	vshll.u32 v14, $0x10;
	v14 =	vand.u32 $0xFFFF0000, v14;
	[tilespmem:s7+$0x190] =	vst v11  }
0x866: {  	[tilespmem:s7+$0xFFFFFE20] =	vst v1;
	v11 =	vld [tilespmem:s28+$0xD0]  }
0x867: {  	[tilespmem:s7+$0xFFFFFE30] =	vst v6;
	v6 =	vshll.u32 v2, $0x10;
	v1 =	vand.u32 $0xFFFF0000, v2  }
0x868: {  	[tilespmem:s7+$0xFFFFFE60] =	vst v13  }
0x869: {  	[tilespmem:s7+$0xFFFFFE70] =	vst v18;
	v4 =	vshll.u32 v3, $0x10;
	v2 =	vand.u32 $0xFFFF0000, v3  }
0x86a: {  	[tilespmem:s7+$0xFFFFFEA0] =	vst v17  }
0x86b: {  	[tilespmem:s7+$0xFFFFFEB0] =	vst v19;
	v5 =	vshll.u32 v11, $0x10;
	v3 =	vand.u32 $0xFFFF0000, v11  }
0x86c: {  	[tilespmem:s7+$0xFFFFFEE0] =	vst v25  }
0x86d: {  	[tilespmem:s7+$0xFFFFFEF0] =	vst v20  }
0x86e: {  	[tilespmem:s7+$0xFFFFFF20] =	vst v9  }
0x86f: {  	[tilespmem:s7+$0xFFFFFF30] =	vst v21  }
0x870: {  	[tilespmem:s7+$0xFFFFFF60] =	vst v15  }
0x871: {  	[tilespmem:s7+$0xFFFFFF70] =	vst v23  }
0x872: {  	[tilespmem:s7+$0xFFFFFFA0] =	vst v10  }
0x873: {  	[tilespmem:s7+$0xFFFFFFB0] =	vst v22  }
0x874: {  	[tilespmem:s7+$0xFFFFFFE0] =	vst v28  }
0x875: {  	[tilespmem:s7+$0xFFFFFFF0] =	vst v26  }
0x876: {  	[tilespmem:s7+$0x20] =	vst v7  }
0x877: {  	[tilespmem:s7+$0x30] =	vst v12  }
0x878: {  	[tilespmem:s7+$0x60] =	vst v27  }
0x879: {  	[tilespmem:s7+$0x70] =	vst v24  }
.Ltmp19:
0x87a: {  	[tilespmem:s7+$0xA0] =	vst v29;
	(pc) =	sbr.rel @p1 .LBB2_16-.Ltmp19, $4  }
0x87b: {  	[tilespmem:s7+$0xB0] =	vst v30  }
0x87c: {  	[tilespmem:s7+$0xE0] =	vst v8  }
0x87d: {  	[tilespmem:s7+$0xF0] =	vst v14  }
0x87e: {  	s28 =	sadd.s32 $0x200, s28;
	[tilespmem:s7+$0x120] =	vst v6  }
0x87f: {  	[tilespmem:s7+$0x130] =	vst v1  }
0x880: {  	[tilespmem:s7+$0x160] =	vst v4  }
0x881: {  	[tilespmem:s7+$0x170] =	vst v2  }
0x882: {  	[tilespmem:s7+$0x1A0] =	vst v5  }
0x883: {  	[tilespmem:s7+$0x1B0] =	vst v3  }
0x884: {  	[tilespmem:s7+$0x1E0] =	vst v0  }
0x885: {  	[spmem:s1] =	stream.indirect.scatter.add.f32 [tilespmem:s26], [sflag:$0x3], $0x40, s16, s22, $0xb8;
	[tilespmem:$0x1F000] =	vst v63  }
0x886: {  	_ =	swait.ge [sflag:s29], $0x1000  }
0x887: {  	[sflag:s29] =	ssyncset.done $0x0  }
0x888: {  	[sflag:s29] =	ssyncadd.s32 $0xFFFFF000  }
0x889: {  	_ =	swait.ge [sflag:s14], $0x2000  }
0x88a: {  	[sflag:s14] =	ssyncset.done $0x0  }
0x88b: {  	s24 =	simm.s32 $0x1900;
	[sflag:s14] =	ssyncadd.s32 $0xFFFFE000  }
0x88c: {  	v0 =	vld [tilespmem:s24+$0xE0];
	_ =	sdelay $0x1  }
0x88d: {  	v2 =	vld [tilespmem:s24+$0xFFFFFF40]  }
0x88e: {  	v1 =	vld [tilespmem:s24+$0xFFFFFF20];
	_ =	sdelay $0x1  }
0x88f: {  	s7 =	simm.s32 $0x4A00;
	v4 =	vld [tilespmem:s24+$0xFFFFFF60];
	v3 =	vshll.u32 v0, $0x10  }
0x890: {  	v0 =	vand.u32 $0xFFFF0000, v0;
	[tilespmem:s7+$0x1C0] =	vst v3  }
0x891: {  	v5 =	vshll.u32 v2, $0x10;
	[tilespmem:s7+$0x1D0] =	vst v0  }
0x892: {  	v3 =	vshll.u32 v1, $0x10;
	[tilespmem:s7+$0xFFFFFE80] =	vst v5;
	v0 =	vld [tilespmem:s24+$0xF0]  }
0x893: {  	v1 =	vand.u32 $0xFFFF0000, v1;
	[tilespmem:s7+$0xFFFFFE40] =	vst v3;
	v3 =	vld [tilespmem:s24+$0xFFFFFF80]  }
0x894: {  	v5 =	vshll.u32 v4, $0x10;
	[tilespmem:s7+$0xFFFFFE50] =	vst v1  }
0x895: {  	v1 =	vand.u32 $0xFFFF0000, v2;
	v2 =	vld [tilespmem:s24+$0xFFFFFFA0];
	[tilespmem:s7+$0xFFFFFEC0] =	vst v5  }
0x896: {  	[tilespmem:s7+$0xFFFFFE90] =	vst v1;
	v1 =	vand.u32 $0xFFFF0000, v4  }
0x897: {  	v4 =	vld [tilespmem:s24+$0xFFFFFFC0];
	[tilespmem:s7+$0xFFFFFED0] =	vst v1;
	v1 =	vand.u32 $0xFFFF0000, v0  }
0x898: {  	v5 =	vshll.u32 v3, $0x10;
	[tilespmem:s7+$0x1F0] =	vst v1  }
0x899: {  	v6 =	vld [tilespmem:s24+$0xFFFFFF00];
	v3 =	vand.u32 $0xFFFF0000, v3;
	[tilespmem:s7+$0xFFFFFF00] =	vst v5  }
0x89a: {  	v1 =	vld [tilespmem:s24+$0xFFFFFFE0];
	v5 =	vshll.u32 v2, $0x10;
	[tilespmem:s7+$0xFFFFFF10] =	vst v3  }
0x89b: {  	v2 =	vand.u32 $0xFFFF0000, v2;
	[tilespmem:s7+$0xFFFFFF40] =	vst v5  }
0x89c: {  	v3 =	vshll.u32 v4, $0x10;
	[tilespmem:s7+$0xFFFFFF50] =	vst v2  }
0x89d: {  	v4 =	vand.u32 $0xFFFF0000, v4;
	v2 =	vld [tilespmem:s24+$0x0];
	[tilespmem:s7+$0xFFFFFF80] =	vst v3  }
0x89e: {  	[tilespmem:s7+$0xFFFFFF90] =	vst v4;
	v5 =	vshll.u32 v6, $0x10  }
0x89f: {  	v4 =	vld [tilespmem:s24+$0x20];
	[tilespmem:s7+$0xFFFFFE00] =	vst v5;
	v3 =	vshll.u32 v1, $0x10  }
0x8a0: {  	v1 =	vand.u32 $0xFFFF0000, v1;
	[tilespmem:s7+$0xFFFFFFC0] =	vst v3  }
0x8a1: {  	v5 =	vld [tilespmem:s24+$0x40];
	v3 =	vand.u32 $0xFFFF0000, v6;
	[tilespmem:s7+$0xFFFFFFD0] =	vst v1  }
0x8a2: {  	[tilespmem:s7+$0xFFFFFE10] =	vst v3;
	v3 =	vshll.u32 v2, $0x10  }
0x8a3: {  	v1 =	vld [tilespmem:s24+$0x60];
	v2 =	vand.u32 $0xFFFF0000, v2;
	[tilespmem:s7+$0x0] =	vst v3  }
0x8a4: {  	v3 =	vshll.u32 v4, $0x10;
	[tilespmem:s7+$0x10] =	vst v2  }
0x8a5: {  	v2 =	vld [tilespmem:s24+$0x80];
	v4 =	vand.u32 $0xFFFF0000, v4;
	[tilespmem:s7+$0x40] =	vst v3  }
0x8a6: {  	v3 =	vshll.u32 v5, $0x10;
	[tilespmem:s7+$0x50] =	vst v4  }
0x8a7: {  	v4 =	vld [tilespmem:s24+$0xA0];
	v5 =	vand.u32 $0xFFFF0000, v5;
	[tilespmem:s7+$0x80] =	vst v3  }
0x8a8: {  	[tilespmem:s7+$0x90] =	vst v5;
	v3 =	vshll.u32 v1, $0x10  }
0x8a9: {  	v5 =	vld [tilespmem:s24+$0xC0];
	v1 =	vand.u32 $0xFFFF0000, v1;
	[tilespmem:s7+$0xC0] =	vst v3  }
0x8aa: {  	[tilespmem:s7+$0xD0] =	vst v1;
	v3 =	vshll.u32 v2, $0x10  }
0x8ab: {  	v1 =	vand.u32 $0xFFFF0000, v2;
	v2 =	vld [tilespmem:s24+$0xFFFFFF10];
	[tilespmem:s7+$0x100] =	vst v3  }
0x8ac: {  	v3 =	vshll.u32 v4, $0x10;
	[tilespmem:s7+$0x110] =	vst v1  }
0x8ad: {  	v1 =	vld [tilespmem:s24+$0xFFFFFF30];
	v4 =	vand.u32 $0xFFFF0000, v4;
	[tilespmem:s7+$0x140] =	vst v3  }
0x8ae: {  	v3 =	vshll.u32 v5, $0x10;
	[tilespmem:s7+$0x150] =	vst v4  }
0x8af: {  	v4 =	vld [tilespmem:s24+$0xFFFFFF50];
	v5 =	vand.u32 $0xFFFF0000, v5;
	[tilespmem:s7+$0x180] =	vst v3  }
0x8b0: {  	[tilespmem:s7+$0x190] =	vst v5;
	v3 =	vshll.u32 v2, $0x10  }
0x8b1: {  	v6 =	vld [tilespmem:s24+$0x90];
	v2 =	vand.u32 $0xFFFF0000, v2;
	[tilespmem:s7+$0xFFFFFE20] =	vst v3  }
0x8b2: {  	v5 =	vld [tilespmem:s24+$0xFFFFFF70];
	v3 =	vshll.u32 v1, $0x10;
	[tilespmem:s7+$0xFFFFFE30] =	vst v2  }
0x8b3: {  	v1 =	vand.u32 $0xFFFF0000, v1;
	[tilespmem:s7+$0xFFFFFE60] =	vst v3  }
0x8b4: {  	v2 =	vld [tilespmem:s24+$0xFFFFFF90];
	v3 =	vshll.u32 v4, $0x10;
	[tilespmem:s7+$0xFFFFFE70] =	vst v1  }
0x8b5: {  	v4 =	vand.u32 $0xFFFF0000, v4;
	[tilespmem:s7+$0xFFFFFEA0] =	vst v3  }
0x8b6: {  	v1 =	vld [tilespmem:s24+$0xFFFFFFB0];
	v9 =	vshll.u32 v6, $0x10;
	[tilespmem:s7+$0xFFFFFEB0] =	vst v4  }
0x8b7: {  	v3 =	vshll.u32 v5, $0x10;
	[tilespmem:s7+$0x120] =	vst v9  }
0x8b8: {  	v4 =	vld [tilespmem:s24+$0xFFFFFFD0];
	v5 =	vand.u32 $0xFFFF0000, v5;
	[tilespmem:s7+$0xFFFFFEE0] =	vst v3  }
0x8b9: {  	[tilespmem:s7+$0xFFFFFEF0] =	vst v5;
	v3 =	vshll.u32 v2, $0x10  }
0x8ba: {  	v5 =	vld [tilespmem:s24+$0xFFFFFFF0];
	v2 =	vand.u32 $0xFFFF0000, v2;
	[tilespmem:s7+$0xFFFFFF20] =	vst v3  }
0x8bb: {  	v3 =	vshll.u32 v1, $0x10;
	[tilespmem:s7+$0xFFFFFF30] =	vst v2  }
0x8bc: {  	v1 =	vand.u32 $0xFFFF0000, v1;
	v2 =	vld [tilespmem:s24+$0x10];
	[tilespmem:s7+$0xFFFFFF60] =	vst v3  }
0x8bd: {  	v3 =	vshll.u32 v4, $0x10;
	[tilespmem:s7+$0xFFFFFF70] =	vst v1  }
0x8be: {  	v1 =	vand.u32 $0xFFFF0000, v4;
	v4 =	vld [tilespmem:s24+$0x30];
	[tilespmem:s7+$0xFFFFFFA0] =	vst v3  }
0x8bf: {  	v3 =	vshll.u32 v5, $0x10;
	[tilespmem:s7+$0xFFFFFFB0] =	vst v1  }
0x8c0: {  	v1 =	vand.u32 $0xFFFF0000, v5;
	v5 =	vld [tilespmem:s24+$0x50];
	[tilespmem:s7+$0xFFFFFFE0] =	vst v3  }
0x8c1: {  	v7 =	vld [tilespmem:s24+$0xB0];
	[tilespmem:s7+$0xFFFFFFF0] =	vst v1;
	v3 =	vshll.u32 v2, $0x10  }
0x8c2: {  	v1 =	vand.u32 $0xFFFF0000, v2;
	v2 =	vld [tilespmem:s24+$0x70];
	[tilespmem:s7+$0x20] =	vst v3  }
0x8c3: {  	v8 =	vld [tilespmem:s24+$0xD0];
	v3 =	vshll.u32 v4, $0x10;
	[tilespmem:s7+$0x30] =	vst v1  }
0x8c4: {  	v1 =	vand.u32 $0xFFFF0000, v4;
	[tilespmem:s7+$0x60] =	vst v3  }
0x8c5: {  	v3 =	vshll.u32 v5, $0x10;
	[tilespmem:s7+$0x70] =	vst v1  }
0x8c6: {  	v1 =	vand.u32 $0xFFFF0000, v5;
	[tilespmem:s7+$0xA0] =	vst v3  }
0x8c7: {  	v0 =	vshll.u32 v0, $0x10;
	[tilespmem:s7+$0xB0] =	vst v1;
	v3 =	vshll.u32 v2, $0x10  }
0x8c8: {  	v4 =	vshll.u32 v7, $0x10;
	v5 =	vshll.u32 v8, $0x10;
	v2 =	vand.u32 $0xFFFF0000, v2;
	[tilespmem:s7+$0xE0] =	vst v3  }
0x8c9: {  	s28 =	simm.s32 $0x1B00;
	s24 =	simm.s32 $0x0;
	v1 =	vand.u32 $0xFFFF0000, v6;
	[tilespmem:s7+$0xF0] =	vst v2;
	v2 =	vand.u32 $0xFFFF0000, v7;
	v3 =	vand.u32 $0xFFFF0000, v8  }
.LBB2_18:
0x8ca: {  	v6 =	vld [tilespmem:s28+$0xE0];
	[tilespmem:s7+$0x130] =	vst v1  }
0x8cb: {  	s24 =	sadd.s32 $0x10, s24;
	v1 =	vld [tilespmem:s28+$0xFFFFFF20];
	[tilespmem:s7+$0x160] =	vst v4  }
0x8cc: {  	p1 =	slt.u32 s24, $0x70;
	v4 =	vld [tilespmem:s28+$0xFFFFFF40];
	[tilespmem:s7+$0x170] =	vst v2  }
0x8cd: {  	v2 =	vld [tilespmem:s28+$0xFFFFFF60];
	[tilespmem:s7+$0x1A0] =	vst v5  }
0x8ce: {  	v5 =	vld [tilespmem:s28+$0xFFFFFF80];
	[tilespmem:s7+$0x1B0] =	vst v3  }
0x8cf: {  	v3 =	vld [tilespmem:s28+$0xFFFFFFA0];
	v7 =	vshll.u32 v6, $0x10;
	[tilespmem:s7+$0x1E0] =	vst v0;
	s7 =	sadd.s32 $0x400, s7  }
0x8d0: {  	v6 =	vand.u32 $0xFFFF0000, v6;
	v0 =	vshll.u32 v1, $0x10;
	v1 =	vand.u32 $0xFFFF0000, v1;
	v8 =	vld [tilespmem:s28+$0xFFFFFFC0];
	[tilespmem:s7+$0x1C0] =	vst v7  }
0x8d1: {  	v7 =	vshll.u32 v4, $0x10;
	v4 =	vand.u32 $0xFFFF0000, v4;
	v9 =	vld [tilespmem:s28+$0xFFFFFFE0];
	[tilespmem:s7+$0x1D0] =	vst v6  }
0x8d2: {  	[tilespmem:s7+$0xFFFFFE40] =	vst v0;
	v0 =	vshll.u32 v2, $0x10;
	v2 =	vand.u32 $0xFFFF0000, v2;
	v6 =	vld [tilespmem:s28+$0xF0]  }
0x8d3: {  	[tilespmem:s7+$0xFFFFFE50] =	vst v1;
	v1 =	vshll.u32 v5, $0x10;
	v5 =	vand.u32 $0xFFFF0000, v5;
	v10 =	vld [tilespmem:s28+$0x0]  }
0x8d4: {  	[tilespmem:s7+$0xFFFFFE80] =	vst v7;
	v7 =	vshll.u32 v3, $0x10;
	v3 =	vand.u32 $0xFFFF0000, v3;
	v11 =	vld [tilespmem:s28+$0x20]  }
0x8d5: {  	[tilespmem:s7+$0xFFFFFE90] =	vst v4;
	v4 =	vshll.u32 v8, $0x10;
	v8 =	vand.u32 $0xFFFF0000, v8;
	v12 =	vld [tilespmem:s28+$0x40]  }
0x8d6: {  	[tilespmem:s7+$0xFFFFFEC0] =	vst v0;
	v13 =	vshll.u32 v9, $0x10;
	v9 =	vand.u32 $0xFFFF0000, v9;
	v14 =	vld [tilespmem:s28+$0x60]  }
0x8d7: {  	[tilespmem:s7+$0xFFFFFED0] =	vst v2;
	v2 =	vld [tilespmem:s28+$0x80];
	v0 =	vshll.u32 v6, $0x10;
	v6 =	vand.u32 $0xFFFF0000, v6  }
0x8d8: {  	v15 =	vshll.u32 v10, $0x10;
	v10 =	vand.u32 $0xFFFF0000, v10;
	v16 =	vld [tilespmem:s28+$0xA0];
	[tilespmem:s7+$0x1F0] =	vst v6  }
0x8d9: {  	[tilespmem:s7+$0xFFFFFF00] =	vst v1;
	v1 =	vshll.u32 v11, $0x10;
	v6 =	vand.u32 $0xFFFF0000, v11;
	v11 =	vld [tilespmem:s28+$0xC0]  }
0x8da: {  	v17 =	vld [tilespmem:s28+$0xFFFFFF00];
	[tilespmem:s7+$0xFFFFFF10] =	vst v5;
	v5 =	vshll.u32 v12, $0x10;
	v12 =	vand.u32 $0xFFFF0000, v12  }
0x8db: {  	v18 =	vld [tilespmem:s28+$0xFFFFFF30];
	[tilespmem:s7+$0xFFFFFF40] =	vst v7;
	v7 =	vshll.u32 v14, $0x10;
	v14 =	vand.u32 $0xFFFF0000, v14  }
0x8dc: {  	v19 =	vld [tilespmem:s28+$0xFFFFFF50];
	[tilespmem:s7+$0xFFFFFF50] =	vst v3;
	v3 =	vshll.u32 v2, $0x10;
	v2 =	vand.u32 $0xFFFF0000, v2  }
0x8dd: {  	v20 =	vld [tilespmem:s28+$0xFFFFFF70];
	[tilespmem:s7+$0xFFFFFF80] =	vst v4;
	v4 =	vshll.u32 v16, $0x10;
	v16 =	vand.u32 $0xFFFF0000, v16  }
0x8de: {  	v21 =	vld [tilespmem:s28+$0xFFFFFF90];
	[tilespmem:s7+$0xFFFFFF90] =	vst v8;
	v8 =	vshll.u32 v11, $0x10;
	v11 =	vand.u32 $0xFFFF0000, v11  }
0x8df: {  	v22 =	vshll.u32 v17, $0x10;
	v17 =	vand.u32 $0xFFFF0000, v17;
	v23 =	vld [tilespmem:s28+$0xFFFFFFB0];
	[tilespmem:s7+$0xFFFFFFC0] =	vst v13  }
0x8e0: {  	[tilespmem:s7+$0xFFFFFE00] =	vst v22;
	v13 =	vshll.u32 v18, $0x10;
	v18 =	vand.u32 $0xFFFF0000, v18;
	v22 =	vld [tilespmem:s28+$0xFFFFFFD0]  }
0x8e1: {  	[tilespmem:s7+$0xFFFFFE10] =	vst v17;
	v17 =	vshll.u32 v19, $0x10;
	v19 =	vand.u32 $0xFFFF0000, v19  }
0x8e2: {  	v24 =	vld [tilespmem:s28+$0xFFFFFF10];
	v25 =	vshll.u32 v20, $0x10;
	v20 =	vand.u32 $0xFFFF0000, v20;
	[tilespmem:s7+$0xFFFFFFD0] =	vst v9  }
0x8e3: {  	v9 =	vshll.u32 v21, $0x10;
	v21 =	vand.u32 $0xFFFF0000, v21;
	v26 =	vld [tilespmem:s28+$0xFFFFFFF0];
	[tilespmem:s7+$0x0] =	vst v15  }
0x8e4: {  	v15 =	vshll.u32 v23, $0x10;
	v23 =	vand.u32 $0xFFFF0000, v23;
	[tilespmem:s7+$0x10] =	vst v10  }
0x8e5: {  	v10 =	vshll.u32 v22, $0x10;
	v22 =	vand.u32 $0xFFFF0000, v22;
	v27 =	vld [tilespmem:s28+$0x10];
	[tilespmem:s7+$0x40] =	vst v1  }
0x8e6: {  	[tilespmem:s7+$0x50] =	vst v6  }
0x8e7: {  	v1 =	vshll.u32 v24, $0x10;
	v6 =	vand.u32 $0xFFFF0000, v24;
	v24 =	vld [tilespmem:s28+$0x30];
	[tilespmem:s7+$0x80] =	vst v5  }
0x8e8: {  	v28 =	vshll.u32 v26, $0x10;
	v26 =	vand.u32 $0xFFFF0000, v26;
	[tilespmem:s7+$0x90] =	vst v12  }
0x8e9: {  	v5 =	vld [tilespmem:s28+$0x50];
	[tilespmem:s7+$0xC0] =	vst v7  }
0x8ea: {  	v7 =	vshll.u32 v27, $0x10;
	v12 =	vand.u32 $0xFFFF0000, v27;
	[tilespmem:s7+$0xD0] =	vst v14  }
0x8eb: {  	v14 =	vld [tilespmem:s28+$0x70];
	[tilespmem:s7+$0x100] =	vst v3  }
0x8ec: {  	v27 =	vshll.u32 v24, $0x10;
	v24 =	vand.u32 $0xFFFF0000, v24;
	[tilespmem:s7+$0x110] =	vst v2  }
0x8ed: {  	v2 =	vld [tilespmem:s28+$0x90];
	[tilespmem:s7+$0x140] =	vst v4  }
0x8ee: {  	v29 =	vshll.u32 v5, $0x10;
	v30 =	vand.u32 $0xFFFF0000, v5;
	[tilespmem:s7+$0x150] =	vst v16  }
0x8ef: {  	v3 =	vld [tilespmem:s28+$0xB0];
	[tilespmem:s7+$0x180] =	vst v8  }
0x8f0: {  	v8 =	vshll.u32 v14, $0x10;
	v14 =	vand.u32 $0xFFFF0000, v14;
	[tilespmem:s7+$0x190] =	vst v11  }
0x8f1: {  	[tilespmem:s7+$0xFFFFFE20] =	vst v1;
	v11 =	vld [tilespmem:s28+$0xD0]  }
0x8f2: {  	[tilespmem:s7+$0xFFFFFE30] =	vst v6;
	v6 =	vshll.u32 v2, $0x10;
	v1 =	vand.u32 $0xFFFF0000, v2  }
0x8f3: {  	[tilespmem:s7+$0xFFFFFE60] =	vst v13  }
0x8f4: {  	[tilespmem:s7+$0xFFFFFE70] =	vst v18;
	v4 =	vshll.u32 v3, $0x10;
	v2 =	vand.u32 $0xFFFF0000, v3  }
0x8f5: {  	[tilespmem:s7+$0xFFFFFEA0] =	vst v17  }
0x8f6: {  	[tilespmem:s7+$0xFFFFFEB0] =	vst v19;
	v5 =	vshll.u32 v11, $0x10;
	v3 =	vand.u32 $0xFFFF0000, v11  }
0x8f7: {  	[tilespmem:s7+$0xFFFFFEE0] =	vst v25  }
0x8f8: {  	[tilespmem:s7+$0xFFFFFEF0] =	vst v20  }
0x8f9: {  	[tilespmem:s7+$0xFFFFFF20] =	vst v9  }
0x8fa: {  	[tilespmem:s7+$0xFFFFFF30] =	vst v21  }
0x8fb: {  	[tilespmem:s7+$0xFFFFFF60] =	vst v15  }
0x8fc: {  	[tilespmem:s7+$0xFFFFFF70] =	vst v23  }
0x8fd: {  	[tilespmem:s7+$0xFFFFFFA0] =	vst v10  }
0x8fe: {  	[tilespmem:s7+$0xFFFFFFB0] =	vst v22  }
0x8ff: {  	[tilespmem:s7+$0xFFFFFFE0] =	vst v28  }
0x900: {  	[tilespmem:s7+$0xFFFFFFF0] =	vst v26  }
0x901: {  	[tilespmem:s7+$0x20] =	vst v7  }
0x902: {  	[tilespmem:s7+$0x30] =	vst v12  }
0x903: {  	[tilespmem:s7+$0x60] =	vst v27  }
0x904: {  	[tilespmem:s7+$0x70] =	vst v24  }
.Ltmp20:
0x905: {  	[tilespmem:s7+$0xA0] =	vst v29;
	(pc) =	sbr.rel @p1 .LBB2_18-.Ltmp20, $4  }
0x906: {  	[tilespmem:s7+$0xB0] =	vst v30  }
0x907: {  	[tilespmem:s7+$0xE0] =	vst v8  }
0x908: {  	[tilespmem:s7+$0xF0] =	vst v14  }
0x909: {  	s28 =	sadd.s32 $0x200, s28;
	[tilespmem:s7+$0x120] =	vst v6  }
0x90a: {  	[tilespmem:s7+$0x130] =	vst v1  }
0x90b: {  	[tilespmem:s7+$0x160] =	vst v4  }
0x90c: {  	[tilespmem:s7+$0x170] =	vst v2  }
0x90d: {  	[tilespmem:s7+$0x1A0] =	vst v5  }
0x90e: {  	[tilespmem:s7+$0x1B0] =	vst v3  }
0x90f: {  	[tilespmem:s7+$0x1E0] =	vst v0;
	s6 =	sadd.s32 $0x1, s6  }
0x910: {  	[spmem:s1] =	stream.indirect.scatter.add.f32 [tilespmem:s31], [sflag:$0x4], $0x40, s17, s22, $0xb8;
	[tilespmem:$0x1F000] =	vst v63  }
0x911: {  	p1 =	seq.s32 s6, $0x19;
	_ =	swait.ge [sflag:s4], $0x2000  }
.Ltmp21:
0x912: {  	[sflag:s4] =	ssyncset.done $0x0;
	(pc) =	sbr.rel @!p1 .LBB2_3-.Ltmp21, $4  }
0x913: {  	[sflag:s4] =	ssyncadd.s32 $0xFFFFE000  }
0x914: {  	_ =	swait.ge [sflag:s14], $0x2000  }
0x915: {  	[sflag:s14] =	ssyncset.done $0x0  }
0x916: {  	[sflag:s14] =	ssyncadd.s32 $0xFFFFE000  }
.Ltmp22:
0x917: {  	(pc) =	sbr.rel .LBB2_40-.Ltmp22, $4  }
0x918: {  	_ = 	snop  }
0x919: {  	s6 =	rddreg [dreg:$0x6]  }
0x91a: {  	s0 =	rddreg [dreg:$0xe]  }
0x91b: {  	s10 =	rddreg [dreg:$0xf]  }
.LBB2_41:
0x91c: {  	_ =	sfence.sel $0x180000  }
0x91d: {  	[bflag:$0x0] =	sbarrier.arrive $0xFFFF  }
0x91e: {  	_ =	strace $0x90000047  }
0x91f: {  	s0 =	stileid.u32;
	[bflag:$0x2] =	sbarrier.arrive $0xFFFF  }
0x920: {  	p0 =	sne.s32 s0, $0x0;
	s0 =	rddreg [dreg:$0x2]  }
0x921: {  	s0 =	sadd.s32 @!p0 $0x100000, s0  }
0x922: {  	[sflag:s0] =	ssyncadd.tile.s32 @!p0 $0x1;
	_ =	shalt  }
.Lfunc_end2:
_tile_overlayer_lowered:
.L_overlay_start_2:
0x923: {  	(tag) =	ssettag $0x2  }
0x924: {  	s0 =	rddreg [dreg:$0x0];
	s2 =	stileid.u32  }
0x925: {  	s1 =	rddreg [dreg:$0x1];
	p0 =	sne.s32 s2, $0x0  }
0x926: {  	s3 =	rddreg [dreg:$0x2];
	[bflag:$0x3] =	sbarrier.arrive $0xFFFF;
	s2 =	simm.s32 @!p0 $0x1C05  }
0x927: {  	[timem:s3], [sflag:s2] =	dma.local @!p0 [hbm:s0], s1  }
0x928: {  	s0 =	simm.s32 @!p0 $0x5  }
0x929: {  	_ =	swait.ge @!p0 [sflag:s0], s1  }
0x92a: {  	s1 =	ssub.s32 @!p0 $0x0, s1;
	[sflag:s0] =	ssyncset.done @!p0 $0x0  }
0x92b: {  	[sflag:s0] =	ssyncadd.s32 @!p0 s1  }
0x92c: {  	[bflag:$0x3] =	sbarrier.arrive $0xFFFF  }
0x92d: {  	_ =	shalt  }

</sc_bundles>
